<compile_context>
chip_gen: v7x
topology: tpu7x:2x2x1
jax: 0.10.2.dev20260603
libtpu: 0.0.44.dev20260713+nightly
codegen_flags: <defaults>
</compile_context>

<pallas_src>
import functools

import numpy as np
import jax
import jax.numpy as jnp
from jax import lax
from jax.experimental import pallas as pl
from jax.experimental.pallas import tpu as pltpu
from jax.experimental.pallas import tpu_sc as plsc

N_NODES = 100000
N_GRAPHS = 512
N_GEN = 16
C_DIM = 20
M_SYM = 128
OUT_FEATURES = 10

NC = 2
NS = 16
NW = NC * NS
N_PER_W = 3200
N_PAD = NW * N_PER_W
N_TAIL_OFF = (NW - 1) * N_PER_W
N_TAIL = N_NODES - N_TAIL_OFF
N_PW_PAD = N_PER_W - N_TAIL
VEC_GROUPS = 25
GROUP_ROWS = 8
HGROUPS = 66
HROWS = HGROUPS * GROUP_ROWS
ZROWS = HROWS // NS


def _contrastive_np() -> np.ndarray:
    pairs = [(i, j) for i in range(N_GEN) for j in range(i + 1, N_GEN)]
    mat = np.zeros((N_GEN, len(pairs)), dtype=np.float32)
    for k, (i, j) in enumerate(pairs):
        mat[i, k] = 1.0
        mat[j, k] = -1.0
    return mat


_CONTRASTIVE = _contrastive_np()
N_PAIRS = _CONTRASTIVE.shape[1]


@functools.cache
def _make_hist_sc():
    mesh = plsc.VectorSubcoreMesh(core_axis_name="c", subcore_axis_name="s")
    return pl.kernel(
        _hist_body,
        out_type=jax.ShapeDtypeStruct((NC, HROWS, M_SYM), jnp.float32),
        mesh=mesh,
        scratch_types=[
            pltpu.VMEM((N_PER_W,), jnp.int32),
            pltpu.VMEM((N_PER_W,), jnp.int32),
            pltpu.VMEM((N_PER_W,), jnp.int32),
            pltpu.VMEM((HGROUPS, GROUP_ROWS), jnp.int32),
            pltpu.VMEM((HROWS, M_SYM), jnp.float32),
            pltpu.VMEM((ZROWS, M_SYM), jnp.float32),
            pltpu.VMEM_SHARED((HROWS, M_SYM), jnp.float32),
            pltpu.SemaphoreType.DMA,
            pltpu.SemaphoreType.DMA,
        ],
        compiler_params=pltpu.CompilerParams(
            use_tc_tiling_on_sc=False, needs_layout_passes=False),
    )


def _hist_body(x_hbm, b_hbm, px_hbm, pb_hbm, rid_hbm, out_hbm,
               idx_v, bat_v, key_v, rid_v, hist, zbuf, sp_hist, sem, sem2):
    cid = lax.axis_index("c")
    sid = lax.axis_index("s")
    w = sid * NC + cid

    rcp = pltpu.async_copy(rid_hbm, rid_v, sem)

    @pl.when(w < NW - 1)
    def _():
        xcp = pltpu.async_copy(x_hbm.at[pl.ds(w * N_PER_W, N_PER_W)],
                               idx_v, sem)
        bcp = pltpu.async_copy(b_hbm.at[pl.ds(w * N_PER_W, N_PER_W)],
                               bat_v, sem)
        xcp.wait()
        bcp.wait()

    @pl.when(w == NW - 1)
    def _():
        xcp = pltpu.async_copy(x_hbm.at[pl.ds(N_TAIL_OFF, N_TAIL)],
                               idx_v.at[pl.ds(0, N_TAIL)], sem)
        bcp = pltpu.async_copy(b_hbm.at[pl.ds(N_TAIL_OFF, N_TAIL)],
                               bat_v.at[pl.ds(0, N_TAIL)], sem)
        pxcp = pltpu.async_copy(px_hbm, idx_v.at[pl.ds(N_TAIL, N_PW_PAD)], sem)
        pbcp = pltpu.async_copy(pb_hbm, bat_v.at[pl.ds(N_TAIL, N_PW_PAD)], sem)
        xcp.wait()
        bcp.wait()
        pxcp.wait()
        pbcp.wait()

    z16 = jnp.zeros((16,), jnp.float32)
    for r in range(ZROWS):
        for c in range(M_SYM // 16):
            zbuf[r, pl.ds(c * 16, 16)] = z16
    zcp = pltpu.async_copy(zbuf, sp_hist.at[pl.ds(sid * ZROWS, ZROWS)], sem2)

    rcp.wait()

    b_lo = jnp.min(bat_v[pl.ds(0, 16)])
    b_hi = jnp.max(bat_v[pl.ds(N_PER_W - 16, 16)])
    g_lo = b_lo // GROUP_ROWS
    g_hi = b_hi // GROUP_ROWS

    def zero_group(g, carry):
        for r in range(GROUP_ROWS):
            for c in range(M_SYM // 16):
                hist[g * GROUP_ROWS + r, pl.ds(c * 16, 16)] = z16
        return carry
    lax.fori_loop(g_lo, g_hi + 1, zero_group, 0)

    def sort_step(i, carry):
        base = i * 128
        for k in range(8):
            bv = bat_v[pl.ds(base + k * 16, 16)]
            xv = idx_v[pl.ds(base + k * 16, 16)]
            skey, _ = plsc.sort_key_val(bv * M_SYM + xv, xv)
            key_v[pl.ds(base + k * 16, 16)] = skey
        return carry
    lax.fori_loop(0, VEC_GROUPS, sort_step, 0)

    def hist_step(i, carry):
        base = i * 128
        for k in range(8):
            skey = key_v[pl.ds(base + k * 16, 16)]
            cnt, last = plsc.scan_count(skey)
            sb = lax.shift_right_logical(skey, 7)
            sx = lax.bitwise_and(skey, jnp.int32(M_SYM - 1))
            plsc.addupdate_scatter(
                hist, [sb, sx], cnt.astype(jnp.float32), mask=last)
        return carry
    lax.fori_loop(0, VEC_GROUPS, hist_step, 0)

    zcp.wait()
    plsc.subcore_barrier()

    def merge_group(g, carry):
        pltpu.async_copy(hist.at[pl.ds(g * GROUP_ROWS, GROUP_ROWS)],
                         sp_hist.at[rid_v.at[g]], sem, add=True)
        return carry
    lax.fori_loop(g_lo, g_hi + 1, merge_group, 0)

    def merge_drain(g, carry):
        pltpu.make_async_copy(hist.at[pl.ds(0, GROUP_ROWS)],
                              sp_hist.at[rid_v.at[0]], sem).wait()
        return carry
    lax.fori_loop(g_lo, g_hi + 1, merge_drain, 0)

    plsc.subcore_barrier()

    @pl.when(sid == 0)
    def _():
        pltpu.sync_copy(sp_hist, out_hbm.at[cid])


def _table_body(lp_ref, lb_ref, t_ref):
    a = lp_ref[:][:, :, None] + lb_ref[:]
    mx = jnp.max(a, axis=1)
    s = jnp.sum(jnp.exp(a - mx[:, None, :]), axis=1)
    t_ref[:] = (mx + jnp.log(s)).T


def _build_table(log_prior, log_B):
    return pl.pallas_call(
        _table_body,
        out_shape=jax.ShapeDtypeStruct((M_SYM, N_GEN), jnp.float32),
    )(log_prior, log_B)


def _head_body(hist_ref, t_ref, con_ref, w_ref, b_ref, out_ref):
    h = hist_ref[0, :N_GRAPHS, :] + hist_ref[1, :N_GRAPHS, :]
    agg = jnp.dot(h, t_ref[:], preferred_element_type=jnp.float32,
                  precision=lax.Precision.HIGHEST)

    mean = jnp.mean(agg, axis=0, keepdims=True)
    var = jnp.mean((agg - mean) ** 2, axis=0, keepdims=True)
    bn = (agg - mean) / jnp.sqrt(var + 1e-5)
    c = jnp.tanh(jnp.dot(bn, con_ref[:], preferred_element_type=jnp.float32))
    out_ref[:] = lax.dot_general(
        c, w_ref[:], (((1,), (1,)), ((), ())),
        preferred_element_type=jnp.float32) + b_ref[:]


def _head(hist2, t, W, b):
    return pl.pallas_call(
        _head_body,
        out_shape=jax.ShapeDtypeStruct((N_GRAPHS, OUT_FEATURES), jnp.float32),
    )(hist2, t, _CONTRASTIVE, W, b.reshape(1, OUT_FEATURES))


_ROW_IDS = np.arange(HROWS, dtype=np.int32).reshape(HGROUPS, GROUP_ROWS)
_PAD_X = np.zeros((N_PW_PAD,), np.int32)
_PAD_B = np.full((N_PW_PAD,), N_GRAPHS, np.int32)


def kernel(x, edge_index, batch, log_prior, log_B, W, b):
    del edge_index
    px = _PAD_X
    pb = _PAD_B
    t = _build_table(log_prior, log_B)
    hist2 = _make_hist_sc()(x, batch, px, pb, _ROW_IDS)
    return _head(hist2, t, W, b)

# --- scband reference (transcript-rebuilt; emitter-appended) ---
"""Pipeline reference for scband-cgmn-42502996361242 (READ-ONLY COPY).

The authoritative reference and input builder live on the scoring server;
editing this copy changes nothing except your own understanding.
"""

import jax, jax.numpy as jnp
import numpy as np

N_NODES = 100000
N_EDGES = 1600000
N_GRAPHS = 512
N_GEN = 16
C = 20
M = 128
OUT_FEATURES = 10


def contrastive_matrix(n_gen):
    pairs = [(i, j) for i in range(n_gen) for j in range(i + 1, n_gen)]
    mat = np.zeros((n_gen, len(pairs)), dtype=np.float32)
    for k, (i, j) in enumerate(pairs):
        mat[i, k] = 1.0
        mat[j, k] = -1.0
    return jnp.asarray(mat)


def setup_inputs(seed: int = 0):
    key = jax.random.key(seed)
    k1, k2, k3, k4, k5, k6 = jax.random.split(key, 6)
    x = jax.random.randint(k1, (N_NODES,), 0, M, dtype=jnp.int32)
    edge_index = jax.random.randint(k2, (2, N_EDGES), 0, N_NODES, dtype=jnp.int32)
    batch = jnp.sort(jax.random.randint(k3, (N_NODES,), 0, N_GRAPHS, dtype=jnp.int32))
    log_prior = jax.nn.log_softmax(jax.random.normal(k4, (N_GEN, C), dtype=jnp.float32), axis=-1)
    log_B = jax.nn.log_softmax(jax.random.normal(k5, (N_GEN, C, M), dtype=jnp.float32), axis=-1)
    kw, kb = jax.random.split(k6)
    n_pairs = N_GEN * (N_GEN - 1) // 2
    W = jax.random.normal(kw, (OUT_FEATURES, n_pairs), dtype=jnp.float32) * 0.05
    b = jnp.zeros((OUT_FEATURES,), dtype=jnp.float32)
    return {"x": x, "edge_index": edge_index, "batch": batch, "log_prior": log_prior, "log_B": log_B, "W": W, "b": b}


def reference(x, edge_index, batch, log_prior, log_B, W, b):
    contrastive = contrastive_matrix(N_GEN)
    # CGMM base layer: per-node log-likelihood under each of n_gen mixtures
    # emission gather: log_B[:, :, x_u] -> [N, n_gen, C]
    em = jnp.transpose(log_B[:, :, x], (2, 0, 1))
    ll = jax.nn.logsumexp(log_prior[None, :, :] + em, axis=2)  # [N, n_gen]
    ll = ll[:, None, :]  # [N, L=1, n_gen]
    # scatter(log_likelihood, batch, dim=0): sum node likelihoods per graph
    agg = jax.ops.segment_sum(ll, batch, num_segments=N_GRAPHS)  # [G, 1, n_gen]
    # BatchNorm1d(n_gen, affine=False), training-mode batch statistics
    v = agg[:, 0, :]
    mean = jnp.mean(v, axis=0)
    var = jnp.var(v, axis=0)
    bn = (v - mean) / jnp.sqrt(var + 1e-5)
    b_norm_lhood = bn[:, None, :]  # [G, 1, n_gen]
    c = jnp.tanh(b_norm_lhood @ contrastive)  # [G, 1, P]
    c = jax.lax.stop_gradient(c)  # .detach_() in torch
    c = c.reshape(c.shape[0], -1)  # flatten(start_dim=-2)
    out = c @ W.T + b
    return out

if __name__ == "__main__":
    import jax
    _d = setup_inputs()
    print(jax.jit(kernel)(*tuple(_d.values())))

</pallas_src>

<mosaic_0001>
#map = affine_map<(d0, d1) -> (0)>
#map1 = affine_map<(d0, d1) -> (0, 0)>
#map2 = affine_map<(d0, d1) -> (0, 0, 0)>
module attributes {stable_mosaic.version = 14 : i64} {
  func.func @_hist_body(%arg0: i32, %arg1: i32, %arg2: memref<100000xi32, #tpu.memory_space<hbm>>, %arg3: memref<100000xi32, #tpu.memory_space<hbm>>, %arg4: memref<2400xi32, #tpu.memory_space<hbm>>, %arg5: memref<2400xi32, #tpu.memory_space<hbm>>, %arg6: memref<66x8xi32, #tpu.memory_space<hbm>>, %arg7: memref<2x528x128xf32, #tpu.memory_space<hbm>>, %arg8: memref<3200xi32, #tpu.memory_space<vmem>>, %arg9: memref<3200xi32, #tpu.memory_space<vmem>>, %arg10: memref<3200xi32, #tpu.memory_space<vmem>>, %arg11: memref<66x8xi32, #tpu.memory_space<vmem>>, %arg12: memref<528x128xf32, #tpu.memory_space<vmem>>, %arg13: memref<33x128xf32, #tpu.memory_space<vmem>>, %arg14: memref<528x128xf32, #tpu.memory_space<vmem_shared>>, %arg15: memref<!tpu.dma_semaphore, #tpu.memory_space<semaphore_mem>>, %arg16: memref<!tpu.dma_semaphore, #tpu.memory_space<semaphore_mem>>) attributes {dimension_semantics = [#tpu.dimension_semantics<core_parallel>, #tpu.dimension_semantics<subcore_parallel>], iteration_bounds = array<i64: 2, 16>, scalar_prefetch = 0 : i64, scratch_operands = 9 : i64, tpu.core_type = #tpu.core_type<sc_vector_subcore>, window_params = [{transform_indices = #map}, {transform_indices = #map}, {transform_indices = #map}, {transform_indices = #map}, {transform_indices = #map1}, {transform_indices = #map2}]} {
    %mul3A = arith.constant 2 : i32
    %mul3A_0 = arith.muli %arg1, %mul3A : i32
    %add3A = arith.addi %mul3A_0, %arg0 : i32
    tpu.enqueue_dma source(%arg6 : memref<66x8xi32, #tpu.memory_space<hbm>>) target(%arg11 : memref<66x8xi32, #tpu.memory_space<vmem>>) target_semaphore(%arg15 : memref<!tpu.dma_semaphore, #tpu.memory_space<semaphore_mem>>)
    %lt3A = arith.constant 31 : i32
    %lt3A_1 = arith.cmpi slt, %add3A, %lt3A : i32
    %convert_element_type3A = arith.extui %lt3A_1 : i1 to i32
    %cond3A = arith.constant 0 : i32
    %cond3A_2 = arith.cmpi ne, %convert_element_type3A, %cond3A : i32
    scf.if %cond3A_2 {
      %mul3A_1177 = arith.constant 3200 : i32
      %mul3A_1178 = arith.muli %add3A, %mul3A_1177 : i32
      %dma_start3A_1179 = tpu.memref_slice %arg2[%mul3A_1178] : memref<100000xi32, #tpu.memory_space<hbm>> -> memref<3200xi32, #tpu.memory_space<hbm>>
      %dma_start3A_1180 = tpu.memref_slice %arg2[%mul3A_1178] : memref<100000xi32, #tpu.memory_space<hbm>> -> memref<3200xi32, #tpu.memory_space<hbm>>
      tpu.enqueue_dma source(%dma_start3A_1180 : memref<3200xi32, #tpu.memory_space<hbm>>) target(%arg8 : memref<3200xi32, #tpu.memory_space<vmem>>) target_semaphore(%arg15 : memref<!tpu.dma_semaphore, #tpu.memory_space<semaphore_mem>>)
      %mul3A_1181 = arith.constant 3200 : i32
      %mul3A_1182 = arith.muli %add3A, %mul3A_1181 : i32
      %dma_start3A_1183 = tpu.memref_slice %arg3[%mul3A_1182] : memref<100000xi32, #tpu.memory_space<hbm>> -> memref<3200xi32, #tpu.memory_space<hbm>>
      %dma_start3A_1184 = tpu.memref_slice %arg3[%mul3A_1182] : memref<100000xi32, #tpu.memory_space<hbm>> -> memref<3200xi32, #tpu.memory_space<hbm>>
      tpu.enqueue_dma source(%dma_start3A_1184 : memref<3200xi32, #tpu.memory_space<hbm>>) target(%arg9 : memref<3200xi32, #tpu.memory_space<vmem>>) target_semaphore(%arg15 : memref<!tpu.dma_semaphore, #tpu.memory_space<semaphore_mem>>)
      %dma_wait3A_1185 = tpu.memref_slice %arg2[%mul3A_1178] : memref<100000xi32, #tpu.memory_space<hbm>> -> memref<3200xi32, #tpu.memory_space<hbm>>
      %dma_wait3A_1186 = tpu.memref_slice %arg2[%mul3A_1178] : memref<100000xi32, #tpu.memory_space<hbm>> -> memref<3200xi32, #tpu.memory_space<hbm>>
      tpu.wait_dma2 semaphore(%arg15 : memref<!tpu.dma_semaphore, #tpu.memory_space<semaphore_mem>>) src(%dma_wait3A_1186 : memref<3200xi32, #tpu.memory_space<hbm>>) dst(%arg8 : memref<3200xi32, #tpu.memory_space<vmem>>)
      %dma_wait3A_1187 = tpu.memref_slice %arg3[%mul3A_1182] : memref<100000xi32, #tpu.memory_space<hbm>> -> memref<3200xi32, #tpu.memory_space<hbm>>
      %dma_wait3A_1188 = tpu.memref_slice %arg3[%mul3A_1182] : memref<100000xi32, #tpu.memory_space<hbm>> -> memref<3200xi32, #tpu.memory_space<hbm>>
      tpu.wait_dma2 semaphore(%arg15 : memref<!tpu.dma_semaphore, #tpu.memory_space<semaphore_mem>>) src(%dma_wait3A_1188 : memref<3200xi32, #tpu.memory_space<hbm>>) dst(%arg9 : memref<3200xi32, #tpu.memory_space<vmem>>)
    } else {
    }
    %eq3A = arith.constant 31 : i32
    %eq3A_3 = arith.cmpi eq, %add3A, %eq3A : i32
    %convert_element_type3A_4 = arith.extui %eq3A_3 : i1 to i32
    %cond3A_5 = arith.constant 0 : i32
    %cond3A_6 = arith.cmpi ne, %convert_element_type3A_4, %cond3A_5 : i32
    scf.if %cond3A_6 {
      %dma_start3A_1177 = arith.constant 0 : i32
      %dma_start3A_1178 = tpu.memref_slice %arg8[%dma_start3A_1177] : memref<3200xi32, #tpu.memory_space<vmem>> -> memref<800xi32, #tpu.memory_space<vmem>>
      %dma_start3A_1179 = arith.constant 99200 : i32
      %dma_start3A_1180 = tpu.memref_slice %arg2[%dma_start3A_1179] : memref<100000xi32, #tpu.memory_space<hbm>> -> memref<800xi32, #tpu.memory_space<hbm>>
      %dma_start3A_1181 = arith.constant 0 : i32
      %dma_start3A_1182 = tpu.memref_slice %arg8[%dma_start3A_1181] : memref<3200xi32, #tpu.memory_space<vmem>> -> memref<800xi32, #tpu.memory_space<vmem>>
      %dma_start3A_1183 = arith.constant 99200 : i32
      %dma_start3A_1184 = tpu.memref_slice %arg2[%dma_start3A_1183] : memref<100000xi32, #tpu.memory_space<hbm>> -> memref<800xi32, #tpu.memory_space<hbm>>
      tpu.enqueue_dma source(%dma_start3A_1184 : memref<800xi32, #tpu.memory_space<hbm>>) target(%dma_start3A_1182 : memref<800xi32, #tpu.memory_space<vmem>>) target_semaphore(%arg15 : memref<!tpu.dma_semaphore, #tpu.memory_space<semaphore_mem>>)
      %dma_start3A_1185 = arith.constant 0 : i32
      %dma_start3A_1186 = tpu.memref_slice %arg9[%dma_start3A_1185] : memref<3200xi32, #tpu.memory_space<vmem>> -> memref<800xi32, #tpu.memory_space<vmem>>
      %dma_start3A_1187 = arith.constant 99200 : i32
      %dma_start3A_1188 = tpu.memref_slice %arg3[%dma_start3A_1187] : memref<100000xi32, #tpu.memory_space<hbm>> -> memref<800xi32, #tpu.memory_space<hbm>>
      %dma_start3A_1189 = arith.constant 0 : i32
      %dma_start3A_1190 = tpu.memref_slice %arg9[%dma_start3A_1189] : memref<3200xi32, #tpu.memory_space<vmem>> -> memref<800xi32, #tpu.memory_space<vmem>>
      %dma_start3A_1191 = arith.constant 99200 : i32
      %dma_start3A_1192 = tpu.memref_slice %arg3[%dma_start3A_1191] : memref<100000xi32, #tpu.memory_space<hbm>> -> memref<800xi32, #tpu.memory_space<hbm>>
      tpu.enqueue_dma source(%dma_start3A_1192 : memref<800xi32, #tpu.memory_space<hbm>>) target(%dma_start3A_1190 : memref<800xi32, #tpu.memory_space<vmem>>) target_semaphore(%arg15 : memref<!tpu.dma_semaphore, #tpu.memory_space<semaphore_mem>>)
      %dma_start3A_1193 = arith.constant 800 : i32
      %dma_start3A_1194 = tpu.memref_slice %arg8[%dma_start3A_1193] : memref<3200xi32, #tpu.memory_space<vmem>> -> memref<2400xi32, #tpu.memory_space<vmem>>
      %dma_start3A_1195 = arith.constant 800 : i32
      %dma_start3A_1196 = tpu.memref_slice %arg8[%dma_start3A_1195] : memref<3200xi32, #tpu.memory_space<vmem>> -> memref<2400xi32, #tpu.memory_space<vmem>>
      tpu.enqueue_dma source(%arg4 : memref<2400xi32, #tpu.memory_space<hbm>>) target(%dma_start3A_1196 : memref<2400xi32, #tpu.memory_space<vmem>>) target_semaphore(%arg15 : memref<!tpu.dma_semaphore, #tpu.memory_space<semaphore_mem>>)
      %dma_start3A_1197 = arith.constant 800 : i32
      %dma_start3A_1198 = tpu.memref_slice %arg9[%dma_start3A_1197] : memref<3200xi32, #tpu.memory_space<vmem>> -> memref<2400xi32, #tpu.memory_space<vmem>>
      %dma_start3A_1199 = arith.constant 800 : i32
      %dma_start3A_1200 = tpu.memref_slice %arg9[%dma_start3A_1199] : memref<3200xi32, #tpu.memory_space<vmem>> -> memref<2400xi32, #tpu.memory_space<vmem>>
      tpu.enqueue_dma source(%arg5 : memref<2400xi32, #tpu.memory_space<hbm>>) target(%dma_start3A_1200 : memref<2400xi32, #tpu.memory_space<vmem>>) target_semaphore(%arg15 : memref<!tpu.dma_semaphore, #tpu.memory_space<semaphore_mem>>)
      %dma_wait3A_1201 = arith.constant 0 : i32
      %dma_wait3A_1202 = tpu.memref_slice %arg8[%dma_wait3A_1201] : memref<3200xi32, #tpu.memory_space<vmem>> -> memref<800xi32, #tpu.memory_space<vmem>>
      %dma_wait3A_1203 = arith.constant 99200 : i32
      %dma_wait3A_1204 = tpu.memref_slice %arg2[%dma_wait3A_1203] : memref<100000xi32, #tpu.memory_space<hbm>> -> memref<800xi32, #tpu.memory_space<hbm>>
      %dma_wait3A_1205 = arith.constant 0 : i32
      %dma_wait3A_1206 = tpu.memref_slice %arg8[%dma_wait3A_1205] : memref<3200xi32, #tpu.memory_space<vmem>> -> memref<800xi32, #tpu.memory_space<vmem>>
      %dma_wait3A_1207 = arith.constant 99200 : i32
      %dma_wait3A_1208 = tpu.memref_slice %arg2[%dma_wait3A_1207] : memref<100000xi32, #tpu.memory_space<hbm>> -> memref<800xi32, #tpu.memory_space<hbm>>
      tpu.wait_dma2 semaphore(%arg15 : memref<!tpu.dma_semaphore, #tpu.memory_space<semaphore_mem>>) src(%dma_wait3A_1208 : memref<800xi32, #tpu.memory_space<hbm>>) dst(%dma_wait3A_1206 : memref<800xi32, #tpu.memory_space<vmem>>)
      %dma_wait3A_1209 = arith.constant 0 : i32
      %dma_wait3A_1210 = tpu.memref_slice %arg9[%dma_wait3A_1209] : memref<3200xi32, #tpu.memory_space<vmem>> -> memref<800xi32, #tpu.memory_space<vmem>>
      %dma_wait3A_1211 = arith.constant 99200 : i32
      %dma_wait3A_1212 = tpu.memref_slice %arg3[%dma_wait3A_1211] : memref<100000xi32, #tpu.memory_space<hbm>> -> memref<800xi32, #tpu.memory_space<hbm>>
      %dma_wait3A_1213 = arith.constant 0 : i32
      %dma_wait3A_1214 = tpu.memref_slice %arg9[%dma_wait3A_1213] : memref<3200xi32, #tpu.memory_space<vmem>> -> memref<800xi32, #tpu.memory_space<vmem>>
      %dma_wait3A_1215 = arith.constant 99200 : i32
      %dma_wait3A_1216 = tpu.memref_slice %arg3[%dma_wait3A_1215] : memref<100000xi32, #tpu.memory_space<hbm>> -> memref<800xi32, #tpu.memory_space<hbm>>
      tpu.wait_dma2 semaphore(%arg15 : memref<!tpu.dma_semaphore, #tpu.memory_space<semaphore_mem>>) src(%dma_wait3A_1216 : memref<800xi32, #tpu.memory_space<hbm>>) dst(%dma_wait3A_1214 : memref<800xi32, #tpu.memory_space<vmem>>)
      %dma_wait3A_1217 = arith.constant 800 : i32
      %dma_wait3A_1218 = tpu.memref_slice %arg8[%dma_wait3A_1217] : memref<3200xi32, #tpu.memory_space<vmem>> -> memref<2400xi32, #tpu.memory_space<vmem>>
      %dma_wait3A_1219 = arith.constant 800 : i32
      %dma_wait3A_1220 = tpu.memref_slice %arg8[%dma_wait3A_1219] : memref<3200xi32, #tpu.memory_space<vmem>> -> memref<2400xi32, #tpu.memory_space<vmem>>
      tpu.wait_dma2 semaphore(%arg15 : memref<!tpu.dma_semaphore, #tpu.memory_space<semaphore_mem>>) src(%arg4 : memref<2400xi32, #tpu.memory_space<hbm>>) dst(%dma_wait3A_1220 : memref<2400xi32, #tpu.memory_space<vmem>>)
      %dma_wait3A_1221 = arith.constant 800 : i32
      %dma_wait3A_1222 = tpu.memref_slice %arg9[%dma_wait3A_1221] : memref<3200xi32, #tpu.memory_space<vmem>> -> memref<2400xi32, #tpu.memory_space<vmem>>
      %dma_wait3A_1223 = arith.constant 800 : i32
      %dma_wait3A_1224 = tpu.memref_slice %arg9[%dma_wait3A_1223] : memref<3200xi32, #tpu.memory_space<vmem>> -> memref<2400xi32, #tpu.memory_space<vmem>>
      tpu.wait_dma2 semaphore(%arg15 : memref<!tpu.dma_semaphore, #tpu.memory_space<semaphore_mem>>) src(%arg5 : memref<2400xi32, #tpu.memory_space<hbm>>) dst(%dma_wait3A_1224 : memref<2400xi32, #tpu.memory_space<vmem>>)
    } else {
    }
    %broadcast_in_dim3A = arith.constant 0.000000e+00 : f32
    %broadcast_in_dim3A_7 = vector.broadcast %broadcast_in_dim3A : f32 to vector<16xf32>
    %swap3A = arith.constant 0 : i32
    %swap3A_8 = arith.index_cast %swap3A : i32 to index
    %swap3A_9 = arith.constant 0 : index
    %swap3A_10 = tpu.vector_load %arg13[%swap3A_8, %swap3A_9] {strides = array<i32>} : memref<33x128xf32, #tpu.memory_space<vmem>>, vector<16xf32>,
    tpu.vector_store %arg13[%swap3A_8, %swap3A_9], %broadcast_in_dim3A_7 {strides = array<i32>} : memref<33x128xf32, #tpu.memory_space<vmem>>, vector<16xf32>,
    %swap3A_11 = arith.constant 0 : i32
    %swap3A_12 = arith.index_cast %swap3A_11 : i32 to index
    %swap3A_13 = arith.constant 16 : index
    %swap3A_14 = tpu.vector_load %arg13[%swap3A_12, %swap3A_13] {strides = array<i32>} : memref<33x128xf32, #tpu.memory_space<vmem>>, vector<16xf32>,
    tpu.vector_store %arg13[%swap3A_12, %swap3A_13], %broadcast_in_dim3A_7 {strides = array<i32>} : memref<33x128xf32, #tpu.memory_space<vmem>>, vector<16xf32>,
    %swap3A_15 = arith.constant 0 : i32
    %swap3A_16 = arith.index_cast %swap3A_15 : i32 to index
    %swap3A_17 = arith.constant 32 : index
    %swap3A_18 = tpu.vector_load %arg13[%swap3A_16, %swap3A_17] {strides = array<i32>} : memref<33x128xf32, #tpu.memory_space<vmem>>, vector<16xf32>,
    tpu.vector_store %arg13[%swap3A_16, %swap3A_17], %broadcast_in_dim3A_7 {strides = array<i32>} : memref<33x128xf32, #tpu.memory_space<vmem>>, vector<16xf32>,
    %swap3A_19 = arith.constant 0 : i32
    %swap3A_20 = arith.index_cast %swap3A_19 : i32 to index
    %swap3A_21 = arith.constant 48 : index
    %swap3A_22 = tpu.vector_load %arg13[%swap3A_20, %swap3A_21] {strides = array<i32>} : memref<33x128xf32, #tpu.memory_space<vmem>>, vector<16xf32>,
    tpu.vector_store %arg13[%swap3A_20, %swap3A_21], %broadcast_in_dim3A_7 {strides = array<i32>} : memref<33x128xf32, #tpu.memory_space<vmem>>, vector<16xf32>,
    %swap3A_23 = arith.constant 0 : i32
    %swap3A_24 = arith.index_cast %swap3A_23 : i32 to index
    %swap3A_25 = arith.constant 64 : index
    %swap3A_26 = tpu.vector_load %arg13[%swap3A_24, %swap3A_25] {strides = array<i32>} : memref<33x128xf32, #tpu.memory_space<vmem>>, vector<16xf32>,
    tpu.vector_store %arg13[%swap3A_24, %swap3A_25], %broadcast_in_dim3A_7 {strides = array<i32>} : memref<33x128xf32, #tpu.memory_space<vmem>>, vector<16xf32>,
    %swap3A_27 = arith.constant 0 : i32
    %swap3A_28 = arith.index_cast %swap3A_27 : i32 to index
    %swap3A_29 = arith.constant 80 : index
    %swap3A_30 = tpu.vector_load %arg13[%swap3A_28, %swap3A_29] {strides = array<i32>} : memref<33x128xf32, #tpu.memory_space<vmem>>, vector<16xf32>,
    tpu.vector_store %arg13[%swap3A_28, %swap3A_29], %broadcast_in_dim3A_7 {strides = array<i32>} : memref<33x128xf32, #tpu.memory_space<vmem>>, vector<16xf32>,
    %swap3A_31 = arith.constant 0 : i32
    %swap3A_32 = arith.index_cast %swap3A_31 : i32 to index
    %swap3A_33 = arith.constant 96 : index
    %swap3A_34 = tpu.vector_load %arg13[%swap3A_32, %swap3A_33] {strides = array<i32>} : memref<33x128xf32, #tpu.memory_space<vmem>>, vector<16xf32>,
    tpu.vector_store %arg13[%swap3A_32, %swap3A_33], %broadcast_in_dim3A_7 {strides = array<i32>} : memref<33x128xf32, #tpu.memory_space<vmem>>, vector<16xf32>,
    %swap3A_35 = arith.constant 0 : i32
    %swap3A_36 = arith.index_cast %swap3A_35 : i32 to index
    %swap3A_37 = arith.constant 112 : index
    %swap3A_38 = tpu.vector_load %arg13[%swap3A_36, %swap3A_37] {strides = array<i32>} : memref<33x128xf32, #tpu.memory_space<vmem>>, vector<16xf32>,
    tpu.vector_store %arg13[%swap3A_36, %swap3A_37], %broadcast_in_dim3A_7 {strides = array<i32>} : memref<33x128xf32, #tpu.memory_space<vmem>>, vector<16xf32>,
    %swap3A_39 = arith.constant 1 : i32
    %swap3A_40 = arith.index_cast %swap3A_39 : i32 to index
    %swap3A_41 = arith.constant 0 : index
    %swap3A_42 = tpu.vector_load %arg13[%swap3A_40, %swap3A_41] {strides = array<i32>} : memref<33x128xf32, #tpu.memory_space<vmem>>, vector<16xf32>,
    tpu.vector_store %arg13[%swap3A_40, %swap3A_41], %broadcast_in_dim3A_7 {strides = array<i32>} : memref<33x128xf32, #tpu.memory_space<vmem>>, vector<16xf32>,
    %swap3A_43 = arith.constant 1 : i32
    %swap3A_44 = arith.index_cast %swap3A_43 : i32 to index
    %swap3A_45 = arith.constant 16 : index
    %swap3A_46 = tpu.vector_load %arg13[%swap3A_44, %swap3A_45] {strides = array<i32>} : memref<33x128xf32, #tpu.memory_space<vmem>>, vector<16xf32>,
    tpu.vector_store %arg13[%swap3A_44, %swap3A_45], %broadcast_in_dim3A_7 {strides = array<i32>} : memref<33x128xf32, #tpu.memory_space<vmem>>, vector<16xf32>,
    %swap3A_47 = arith.constant 1 : i32
    %swap3A_48 = arith.index_cast %swap3A_47 : i32 to index
    %swap3A_49 = arith.constant 32 : index
    %swap3A_50 = tpu.vector_load %arg13[%swap3A_48, %swap3A_49] {strides = array<i32>} : memref<33x128xf32, #tpu.memory_space<vmem>>, vector<16xf32>,
    tpu.vector_store %arg13[%swap3A_48, %swap3A_49], %broadcast_in_dim3A_7 {strides = array<i32>} : memref<33x128xf32, #tpu.memory_space<vmem>>, vector<16xf32>,
    %swap3A_51 = arith.constant 1 : i32
    %swap3A_52 = arith.index_cast %swap3A_51 : i32 to index
    %swap3A_53 = arith.constant 48 : index
    %swap3A_54 = tpu.vector_load %arg13[%swap3A_52, %swap3A_53] {strides = array<i32>} : memref<33x128xf32, #tpu.memory_space<vmem>>, vector<16xf32>,
    tpu.vector_store %arg13[%swap3A_52, %swap3A_53], %broadcast_in_dim3A_7 {strides = array<i32>} : memref<33x128xf32, #tpu.memory_space<vmem>>, vector<16xf32>,
    %swap3A_55 = arith.constant 1 : i32
    %swap3A_56 = arith.index_cast %swap3A_55 : i32 to index
    %swap3A_57 = arith.constant 64 : index
    %swap3A_58 = tpu.vector_load %arg13[%swap3A_56, %swap3A_57] {strides = array<i32>} : memref<33x128xf32, #tpu.memory_space<vmem>>, vector<16xf32>,
    tpu.vector_store %arg13[%swap3A_56, %swap3A_57], %broadcast_in_dim3A_7 {strides = array<i32>} : memref<33x128xf32, #tpu.memory_space<vmem>>, vector<16xf32>,
    %swap3A_59 = arith.constant 1 : i32
    %swap3A_60 = arith.index_cast %swap3A_59 : i32 to index
    %swap3A_61 = arith.constant 80 : index
    %swap3A_62 = tpu.vector_load %arg13[%swap3A_60, %swap3A_61] {strides = array<i32>} : memref<33x128xf32, #tpu.memory_space<vmem>>, vector<16xf32>,
    tpu.vector_store %arg13[%swap3A_60, %swap3A_61], %broadcast_in_dim3A_7 {strides = array<i32>} : memref<33x128xf32, #tpu.memory_space<vmem>>, vector<16xf32>,
    %swap3A_63 = arith.constant 1 : i32
    %swap3A_64 = arith.index_cast %swap3A_63 : i32 to index
    %swap3A_65 = arith.constant 96 : index
    %swap3A_66 = tpu.vector_load %arg13[%swap3A_64, %swap3A_65] {strides = array<i32>} : memref<33x128xf32, #tpu.memory_space<vmem>>, vector<16xf32>,
    tpu.vector_store %arg13[%swap3A_64, %swap3A_65], %broadcast_in_dim3A_7 {strides = array<i32>} : memref<33x128xf32, #tpu.memory_space<vmem>>, vector<16xf32>,
    %swap3A_67 = arith.constant 1 : i32
    %swap3A_68 = arith.index_cast %swap3A_67 : i32 to index
    %swap3A_69 = arith.constant 112 : index
    %swap3A_70 = tpu.vector_load %arg13[%swap3A_68, %swap3A_69] {strides = array<i32>} : memref<33x128xf32, #tpu.memory_space<vmem>>, vector<16xf32>,
    tpu.vector_store %arg13[%swap3A_68, %swap3A_69], %broadcast_in_dim3A_7 {strides = array<i32>} : memref<33x128xf32, #tpu.memory_space<vmem>>, vector<16xf32>,
    %swap3A_71 = arith.constant 2 : i32
    %swap3A_72 = arith.index_cast %swap3A_71 : i32 to index
    %swap3A_73 = arith.constant 0 : index
    %swap3A_74 = tpu.vector_load %arg13[%swap3A_72, %swap3A_73] {strides = array<i32>} : memref<33x128xf32, #tpu.memory_space<vmem>>, vector<16xf32>,
    tpu.vector_store %arg13[%swap3A_72, %swap3A_73], %broadcast_in_dim3A_7 {strides = array<i32>} : memref<33x128xf32, #tpu.memory_space<vmem>>, vector<16xf32>,
    %swap3A_75 = arith.constant 2 : i32
    %swap3A_76 = arith.index_cast %swap3A_75 : i32 to index
    %swap3A_77 = arith.constant 16 : index
    %swap3A_78 = tpu.vector_load %arg13[%swap3A_76, %swap3A_77] {strides = array<i32>} : memref<33x128xf32, #tpu.memory_space<vmem>>, vector<16xf32>,
    tpu.vector_store %arg13[%swap3A_76, %swap3A_77], %broadcast_in_dim3A_7 {strides = array<i32>} : memref<33x128xf32, #tpu.memory_space<vmem>>, vector<16xf32>,
    %swap3A_79 = arith.constant 2 : i32
    %swap3A_80 = arith.index_cast %swap3A_79 : i32 to index
    %swap3A_81 = arith.constant 32 : index
    %swap3A_82 = tpu.vector_load %arg13[%swap3A_80, %swap3A_81] {strides = array<i32>} : memref<33x128xf32, #tpu.memory_space<vmem>>, vector<16xf32>,
    tpu.vector_store %arg13[%swap3A_80, %swap3A_81], %broadcast_in_dim3A_7 {strides = array<i32>} : memref<33x128xf32, #tpu.memory_space<vmem>>, vector<16xf32>,
    %swap3A_83 = arith.constant 2 : i32
    %swap3A_84 = arith.index_cast %swap3A_83 : i32 to index
    %swap3A_85 = arith.constant 48 : index
    %swap3A_86 = tpu.vector_load %arg13[%swap3A_84, %swap3A_85] {strides = array<i32>} : memref<33x128xf32, #tpu.memory_space<vmem>>, vector<16xf32>,
    tpu.vector_store %arg13[%swap3A_84, %swap3A_85], %broadcast_in_dim3A_7 {strides = array<i32>} : memref<33x128xf32, #tpu.memory_space<vmem>>, vector<16xf32>,
    %swap3A_87 = arith.constant 2 : i32
    %swap3A_88 = arith.index_cast %swap3A_87 : i32 to index
    %swap3A_89 = arith.constant 64 : index
    %swap3A_90 = tpu.vector_load %arg13[%swap3A_88, %swap3A_89] {strides = array<i32>} : memref<33x128xf32, #tpu.memory_space<vmem>>, vector<16xf32>,
    tpu.vector_store %arg13[%swap3A_88, %swap3A_89], %broadcast_in_dim3A_7 {strides = array<i32>} : memref<33x128xf32, #tpu.memory_space<vmem>>, vector<16xf32>,
    %swap3A_91 = arith.constant 2 : i32
    %swap3A_92 = arith.index_cast %swap3A_91 : i32 to index
    %swap3A_93 = arith.constant 80 : index
    %swap3A_94 = tpu.vector_load %arg13[%swap3A_92, %swap3A_93] {strides = array<i32>} : memref<33x128xf32, #tpu.memory_space<vmem>>, vector<16xf32>,
    tpu.vector_store %arg13[%swap3A_92, %swap3A_93], %broadcast_in_dim3A_7 {strides = array<i32>} : memref<33x128xf32, #tpu.memory_space<vmem>>, vector<16xf32>,
    %swap3A_95 = arith.constant 2 : i32
    %swap3A_96 = arith.index_cast %swap3A_95 : i32 to index
    %swap3A_97 = arith.constant 96 : index
    %swap3A_98 = tpu.vector_load %arg13[%swap3A_96, %swap3A_97] {strides = array<i32>} : memref<33x128xf32, #tpu.memory_space<vmem>>, vector<16xf32>,
    tpu.vector_store %arg13[%swap3A_96, %swap3A_97], %broadcast_in_dim3A_7 {strides = array<i32>} : memref<33x128xf32, #tpu.memory_space<vmem>>, vector<16xf32>,
    %swap3A_99 = arith.constant 2 : i32
    %swap3A_100 = arith.index_cast %swap3A_99 : i32 to index
    %swap3A_101 = arith.constant 112 : index
    %swap3A_102 = tpu.vector_load %arg13[%swap3A_100, %swap3A_101] {strides = array<i32>} : memref<33x128xf32, #tpu.memory_space<vmem>>, vector<16xf32>,
    tpu.vector_store %arg13[%swap3A_100, %swap3A_101], %broadcast_in_dim3A_7 {strides = array<i32>} : memref<33x128xf32, #tpu.memory_space<vmem>>, vector<16xf32>,
    %swap3A_103 = arith.constant 3 : i32
    %swap3A_104 = arith.index_cast %swap3A_103 : i32 to index
    %swap3A_105 = arith.constant 0 : index
    %swap3A_106 = tpu.vector_load %arg13[%swap3A_104, %swap3A_105] {strides = array<i32>} : memref<33x128xf32, #tpu.memory_space<vmem>>, vector<16xf32>,
    tpu.vector_store %arg13[%swap3A_104, %swap3A_105], %broadcast_in_dim3A_7 {strides = array<i32>} : memref<33x128xf32, #tpu.memory_space<vmem>>, vector<16xf32>,
    %swap3A_107 = arith.constant 3 : i32
    %swap3A_108 = arith.index_cast %swap3A_107 : i32 to index
    %swap3A_109 = arith.constant 16 : index
    %swap3A_110 = tpu.vector_load %arg13[%swap3A_108, %swap3A_109] {strides = array<i32>} : memref<33x128xf32, #tpu.memory_space<vmem>>, vector<16xf32>,
    tpu.vector_store %arg13[%swap3A_108, %swap3A_109], %broadcast_in_dim3A_7 {strides = array<i32>} : memref<33x128xf32, #tpu.memory_space<vmem>>, vector<16xf32>,
    %swap3A_111 = arith.constant 3 : i32
    %swap3A_112 = arith.index_cast %swap3A_111 : i32 to index
    %swap3A_113 = arith.constant 32 : index
    %swap3A_114 = tpu.vector_load %arg13[%swap3A_112, %swap3A_113] {strides = array<i32>} : memref<33x128xf32, #tpu.memory_space<vmem>>, vector<16xf32>,
    tpu.vector_store %arg13[%swap3A_112, %swap3A_113], %broadcast_in_dim3A_7 {strides = array<i32>} : memref<33x128xf32, #tpu.memory_space<vmem>>, vector<16xf32>,
    %swap3A_115 = arith.constant 3 : i32
    %swap3A_116 = arith.index_cast %swap3A_115 : i32 to index
    %swap3A_117 = arith.constant 48 : index
    %swap3A_118 = tpu.vector_load %arg13[%swap3A_116, %swap3A_117] {strides = array<i32>} : memref<33x128xf32, #tpu.memory_space<vmem>>, vector<16xf32>,
    tpu.vector_store %arg13[%swap3A_116, %swap3A_117], %broadcast_in_dim3A_7 {strides = array<i32>} : memref<33x128xf32, #tpu.memory_space<vmem>>, vector<16xf32>,
    %swap3A_119 = arith.constant 3 : i32
    %swap3A_120 = arith.index_cast %swap3A_119 : i32 to index
    %swap3A_121 = arith.constant 64 : index
    %swap3A_122 = tpu.vector_load %arg13[%swap3A_120, %swap3A_121] {strides = array<i32>} : memref<33x128xf32, #tpu.memory_space<vmem>>, vector<16xf32>,
    tpu.vector_store %arg13[%swap3A_120, %swap3A_121], %broadcast_in_dim3A_7 {strides = array<i32>} : memref<33x128xf32, #tpu.memory_space<vmem>>, vector<16xf32>,
    %swap3A_123 = arith.constant 3 : i32
    %swap3A_124 = arith.index_cast %swap3A_123 : i32 to index
    %swap3A_125 = arith.constant 80 : index
    %swap3A_126 = tpu.vector_load %arg13[%swap3A_124, %swap3A_125] {strides = array<i32>} : memref<33x128xf32, #tpu.memory_space<vmem>>, vector<16xf32>,
    tpu.vector_store %arg13[%swap3A_124, %swap3A_125], %broadcast_in_dim3A_7 {strides = array<i32>} : memref<33x128xf32, #tpu.memory_space<vmem>>, vector<16xf32>,
    %swap3A_127 = arith.constant 3 : i32
    %swap3A_128 = arith.index_cast %swap3A_127 : i32 to index
    %swap3A_129 = arith.constant 96 : index
    %swap3A_130 = tpu.vector_load %arg13[%swap3A_128, %swap3A_129] {strides = array<i32>} : memref<33x128xf32, #tpu.memory_space<vmem>>, vector<16xf32>,
    tpu.vector_store %arg13[%swap3A_128, %swap3A_129], %broadcast_in_dim3A_7 {strides = array<i32>} : memref<33x128xf32, #tpu.memory_space<vmem>>, vector<16xf32>,
    %swap3A_131 = arith.constant 3 : i32
    %swap3A_132 = arith.index_cast %swap3A_131 : i32 to index
    %swap3A_133 = arith.constant 112 : index
    %swap3A_134 = tpu.vector_load %arg13[%swap3A_132, %swap3A_133] {strides = array<i32>} : memref<33x128xf32, #tpu.memory_space<vmem>>, vector<16xf32>,
    tpu.vector_store %arg13[%swap3A_132, %swap3A_133], %broadcast_in_dim3A_7 {strides = array<i32>} : memref<33x128xf32, #tpu.memory_space<vmem>>, vector<16xf32>,
    %swap3A_135 = arith.constant 4 : i32
    %swap3A_136 = arith.index_cast %swap3A_135 : i32 to index
    %swap3A_137 = arith.constant 0 : index
    %swap3A_138 = tpu.vector_load %arg13[%swap3A_136, %swap3A_137] {strides = array<i32>} : memref<33x128xf32, #tpu.memory_space<vmem>>, vector<16xf32>,
    tpu.vector_store %arg13[%swap3A_136, %swap3A_137], %broadcast_in_dim3A_7 {strides = array<i32>} : memref<33x128xf32, #tpu.memory_space<vmem>>, vector<16xf32>,
    %swap3A_139 = arith.constant 4 : i32
    %swap3A_140 = arith.index_cast %swap3A_139 : i32 to index
    %swap3A_141 = arith.constant 16 : index
    %swap3A_142 = tpu.vector_load %arg13[%swap3A_140, %swap3A_141] {strides = array<i32>} : memref<33x128xf32, #tpu.memory_space<vmem>>, vector<16xf32>,
    tpu.vector_store %arg13[%swap3A_140, %swap3A_141], %broadcast_in_dim3A_7 {strides = array<i32>} : memref<33x128xf32, #tpu.memory_space<vmem>>, vector<16xf32>,
    %swap3A_143 = arith.constant 4 : i32
    %swap3A_144 = arith.index_cast %swap3A_143 : i32 to index
    %swap3A_145 = arith.constant 32 : index
    %swap3A_146 = tpu.vector_load %arg13[%swap3A_144, %swap3A_145] {strides = array<i32>} : memref<33x128xf32, #tpu.memory_space<vmem>>, vector<16xf32>,
    tpu.vector_store %arg13[%swap3A_144, %swap3A_145], %broadcast_in_dim3A_7 {strides = array<i32>} : memref<33x128xf32, #tpu.memory_space<vmem>>, vector<16xf32>,
    %swap3A_147 = arith.constant 4 : i32
    %swap3A_148 = arith.index_cast %swap3A_147 : i32 to index
    %swap3A_149 = arith.constant 48 : index
    %swap3A_150 = tpu.vector_load %arg13[%swap3A_148, %swap3A_149] {strides = array<i32>} : memref<33x128xf32, #tpu.memory_space<vmem>>, vector<16xf32>,
    tpu.vector_store %arg13[%swap3A_148, %swap3A_149], %broadcast_in_dim3A_7 {strides = array<i32>} : memref<33x128xf32, #tpu.memory_space<vmem>>, vector<16xf32>,
    %swap3A_151 = arith.constant 4 : i32
    %swap3A_152 = arith.index_cast %swap3A_151 : i32 to index
    %swap3A_153 = arith.constant 64 : index
    %swap3A_154 = tpu.vector_load %arg13[%swap3A_152, %swap3A_153] {strides = array<i32>} : memref<33x128xf32, #tpu.memory_space<vmem>>, vector<16xf32>,
    tpu.vector_store %arg13[%swap3A_152, %swap3A_153], %broadcast_in_dim3A_7 {strides = array<i32>} : memref<33x128xf32, #tpu.memory_space<vmem>>, vector<16xf32>,
    %swap3A_155 = arith.constant 4 : i32
    %swap3A_156 = arith.index_cast %swap3A_155 : i32 to index
    %swap3A_157 = arith.constant 80 : index
    %swap3A_158 = tpu.vector_load %arg13[%swap3A_156, %swap3A_157] {strides = array<i32>} : memref<33x128xf32, #tpu.memory_space<vmem>>, vector<16xf32>,
    tpu.vector_store %arg13[%swap3A_156, %swap3A_157], %broadcast_in_dim3A_7 {strides = array<i32>} : memref<33x128xf32, #tpu.memory_space<vmem>>, vector<16xf32>,
    %swap3A_159 = arith.constant 4 : i32
    %swap3A_160 = arith.index_cast %swap3A_159 : i32 to index
    %swap3A_161 = arith.constant 96 : index
    %swap3A_162 = tpu.vector_load %arg13[%swap3A_160, %swap3A_161] {strides = array<i32>} : memref<33x128xf32, #tpu.memory_space<vmem>>, vector<16xf32>,
    tpu.vector_store %arg13[%swap3A_160, %swap3A_161], %broadcast_in_dim3A_7 {strides = array<i32>} : memref<33x128xf32, #tpu.memory_space<vmem>>, vector<16xf32>,
    %swap3A_163 = arith.constant 4 : i32
    %swap3A_164 = arith.index_cast %swap3A_163 : i32 to index
    %swap3A_165 = arith.constant 112 : index
    %swap3A_166 = tpu.vector_load %arg13[%swap3A_164, %swap3A_165] {strides = array<i32>} : memref<33x128xf32, #tpu.memory_space<vmem>>, vector<16xf32>,
    tpu.vector_store %arg13[%swap3A_164, %swap3A_165], %broadcast_in_dim3A_7 {strides = array<i32>} : memref<33x128xf32, #tpu.memory_space<vmem>>, vector<16xf32>,
    %swap3A_167 = arith.constant 5 : i32
    %swap3A_168 = arith.index_cast %swap3A_167 : i32 to index
    %swap3A_169 = arith.constant 0 : index
    %swap3A_170 = tpu.vector_load %arg13[%swap3A_168, %swap3A_169] {strides = array<i32>} : memref<33x128xf32, #tpu.memory_space<vmem>>, vector<16xf32>,
    tpu.vector_store %arg13[%swap3A_168, %swap3A_169], %broadcast_in_dim3A_7 {strides = array<i32>} : memref<33x128xf32, #tpu.memory_space<vmem>>, vector<16xf32>,
    %swap3A_171 = arith.constant 5 : i32
    %swap3A_172 = arith.index_cast %swap3A_171 : i32 to index
    %swap3A_173 = arith.constant 16 : index
    %swap3A_174 = tpu.vector_load %arg13[%swap3A_172, %swap3A_173] {strides = array<i32>} : memref<33x128xf32, #tpu.memory_space<vmem>>, vector<16xf32>,
    tpu.vector_store %arg13[%swap3A_172, %swap3A_173], %broadcast_in_dim3A_7 {strides = array<i32>} : memref<33x128xf32, #tpu.memory_space<vmem>>, vector<16xf32>,
    %swap3A_175 = arith.constant 5 : i32
    %swap3A_176 = arith.index_cast %swap3A_175 : i32 to index
    %swap3A_177 = arith.constant 32 : index
    %swap3A_178 = tpu.vector_load %arg13[%swap3A_176, %swap3A_177] {strides = array<i32>} : memref<33x128xf32, #tpu.memory_space<vmem>>, vector<16xf32>,
    tpu.vector_store %arg13[%swap3A_176, %swap3A_177], %broadcast_in_dim3A_7 {strides = array<i32>} : memref<33x128xf32, #tpu.memory_space<vmem>>, vector<16xf32>,
    %swap3A_179 = arith.constant 5 : i32
    %swap3A_180 = arith.index_cast %swap3A_179 : i32 to index
    %swap3A_181 = arith.constant 48 : index
    %swap3A_182 = tpu.vector_load %arg13[%swap3A_180, %swap3A_181] {strides = array<i32>} : memref<33x128xf32, #tpu.memory_space<vmem>>, vector<16xf32>,
    tpu.vector_store %arg13[%swap3A_180, %swap3A_181], %broadcast_in_dim3A_7 {strides = array<i32>} : memref<33x128xf32, #tpu.memory_space<vmem>>, vector<16xf32>,
    %swap3A_183 = arith.constant 5 : i32
    %swap3A_184 = arith.index_cast %swap3A_183 : i32 to index
    %swap3A_185 = arith.constant 64 : index
    %swap3A_186 = tpu.vector_load %arg13[%swap3A_184, %swap3A_185] {strides = array<i32>} : memref<33x128xf32, #tpu.memory_space<vmem>>, vector<16xf32>,
    tpu.vector_store %arg13[%swap3A_184, %swap3A_185], %broadcast_in_dim3A_7 {strides = array<i32>} : memref<33x128xf32, #tpu.memory_space<vmem>>, vector<16xf32>,
    %swap3A_187 = arith.constant 5 : i32
    %swap3A_188 = arith.index_cast %swap3A_187 : i32 to index
    %swap3A_189 = arith.constant 80 : index
    %swap3A_190 = tpu.vector_load %arg13[%swap3A_188, %swap3A_189] {strides = array<i32>} : memref<33x128xf32, #tpu.memory_space<vmem>>, vector<16xf32>,
    tpu.vector_store %arg13[%swap3A_188, %swap3A_189], %broadcast_in_dim3A_7 {strides = array<i32>} : memref<33x128xf32, #tpu.memory_space<vmem>>, vector<16xf32>,
    %swap3A_191 = arith.constant 5 : i32
    %swap3A_192 = arith.index_cast %swap3A_191 : i32 to index
    %swap3A_193 = arith.constant 96 : index
    %swap3A_194 = tpu.vector_load %arg13[%swap3A_192, %swap3A_193] {strides = array<i32>} : memref<33x128xf32, #tpu.memory_space<vmem>>, vector<16xf32>,
    tpu.vector_store %arg13[%swap3A_192, %swap3A_193], %broadcast_in_dim3A_7 {strides = array<i32>} : memref<33x128xf32, #tpu.memory_space<vmem>>, vector<16xf32>,
    %swap3A_195 = arith.constant 5 : i32
    %swap3A_196 = arith.index_cast %swap3A_195 : i32 to index
    %swap3A_197 = arith.constant 112 : index
    %swap3A_198 = tpu.vector_load %arg13[%swap3A_196, %swap3A_197] {strides = array<i32>} : memref<33x128xf32, #tpu.memory_space<vmem>>, vector<16xf32>,
    tpu.vector_store %arg13[%swap3A_196, %swap3A_197], %broadcast_in_dim3A_7 {strides = array<i32>} : memref<33x128xf32, #tpu.memory_space<vmem>>, vector<16xf32>,
    %swap3A_199 = arith.constant 6 : i32
    %swap3A_200 = arith.index_cast %swap3A_199 : i32 to index
    %swap3A_201 = arith.constant 0 : index
    %swap3A_202 = tpu.vector_load %arg13[%swap3A_200, %swap3A_201] {strides = array<i32>} : memref<33x128xf32, #tpu.memory_space<vmem>>, vector<16xf32>,
    tpu.vector_store %arg13[%swap3A_200, %swap3A_201], %broadcast_in_dim3A_7 {strides = array<i32>} : memref<33x128xf32, #tpu.memory_space<vmem>>, vector<16xf32>,
    %swap3A_203 = arith.constant 6 : i32
    %swap3A_204 = arith.index_cast %swap3A_203 : i32 to index
    %swap3A_205 = arith.constant 16 : index
    %swap3A_206 = tpu.vector_load %arg13[%swap3A_204, %swap3A_205] {strides = array<i32>} : memref<33x128xf32, #tpu.memory_space<vmem>>, vector<16xf32>,
    tpu.vector_store %arg13[%swap3A_204, %swap3A_205], %broadcast_in_dim3A_7 {strides = array<i32>} : memref<33x128xf32, #tpu.memory_space<vmem>>, vector<16xf32>,
    %swap3A_207 = arith.constant 6 : i32
    %swap3A_208 = arith.index_cast %swap3A_207 : i32 to index
    %swap3A_209 = arith.constant 32 : index
    %swap3A_210 = tpu.vector_load %arg13[%swap3A_208, %swap3A_209] {strides = array<i32>} : memref<33x128xf32, #tpu.memory_space<vmem>>, vector<16xf32>,
    tpu.vector_store %arg13[%swap3A_208, %swap3A_209], %broadcast_in_dim3A_7 {strides = array<i32>} : memref<33x128xf32, #tpu.memory_space<vmem>>, vector<16xf32>,
    %swap3A_211 = arith.constant 6 : i32
    %swap3A_212 = arith.index_cast %swap3A_211 : i32 to index
    %swap3A_213 = arith.constant 48 : index
    %swap3A_214 = tpu.vector_load %arg13[%swap3A_212, %swap3A_213] {strides = array<i32>} : memref<33x128xf32, #tpu.memory_space<vmem>>, vector<16xf32>,
    tpu.vector_store %arg13[%swap3A_212, %swap3A_213], %broadcast_in_dim3A_7 {strides = array<i32>} : memref<33x128xf32, #tpu.memory_space<vmem>>, vector<16xf32>,
    %swap3A_215 = arith.constant 6 : i32
    %swap3A_216 = arith.index_cast %swap3A_215 : i32 to index
    %swap3A_217 = arith.constant 64 : index
    %swap3A_218 = tpu.vector_load %arg13[%swap3A_216, %swap3A_217] {strides = array<i32>} : memref<33x128xf32, #tpu.memory_space<vmem>>, vector<16xf32>,
    tpu.vector_store %arg13[%swap3A_216, %swap3A_217], %broadcast_in_dim3A_7 {strides = array<i32>} : memref<33x128xf32, #tpu.memory_space<vmem>>, vector<16xf32>,
    %swap3A_219 = arith.constant 6 : i32
    %swap3A_220 = arith.index_cast %swap3A_219 : i32 to index
    %swap3A_221 = arith.constant 80 : index
    %swap3A_222 = tpu.vector_load %arg13[%swap3A_220, %swap3A_221] {strides = array<i32>} : memref<33x128xf32, #tpu.memory_space<vmem>>, vector<16xf32>,
    tpu.vector_store %arg13[%swap3A_220, %swap3A_221], %broadcast_in_dim3A_7 {strides = array<i32>} : memref<33x128xf32, #tpu.memory_space<vmem>>, vector<16xf32>,
    %swap3A_223 = arith.constant 6 : i32
    %swap3A_224 = arith.index_cast %swap3A_223 : i32 to index
    %swap3A_225 = arith.constant 96 : index
    %swap3A_226 = tpu.vector_load %arg13[%swap3A_224, %swap3A_225] {strides = array<i32>} : memref<33x128xf32, #tpu.memory_space<vmem>>, vector<16xf32>,
    tpu.vector_store %arg13[%swap3A_224, %swap3A_225], %broadcast_in_dim3A_7 {strides = array<i32>} : memref<33x128xf32, #tpu.memory_space<vmem>>, vector<16xf32>,
    %swap3A_227 = arith.constant 6 : i32
    %swap3A_228 = arith.index_cast %swap3A_227 : i32 to index
    %swap3A_229 = arith.constant 112 : index
    %swap3A_230 = tpu.vector_load %arg13[%swap3A_228, %swap3A_229] {strides = array<i32>} : memref<33x128xf32, #tpu.memory_space<vmem>>, vector<16xf32>,
    tpu.vector_store %arg13[%swap3A_228, %swap3A_229], %broadcast_in_dim3A_7 {strides = array<i32>} : memref<33x128xf32, #tpu.memory_space<vmem>>, vector<16xf32>,
    %swap3A_231 = arith.constant 7 : i32
    %swap3A_232 = arith.index_cast %swap3A_231 : i32 to index
    %swap3A_233 = arith.constant 0 : index
    %swap3A_234 = tpu.vector_load %arg13[%swap3A_232, %swap3A_233] {strides = array<i32>} : memref<33x128xf32, #tpu.memory_space<vmem>>, vector<16xf32>,
    tpu.vector_store %arg13[%swap3A_232, %swap3A_233], %broadcast_in_dim3A_7 {strides = array<i32>} : memref<33x128xf32, #tpu.memory_space<vmem>>, vector<16xf32>,
    %swap3A_235 = arith.constant 7 : i32
    %swap3A_236 = arith.index_cast %swap3A_235 : i32 to index
    %swap3A_237 = arith.constant 16 : index
    %swap3A_238 = tpu.vector_load %arg13[%swap3A_236, %swap3A_237] {strides = array<i32>} : memref<33x128xf32, #tpu.memory_space<vmem>>, vector<16xf32>,
    tpu.vector_store %arg13[%swap3A_236, %swap3A_237], %broadcast_in_dim3A_7 {strides = array<i32>} : memref<33x128xf32, #tpu.memory_space<vmem>>, vector<16xf32>,
    %swap3A_239 = arith.constant 7 : i32
    %swap3A_240 = arith.index_cast %swap3A_239 : i32 to index
    %swap3A_241 = arith.constant 32 : index
    %swap3A_242 = tpu.vector_load %arg13[%swap3A_240, %swap3A_241] {strides = array<i32>} : memref<33x128xf32, #tpu.memory_space<vmem>>, vector<16xf32>,
    tpu.vector_store %arg13[%swap3A_240, %swap3A_241], %broadcast_in_dim3A_7 {strides = array<i32>} : memref<33x128xf32, #tpu.memory_space<vmem>>, vector<16xf32>,
    %swap3A_243 = arith.constant 7 : i32
    %swap3A_244 = arith.index_cast %swap3A_243 : i32 to index
    %swap3A_245 = arith.constant 48 : index
    %swap3A_246 = tpu.vector_load %arg13[%swap3A_244, %swap3A_245] {strides = array<i32>} : memref<33x128xf32, #tpu.memory_space<vmem>>, vector<16xf32>,
    tpu.vector_store %arg13[%swap3A_244, %swap3A_245], %broadcast_in_dim3A_7 {strides = array<i32>} : memref<33x128xf32, #tpu.memory_space<vmem>>, vector<16xf32>,
    %swap3A_247 = arith.constant 7 : i32
    %swap3A_248 = arith.index_cast %swap3A_247 : i32 to index
    %swap3A_249 = arith.constant 64 : index
    %swap3A_250 = tpu.vector_load %arg13[%swap3A_248, %swap3A_249] {strides = array<i32>} : memref<33x128xf32, #tpu.memory_space<vmem>>, vector<16xf32>,
    tpu.vector_store %arg13[%swap3A_248, %swap3A_249], %broadcast_in_dim3A_7 {strides = array<i32>} : memref<33x128xf32, #tpu.memory_space<vmem>>, vector<16xf32>,
    %swap3A_251 = arith.constant 7 : i32
    %swap3A_252 = arith.index_cast %swap3A_251 : i32 to index
    %swap3A_253 = arith.constant 80 : index
    %swap3A_254 = tpu.vector_load %arg13[%swap3A_252, %swap3A_253] {strides = array<i32>} : memref<33x128xf32, #tpu.memory_space<vmem>>, vector<16xf32>,
    tpu.vector_store %arg13[%swap3A_252, %swap3A_253], %broadcast_in_dim3A_7 {strides = array<i32>} : memref<33x128xf32, #tpu.memory_space<vmem>>, vector<16xf32>,
    %swap3A_255 = arith.constant 7 : i32
    %swap3A_256 = arith.index_cast %swap3A_255 : i32 to index
    %swap3A_257 = arith.constant 96 : index
    %swap3A_258 = tpu.vector_load %arg13[%swap3A_256, %swap3A_257] {strides = array<i32>} : memref<33x128xf32, #tpu.memory_space<vmem>>, vector<16xf32>,
    tpu.vector_store %arg13[%swap3A_256, %swap3A_257], %broadcast_in_dim3A_7 {strides = array<i32>} : memref<33x128xf32, #tpu.memory_space<vmem>>, vector<16xf32>,
    %swap3A_259 = arith.constant 7 : i32
    %swap3A_260 = arith.index_cast %swap3A_259 : i32 to index
    %swap3A_261 = arith.constant 112 : index
    %swap3A_262 = tpu.vector_load %arg13[%swap3A_260, %swap3A_261] {strides = array<i32>} : memref<33x128xf32, #tpu.memory_space<vmem>>, vector<16xf32>,
    tpu.vector_store %arg13[%swap3A_260, %swap3A_261], %broadcast_in_dim3A_7 {strides = array<i32>} : memref<33x128xf32, #tpu.memory_space<vmem>>, vector<16xf32>,
    %swap3A_263 = arith.constant 8 : i32
    %swap3A_264 = arith.index_cast %swap3A_263 : i32 to index
    %swap3A_265 = arith.constant 0 : index
    %swap3A_266 = tpu.vector_load %arg13[%swap3A_264, %swap3A_265] {strides = array<i32>} : memref<33x128xf32, #tpu.memory_space<vmem>>, vector<16xf32>,
    tpu.vector_store %arg13[%swap3A_264, %swap3A_265], %broadcast_in_dim3A_7 {strides = array<i32>} : memref<33x128xf32, #tpu.memory_space<vmem>>, vector<16xf32>,
    %swap3A_267 = arith.constant 8 : i32
    %swap3A_268 = arith.index_cast %swap3A_267 : i32 to index
    %swap3A_269 = arith.constant 16 : index
    %swap3A_270 = tpu.vector_load %arg13[%swap3A_268, %swap3A_269] {strides = array<i32>} : memref<33x128xf32, #tpu.memory_space<vmem>>, vector<16xf32>,
    tpu.vector_store %arg13[%swap3A_268, %swap3A_269], %broadcast_in_dim3A_7 {strides = array<i32>} : memref<33x128xf32, #tpu.memory_space<vmem>>, vector<16xf32>,
    %swap3A_271 = arith.constant 8 : i32
    %swap3A_272 = arith.index_cast %swap3A_271 : i32 to index
    %swap3A_273 = arith.constant 32 : index
    %swap3A_274 = tpu.vector_load %arg13[%swap3A_272, %swap3A_273] {strides = array<i32>} : memref<33x128xf32, #tpu.memory_space<vmem>>, vector<16xf32>,
    tpu.vector_store %arg13[%swap3A_272, %swap3A_273], %broadcast_in_dim3A_7 {strides = array<i32>} : memref<33x128xf32, #tpu.memory_space<vmem>>, vector<16xf32>,
    %swap3A_275 = arith.constant 8 : i32
    %swap3A_276 = arith.index_cast %swap3A_275 : i32 to index
    %swap3A_277 = arith.constant 48 : index
    %swap3A_278 = tpu.vector_load %arg13[%swap3A_276, %swap3A_277] {strides = array<i32>} : memref<33x128xf32, #tpu.memory_space<vmem>>, vector<16xf32>,
    tpu.vector_store %arg13[%swap3A_276, %swap3A_277], %broadcast_in_dim3A_7 {strides = array<i32>} : memref<33x128xf32, #tpu.memory_space<vmem>>, vector<16xf32>,
    %swap3A_279 = arith.constant 8 : i32
    %swap3A_280 = arith.index_cast %swap3A_279 : i32 to index
    %swap3A_281 = arith.constant 64 : index
    %swap3A_282 = tpu.vector_load %arg13[%swap3A_280, %swap3A_281] {strides = array<i32>} : memref<33x128xf32, #tpu.memory_space<vmem>>, vector<16xf32>,
    tpu.vector_store %arg13[%swap3A_280, %swap3A_281], %broadcast_in_dim3A_7 {strides = array<i32>} : memref<33x128xf32, #tpu.memory_space<vmem>>, vector<16xf32>,
    %swap3A_283 = arith.constant 8 : i32
    %swap3A_284 = arith.index_cast %swap3A_283 : i32 to index
    %swap3A_285 = arith.constant 80 : index
    %swap3A_286 = tpu.vector_load %arg13[%swap3A_284, %swap3A_285] {strides = array<i32>} : memref<33x128xf32, #tpu.memory_space<vmem>>, vector<16xf32>,
    tpu.vector_store %arg13[%swap3A_284, %swap3A_285], %broadcast_in_dim3A_7 {strides = array<i32>} : memref<33x128xf32, #tpu.memory_space<vmem>>, vector<16xf32>,
    %swap3A_287 = arith.constant 8 : i32
    %swap3A_288 = arith.index_cast %swap3A_287 : i32 to index
    %swap3A_289 = arith.constant 96 : index
    %swap3A_290 = tpu.vector_load %arg13[%swap3A_288, %swap3A_289] {strides = array<i32>} : memref<33x128xf32, #tpu.memory_space<vmem>>, vector<16xf32>,
    tpu.vector_store %arg13[%swap3A_288, %swap3A_289], %broadcast_in_dim3A_7 {strides = array<i32>} : memref<33x128xf32, #tpu.memory_space<vmem>>, vector<16xf32>,
    %swap3A_291 = arith.constant 8 : i32
    %swap3A_292 = arith.index_cast %swap3A_291 : i32 to index
    %swap3A_293 = arith.constant 112 : index
    %swap3A_294 = tpu.vector_load %arg13[%swap3A_292, %swap3A_293] {strides = array<i32>} : memref<33x128xf32, #tpu.memory_space<vmem>>, vector<16xf32>,
    tpu.vector_store %arg13[%swap3A_292, %swap3A_293], %broadcast_in_dim3A_7 {strides = array<i32>} : memref<33x128xf32, #tpu.memory_space<vmem>>, vector<16xf32>,
    %swap3A_295 = arith.constant 9 : i32
    %swap3A_296 = arith.index_cast %swap3A_295 : i32 to index
    %swap3A_297 = arith.constant 0 : index
    %swap3A_298 = tpu.vector_load %arg13[%swap3A_296, %swap3A_297] {strides = array<i32>} : memref<33x128xf32, #tpu.memory_space<vmem>>, vector<16xf32>,
    tpu.vector_store %arg13[%swap3A_296, %swap3A_297], %broadcast_in_dim3A_7 {strides = array<i32>} : memref<33x128xf32, #tpu.memory_space<vmem>>, vector<16xf32>,
    %swap3A_299 = arith.constant 9 : i32
    %swap3A_300 = arith.index_cast %swap3A_299 : i32 to index
    %swap3A_301 = arith.constant 16 : index
    %swap3A_302 = tpu.vector_load %arg13[%swap3A_300, %swap3A_301] {strides = array<i32>} : memref<33x128xf32, #tpu.memory_space<vmem>>, vector<16xf32>,
    tpu.vector_store %arg13[%swap3A_300, %swap3A_301], %broadcast_in_dim3A_7 {strides = array<i32>} : memref<33x128xf32, #tpu.memory_space<vmem>>, vector<16xf32>,
    %swap3A_303 = arith.constant 9 : i32
    %swap3A_304 = arith.index_cast %swap3A_303 : i32 to index
    %swap3A_305 = arith.constant 32 : index
    %swap3A_306 = tpu.vector_load %arg13[%swap3A_304, %swap3A_305] {strides = array<i32>} : memref<33x128xf32, #tpu.memory_space<vmem>>, vector<16xf32>,
    tpu.vector_store %arg13[%swap3A_304, %swap3A_305], %broadcast_in_dim3A_7 {strides = array<i32>} : memref<33x128xf32, #tpu.memory_space<vmem>>, vector<16xf32>,
    %swap3A_307 = arith.constant 9 : i32
    %swap3A_308 = arith.index_cast %swap3A_307 : i32 to index
    %swap3A_309 = arith.constant 48 : index
    %swap3A_310 = tpu.vector_load %arg13[%swap3A_308, %swap3A_309] {strides = array<i32>} : memref<33x128xf32, #tpu.memory_space<vmem>>, vector<16xf32>,
    tpu.vector_store %arg13[%swap3A_308, %swap3A_309], %broadcast_in_dim3A_7 {strides = array<i32>} : memref<33x128xf32, #tpu.memory_space<vmem>>, vector<16xf32>,
    %swap3A_311 = arith.constant 9 : i32
    %swap3A_312 = arith.index_cast %swap3A_311 : i32 to index
    %swap3A_313 = arith.constant 64 : index
    %swap3A_314 = tpu.vector_load %arg13[%swap3A_312, %swap3A_313] {strides = array<i32>} : memref<33x128xf32, #tpu.memory_space<vmem>>, vector<16xf32>,
    tpu.vector_store %arg13[%swap3A_312, %swap3A_313], %broadcast_in_dim3A_7 {strides = array<i32>} : memref<33x128xf32, #tpu.memory_space<vmem>>, vector<16xf32>,
    %swap3A_315 = arith.constant 9 : i32
    %swap3A_316 = arith.index_cast %swap3A_315 : i32 to index
    %swap3A_317 = arith.constant 80 : index
    %swap3A_318 = tpu.vector_load %arg13[%swap3A_316, %swap3A_317] {strides = array<i32>} : memref<33x128xf32, #tpu.memory_space<vmem>>, vector<16xf32>,
    tpu.vector_store %arg13[%swap3A_316, %swap3A_317], %broadcast_in_dim3A_7 {strides = array<i32>} : memref<33x128xf32, #tpu.memory_space<vmem>>, vector<16xf32>,
    %swap3A_319 = arith.constant 9 : i32
    %swap3A_320 = arith.index_cast %swap3A_319 : i32 to index
    %swap3A_321 = arith.constant 96 : index
    %swap3A_322 = tpu.vector_load %arg13[%swap3A_320, %swap3A_321] {strides = array<i32>} : memref<33x128xf32, #tpu.memory_space<vmem>>, vector<16xf32>,
    tpu.vector_store %arg13[%swap3A_320, %swap3A_321], %broadcast_in_dim3A_7 {strides = array<i32>} : memref<33x128xf32, #tpu.memory_space<vmem>>, vector<16xf32>,
    %swap3A_323 = arith.constant 9 : i32
    %swap3A_324 = arith.index_cast %swap3A_323 : i32 to index
    %swap3A_325 = arith.constant 112 : index
    %swap3A_326 = tpu.vector_load %arg13[%swap3A_324, %swap3A_325] {strides = array<i32>} : memref<33x128xf32, #tpu.memory_space<vmem>>, vector<16xf32>,
    tpu.vector_store %arg13[%swap3A_324, %swap3A_325], %broadcast_in_dim3A_7 {strides = array<i32>} : memref<33x128xf32, #tpu.memory_space<vmem>>, vector<16xf32>,
    %swap3A_327 = arith.constant 10 : i32
    %swap3A_328 = arith.index_cast %swap3A_327 : i32 to index
    %swap3A_329 = arith.constant 0 : index
    %swap3A_330 = tpu.vector_load %arg13[%swap3A_328, %swap3A_329] {strides = array<i32>} : memref<33x128xf32, #tpu.memory_space<vmem>>, vector<16xf32>,
    tpu.vector_store %arg13[%swap3A_328, %swap3A_329], %broadcast_in_dim3A_7 {strides = array<i32>} : memref<33x128xf32, #tpu.memory_space<vmem>>, vector<16xf32>,
    %swap3A_331 = arith.constant 10 : i32
    %swap3A_332 = arith.index_cast %swap3A_331 : i32 to index
    %swap3A_333 = arith.constant 16 : index
    %swap3A_334 = tpu.vector_load %arg13[%swap3A_332, %swap3A_333] {strides = array<i32>} : memref<33x128xf32, #tpu.memory_space<vmem>>, vector<16xf32>,
    tpu.vector_store %arg13[%swap3A_332, %swap3A_333], %broadcast_in_dim3A_7 {strides = array<i32>} : memref<33x128xf32, #tpu.memory_space<vmem>>, vector<16xf32>,
    %swap3A_335 = arith.constant 10 : i32
    %swap3A_336 = arith.index_cast %swap3A_335 : i32 to index
    %swap3A_337 = arith.constant 32 : index
    %swap3A_338 = tpu.vector_load %arg13[%swap3A_336, %swap3A_337] {strides = array<i32>} : memref<33x128xf32, #tpu.memory_space<vmem>>, vector<16xf32>,
    tpu.vector_store %arg13[%swap3A_336, %swap3A_337], %broadcast_in_dim3A_7 {strides = array<i32>} : memref<33x128xf32, #tpu.memory_space<vmem>>, vector<16xf32>,
    %swap3A_339 = arith.constant 10 : i32
    %swap3A_340 = arith.index_cast %swap3A_339 : i32 to index
    %swap3A_341 = arith.constant 48 : index
    %swap3A_342 = tpu.vector_load %arg13[%swap3A_340, %swap3A_341] {strides = array<i32>} : memref<33x128xf32, #tpu.memory_space<vmem>>, vector<16xf32>,
    tpu.vector_store %arg13[%swap3A_340, %swap3A_341], %broadcast_in_dim3A_7 {strides = array<i32>} : memref<33x128xf32, #tpu.memory_space<vmem>>, vector<16xf32>,
    %swap3A_343 = arith.constant 10 : i32
    %swap3A_344 = arith.index_cast %swap3A_343 : i32 to index
    %swap3A_345 = arith.constant 64 : index
    %swap3A_346 = tpu.vector_load %arg13[%swap3A_344, %swap3A_345] {strides = array<i32>} : memref<33x128xf32, #tpu.memory_space<vmem>>, vector<16xf32>,
    tpu.vector_store %arg13[%swap3A_344, %swap3A_345], %broadcast_in_dim3A_7 {strides = array<i32>} : memref<33x128xf32, #tpu.memory_space<vmem>>, vector<16xf32>,
    %swap3A_347 = arith.constant 10 : i32
    %swap3A_348 = arith.index_cast %swap3A_347 : i32 to index
    %swap3A_349 = arith.constant 80 : index
    %swap3A_350 = tpu.vector_load %arg13[%swap3A_348, %swap3A_349] {strides = array<i32>} : memref<33x128xf32, #tpu.memory_space<vmem>>, vector<16xf32>,
    tpu.vector_store %arg13[%swap3A_348, %swap3A_349], %broadcast_in_dim3A_7 {strides = array<i32>} : memref<33x128xf32, #tpu.memory_space<vmem>>, vector<16xf32>,
    %swap3A_351 = arith.constant 10 : i32
    %swap3A_352 = arith.index_cast %swap3A_351 : i32 to index
    %swap3A_353 = arith.constant 96 : index
    %swap3A_354 = tpu.vector_load %arg13[%swap3A_352, %swap3A_353] {strides = array<i32>} : memref<33x128xf32, #tpu.memory_space<vmem>>, vector<16xf32>,
    tpu.vector_store %arg13[%swap3A_352, %swap3A_353], %broadcast_in_dim3A_7 {strides = array<i32>} : memref<33x128xf32, #tpu.memory_space<vmem>>, vector<16xf32>,
    %swap3A_355 = arith.constant 10 : i32
    %swap3A_356 = arith.index_cast %swap3A_355 : i32 to index
    %swap3A_357 = arith.constant 112 : index
    %swap3A_358 = tpu.vector_load %arg13[%swap3A_356, %swap3A_357] {strides = array<i32>} : memref<33x128xf32, #tpu.memory_space<vmem>>, vector<16xf32>,
    tpu.vector_store %arg13[%swap3A_356, %swap3A_357], %broadcast_in_dim3A_7 {strides = array<i32>} : memref<33x128xf32, #tpu.memory_space<vmem>>, vector<16xf32>,
    %swap3A_359 = arith.constant 11 : i32
    %swap3A_360 = arith.index_cast %swap3A_359 : i32 to index
    %swap3A_361 = arith.constant 0 : index
    %swap3A_362 = tpu.vector_load %arg13[%swap3A_360, %swap3A_361] {strides = array<i32>} : memref<33x128xf32, #tpu.memory_space<vmem>>, vector<16xf32>,
    tpu.vector_store %arg13[%swap3A_360, %swap3A_361], %broadcast_in_dim3A_7 {strides = array<i32>} : memref<33x128xf32, #tpu.memory_space<vmem>>, vector<16xf32>,
    %swap3A_363 = arith.constant 11 : i32
    %swap3A_364 = arith.index_cast %swap3A_363 : i32 to index
    %swap3A_365 = arith.constant 16 : index
    %swap3A_366 = tpu.vector_load %arg13[%swap3A_364, %swap3A_365] {strides = array<i32>} : memref<33x128xf32, #tpu.memory_space<vmem>>, vector<16xf32>,
    tpu.vector_store %arg13[%swap3A_364, %swap3A_365], %broadcast_in_dim3A_7 {strides = array<i32>} : memref<33x128xf32, #tpu.memory_space<vmem>>, vector<16xf32>,
    %swap3A_367 = arith.constant 11 : i32
    %swap3A_368 = arith.index_cast %swap3A_367 : i32 to index
    %swap3A_369 = arith.constant 32 : index
    %swap3A_370 = tpu.vector_load %arg13[%swap3A_368, %swap3A_369] {strides = array<i32>} : memref<33x128xf32, #tpu.memory_space<vmem>>, vector<16xf32>,
    tpu.vector_store %arg13[%swap3A_368, %swap3A_369], %broadcast_in_dim3A_7 {strides = array<i32>} : memref<33x128xf32, #tpu.memory_space<vmem>>, vector<16xf32>,
    %swap3A_371 = arith.constant 11 : i32
    %swap3A_372 = arith.index_cast %swap3A_371 : i32 to index
    %swap3A_373 = arith.constant 48 : index
    %swap3A_374 = tpu.vector_load %arg13[%swap3A_372, %swap3A_373] {strides = array<i32>} : memref<33x128xf32, #tpu.memory_space<vmem>>, vector<16xf32>,
    tpu.vector_store %arg13[%swap3A_372, %swap3A_373], %broadcast_in_dim3A_7 {strides = array<i32>} : memref<33x128xf32, #tpu.memory_space<vmem>>, vector<16xf32>,
    %swap3A_375 = arith.constant 11 : i32
    %swap3A_376 = arith.index_cast %swap3A_375 : i32 to index
    %swap3A_377 = arith.constant 64 : index
    %swap3A_378 = tpu.vector_load %arg13[%swap3A_376, %swap3A_377] {strides = array<i32>} : memref<33x128xf32, #tpu.memory_space<vmem>>, vector<16xf32>,
    tpu.vector_store %arg13[%swap3A_376, %swap3A_377], %broadcast_in_dim3A_7 {strides = array<i32>} : memref<33x128xf32, #tpu.memory_space<vmem>>, vector<16xf32>,
    %swap3A_379 = arith.constant 11 : i32
    %swap3A_380 = arith.index_cast %swap3A_379 : i32 to index
    %swap3A_381 = arith.constant 80 : index
    %swap3A_382 = tpu.vector_load %arg13[%swap3A_380, %swap3A_381] {strides = array<i32>} : memref<33x128xf32, #tpu.memory_space<vmem>>, vector<16xf32>,
    tpu.vector_store %arg13[%swap3A_380, %swap3A_381], %broadcast_in_dim3A_7 {strides = array<i32>} : memref<33x128xf32, #tpu.memory_space<vmem>>, vector<16xf32>,
    %swap3A_383 = arith.constant 11 : i32
    %swap3A_384 = arith.index_cast %swap3A_383 : i32 to index
    %swap3A_385 = arith.constant 96 : index
    %swap3A_386 = tpu.vector_load %arg13[%swap3A_384, %swap3A_385] {strides = array<i32>} : memref<33x128xf32, #tpu.memory_space<vmem>>, vector<16xf32>,
    tpu.vector_store %arg13[%swap3A_384, %swap3A_385], %broadcast_in_dim3A_7 {strides = array<i32>} : memref<33x128xf32, #tpu.memory_space<vmem>>, vector<16xf32>,
    %swap3A_387 = arith.constant 11 : i32
    %swap3A_388 = arith.index_cast %swap3A_387 : i32 to index
    %swap3A_389 = arith.constant 112 : index
    %swap3A_390 = tpu.vector_load %arg13[%swap3A_388, %swap3A_389] {strides = array<i32>} : memref<33x128xf32, #tpu.memory_space<vmem>>, vector<16xf32>,
    tpu.vector_store %arg13[%swap3A_388, %swap3A_389], %broadcast_in_dim3A_7 {strides = array<i32>} : memref<33x128xf32, #tpu.memory_space<vmem>>, vector<16xf32>,
    %swap3A_391 = arith.constant 12 : i32
    %swap3A_392 = arith.index_cast %swap3A_391 : i32 to index
    %swap3A_393 = arith.constant 0 : index
    %swap3A_394 = tpu.vector_load %arg13[%swap3A_392, %swap3A_393] {strides = array<i32>} : memref<33x128xf32, #tpu.memory_space<vmem>>, vector<16xf32>,
    tpu.vector_store %arg13[%swap3A_392, %swap3A_393], %broadcast_in_dim3A_7 {strides = array<i32>} : memref<33x128xf32, #tpu.memory_space<vmem>>, vector<16xf32>,
    %swap3A_395 = arith.constant 12 : i32
    %swap3A_396 = arith.index_cast %swap3A_395 : i32 to index
    %swap3A_397 = arith.constant 16 : index
    %swap3A_398 = tpu.vector_load %arg13[%swap3A_396, %swap3A_397] {strides = array<i32>} : memref<33x128xf32, #tpu.memory_space<vmem>>, vector<16xf32>,
    tpu.vector_store %arg13[%swap3A_396, %swap3A_397], %broadcast_in_dim3A_7 {strides = array<i32>} : memref<33x128xf32, #tpu.memory_space<vmem>>, vector<16xf32>,
    %swap3A_399 = arith.constant 12 : i32
    %swap3A_400 = arith.index_cast %swap3A_399 : i32 to index
    %swap3A_401 = arith.constant 32 : index
    %swap3A_402 = tpu.vector_load %arg13[%swap3A_400, %swap3A_401] {strides = array<i32>} : memref<33x128xf32, #tpu.memory_space<vmem>>, vector<16xf32>,
    tpu.vector_store %arg13[%swap3A_400, %swap3A_401], %broadcast_in_dim3A_7 {strides = array<i32>} : memref<33x128xf32, #tpu.memory_space<vmem>>, vector<16xf32>,
    %swap3A_403 = arith.constant 12 : i32
    %swap3A_404 = arith.index_cast %swap3A_403 : i32 to index
    %swap3A_405 = arith.constant 48 : index
    %swap3A_406 = tpu.vector_load %arg13[%swap3A_404, %swap3A_405] {strides = array<i32>} : memref<33x128xf32, #tpu.memory_space<vmem>>, vector<16xf32>,
    tpu.vector_store %arg13[%swap3A_404, %swap3A_405], %broadcast_in_dim3A_7 {strides = array<i32>} : memref<33x128xf32, #tpu.memory_space<vmem>>, vector<16xf32>,
    %swap3A_407 = arith.constant 12 : i32
    %swap3A_408 = arith.index_cast %swap3A_407 : i32 to index
    %swap3A_409 = arith.constant 64 : index
    %swap3A_410 = tpu.vector_load %arg13[%swap3A_408, %swap3A_409] {strides = array<i32>} : memref<33x128xf32, #tpu.memory_space<vmem>>, vector<16xf32>,
    tpu.vector_store %arg13[%swap3A_408, %swap3A_409], %broadcast_in_dim3A_7 {strides = array<i32>} : memref<33x128xf32, #tpu.memory_space<vmem>>, vector<16xf32>,
    %swap3A_411 = arith.constant 12 : i32
    %swap3A_412 = arith.index_cast %swap3A_411 : i32 to index
    %swap3A_413 = arith.constant 80 : index
    %swap3A_414 = tpu.vector_load %arg13[%swap3A_412, %swap3A_413] {strides = array<i32>} : memref<33x128xf32, #tpu.memory_space<vmem>>, vector<16xf32>,
    tpu.vector_store %arg13[%swap3A_412, %swap3A_413], %broadcast_in_dim3A_7 {strides = array<i32>} : memref<33x128xf32, #tpu.memory_space<vmem>>, vector<16xf32>,
    %swap3A_415 = arith.constant 12 : i32
    %swap3A_416 = arith.index_cast %swap3A_415 : i32 to index
    %swap3A_417 = arith.constant 96 : index
    %swap3A_418 = tpu.vector_load %arg13[%swap3A_416, %swap3A_417] {strides = array<i32>} : memref<33x128xf32, #tpu.memory_space<vmem>>, vector<16xf32>,
    tpu.vector_store %arg13[%swap3A_416, %swap3A_417], %broadcast_in_dim3A_7 {strides = array<i32>} : memref<33x128xf32, #tpu.memory_space<vmem>>, vector<16xf32>,
    %swap3A_419 = arith.constant 12 : i32
    %swap3A_420 = arith.index_cast %swap3A_419 : i32 to index
    %swap3A_421 = arith.constant 112 : index
    %swap3A_422 = tpu.vector_load %arg13[%swap3A_420, %swap3A_421] {strides = array<i32>} : memref<33x128xf32, #tpu.memory_space<vmem>>, vector<16xf32>,
    tpu.vector_store %arg13[%swap3A_420, %swap3A_421], %broadcast_in_dim3A_7 {strides = array<i32>} : memref<33x128xf32, #tpu.memory_space<vmem>>, vector<16xf32>,
    %swap3A_423 = arith.constant 13 : i32
    %swap3A_424 = arith.index_cast %swap3A_423 : i32 to index
    %swap3A_425 = arith.constant 0 : index
    %swap3A_426 = tpu.vector_load %arg13[%swap3A_424, %swap3A_425] {strides = array<i32>} : memref<33x128xf32, #tpu.memory_space<vmem>>, vector<16xf32>,
    tpu.vector_store %arg13[%swap3A_424, %swap3A_425], %broadcast_in_dim3A_7 {strides = array<i32>} : memref<33x128xf32, #tpu.memory_space<vmem>>, vector<16xf32>,
    %swap3A_427 = arith.constant 13 : i32
    %swap3A_428 = arith.index_cast %swap3A_427 : i32 to index
    %swap3A_429 = arith.constant 16 : index
    %swap3A_430 = tpu.vector_load %arg13[%swap3A_428, %swap3A_429] {strides = array<i32>} : memref<33x128xf32, #tpu.memory_space<vmem>>, vector<16xf32>,
    tpu.vector_store %arg13[%swap3A_428, %swap3A_429], %broadcast_in_dim3A_7 {strides = array<i32>} : memref<33x128xf32, #tpu.memory_space<vmem>>, vector<16xf32>,
    %swap3A_431 = arith.constant 13 : i32
    %swap3A_432 = arith.index_cast %swap3A_431 : i32 to index
    %swap3A_433 = arith.constant 32 : index
    %swap3A_434 = tpu.vector_load %arg13[%swap3A_432, %swap3A_433] {strides = array<i32>} : memref<33x128xf32, #tpu.memory_space<vmem>>, vector<16xf32>,
    tpu.vector_store %arg13[%swap3A_432, %swap3A_433], %broadcast_in_dim3A_7 {strides = array<i32>} : memref<33x128xf32, #tpu.memory_space<vmem>>, vector<16xf32>,
    %swap3A_435 = arith.constant 13 : i32
    %swap3A_436 = arith.index_cast %swap3A_435 : i32 to index
    %swap3A_437 = arith.constant 48 : index
    %swap3A_438 = tpu.vector_load %arg13[%swap3A_436, %swap3A_437] {strides = array<i32>} : memref<33x128xf32, #tpu.memory_space<vmem>>, vector<16xf32>,
    tpu.vector_store %arg13[%swap3A_436, %swap3A_437], %broadcast_in_dim3A_7 {strides = array<i32>} : memref<33x128xf32, #tpu.memory_space<vmem>>, vector<16xf32>,
    %swap3A_439 = arith.constant 13 : i32
    %swap3A_440 = arith.index_cast %swap3A_439 : i32 to index
    %swap3A_441 = arith.constant 64 : index
    %swap3A_442 = tpu.vector_load %arg13[%swap3A_440, %swap3A_441] {strides = array<i32>} : memref<33x128xf32, #tpu.memory_space<vmem>>, vector<16xf32>,
    tpu.vector_store %arg13[%swap3A_440, %swap3A_441], %broadcast_in_dim3A_7 {strides = array<i32>} : memref<33x128xf32, #tpu.memory_space<vmem>>, vector<16xf32>,
    %swap3A_443 = arith.constant 13 : i32
    %swap3A_444 = arith.index_cast %swap3A_443 : i32 to index
    %swap3A_445 = arith.constant 80 : index
    %swap3A_446 = tpu.vector_load %arg13[%swap3A_444, %swap3A_445] {strides = array<i32>} : memref<33x128xf32, #tpu.memory_space<vmem>>, vector<16xf32>,
    tpu.vector_store %arg13[%swap3A_444, %swap3A_445], %broadcast_in_dim3A_7 {strides = array<i32>} : memref<33x128xf32, #tpu.memory_space<vmem>>, vector<16xf32>,
    %swap3A_447 = arith.constant 13 : i32
    %swap3A_448 = arith.index_cast %swap3A_447 : i32 to index
    %swap3A_449 = arith.constant 96 : index
    %swap3A_450 = tpu.vector_load %arg13[%swap3A_448, %swap3A_449] {strides = array<i32>} : memref<33x128xf32, #tpu.memory_space<vmem>>, vector<16xf32>,
    tpu.vector_store %arg13[%swap3A_448, %swap3A_449], %broadcast_in_dim3A_7 {strides = array<i32>} : memref<33x128xf32, #tpu.memory_space<vmem>>, vector<16xf32>,
    %swap3A_451 = arith.constant 13 : i32
    %swap3A_452 = arith.index_cast %swap3A_451 : i32 to index
    %swap3A_453 = arith.constant 112 : index
    %swap3A_454 = tpu.vector_load %arg13[%swap3A_452, %swap3A_453] {strides = array<i32>} : memref<33x128xf32, #tpu.memory_space<vmem>>, vector<16xf32>,
    tpu.vector_store %arg13[%swap3A_452, %swap3A_453], %broadcast_in_dim3A_7 {strides = array<i32>} : memref<33x128xf32, #tpu.memory_space<vmem>>, vector<16xf32>,
    %swap3A_455 = arith.constant 14 : i32
    %swap3A_456 = arith.index_cast %swap3A_455 : i32 to index
    %swap3A_457 = arith.constant 0 : index
    %swap3A_458 = tpu.vector_load %arg13[%swap3A_456, %swap3A_457] {strides = array<i32>} : memref<33x128xf32, #tpu.memory_space<vmem>>, vector<16xf32>,
    tpu.vector_store %arg13[%swap3A_456, %swap3A_457], %broadcast_in_dim3A_7 {strides = array<i32>} : memref<33x128xf32, #tpu.memory_space<vmem>>, vector<16xf32>,
    %swap3A_459 = arith.constant 14 : i32
    %swap3A_460 = arith.index_cast %swap3A_459 : i32 to index
    %swap3A_461 = arith.constant 16 : index
    %swap3A_462 = tpu.vector_load %arg13[%swap3A_460, %swap3A_461] {strides = array<i32>} : memref<33x128xf32, #tpu.memory_space<vmem>>, vector<16xf32>,
    tpu.vector_store %arg13[%swap3A_460, %swap3A_461], %broadcast_in_dim3A_7 {strides = array<i32>} : memref<33x128xf32, #tpu.memory_space<vmem>>, vector<16xf32>,
    %swap3A_463 = arith.constant 14 : i32
    %swap3A_464 = arith.index_cast %swap3A_463 : i32 to index
    %swap3A_465 = arith.constant 32 : index
    %swap3A_466 = tpu.vector_load %arg13[%swap3A_464, %swap3A_465] {strides = array<i32>} : memref<33x128xf32, #tpu.memory_space<vmem>>, vector<16xf32>,
    tpu.vector_store %arg13[%swap3A_464, %swap3A_465], %broadcast_in_dim3A_7 {strides = array<i32>} : memref<33x128xf32, #tpu.memory_space<vmem>>, vector<16xf32>,
    %swap3A_467 = arith.constant 14 : i32
    %swap3A_468 = arith.index_cast %swap3A_467 : i32 to index
    %swap3A_469 = arith.constant 48 : index
    %swap3A_470 = tpu.vector_load %arg13[%swap3A_468, %swap3A_469] {strides = array<i32>} : memref<33x128xf32, #tpu.memory_space<vmem>>, vector<16xf32>,
    tpu.vector_store %arg13[%swap3A_468, %swap3A_469], %broadcast_in_dim3A_7 {strides = array<i32>} : memref<33x128xf32, #tpu.memory_space<vmem>>, vector<16xf32>,
    %swap3A_471 = arith.constant 14 : i32
    %swap3A_472 = arith.index_cast %swap3A_471 : i32 to index
    %swap3A_473 = arith.constant 64 : index
    %swap3A_474 = tpu.vector_load %arg13[%swap3A_472, %swap3A_473] {strides = array<i32>} : memref<33x128xf32, #tpu.memory_space<vmem>>, vector<16xf32>,
    tpu.vector_store %arg13[%swap3A_472, %swap3A_473], %broadcast_in_dim3A_7 {strides = array<i32>} : memref<33x128xf32, #tpu.memory_space<vmem>>, vector<16xf32>,
    %swap3A_475 = arith.constant 14 : i32
    %swap3A_476 = arith.index_cast %swap3A_475 : i32 to index
    %swap3A_477 = arith.constant 80 : index
    %swap3A_478 = tpu.vector_load %arg13[%swap3A_476, %swap3A_477] {strides = array<i32>} : memref<33x128xf32, #tpu.memory_space<vmem>>, vector<16xf32>,
    tpu.vector_store %arg13[%swap3A_476, %swap3A_477], %broadcast_in_dim3A_7 {strides = array<i32>} : memref<33x128xf32, #tpu.memory_space<vmem>>, vector<16xf32>,
    %swap3A_479 = arith.constant 14 : i32
    %swap3A_480 = arith.index_cast %swap3A_479 : i32 to index
    %swap3A_481 = arith.constant 96 : index
    %swap3A_482 = tpu.vector_load %arg13[%swap3A_480, %swap3A_481] {strides = array<i32>} : memref<33x128xf32, #tpu.memory_space<vmem>>, vector<16xf32>,
    tpu.vector_store %arg13[%swap3A_480, %swap3A_481], %broadcast_in_dim3A_7 {strides = array<i32>} : memref<33x128xf32, #tpu.memory_space<vmem>>, vector<16xf32>,
    %swap3A_483 = arith.constant 14 : i32
    %swap3A_484 = arith.index_cast %swap3A_483 : i32 to index
    %swap3A_485 = arith.constant 112 : index
    %swap3A_486 = tpu.vector_load %arg13[%swap3A_484, %swap3A_485] {strides = array<i32>} : memref<33x128xf32, #tpu.memory_space<vmem>>, vector<16xf32>,
    tpu.vector_store %arg13[%swap3A_484, %swap3A_485], %broadcast_in_dim3A_7 {strides = array<i32>} : memref<33x128xf32, #tpu.memory_space<vmem>>, vector<16xf32>,
    %swap3A_487 = arith.constant 15 : i32
    %swap3A_488 = arith.index_cast %swap3A_487 : i32 to index
    %swap3A_489 = arith.constant 0 : index
    %swap3A_490 = tpu.vector_load %arg13[%swap3A_488, %swap3A_489] {strides = array<i32>} : memref<33x128xf32, #tpu.memory_space<vmem>>, vector<16xf32>,
    tpu.vector_store %arg13[%swap3A_488, %swap3A_489], %broadcast_in_dim3A_7 {strides = array<i32>} : memref<33x128xf32, #tpu.memory_space<vmem>>, vector<16xf32>,
    %swap3A_491 = arith.constant 15 : i32
    %swap3A_492 = arith.index_cast %swap3A_491 : i32 to index
    %swap3A_493 = arith.constant 16 : index
    %swap3A_494 = tpu.vector_load %arg13[%swap3A_492, %swap3A_493] {strides = array<i32>} : memref<33x128xf32, #tpu.memory_space<vmem>>, vector<16xf32>,
    tpu.vector_store %arg13[%swap3A_492, %swap3A_493], %broadcast_in_dim3A_7 {strides = array<i32>} : memref<33x128xf32, #tpu.memory_space<vmem>>, vector<16xf32>,
    %swap3A_495 = arith.constant 15 : i32
    %swap3A_496 = arith.index_cast %swap3A_495 : i32 to index
    %swap3A_497 = arith.constant 32 : index
    %swap3A_498 = tpu.vector_load %arg13[%swap3A_496, %swap3A_497] {strides = array<i32>} : memref<33x128xf32, #tpu.memory_space<vmem>>, vector<16xf32>,
    tpu.vector_store %arg13[%swap3A_496, %swap3A_497], %broadcast_in_dim3A_7 {strides = array<i32>} : memref<33x128xf32, #tpu.memory_space<vmem>>, vector<16xf32>,
    %swap3A_499 = arith.constant 15 : i32
    %swap3A_500 = arith.index_cast %swap3A_499 : i32 to index
    %swap3A_501 = arith.constant 48 : index
    %swap3A_502 = tpu.vector_load %arg13[%swap3A_500, %swap3A_501] {strides = array<i32>} : memref<33x128xf32, #tpu.memory_space<vmem>>, vector<16xf32>,
    tpu.vector_store %arg13[%swap3A_500, %swap3A_501], %broadcast_in_dim3A_7 {strides = array<i32>} : memref<33x128xf32, #tpu.memory_space<vmem>>, vector<16xf32>,
    %swap3A_503 = arith.constant 15 : i32
    %swap3A_504 = arith.index_cast %swap3A_503 : i32 to index
    %swap3A_505 = arith.constant 64 : index
    %swap3A_506 = tpu.vector_load %arg13[%swap3A_504, %swap3A_505] {strides = array<i32>} : memref<33x128xf32, #tpu.memory_space<vmem>>, vector<16xf32>,
    tpu.vector_store %arg13[%swap3A_504, %swap3A_505], %broadcast_in_dim3A_7 {strides = array<i32>} : memref<33x128xf32, #tpu.memory_space<vmem>>, vector<16xf32>,
    %swap3A_507 = arith.constant 15 : i32
    %swap3A_508 = arith.index_cast %swap3A_507 : i32 to index
    %swap3A_509 = arith.constant 80 : index
    %swap3A_510 = tpu.vector_load %arg13[%swap3A_508, %swap3A_509] {strides = array<i32>} : memref<33x128xf32, #tpu.memory_space<vmem>>, vector<16xf32>,
    tpu.vector_store %arg13[%swap3A_508, %swap3A_509], %broadcast_in_dim3A_7 {strides = array<i32>} : memref<33x128xf32, #tpu.memory_space<vmem>>, vector<16xf32>,
    %swap3A_511 = arith.constant 15 : i32
    %swap3A_512 = arith.index_cast %swap3A_511 : i32 to index
    %swap3A_513 = arith.constant 96 : index
    %swap3A_514 = tpu.vector_load %arg13[%swap3A_512, %swap3A_513] {strides = array<i32>} : memref<33x128xf32, #tpu.memory_space<vmem>>, vector<16xf32>,
    tpu.vector_store %arg13[%swap3A_512, %swap3A_513], %broadcast_in_dim3A_7 {strides = array<i32>} : memref<33x128xf32, #tpu.memory_space<vmem>>, vector<16xf32>,
    %swap3A_515 = arith.constant 15 : i32
    %swap3A_516 = arith.index_cast %swap3A_515 : i32 to index
    %swap3A_517 = arith.constant 112 : index
    %swap3A_518 = tpu.vector_load %arg13[%swap3A_516, %swap3A_517] {strides = array<i32>} : memref<33x128xf32, #tpu.memory_space<vmem>>, vector<16xf32>,
    tpu.vector_store %arg13[%swap3A_516, %swap3A_517], %broadcast_in_dim3A_7 {strides = array<i32>} : memref<33x128xf32, #tpu.memory_space<vmem>>, vector<16xf32>,
    %swap3A_519 = arith.constant 16 : i32
    %swap3A_520 = arith.index_cast %swap3A_519 : i32 to index
    %swap3A_521 = arith.constant 0 : index
    %swap3A_522 = tpu.vector_load %arg13[%swap3A_520, %swap3A_521] {strides = array<i32>} : memref<33x128xf32, #tpu.memory_space<vmem>>, vector<16xf32>,
    tpu.vector_store %arg13[%swap3A_520, %swap3A_521], %broadcast_in_dim3A_7 {strides = array<i32>} : memref<33x128xf32, #tpu.memory_space<vmem>>, vector<16xf32>,
    %swap3A_523 = arith.constant 16 : i32
    %swap3A_524 = arith.index_cast %swap3A_523 : i32 to index
    %swap3A_525 = arith.constant 16 : index
    %swap3A_526 = tpu.vector_load %arg13[%swap3A_524, %swap3A_525] {strides = array<i32>} : memref<33x128xf32, #tpu.memory_space<vmem>>, vector<16xf32>,
    tpu.vector_store %arg13[%swap3A_524, %swap3A_525], %broadcast_in_dim3A_7 {strides = array<i32>} : memref<33x128xf32, #tpu.memory_space<vmem>>, vector<16xf32>,
    %swap3A_527 = arith.constant 16 : i32
    %swap3A_528 = arith.index_cast %swap3A_527 : i32 to index
    %swap3A_529 = arith.constant 32 : index
    %swap3A_530 = tpu.vector_load %arg13[%swap3A_528, %swap3A_529] {strides = array<i32>} : memref<33x128xf32, #tpu.memory_space<vmem>>, vector<16xf32>,
    tpu.vector_store %arg13[%swap3A_528, %swap3A_529], %broadcast_in_dim3A_7 {strides = array<i32>} : memref<33x128xf32, #tpu.memory_space<vmem>>, vector<16xf32>,
    %swap3A_531 = arith.constant 16 : i32
    %swap3A_532 = arith.index_cast %swap3A_531 : i32 to index
    %swap3A_533 = arith.constant 48 : index
    %swap3A_534 = tpu.vector_load %arg13[%swap3A_532, %swap3A_533] {strides = array<i32>} : memref<33x128xf32, #tpu.memory_space<vmem>>, vector<16xf32>,
    tpu.vector_store %arg13[%swap3A_532, %swap3A_533], %broadcast_in_dim3A_7 {strides = array<i32>} : memref<33x128xf32, #tpu.memory_space<vmem>>, vector<16xf32>,
    %swap3A_535 = arith.constant 16 : i32
    %swap3A_536 = arith.index_cast %swap3A_535 : i32 to index
    %swap3A_537 = arith.constant 64 : index
    %swap3A_538 = tpu.vector_load %arg13[%swap3A_536, %swap3A_537] {strides = array<i32>} : memref<33x128xf32, #tpu.memory_space<vmem>>, vector<16xf32>,
    tpu.vector_store %arg13[%swap3A_536, %swap3A_537], %broadcast_in_dim3A_7 {strides = array<i32>} : memref<33x128xf32, #tpu.memory_space<vmem>>, vector<16xf32>,
    %swap3A_539 = arith.constant 16 : i32
    %swap3A_540 = arith.index_cast %swap3A_539 : i32 to index
    %swap3A_541 = arith.constant 80 : index
    %swap3A_542 = tpu.vector_load %arg13[%swap3A_540, %swap3A_541] {strides = array<i32>} : memref<33x128xf32, #tpu.memory_space<vmem>>, vector<16xf32>,
    tpu.vector_store %arg13[%swap3A_540, %swap3A_541], %broadcast_in_dim3A_7 {strides = array<i32>} : memref<33x128xf32, #tpu.memory_space<vmem>>, vector<16xf32>,
    %swap3A_543 = arith.constant 16 : i32
    %swap3A_544 = arith.index_cast %swap3A_543 : i32 to index
    %swap3A_545 = arith.constant 96 : index
    %swap3A_546 = tpu.vector_load %arg13[%swap3A_544, %swap3A_545] {strides = array<i32>} : memref<33x128xf32, #tpu.memory_space<vmem>>, vector<16xf32>,
    tpu.vector_store %arg13[%swap3A_544, %swap3A_545], %broadcast_in_dim3A_7 {strides = array<i32>} : memref<33x128xf32, #tpu.memory_space<vmem>>, vector<16xf32>,
    %swap3A_547 = arith.constant 16 : i32
    %swap3A_548 = arith.index_cast %swap3A_547 : i32 to index
    %swap3A_549 = arith.constant 112 : index
    %swap3A_550 = tpu.vector_load %arg13[%swap3A_548, %swap3A_549] {strides = array<i32>} : memref<33x128xf32, #tpu.memory_space<vmem>>, vector<16xf32>,
    tpu.vector_store %arg13[%swap3A_548, %swap3A_549], %broadcast_in_dim3A_7 {strides = array<i32>} : memref<33x128xf32, #tpu.memory_space<vmem>>, vector<16xf32>,
    %swap3A_551 = arith.constant 17 : i32
    %swap3A_552 = arith.index_cast %swap3A_551 : i32 to index
    %swap3A_553 = arith.constant 0 : index
    %swap3A_554 = tpu.vector_load %arg13[%swap3A_552, %swap3A_553] {strides = array<i32>} : memref<33x128xf32, #tpu.memory_space<vmem>>, vector<16xf32>,
    tpu.vector_store %arg13[%swap3A_552, %swap3A_553], %broadcast_in_dim3A_7 {strides = array<i32>} : memref<33x128xf32, #tpu.memory_space<vmem>>, vector<16xf32>,
    %swap3A_555 = arith.constant 17 : i32
    %swap3A_556 = arith.index_cast %swap3A_555 : i32 to index
    %swap3A_557 = arith.constant 16 : index
    %swap3A_558 = tpu.vector_load %arg13[%swap3A_556, %swap3A_557] {strides = array<i32>} : memref<33x128xf32, #tpu.memory_space<vmem>>, vector<16xf32>,
    tpu.vector_store %arg13[%swap3A_556, %swap3A_557], %broadcast_in_dim3A_7 {strides = array<i32>} : memref<33x128xf32, #tpu.memory_space<vmem>>, vector<16xf32>,
    %swap3A_559 = arith.constant 17 : i32
    %swap3A_560 = arith.index_cast %swap3A_559 : i32 to index
    %swap3A_561 = arith.constant 32 : index
    %swap3A_562 = tpu.vector_load %arg13[%swap3A_560, %swap3A_561] {strides = array<i32>} : memref<33x128xf32, #tpu.memory_space<vmem>>, vector<16xf32>,
    tpu.vector_store %arg13[%swap3A_560, %swap3A_561], %broadcast_in_dim3A_7 {strides = array<i32>} : memref<33x128xf32, #tpu.memory_space<vmem>>, vector<16xf32>,
    %swap3A_563 = arith.constant 17 : i32
    %swap3A_564 = arith.index_cast %swap3A_563 : i32 to index
    %swap3A_565 = arith.constant 48 : index
    %swap3A_566 = tpu.vector_load %arg13[%swap3A_564, %swap3A_565] {strides = array<i32>} : memref<33x128xf32, #tpu.memory_space<vmem>>, vector<16xf32>,
    tpu.vector_store %arg13[%swap3A_564, %swap3A_565], %broadcast_in_dim3A_7 {strides = array<i32>} : memref<33x128xf32, #tpu.memory_space<vmem>>, vector<16xf32>,
    %swap3A_567 = arith.constant 17 : i32
    %swap3A_568 = arith.index_cast %swap3A_567 : i32 to index
    %swap3A_569 = arith.constant 64 : index
    %swap3A_570 = tpu.vector_load %arg13[%swap3A_568, %swap3A_569] {strides = array<i32>} : memref<33x128xf32, #tpu.memory_space<vmem>>, vector<16xf32>,
    tpu.vector_store %arg13[%swap3A_568, %swap3A_569], %broadcast_in_dim3A_7 {strides = array<i32>} : memref<33x128xf32, #tpu.memory_space<vmem>>, vector<16xf32>,
    %swap3A_571 = arith.constant 17 : i32
    %swap3A_572 = arith.index_cast %swap3A_571 : i32 to index
    %swap3A_573 = arith.constant 80 : index
    %swap3A_574 = tpu.vector_load %arg13[%swap3A_572, %swap3A_573] {strides = array<i32>} : memref<33x128xf32, #tpu.memory_space<vmem>>, vector<16xf32>,
    tpu.vector_store %arg13[%swap3A_572, %swap3A_573], %broadcast_in_dim3A_7 {strides = array<i32>} : memref<33x128xf32, #tpu.memory_space<vmem>>, vector<16xf32>,
    %swap3A_575 = arith.constant 17 : i32
    %swap3A_576 = arith.index_cast %swap3A_575 : i32 to index
    %swap3A_577 = arith.constant 96 : index
    %swap3A_578 = tpu.vector_load %arg13[%swap3A_576, %swap3A_577] {strides = array<i32>} : memref<33x128xf32, #tpu.memory_space<vmem>>, vector<16xf32>,
    tpu.vector_store %arg13[%swap3A_576, %swap3A_577], %broadcast_in_dim3A_7 {strides = array<i32>} : memref<33x128xf32, #tpu.memory_space<vmem>>, vector<16xf32>,
    %swap3A_579 = arith.constant 17 : i32
    %swap3A_580 = arith.index_cast %swap3A_579 : i32 to index
    %swap3A_581 = arith.constant 112 : index
    %swap3A_582 = tpu.vector_load %arg13[%swap3A_580, %swap3A_581] {strides = array<i32>} : memref<33x128xf32, #tpu.memory_space<vmem>>, vector<16xf32>,
    tpu.vector_store %arg13[%swap3A_580, %swap3A_581], %broadcast_in_dim3A_7 {strides = array<i32>} : memref<33x128xf32, #tpu.memory_space<vmem>>, vector<16xf32>,
    %swap3A_583 = arith.constant 18 : i32
    %swap3A_584 = arith.index_cast %swap3A_583 : i32 to index
    %swap3A_585 = arith.constant 0 : index
    %swap3A_586 = tpu.vector_load %arg13[%swap3A_584, %swap3A_585] {strides = array<i32>} : memref<33x128xf32, #tpu.memory_space<vmem>>, vector<16xf32>,
    tpu.vector_store %arg13[%swap3A_584, %swap3A_585], %broadcast_in_dim3A_7 {strides = array<i32>} : memref<33x128xf32, #tpu.memory_space<vmem>>, vector<16xf32>,
    %swap3A_587 = arith.constant 18 : i32
    %swap3A_588 = arith.index_cast %swap3A_587 : i32 to index
    %swap3A_589 = arith.constant 16 : index
    %swap3A_590 = tpu.vector_load %arg13[%swap3A_588, %swap3A_589] {strides = array<i32>} : memref<33x128xf32, #tpu.memory_space<vmem>>, vector<16xf32>,
    tpu.vector_store %arg13[%swap3A_588, %swap3A_589], %broadcast_in_dim3A_7 {strides = array<i32>} : memref<33x128xf32, #tpu.memory_space<vmem>>, vector<16xf32>,
    %swap3A_591 = arith.constant 18 : i32
    %swap3A_592 = arith.index_cast %swap3A_591 : i32 to index
    %swap3A_593 = arith.constant 32 : index
    %swap3A_594 = tpu.vector_load %arg13[%swap3A_592, %swap3A_593] {strides = array<i32>} : memref<33x128xf32, #tpu.memory_space<vmem>>, vector<16xf32>,
    tpu.vector_store %arg13[%swap3A_592, %swap3A_593], %broadcast_in_dim3A_7 {strides = array<i32>} : memref<33x128xf32, #tpu.memory_space<vmem>>, vector<16xf32>,
    %swap3A_595 = arith.constant 18 : i32
    %swap3A_596 = arith.index_cast %swap3A_595 : i32 to index
    %swap3A_597 = arith.constant 48 : index
    %swap3A_598 = tpu.vector_load %arg13[%swap3A_596, %swap3A_597] {strides = array<i32>} : memref<33x128xf32, #tpu.memory_space<vmem>>, vector<16xf32>,
    tpu.vector_store %arg13[%swap3A_596, %swap3A_597], %broadcast_in_dim3A_7 {strides = array<i32>} : memref<33x128xf32, #tpu.memory_space<vmem>>, vector<16xf32>,
    %swap3A_599 = arith.constant 18 : i32
    %swap3A_600 = arith.index_cast %swap3A_599 : i32 to index
    %swap3A_601 = arith.constant 64 : index
    %swap3A_602 = tpu.vector_load %arg13[%swap3A_600, %swap3A_601] {strides = array<i32>} : memref<33x128xf32, #tpu.memory_space<vmem>>, vector<16xf32>,
    tpu.vector_store %arg13[%swap3A_600, %swap3A_601], %broadcast_in_dim3A_7 {strides = array<i32>} : memref<33x128xf32, #tpu.memory_space<vmem>>, vector<16xf32>,
    %swap3A_603 = arith.constant 18 : i32
    %swap3A_604 = arith.index_cast %swap3A_603 : i32 to index
    %swap3A_605 = arith.constant 80 : index
    %swap3A_606 = tpu.vector_load %arg13[%swap3A_604, %swap3A_605] {strides = array<i32>} : memref<33x128xf32, #tpu.memory_space<vmem>>, vector<16xf32>,
    tpu.vector_store %arg13[%swap3A_604, %swap3A_605], %broadcast_in_dim3A_7 {strides = array<i32>} : memref<33x128xf32, #tpu.memory_space<vmem>>, vector<16xf32>,
    %swap3A_607 = arith.constant 18 : i32
    %swap3A_608 = arith.index_cast %swap3A_607 : i32 to index
    %swap3A_609 = arith.constant 96 : index
    %swap3A_610 = tpu.vector_load %arg13[%swap3A_608, %swap3A_609] {strides = array<i32>} : memref<33x128xf32, #tpu.memory_space<vmem>>, vector<16xf32>,
    tpu.vector_store %arg13[%swap3A_608, %swap3A_609], %broadcast_in_dim3A_7 {strides = array<i32>} : memref<33x128xf32, #tpu.memory_space<vmem>>, vector<16xf32>,
    %swap3A_611 = arith.constant 18 : i32
    %swap3A_612 = arith.index_cast %swap3A_611 : i32 to index
    %swap3A_613 = arith.constant 112 : index
    %swap3A_614 = tpu.vector_load %arg13[%swap3A_612, %swap3A_613] {strides = array<i32>} : memref<33x128xf32, #tpu.memory_space<vmem>>, vector<16xf32>,
    tpu.vector_store %arg13[%swap3A_612, %swap3A_613], %broadcast_in_dim3A_7 {strides = array<i32>} : memref<33x128xf32, #tpu.memory_space<vmem>>, vector<16xf32>,
    %swap3A_615 = arith.constant 19 : i32
    %swap3A_616 = arith.index_cast %swap3A_615 : i32 to index
    %swap3A_617 = arith.constant 0 : index
    %swap3A_618 = tpu.vector_load %arg13[%swap3A_616, %swap3A_617] {strides = array<i32>} : memref<33x128xf32, #tpu.memory_space<vmem>>, vector<16xf32>,
    tpu.vector_store %arg13[%swap3A_616, %swap3A_617], %broadcast_in_dim3A_7 {strides = array<i32>} : memref<33x128xf32, #tpu.memory_space<vmem>>, vector<16xf32>,
    %swap3A_619 = arith.constant 19 : i32
    %swap3A_620 = arith.index_cast %swap3A_619 : i32 to index
    %swap3A_621 = arith.constant 16 : index
    %swap3A_622 = tpu.vector_load %arg13[%swap3A_620, %swap3A_621] {strides = array<i32>} : memref<33x128xf32, #tpu.memory_space<vmem>>, vector<16xf32>,
    tpu.vector_store %arg13[%swap3A_620, %swap3A_621], %broadcast_in_dim3A_7 {strides = array<i32>} : memref<33x128xf32, #tpu.memory_space<vmem>>, vector<16xf32>,
    %swap3A_623 = arith.constant 19 : i32
    %swap3A_624 = arith.index_cast %swap3A_623 : i32 to index
    %swap3A_625 = arith.constant 32 : index
    %swap3A_626 = tpu.vector_load %arg13[%swap3A_624, %swap3A_625] {strides = array<i32>} : memref<33x128xf32, #tpu.memory_space<vmem>>, vector<16xf32>,
    tpu.vector_store %arg13[%swap3A_624, %swap3A_625], %broadcast_in_dim3A_7 {strides = array<i32>} : memref<33x128xf32, #tpu.memory_space<vmem>>, vector<16xf32>,
    %swap3A_627 = arith.constant 19 : i32
    %swap3A_628 = arith.index_cast %swap3A_627 : i32 to index
    %swap3A_629 = arith.constant 48 : index
    %swap3A_630 = tpu.vector_load %arg13[%swap3A_628, %swap3A_629] {strides = array<i32>} : memref<33x128xf32, #tpu.memory_space<vmem>>, vector<16xf32>,
    tpu.vector_store %arg13[%swap3A_628, %swap3A_629], %broadcast_in_dim3A_7 {strides = array<i32>} : memref<33x128xf32, #tpu.memory_space<vmem>>, vector<16xf32>,
    %swap3A_631 = arith.constant 19 : i32
    %swap3A_632 = arith.index_cast %swap3A_631 : i32 to index
    %swap3A_633 = arith.constant 64 : index
    %swap3A_634 = tpu.vector_load %arg13[%swap3A_632, %swap3A_633] {strides = array<i32>} : memref<33x128xf32, #tpu.memory_space<vmem>>, vector<16xf32>,
    tpu.vector_store %arg13[%swap3A_632, %swap3A_633], %broadcast_in_dim3A_7 {strides = array<i32>} : memref<33x128xf32, #tpu.memory_space<vmem>>, vector<16xf32>,
    %swap3A_635 = arith.constant 19 : i32
    %swap3A_636 = arith.index_cast %swap3A_635 : i32 to index
    %swap3A_637 = arith.constant 80 : index
    %swap3A_638 = tpu.vector_load %arg13[%swap3A_636, %swap3A_637] {strides = array<i32>} : memref<33x128xf32, #tpu.memory_space<vmem>>, vector<16xf32>,
    tpu.vector_store %arg13[%swap3A_636, %swap3A_637], %broadcast_in_dim3A_7 {strides = array<i32>} : memref<33x128xf32, #tpu.memory_space<vmem>>, vector<16xf32>,
    %swap3A_639 = arith.constant 19 : i32
    %swap3A_640 = arith.index_cast %swap3A_639 : i32 to index
    %swap3A_641 = arith.constant 96 : index
    %swap3A_642 = tpu.vector_load %arg13[%swap3A_640, %swap3A_641] {strides = array<i32>} : memref<33x128xf32, #tpu.memory_space<vmem>>, vector<16xf32>,
    tpu.vector_store %arg13[%swap3A_640, %swap3A_641], %broadcast_in_dim3A_7 {strides = array<i32>} : memref<33x128xf32, #tpu.memory_space<vmem>>, vector<16xf32>,
    %swap3A_643 = arith.constant 19 : i32
    %swap3A_644 = arith.index_cast %swap3A_643 : i32 to index
    %swap3A_645 = arith.constant 112 : index
    %swap3A_646 = tpu.vector_load %arg13[%swap3A_644, %swap3A_645] {strides = array<i32>} : memref<33x128xf32, #tpu.memory_space<vmem>>, vector<16xf32>,
    tpu.vector_store %arg13[%swap3A_644, %swap3A_645], %broadcast_in_dim3A_7 {strides = array<i32>} : memref<33x128xf32, #tpu.memory_space<vmem>>, vector<16xf32>,
    %swap3A_647 = arith.constant 20 : i32
    %swap3A_648 = arith.index_cast %swap3A_647 : i32 to index
    %swap3A_649 = arith.constant 0 : index
    %swap3A_650 = tpu.vector_load %arg13[%swap3A_648, %swap3A_649] {strides = array<i32>} : memref<33x128xf32, #tpu.memory_space<vmem>>, vector<16xf32>,
    tpu.vector_store %arg13[%swap3A_648, %swap3A_649], %broadcast_in_dim3A_7 {strides = array<i32>} : memref<33x128xf32, #tpu.memory_space<vmem>>, vector<16xf32>,
    %swap3A_651 = arith.constant 20 : i32
    %swap3A_652 = arith.index_cast %swap3A_651 : i32 to index
    %swap3A_653 = arith.constant 16 : index
    %swap3A_654 = tpu.vector_load %arg13[%swap3A_652, %swap3A_653] {strides = array<i32>} : memref<33x128xf32, #tpu.memory_space<vmem>>, vector<16xf32>,
    tpu.vector_store %arg13[%swap3A_652, %swap3A_653], %broadcast_in_dim3A_7 {strides = array<i32>} : memref<33x128xf32, #tpu.memory_space<vmem>>, vector<16xf32>,
    %swap3A_655 = arith.constant 20 : i32
    %swap3A_656 = arith.index_cast %swap3A_655 : i32 to index
    %swap3A_657 = arith.constant 32 : index
    %swap3A_658 = tpu.vector_load %arg13[%swap3A_656, %swap3A_657] {strides = array<i32>} : memref<33x128xf32, #tpu.memory_space<vmem>>, vector<16xf32>,
    tpu.vector_store %arg13[%swap3A_656, %swap3A_657], %broadcast_in_dim3A_7 {strides = array<i32>} : memref<33x128xf32, #tpu.memory_space<vmem>>, vector<16xf32>,
    %swap3A_659 = arith.constant 20 : i32
    %swap3A_660 = arith.index_cast %swap3A_659 : i32 to index
    %swap3A_661 = arith.constant 48 : index
    %swap3A_662 = tpu.vector_load %arg13[%swap3A_660, %swap3A_661] {strides = array<i32>} : memref<33x128xf32, #tpu.memory_space<vmem>>, vector<16xf32>,
    tpu.vector_store %arg13[%swap3A_660, %swap3A_661], %broadcast_in_dim3A_7 {strides = array<i32>} : memref<33x128xf32, #tpu.memory_space<vmem>>, vector<16xf32>,
    %swap3A_663 = arith.constant 20 : i32
    %swap3A_664 = arith.index_cast %swap3A_663 : i32 to index
    %swap3A_665 = arith.constant 64 : index
    %swap3A_666 = tpu.vector_load %arg13[%swap3A_664, %swap3A_665] {strides = array<i32>} : memref<33x128xf32, #tpu.memory_space<vmem>>, vector<16xf32>,
    tpu.vector_store %arg13[%swap3A_664, %swap3A_665], %broadcast_in_dim3A_7 {strides = array<i32>} : memref<33x128xf32, #tpu.memory_space<vmem>>, vector<16xf32>,
    %swap3A_667 = arith.constant 20 : i32
    %swap3A_668 = arith.index_cast %swap3A_667 : i32 to index
    %swap3A_669 = arith.constant 80 : index
    %swap3A_670 = tpu.vector_load %arg13[%swap3A_668, %swap3A_669] {strides = array<i32>} : memref<33x128xf32, #tpu.memory_space<vmem>>, vector<16xf32>,
    tpu.vector_store %arg13[%swap3A_668, %swap3A_669], %broadcast_in_dim3A_7 {strides = array<i32>} : memref<33x128xf32, #tpu.memory_space<vmem>>, vector<16xf32>,
    %swap3A_671 = arith.constant 20 : i32
    %swap3A_672 = arith.index_cast %swap3A_671 : i32 to index
    %swap3A_673 = arith.constant 96 : index
    %swap3A_674 = tpu.vector_load %arg13[%swap3A_672, %swap3A_673] {strides = array<i32>} : memref<33x128xf32, #tpu.memory_space<vmem>>, vector<16xf32>,
    tpu.vector_store %arg13[%swap3A_672, %swap3A_673], %broadcast_in_dim3A_7 {strides = array<i32>} : memref<33x128xf32, #tpu.memory_space<vmem>>, vector<16xf32>,
    %swap3A_675 = arith.constant 20 : i32
    %swap3A_676 = arith.index_cast %swap3A_675 : i32 to index
    %swap3A_677 = arith.constant 112 : index
    %swap3A_678 = tpu.vector_load %arg13[%swap3A_676, %swap3A_677] {strides = array<i32>} : memref<33x128xf32, #tpu.memory_space<vmem>>, vector<16xf32>,
    tpu.vector_store %arg13[%swap3A_676, %swap3A_677], %broadcast_in_dim3A_7 {strides = array<i32>} : memref<33x128xf32, #tpu.memory_space<vmem>>, vector<16xf32>,
    %swap3A_679 = arith.constant 21 : i32
    %swap3A_680 = arith.index_cast %swap3A_679 : i32 to index
    %swap3A_681 = arith.constant 0 : index
    %swap3A_682 = tpu.vector_load %arg13[%swap3A_680, %swap3A_681] {strides = array<i32>} : memref<33x128xf32, #tpu.memory_space<vmem>>, vector<16xf32>,
    tpu.vector_store %arg13[%swap3A_680, %swap3A_681], %broadcast_in_dim3A_7 {strides = array<i32>} : memref<33x128xf32, #tpu.memory_space<vmem>>, vector<16xf32>,
    %swap3A_683 = arith.constant 21 : i32
    %swap3A_684 = arith.index_cast %swap3A_683 : i32 to index
    %swap3A_685 = arith.constant 16 : index
    %swap3A_686 = tpu.vector_load %arg13[%swap3A_684, %swap3A_685] {strides = array<i32>} : memref<33x128xf32, #tpu.memory_space<vmem>>, vector<16xf32>,
    tpu.vector_store %arg13[%swap3A_684, %swap3A_685], %broadcast_in_dim3A_7 {strides = array<i32>} : memref<33x128xf32, #tpu.memory_space<vmem>>, vector<16xf32>,
    %swap3A_687 = arith.constant 21 : i32
    %swap3A_688 = arith.index_cast %swap3A_687 : i32 to index
    %swap3A_689 = arith.constant 32 : index
    %swap3A_690 = tpu.vector_load %arg13[%swap3A_688, %swap3A_689] {strides = array<i32>} : memref<33x128xf32, #tpu.memory_space<vmem>>, vector<16xf32>,
    tpu.vector_store %arg13[%swap3A_688, %swap3A_689], %broadcast_in_dim3A_7 {strides = array<i32>} : memref<33x128xf32, #tpu.memory_space<vmem>>, vector<16xf32>,
    %swap3A_691 = arith.constant 21 : i32
    %swap3A_692 = arith.index_cast %swap3A_691 : i32 to index
    %swap3A_693 = arith.constant 48 : index
    %swap3A_694 = tpu.vector_load %arg13[%swap3A_692, %swap3A_693] {strides = array<i32>} : memref<33x128xf32, #tpu.memory_space<vmem>>, vector<16xf32>,
    tpu.vector_store %arg13[%swap3A_692, %swap3A_693], %broadcast_in_dim3A_7 {strides = array<i32>} : memref<33x128xf32, #tpu.memory_space<vmem>>, vector<16xf32>,
    %swap3A_695 = arith.constant 21 : i32
    %swap3A_696 = arith.index_cast %swap3A_695 : i32 to index
    %swap3A_697 = arith.constant 64 : index
    %swap3A_698 = tpu.vector_load %arg13[%swap3A_696, %swap3A_697] {strides = array<i32>} : memref<33x128xf32, #tpu.memory_space<vmem>>, vector<16xf32>,
    tpu.vector_store %arg13[%swap3A_696, %swap3A_697], %broadcast_in_dim3A_7 {strides = array<i32>} : memref<33x128xf32, #tpu.memory_space<vmem>>, vector<16xf32>,
    %swap3A_699 = arith.constant 21 : i32
    %swap3A_700 = arith.index_cast %swap3A_699 : i32 to index
    %swap3A_701 = arith.constant 80 : index
    %swap3A_702 = tpu.vector_load %arg13[%swap3A_700, %swap3A_701] {strides = array<i32>} : memref<33x128xf32, #tpu.memory_space<vmem>>, vector<16xf32>,
    tpu.vector_store %arg13[%swap3A_700, %swap3A_701], %broadcast_in_dim3A_7 {strides = array<i32>} : memref<33x128xf32, #tpu.memory_space<vmem>>, vector<16xf32>,
    %swap3A_703 = arith.constant 21 : i32
    %swap3A_704 = arith.index_cast %swap3A_703 : i32 to index
    %swap3A_705 = arith.constant 96 : index
    %swap3A_706 = tpu.vector_load %arg13[%swap3A_704, %swap3A_705] {strides = array<i32>} : memref<33x128xf32, #tpu.memory_space<vmem>>, vector<16xf32>,
    tpu.vector_store %arg13[%swap3A_704, %swap3A_705], %broadcast_in_dim3A_7 {strides = array<i32>} : memref<33x128xf32, #tpu.memory_space<vmem>>, vector<16xf32>,
    %swap3A_707 = arith.constant 21 : i32
    %swap3A_708 = arith.index_cast %swap3A_707 : i32 to index
    %swap3A_709 = arith.constant 112 : index
    %swap3A_710 = tpu.vector_load %arg13[%swap3A_708, %swap3A_709] {strides = array<i32>} : memref<33x128xf32, #tpu.memory_space<vmem>>, vector<16xf32>,
    tpu.vector_store %arg13[%swap3A_708, %swap3A_709], %broadcast_in_dim3A_7 {strides = array<i32>} : memref<33x128xf32, #tpu.memory_space<vmem>>, vector<16xf32>,
    %swap3A_711 = arith.constant 22 : i32
    %swap3A_712 = arith.index_cast %swap3A_711 : i32 to index
    %swap3A_713 = arith.constant 0 : index
    %swap3A_714 = tpu.vector_load %arg13[%swap3A_712, %swap3A_713] {strides = array<i32>} : memref<33x128xf32, #tpu.memory_space<vmem>>, vector<16xf32>,
    tpu.vector_store %arg13[%swap3A_712, %swap3A_713], %broadcast_in_dim3A_7 {strides = array<i32>} : memref<33x128xf32, #tpu.memory_space<vmem>>, vector<16xf32>,
    %swap3A_715 = arith.constant 22 : i32
    %swap3A_716 = arith.index_cast %swap3A_715 : i32 to index
    %swap3A_717 = arith.constant 16 : index
    %swap3A_718 = tpu.vector_load %arg13[%swap3A_716, %swap3A_717] {strides = array<i32>} : memref<33x128xf32, #tpu.memory_space<vmem>>, vector<16xf32>,
    tpu.vector_store %arg13[%swap3A_716, %swap3A_717], %broadcast_in_dim3A_7 {strides = array<i32>} : memref<33x128xf32, #tpu.memory_space<vmem>>, vector<16xf32>,
    %swap3A_719 = arith.constant 22 : i32
    %swap3A_720 = arith.index_cast %swap3A_719 : i32 to index
    %swap3A_721 = arith.constant 32 : index
    %swap3A_722 = tpu.vector_load %arg13[%swap3A_720, %swap3A_721] {strides = array<i32>} : memref<33x128xf32, #tpu.memory_space<vmem>>, vector<16xf32>,
    tpu.vector_store %arg13[%swap3A_720, %swap3A_721], %broadcast_in_dim3A_7 {strides = array<i32>} : memref<33x128xf32, #tpu.memory_space<vmem>>, vector<16xf32>,
    %swap3A_723 = arith.constant 22 : i32
    %swap3A_724 = arith.index_cast %swap3A_723 : i32 to index
    %swap3A_725 = arith.constant 48 : index
    %swap3A_726 = tpu.vector_load %arg13[%swap3A_724, %swap3A_725] {strides = array<i32>} : memref<33x128xf32, #tpu.memory_space<vmem>>, vector<16xf32>,
    tpu.vector_store %arg13[%swap3A_724, %swap3A_725], %broadcast_in_dim3A_7 {strides = array<i32>} : memref<33x128xf32, #tpu.memory_space<vmem>>, vector<16xf32>,
    %swap3A_727 = arith.constant 22 : i32
    %swap3A_728 = arith.index_cast %swap3A_727 : i32 to index
    %swap3A_729 = arith.constant 64 : index
    %swap3A_730 = tpu.vector_load %arg13[%swap3A_728, %swap3A_729] {strides = array<i32>} : memref<33x128xf32, #tpu.memory_space<vmem>>, vector<16xf32>,
    tpu.vector_store %arg13[%swap3A_728, %swap3A_729], %broadcast_in_dim3A_7 {strides = array<i32>} : memref<33x128xf32, #tpu.memory_space<vmem>>, vector<16xf32>,
    %swap3A_731 = arith.constant 22 : i32
    %swap3A_732 = arith.index_cast %swap3A_731 : i32 to index
    %swap3A_733 = arith.constant 80 : index
    %swap3A_734 = tpu.vector_load %arg13[%swap3A_732, %swap3A_733] {strides = array<i32>} : memref<33x128xf32, #tpu.memory_space<vmem>>, vector<16xf32>,
    tpu.vector_store %arg13[%swap3A_732, %swap3A_733], %broadcast_in_dim3A_7 {strides = array<i32>} : memref<33x128xf32, #tpu.memory_space<vmem>>, vector<16xf32>,
    %swap3A_735 = arith.constant 22 : i32
    %swap3A_736 = arith.index_cast %swap3A_735 : i32 to index
    %swap3A_737 = arith.constant 96 : index
    %swap3A_738 = tpu.vector_load %arg13[%swap3A_736, %swap3A_737] {strides = array<i32>} : memref<33x128xf32, #tpu.memory_space<vmem>>, vector<16xf32>,
    tpu.vector_store %arg13[%swap3A_736, %swap3A_737], %broadcast_in_dim3A_7 {strides = array<i32>} : memref<33x128xf32, #tpu.memory_space<vmem>>, vector<16xf32>,
    %swap3A_739 = arith.constant 22 : i32
    %swap3A_740 = arith.index_cast %swap3A_739 : i32 to index
    %swap3A_741 = arith.constant 112 : index
    %swap3A_742 = tpu.vector_load %arg13[%swap3A_740, %swap3A_741] {strides = array<i32>} : memref<33x128xf32, #tpu.memory_space<vmem>>, vector<16xf32>,
    tpu.vector_store %arg13[%swap3A_740, %swap3A_741], %broadcast_in_dim3A_7 {strides = array<i32>} : memref<33x128xf32, #tpu.memory_space<vmem>>, vector<16xf32>,
    %swap3A_743 = arith.constant 23 : i32
    %swap3A_744 = arith.index_cast %swap3A_743 : i32 to index
    %swap3A_745 = arith.constant 0 : index
    %swap3A_746 = tpu.vector_load %arg13[%swap3A_744, %swap3A_745] {strides = array<i32>} : memref<33x128xf32, #tpu.memory_space<vmem>>, vector<16xf32>,
    tpu.vector_store %arg13[%swap3A_744, %swap3A_745], %broadcast_in_dim3A_7 {strides = array<i32>} : memref<33x128xf32, #tpu.memory_space<vmem>>, vector<16xf32>,
    %swap3A_747 = arith.constant 23 : i32
    %swap3A_748 = arith.index_cast %swap3A_747 : i32 to index
    %swap3A_749 = arith.constant 16 : index
    %swap3A_750 = tpu.vector_load %arg13[%swap3A_748, %swap3A_749] {strides = array<i32>} : memref<33x128xf32, #tpu.memory_space<vmem>>, vector<16xf32>,
    tpu.vector_store %arg13[%swap3A_748, %swap3A_749], %broadcast_in_dim3A_7 {strides = array<i32>} : memref<33x128xf32, #tpu.memory_space<vmem>>, vector<16xf32>,
    %swap3A_751 = arith.constant 23 : i32
    %swap3A_752 = arith.index_cast %swap3A_751 : i32 to index
    %swap3A_753 = arith.constant 32 : index
    %swap3A_754 = tpu.vector_load %arg13[%swap3A_752, %swap3A_753] {strides = array<i32>} : memref<33x128xf32, #tpu.memory_space<vmem>>, vector<16xf32>,
    tpu.vector_store %arg13[%swap3A_752, %swap3A_753], %broadcast_in_dim3A_7 {strides = array<i32>} : memref<33x128xf32, #tpu.memory_space<vmem>>, vector<16xf32>,
    %swap3A_755 = arith.constant 23 : i32
    %swap3A_756 = arith.index_cast %swap3A_755 : i32 to index
    %swap3A_757 = arith.constant 48 : index
    %swap3A_758 = tpu.vector_load %arg13[%swap3A_756, %swap3A_757] {strides = array<i32>} : memref<33x128xf32, #tpu.memory_space<vmem>>, vector<16xf32>,
    tpu.vector_store %arg13[%swap3A_756, %swap3A_757], %broadcast_in_dim3A_7 {strides = array<i32>} : memref<33x128xf32, #tpu.memory_space<vmem>>, vector<16xf32>,
    %swap3A_759 = arith.constant 23 : i32
    %swap3A_760 = arith.index_cast %swap3A_759 : i32 to index
    %swap3A_761 = arith.constant 64 : index
    %swap3A_762 = tpu.vector_load %arg13[%swap3A_760, %swap3A_761] {strides = array<i32>} : memref<33x128xf32, #tpu.memory_space<vmem>>, vector<16xf32>,
    tpu.vector_store %arg13[%swap3A_760, %swap3A_761], %broadcast_in_dim3A_7 {strides = array<i32>} : memref<33x128xf32, #tpu.memory_space<vmem>>, vector<16xf32>,
    %swap3A_763 = arith.constant 23 : i32
    %swap3A_764 = arith.index_cast %swap3A_763 : i32 to index
    %swap3A_765 = arith.constant 80 : index
    %swap3A_766 = tpu.vector_load %arg13[%swap3A_764, %swap3A_765] {strides = array<i32>} : memref<33x128xf32, #tpu.memory_space<vmem>>, vector<16xf32>,
    tpu.vector_store %arg13[%swap3A_764, %swap3A_765], %broadcast_in_dim3A_7 {strides = array<i32>} : memref<33x128xf32, #tpu.memory_space<vmem>>, vector<16xf32>,
    %swap3A_767 = arith.constant 23 : i32
    %swap3A_768 = arith.index_cast %swap3A_767 : i32 to index
    %swap3A_769 = arith.constant 96 : index
    %swap3A_770 = tpu.vector_load %arg13[%swap3A_768, %swap3A_769] {strides = array<i32>} : memref<33x128xf32, #tpu.memory_space<vmem>>, vector<16xf32>,
    tpu.vector_store %arg13[%swap3A_768, %swap3A_769], %broadcast_in_dim3A_7 {strides = array<i32>} : memref<33x128xf32, #tpu.memory_space<vmem>>, vector<16xf32>,
    %swap3A_771 = arith.constant 23 : i32
    %swap3A_772 = arith.index_cast %swap3A_771 : i32 to index
    %swap3A_773 = arith.constant 112 : index
    %swap3A_774 = tpu.vector_load %arg13[%swap3A_772, %swap3A_773] {strides = array<i32>} : memref<33x128xf32, #tpu.memory_space<vmem>>, vector<16xf32>,
    tpu.vector_store %arg13[%swap3A_772, %swap3A_773], %broadcast_in_dim3A_7 {strides = array<i32>} : memref<33x128xf32, #tpu.memory_space<vmem>>, vector<16xf32>,
    %swap3A_775 = arith.constant 24 : i32
    %swap3A_776 = arith.index_cast %swap3A_775 : i32 to index
    %swap3A_777 = arith.constant 0 : index
    %swap3A_778 = tpu.vector_load %arg13[%swap3A_776, %swap3A_777] {strides = array<i32>} : memref<33x128xf32, #tpu.memory_space<vmem>>, vector<16xf32>,
    tpu.vector_store %arg13[%swap3A_776, %swap3A_777], %broadcast_in_dim3A_7 {strides = array<i32>} : memref<33x128xf32, #tpu.memory_space<vmem>>, vector<16xf32>,
    %swap3A_779 = arith.constant 24 : i32
    %swap3A_780 = arith.index_cast %swap3A_779 : i32 to index
    %swap3A_781 = arith.constant 16 : index
    %swap3A_782 = tpu.vector_load %arg13[%swap3A_780, %swap3A_781] {strides = array<i32>} : memref<33x128xf32, #tpu.memory_space<vmem>>, vector<16xf32>,
    tpu.vector_store %arg13[%swap3A_780, %swap3A_781], %broadcast_in_dim3A_7 {strides = array<i32>} : memref<33x128xf32, #tpu.memory_space<vmem>>, vector<16xf32>,
    %swap3A_783 = arith.constant 24 : i32
    %swap3A_784 = arith.index_cast %swap3A_783 : i32 to index
    %swap3A_785 = arith.constant 32 : index
    %swap3A_786 = tpu.vector_load %arg13[%swap3A_784, %swap3A_785] {strides = array<i32>} : memref<33x128xf32, #tpu.memory_space<vmem>>, vector<16xf32>,
    tpu.vector_store %arg13[%swap3A_784, %swap3A_785], %broadcast_in_dim3A_7 {strides = array<i32>} : memref<33x128xf32, #tpu.memory_space<vmem>>, vector<16xf32>,
    %swap3A_787 = arith.constant 24 : i32
    %swap3A_788 = arith.index_cast %swap3A_787 : i32 to index
    %swap3A_789 = arith.constant 48 : index
    %swap3A_790 = tpu.vector_load %arg13[%swap3A_788, %swap3A_789] {strides = array<i32>} : memref<33x128xf32, #tpu.memory_space<vmem>>, vector<16xf32>,
    tpu.vector_store %arg13[%swap3A_788, %swap3A_789], %broadcast_in_dim3A_7 {strides = array<i32>} : memref<33x128xf32, #tpu.memory_space<vmem>>, vector<16xf32>,
    %swap3A_791 = arith.constant 24 : i32
    %swap3A_792 = arith.index_cast %swap3A_791 : i32 to index
    %swap3A_793 = arith.constant 64 : index
    %swap3A_794 = tpu.vector_load %arg13[%swap3A_792, %swap3A_793] {strides = array<i32>} : memref<33x128xf32, #tpu.memory_space<vmem>>, vector<16xf32>,
    tpu.vector_store %arg13[%swap3A_792, %swap3A_793], %broadcast_in_dim3A_7 {strides = array<i32>} : memref<33x128xf32, #tpu.memory_space<vmem>>, vector<16xf32>,
    %swap3A_795 = arith.constant 24 : i32
    %swap3A_796 = arith.index_cast %swap3A_795 : i32 to index
    %swap3A_797 = arith.constant 80 : index
    %swap3A_798 = tpu.vector_load %arg13[%swap3A_796, %swap3A_797] {strides = array<i32>} : memref<33x128xf32, #tpu.memory_space<vmem>>, vector<16xf32>,
    tpu.vector_store %arg13[%swap3A_796, %swap3A_797], %broadcast_in_dim3A_7 {strides = array<i32>} : memref<33x128xf32, #tpu.memory_space<vmem>>, vector<16xf32>,
    %swap3A_799 = arith.constant 24 : i32
    %swap3A_800 = arith.index_cast %swap3A_799 : i32 to index
    %swap3A_801 = arith.constant 96 : index
    %swap3A_802 = tpu.vector_load %arg13[%swap3A_800, %swap3A_801] {strides = array<i32>} : memref<33x128xf32, #tpu.memory_space<vmem>>, vector<16xf32>,
    tpu.vector_store %arg13[%swap3A_800, %swap3A_801], %broadcast_in_dim3A_7 {strides = array<i32>} : memref<33x128xf32, #tpu.memory_space<vmem>>, vector<16xf32>,
    %swap3A_803 = arith.constant 24 : i32
    %swap3A_804 = arith.index_cast %swap3A_803 : i32 to index
    %swap3A_805 = arith.constant 112 : index
    %swap3A_806 = tpu.vector_load %arg13[%swap3A_804, %swap3A_805] {strides = array<i32>} : memref<33x128xf32, #tpu.memory_space<vmem>>, vector<16xf32>,
    tpu.vector_store %arg13[%swap3A_804, %swap3A_805], %broadcast_in_dim3A_7 {strides = array<i32>} : memref<33x128xf32, #tpu.memory_space<vmem>>, vector<16xf32>,
    %swap3A_807 = arith.constant 25 : i32
    %swap3A_808 = arith.index_cast %swap3A_807 : i32 to index
    %swap3A_809 = arith.constant 0 : index
    %swap3A_810 = tpu.vector_load %arg13[%swap3A_808, %swap3A_809] {strides = array<i32>} : memref<33x128xf32, #tpu.memory_space<vmem>>, vector<16xf32>,
    tpu.vector_store %arg13[%swap3A_808, %swap3A_809], %broadcast_in_dim3A_7 {strides = array<i32>} : memref<33x128xf32, #tpu.memory_space<vmem>>, vector<16xf32>,
    %swap3A_811 = arith.constant 25 : i32
    %swap3A_812 = arith.index_cast %swap3A_811 : i32 to index
    %swap3A_813 = arith.constant 16 : index
    %swap3A_814 = tpu.vector_load %arg13[%swap3A_812, %swap3A_813] {strides = array<i32>} : memref<33x128xf32, #tpu.memory_space<vmem>>, vector<16xf32>,
    tpu.vector_store %arg13[%swap3A_812, %swap3A_813], %broadcast_in_dim3A_7 {strides = array<i32>} : memref<33x128xf32, #tpu.memory_space<vmem>>, vector<16xf32>,
    %swap3A_815 = arith.constant 25 : i32
    %swap3A_816 = arith.index_cast %swap3A_815 : i32 to index
    %swap3A_817 = arith.constant 32 : index
    %swap3A_818 = tpu.vector_load %arg13[%swap3A_816, %swap3A_817] {strides = array<i32>} : memref<33x128xf32, #tpu.memory_space<vmem>>, vector<16xf32>,
    tpu.vector_store %arg13[%swap3A_816, %swap3A_817], %broadcast_in_dim3A_7 {strides = array<i32>} : memref<33x128xf32, #tpu.memory_space<vmem>>, vector<16xf32>,
    %swap3A_819 = arith.constant 25 : i32
    %swap3A_820 = arith.index_cast %swap3A_819 : i32 to index
    %swap3A_821 = arith.constant 48 : index
    %swap3A_822 = tpu.vector_load %arg13[%swap3A_820, %swap3A_821] {strides = array<i32>} : memref<33x128xf32, #tpu.memory_space<vmem>>, vector<16xf32>,
    tpu.vector_store %arg13[%swap3A_820, %swap3A_821], %broadcast_in_dim3A_7 {strides = array<i32>} : memref<33x128xf32, #tpu.memory_space<vmem>>, vector<16xf32>,
    %swap3A_823 = arith.constant 25 : i32
    %swap3A_824 = arith.index_cast %swap3A_823 : i32 to index
    %swap3A_825 = arith.constant 64 : index
    %swap3A_826 = tpu.vector_load %arg13[%swap3A_824, %swap3A_825] {strides = array<i32>} : memref<33x128xf32, #tpu.memory_space<vmem>>, vector<16xf32>,
    tpu.vector_store %arg13[%swap3A_824, %swap3A_825], %broadcast_in_dim3A_7 {strides = array<i32>} : memref<33x128xf32, #tpu.memory_space<vmem>>, vector<16xf32>,
    %swap3A_827 = arith.constant 25 : i32
    %swap3A_828 = arith.index_cast %swap3A_827 : i32 to index
    %swap3A_829 = arith.constant 80 : index
    %swap3A_830 = tpu.vector_load %arg13[%swap3A_828, %swap3A_829] {strides = array<i32>} : memref<33x128xf32, #tpu.memory_space<vmem>>, vector<16xf32>,
    tpu.vector_store %arg13[%swap3A_828, %swap3A_829], %broadcast_in_dim3A_7 {strides = array<i32>} : memref<33x128xf32, #tpu.memory_space<vmem>>, vector<16xf32>,
    %swap3A_831 = arith.constant 25 : i32
    %swap3A_832 = arith.index_cast %swap3A_831 : i32 to index
    %swap3A_833 = arith.constant 96 : index
    %swap3A_834 = tpu.vector_load %arg13[%swap3A_832, %swap3A_833] {strides = array<i32>} : memref<33x128xf32, #tpu.memory_space<vmem>>, vector<16xf32>,
    tpu.vector_store %arg13[%swap3A_832, %swap3A_833], %broadcast_in_dim3A_7 {strides = array<i32>} : memref<33x128xf32, #tpu.memory_space<vmem>>, vector<16xf32>,
    %swap3A_835 = arith.constant 25 : i32
    %swap3A_836 = arith.index_cast %swap3A_835 : i32 to index
    %swap3A_837 = arith.constant 112 : index
    %swap3A_838 = tpu.vector_load %arg13[%swap3A_836, %swap3A_837] {strides = array<i32>} : memref<33x128xf32, #tpu.memory_space<vmem>>, vector<16xf32>,
    tpu.vector_store %arg13[%swap3A_836, %swap3A_837], %broadcast_in_dim3A_7 {strides = array<i32>} : memref<33x128xf32, #tpu.memory_space<vmem>>, vector<16xf32>,
    %swap3A_839 = arith.constant 26 : i32
    %swap3A_840 = arith.index_cast %swap3A_839 : i32 to index
    %swap3A_841 = arith.constant 0 : index
    %swap3A_842 = tpu.vector_load %arg13[%swap3A_840, %swap3A_841] {strides = array<i32>} : memref<33x128xf32, #tpu.memory_space<vmem>>, vector<16xf32>,
    tpu.vector_store %arg13[%swap3A_840, %swap3A_841], %broadcast_in_dim3A_7 {strides = array<i32>} : memref<33x128xf32, #tpu.memory_space<vmem>>, vector<16xf32>,
    %swap3A_843 = arith.constant 26 : i32
    %swap3A_844 = arith.index_cast %swap3A_843 : i32 to index
    %swap3A_845 = arith.constant 16 : index
    %swap3A_846 = tpu.vector_load %arg13[%swap3A_844, %swap3A_845] {strides = array<i32>} : memref<33x128xf32, #tpu.memory_space<vmem>>, vector<16xf32>,
    tpu.vector_store %arg13[%swap3A_844, %swap3A_845], %broadcast_in_dim3A_7 {strides = array<i32>} : memref<33x128xf32, #tpu.memory_space<vmem>>, vector<16xf32>,
    %swap3A_847 = arith.constant 26 : i32
    %swap3A_848 = arith.index_cast %swap3A_847 : i32 to index
    %swap3A_849 = arith.constant 32 : index
    %swap3A_850 = tpu.vector_load %arg13[%swap3A_848, %swap3A_849] {strides = array<i32>} : memref<33x128xf32, #tpu.memory_space<vmem>>, vector<16xf32>,
    tpu.vector_store %arg13[%swap3A_848, %swap3A_849], %broadcast_in_dim3A_7 {strides = array<i32>} : memref<33x128xf32, #tpu.memory_space<vmem>>, vector<16xf32>,
    %swap3A_851 = arith.constant 26 : i32
    %swap3A_852 = arith.index_cast %swap3A_851 : i32 to index
    %swap3A_853 = arith.constant 48 : index
    %swap3A_854 = tpu.vector_load %arg13[%swap3A_852, %swap3A_853] {strides = array<i32>} : memref<33x128xf32, #tpu.memory_space<vmem>>, vector<16xf32>,
    tpu.vector_store %arg13[%swap3A_852, %swap3A_853], %broadcast_in_dim3A_7 {strides = array<i32>} : memref<33x128xf32, #tpu.memory_space<vmem>>, vector<16xf32>,
    %swap3A_855 = arith.constant 26 : i32
    %swap3A_856 = arith.index_cast %swap3A_855 : i32 to index
    %swap3A_857 = arith.constant 64 : index
    %swap3A_858 = tpu.vector_load %arg13[%swap3A_856, %swap3A_857] {strides = array<i32>} : memref<33x128xf32, #tpu.memory_space<vmem>>, vector<16xf32>,
    tpu.vector_store %arg13[%swap3A_856, %swap3A_857], %broadcast_in_dim3A_7 {strides = array<i32>} : memref<33x128xf32, #tpu.memory_space<vmem>>, vector<16xf32>,
    %swap3A_859 = arith.constant 26 : i32
    %swap3A_860 = arith.index_cast %swap3A_859 : i32 to index
    %swap3A_861 = arith.constant 80 : index
    %swap3A_862 = tpu.vector_load %arg13[%swap3A_860, %swap3A_861] {strides = array<i32>} : memref<33x128xf32, #tpu.memory_space<vmem>>, vector<16xf32>,
    tpu.vector_store %arg13[%swap3A_860, %swap3A_861], %broadcast_in_dim3A_7 {strides = array<i32>} : memref<33x128xf32, #tpu.memory_space<vmem>>, vector<16xf32>,
    %swap3A_863 = arith.constant 26 : i32
    %swap3A_864 = arith.index_cast %swap3A_863 : i32 to index
    %swap3A_865 = arith.constant 96 : index
    %swap3A_866 = tpu.vector_load %arg13[%swap3A_864, %swap3A_865] {strides = array<i32>} : memref<33x128xf32, #tpu.memory_space<vmem>>, vector<16xf32>,
    tpu.vector_store %arg13[%swap3A_864, %swap3A_865], %broadcast_in_dim3A_7 {strides = array<i32>} : memref<33x128xf32, #tpu.memory_space<vmem>>, vector<16xf32>,
    %swap3A_867 = arith.constant 26 : i32
    %swap3A_868 = arith.index_cast %swap3A_867 : i32 to index
    %swap3A_869 = arith.constant 112 : index
    %swap3A_870 = tpu.vector_load %arg13[%swap3A_868, %swap3A_869] {strides = array<i32>} : memref<33x128xf32, #tpu.memory_space<vmem>>, vector<16xf32>,
    tpu.vector_store %arg13[%swap3A_868, %swap3A_869], %broadcast_in_dim3A_7 {strides = array<i32>} : memref<33x128xf32, #tpu.memory_space<vmem>>, vector<16xf32>,
    %swap3A_871 = arith.constant 27 : i32
    %swap3A_872 = arith.index_cast %swap3A_871 : i32 to index
    %swap3A_873 = arith.constant 0 : index
    %swap3A_874 = tpu.vector_load %arg13[%swap3A_872, %swap3A_873] {strides = array<i32>} : memref<33x128xf32, #tpu.memory_space<vmem>>, vector<16xf32>,
    tpu.vector_store %arg13[%swap3A_872, %swap3A_873], %broadcast_in_dim3A_7 {strides = array<i32>} : memref<33x128xf32, #tpu.memory_space<vmem>>, vector<16xf32>,
    %swap3A_875 = arith.constant 27 : i32
    %swap3A_876 = arith.index_cast %swap3A_875 : i32 to index
    %swap3A_877 = arith.constant 16 : index
    %swap3A_878 = tpu.vector_load %arg13[%swap3A_876, %swap3A_877] {strides = array<i32>} : memref<33x128xf32, #tpu.memory_space<vmem>>, vector<16xf32>,
    tpu.vector_store %arg13[%swap3A_876, %swap3A_877], %broadcast_in_dim3A_7 {strides = array<i32>} : memref<33x128xf32, #tpu.memory_space<vmem>>, vector<16xf32>,
    %swap3A_879 = arith.constant 27 : i32
    %swap3A_880 = arith.index_cast %swap3A_879 : i32 to index
    %swap3A_881 = arith.constant 32 : index
    %swap3A_882 = tpu.vector_load %arg13[%swap3A_880, %swap3A_881] {strides = array<i32>} : memref<33x128xf32, #tpu.memory_space<vmem>>, vector<16xf32>,
    tpu.vector_store %arg13[%swap3A_880, %swap3A_881], %broadcast_in_dim3A_7 {strides = array<i32>} : memref<33x128xf32, #tpu.memory_space<vmem>>, vector<16xf32>,
    %swap3A_883 = arith.constant 27 : i32
    %swap3A_884 = arith.index_cast %swap3A_883 : i32 to index
    %swap3A_885 = arith.constant 48 : index
    %swap3A_886 = tpu.vector_load %arg13[%swap3A_884, %swap3A_885] {strides = array<i32>} : memref<33x128xf32, #tpu.memory_space<vmem>>, vector<16xf32>,
    tpu.vector_store %arg13[%swap3A_884, %swap3A_885], %broadcast_in_dim3A_7 {strides = array<i32>} : memref<33x128xf32, #tpu.memory_space<vmem>>, vector<16xf32>,
    %swap3A_887 = arith.constant 27 : i32
    %swap3A_888 = arith.index_cast %swap3A_887 : i32 to index
    %swap3A_889 = arith.constant 64 : index
    %swap3A_890 = tpu.vector_load %arg13[%swap3A_888, %swap3A_889] {strides = array<i32>} : memref<33x128xf32, #tpu.memory_space<vmem>>, vector<16xf32>,
    tpu.vector_store %arg13[%swap3A_888, %swap3A_889], %broadcast_in_dim3A_7 {strides = array<i32>} : memref<33x128xf32, #tpu.memory_space<vmem>>, vector<16xf32>,
    %swap3A_891 = arith.constant 27 : i32
    %swap3A_892 = arith.index_cast %swap3A_891 : i32 to index
    %swap3A_893 = arith.constant 80 : index
    %swap3A_894 = tpu.vector_load %arg13[%swap3A_892, %swap3A_893] {strides = array<i32>} : memref<33x128xf32, #tpu.memory_space<vmem>>, vector<16xf32>,
    tpu.vector_store %arg13[%swap3A_892, %swap3A_893], %broadcast_in_dim3A_7 {strides = array<i32>} : memref<33x128xf32, #tpu.memory_space<vmem>>, vector<16xf32>,
    %swap3A_895 = arith.constant 27 : i32
    %swap3A_896 = arith.index_cast %swap3A_895 : i32 to index
    %swap3A_897 = arith.constant 96 : index
    %swap3A_898 = tpu.vector_load %arg13[%swap3A_896, %swap3A_897] {strides = array<i32>} : memref<33x128xf32, #tpu.memory_space<vmem>>, vector<16xf32>,
    tpu.vector_store %arg13[%swap3A_896, %swap3A_897], %broadcast_in_dim3A_7 {strides = array<i32>} : memref<33x128xf32, #tpu.memory_space<vmem>>, vector<16xf32>,
    %swap3A_899 = arith.constant 27 : i32
    %swap3A_900 = arith.index_cast %swap3A_899 : i32 to index
    %swap3A_901 = arith.constant 112 : index
    %swap3A_902 = tpu.vector_load %arg13[%swap3A_900, %swap3A_901] {strides = array<i32>} : memref<33x128xf32, #tpu.memory_space<vmem>>, vector<16xf32>,
    tpu.vector_store %arg13[%swap3A_900, %swap3A_901], %broadcast_in_dim3A_7 {strides = array<i32>} : memref<33x128xf32, #tpu.memory_space<vmem>>, vector<16xf32>,
    %swap3A_903 = arith.constant 28 : i32
    %swap3A_904 = arith.index_cast %swap3A_903 : i32 to index
    %swap3A_905 = arith.constant 0 : index
    %swap3A_906 = tpu.vector_load %arg13[%swap3A_904, %swap3A_905] {strides = array<i32>} : memref<33x128xf32, #tpu.memory_space<vmem>>, vector<16xf32>,
    tpu.vector_store %arg13[%swap3A_904, %swap3A_905], %broadcast_in_dim3A_7 {strides = array<i32>} : memref<33x128xf32, #tpu.memory_space<vmem>>, vector<16xf32>,
    %swap3A_907 = arith.constant 28 : i32
    %swap3A_908 = arith.index_cast %swap3A_907 : i32 to index
    %swap3A_909 = arith.constant 16 : index
    %swap3A_910 = tpu.vector_load %arg13[%swap3A_908, %swap3A_909] {strides = array<i32>} : memref<33x128xf32, #tpu.memory_space<vmem>>, vector<16xf32>,
    tpu.vector_store %arg13[%swap3A_908, %swap3A_909], %broadcast_in_dim3A_7 {strides = array<i32>} : memref<33x128xf32, #tpu.memory_space<vmem>>, vector<16xf32>,
    %swap3A_911 = arith.constant 28 : i32
    %swap3A_912 = arith.index_cast %swap3A_911 : i32 to index
    %swap3A_913 = arith.constant 32 : index
    %swap3A_914 = tpu.vector_load %arg13[%swap3A_912, %swap3A_913] {strides = array<i32>} : memref<33x128xf32, #tpu.memory_space<vmem>>, vector<16xf32>,
    tpu.vector_store %arg13[%swap3A_912, %swap3A_913], %broadcast_in_dim3A_7 {strides = array<i32>} : memref<33x128xf32, #tpu.memory_space<vmem>>, vector<16xf32>,
    %swap3A_915 = arith.constant 28 : i32
    %swap3A_916 = arith.index_cast %swap3A_915 : i32 to index
    %swap3A_917 = arith.constant 48 : index
    %swap3A_918 = tpu.vector_load %arg13[%swap3A_916, %swap3A_917] {strides = array<i32>} : memref<33x128xf32, #tpu.memory_space<vmem>>, vector<16xf32>,
    tpu.vector_store %arg13[%swap3A_916, %swap3A_917], %broadcast_in_dim3A_7 {strides = array<i32>} : memref<33x128xf32, #tpu.memory_space<vmem>>, vector<16xf32>,
    %swap3A_919 = arith.constant 28 : i32
    %swap3A_920 = arith.index_cast %swap3A_919 : i32 to index
    %swap3A_921 = arith.constant 64 : index
    %swap3A_922 = tpu.vector_load %arg13[%swap3A_920, %swap3A_921] {strides = array<i32>} : memref<33x128xf32, #tpu.memory_space<vmem>>, vector<16xf32>,
    tpu.vector_store %arg13[%swap3A_920, %swap3A_921], %broadcast_in_dim3A_7 {strides = array<i32>} : memref<33x128xf32, #tpu.memory_space<vmem>>, vector<16xf32>,
    %swap3A_923 = arith.constant 28 : i32
    %swap3A_924 = arith.index_cast %swap3A_923 : i32 to index
    %swap3A_925 = arith.constant 80 : index
    %swap3A_926 = tpu.vector_load %arg13[%swap3A_924, %swap3A_925] {strides = array<i32>} : memref<33x128xf32, #tpu.memory_space<vmem>>, vector<16xf32>,
    tpu.vector_store %arg13[%swap3A_924, %swap3A_925], %broadcast_in_dim3A_7 {strides = array<i32>} : memref<33x128xf32, #tpu.memory_space<vmem>>, vector<16xf32>,
    %swap3A_927 = arith.constant 28 : i32
    %swap3A_928 = arith.index_cast %swap3A_927 : i32 to index
    %swap3A_929 = arith.constant 96 : index
    %swap3A_930 = tpu.vector_load %arg13[%swap3A_928, %swap3A_929] {strides = array<i32>} : memref<33x128xf32, #tpu.memory_space<vmem>>, vector<16xf32>,
    tpu.vector_store %arg13[%swap3A_928, %swap3A_929], %broadcast_in_dim3A_7 {strides = array<i32>} : memref<33x128xf32, #tpu.memory_space<vmem>>, vector<16xf32>,
    %swap3A_931 = arith.constant 28 : i32
    %swap3A_932 = arith.index_cast %swap3A_931 : i32 to index
    %swap3A_933 = arith.constant 112 : index
    %swap3A_934 = tpu.vector_load %arg13[%swap3A_932, %swap3A_933] {strides = array<i32>} : memref<33x128xf32, #tpu.memory_space<vmem>>, vector<16xf32>,
    tpu.vector_store %arg13[%swap3A_932, %swap3A_933], %broadcast_in_dim3A_7 {strides = array<i32>} : memref<33x128xf32, #tpu.memory_space<vmem>>, vector<16xf32>,
    %swap3A_935 = arith.constant 29 : i32
    %swap3A_936 = arith.index_cast %swap3A_935 : i32 to index
    %swap3A_937 = arith.constant 0 : index
    %swap3A_938 = tpu.vector_load %arg13[%swap3A_936, %swap3A_937] {strides = array<i32>} : memref<33x128xf32, #tpu.memory_space<vmem>>, vector<16xf32>,
    tpu.vector_store %arg13[%swap3A_936, %swap3A_937], %broadcast_in_dim3A_7 {strides = array<i32>} : memref<33x128xf32, #tpu.memory_space<vmem>>, vector<16xf32>,
    %swap3A_939 = arith.constant 29 : i32
    %swap3A_940 = arith.index_cast %swap3A_939 : i32 to index
    %swap3A_941 = arith.constant 16 : index
    %swap3A_942 = tpu.vector_load %arg13[%swap3A_940, %swap3A_941] {strides = array<i32>} : memref<33x128xf32, #tpu.memory_space<vmem>>, vector<16xf32>,
    tpu.vector_store %arg13[%swap3A_940, %swap3A_941], %broadcast_in_dim3A_7 {strides = array<i32>} : memref<33x128xf32, #tpu.memory_space<vmem>>, vector<16xf32>,
    %swap3A_943 = arith.constant 29 : i32
    %swap3A_944 = arith.index_cast %swap3A_943 : i32 to index
    %swap3A_945 = arith.constant 32 : index
    %swap3A_946 = tpu.vector_load %arg13[%swap3A_944, %swap3A_945] {strides = array<i32>} : memref<33x128xf32, #tpu.memory_space<vmem>>, vector<16xf32>,
    tpu.vector_store %arg13[%swap3A_944, %swap3A_945], %broadcast_in_dim3A_7 {strides = array<i32>} : memref<33x128xf32, #tpu.memory_space<vmem>>, vector<16xf32>,
    %swap3A_947 = arith.constant 29 : i32
    %swap3A_948 = arith.index_cast %swap3A_947 : i32 to index
    %swap3A_949 = arith.constant 48 : index
    %swap3A_950 = tpu.vector_load %arg13[%swap3A_948, %swap3A_949] {strides = array<i32>} : memref<33x128xf32, #tpu.memory_space<vmem>>, vector<16xf32>,
    tpu.vector_store %arg13[%swap3A_948, %swap3A_949], %broadcast_in_dim3A_7 {strides = array<i32>} : memref<33x128xf32, #tpu.memory_space<vmem>>, vector<16xf32>,
    %swap3A_951 = arith.constant 29 : i32
    %swap3A_952 = arith.index_cast %swap3A_951 : i32 to index
    %swap3A_953 = arith.constant 64 : index
    %swap3A_954 = tpu.vector_load %arg13[%swap3A_952, %swap3A_953] {strides = array<i32>} : memref<33x128xf32, #tpu.memory_space<vmem>>, vector<16xf32>,
    tpu.vector_store %arg13[%swap3A_952, %swap3A_953], %broadcast_in_dim3A_7 {strides = array<i32>} : memref<33x128xf32, #tpu.memory_space<vmem>>, vector<16xf32>,
    %swap3A_955 = arith.constant 29 : i32
    %swap3A_956 = arith.index_cast %swap3A_955 : i32 to index
    %swap3A_957 = arith.constant 80 : index
    %swap3A_958 = tpu.vector_load %arg13[%swap3A_956, %swap3A_957] {strides = array<i32>} : memref<33x128xf32, #tpu.memory_space<vmem>>, vector<16xf32>,
    tpu.vector_store %arg13[%swap3A_956, %swap3A_957], %broadcast_in_dim3A_7 {strides = array<i32>} : memref<33x128xf32, #tpu.memory_space<vmem>>, vector<16xf32>,
    %swap3A_959 = arith.constant 29 : i32
    %swap3A_960 = arith.index_cast %swap3A_959 : i32 to index
    %swap3A_961 = arith.constant 96 : index
    %swap3A_962 = tpu.vector_load %arg13[%swap3A_960, %swap3A_961] {strides = array<i32>} : memref<33x128xf32, #tpu.memory_space<vmem>>, vector<16xf32>,
    tpu.vector_store %arg13[%swap3A_960, %swap3A_961], %broadcast_in_dim3A_7 {strides = array<i32>} : memref<33x128xf32, #tpu.memory_space<vmem>>, vector<16xf32>,
    %swap3A_963 = arith.constant 29 : i32
    %swap3A_964 = arith.index_cast %swap3A_963 : i32 to index
    %swap3A_965 = arith.constant 112 : index
    %swap3A_966 = tpu.vector_load %arg13[%swap3A_964, %swap3A_965] {strides = array<i32>} : memref<33x128xf32, #tpu.memory_space<vmem>>, vector<16xf32>,
    tpu.vector_store %arg13[%swap3A_964, %swap3A_965], %broadcast_in_dim3A_7 {strides = array<i32>} : memref<33x128xf32, #tpu.memory_space<vmem>>, vector<16xf32>,
    %swap3A_967 = arith.constant 30 : i32
    %swap3A_968 = arith.index_cast %swap3A_967 : i32 to index
    %swap3A_969 = arith.constant 0 : index
    %swap3A_970 = tpu.vector_load %arg13[%swap3A_968, %swap3A_969] {strides = array<i32>} : memref<33x128xf32, #tpu.memory_space<vmem>>, vector<16xf32>,
    tpu.vector_store %arg13[%swap3A_968, %swap3A_969], %broadcast_in_dim3A_7 {strides = array<i32>} : memref<33x128xf32, #tpu.memory_space<vmem>>, vector<16xf32>,
    %swap3A_971 = arith.constant 30 : i32
    %swap3A_972 = arith.index_cast %swap3A_971 : i32 to index
    %swap3A_973 = arith.constant 16 : index
    %swap3A_974 = tpu.vector_load %arg13[%swap3A_972, %swap3A_973] {strides = array<i32>} : memref<33x128xf32, #tpu.memory_space<vmem>>, vector<16xf32>,
    tpu.vector_store %arg13[%swap3A_972, %swap3A_973], %broadcast_in_dim3A_7 {strides = array<i32>} : memref<33x128xf32, #tpu.memory_space<vmem>>, vector<16xf32>,
    %swap3A_975 = arith.constant 30 : i32
    %swap3A_976 = arith.index_cast %swap3A_975 : i32 to index
    %swap3A_977 = arith.constant 32 : index
    %swap3A_978 = tpu.vector_load %arg13[%swap3A_976, %swap3A_977] {strides = array<i32>} : memref<33x128xf32, #tpu.memory_space<vmem>>, vector<16xf32>,
    tpu.vector_store %arg13[%swap3A_976, %swap3A_977], %broadcast_in_dim3A_7 {strides = array<i32>} : memref<33x128xf32, #tpu.memory_space<vmem>>, vector<16xf32>,
    %swap3A_979 = arith.constant 30 : i32
    %swap3A_980 = arith.index_cast %swap3A_979 : i32 to index
    %swap3A_981 = arith.constant 48 : index
    %swap3A_982 = tpu.vector_load %arg13[%swap3A_980, %swap3A_981] {strides = array<i32>} : memref<33x128xf32, #tpu.memory_space<vmem>>, vector<16xf32>,
    tpu.vector_store %arg13[%swap3A_980, %swap3A_981], %broadcast_in_dim3A_7 {strides = array<i32>} : memref<33x128xf32, #tpu.memory_space<vmem>>, vector<16xf32>,
    %swap3A_983 = arith.constant 30 : i32
    %swap3A_984 = arith.index_cast %swap3A_983 : i32 to index
    %swap3A_985 = arith.constant 64 : index
    %swap3A_986 = tpu.vector_load %arg13[%swap3A_984, %swap3A_985] {strides = array<i32>} : memref<33x128xf32, #tpu.memory_space<vmem>>, vector<16xf32>,
    tpu.vector_store %arg13[%swap3A_984, %swap3A_985], %broadcast_in_dim3A_7 {strides = array<i32>} : memref<33x128xf32, #tpu.memory_space<vmem>>, vector<16xf32>,
    %swap3A_987 = arith.constant 30 : i32
    %swap3A_988 = arith.index_cast %swap3A_987 : i32 to index
    %swap3A_989 = arith.constant 80 : index
    %swap3A_990 = tpu.vector_load %arg13[%swap3A_988, %swap3A_989] {strides = array<i32>} : memref<33x128xf32, #tpu.memory_space<vmem>>, vector<16xf32>,
    tpu.vector_store %arg13[%swap3A_988, %swap3A_989], %broadcast_in_dim3A_7 {strides = array<i32>} : memref<33x128xf32, #tpu.memory_space<vmem>>, vector<16xf32>,
    %swap3A_991 = arith.constant 30 : i32
    %swap3A_992 = arith.index_cast %swap3A_991 : i32 to index
    %swap3A_993 = arith.constant 96 : index
    %swap3A_994 = tpu.vector_load %arg13[%swap3A_992, %swap3A_993] {strides = array<i32>} : memref<33x128xf32, #tpu.memory_space<vmem>>, vector<16xf32>,
    tpu.vector_store %arg13[%swap3A_992, %swap3A_993], %broadcast_in_dim3A_7 {strides = array<i32>} : memref<33x128xf32, #tpu.memory_space<vmem>>, vector<16xf32>,
    %swap3A_995 = arith.constant 30 : i32
    %swap3A_996 = arith.index_cast %swap3A_995 : i32 to index
    %swap3A_997 = arith.constant 112 : index
    %swap3A_998 = tpu.vector_load %arg13[%swap3A_996, %swap3A_997] {strides = array<i32>} : memref<33x128xf32, #tpu.memory_space<vmem>>, vector<16xf32>,
    tpu.vector_store %arg13[%swap3A_996, %swap3A_997], %broadcast_in_dim3A_7 {strides = array<i32>} : memref<33x128xf32, #tpu.memory_space<vmem>>, vector<16xf32>,
    %swap3A_999 = arith.constant 31 : i32
    %swap3A_1000 = arith.index_cast %swap3A_999 : i32 to index
    %swap3A_1001 = arith.constant 0 : index
    %swap3A_1002 = tpu.vector_load %arg13[%swap3A_1000, %swap3A_1001] {strides = array<i32>} : memref<33x128xf32, #tpu.memory_space<vmem>>, vector<16xf32>,
    tpu.vector_store %arg13[%swap3A_1000, %swap3A_1001], %broadcast_in_dim3A_7 {strides = array<i32>} : memref<33x128xf32, #tpu.memory_space<vmem>>, vector<16xf32>,
    %swap3A_1003 = arith.constant 31 : i32
    %swap3A_1004 = arith.index_cast %swap3A_1003 : i32 to index
    %swap3A_1005 = arith.constant 16 : index
    %swap3A_1006 = tpu.vector_load %arg13[%swap3A_1004, %swap3A_1005] {strides = array<i32>} : memref<33x128xf32, #tpu.memory_space<vmem>>, vector<16xf32>,
    tpu.vector_store %arg13[%swap3A_1004, %swap3A_1005], %broadcast_in_dim3A_7 {strides = array<i32>} : memref<33x128xf32, #tpu.memory_space<vmem>>, vector<16xf32>,
    %swap3A_1007 = arith.constant 31 : i32
    %swap3A_1008 = arith.index_cast %swap3A_1007 : i32 to index
    %swap3A_1009 = arith.constant 32 : index
    %swap3A_1010 = tpu.vector_load %arg13[%swap3A_1008, %swap3A_1009] {strides = array<i32>} : memref<33x128xf32, #tpu.memory_space<vmem>>, vector<16xf32>,
    tpu.vector_store %arg13[%swap3A_1008, %swap3A_1009], %broadcast_in_dim3A_7 {strides = array<i32>} : memref<33x128xf32, #tpu.memory_space<vmem>>, vector<16xf32>,
    %swap3A_1011 = arith.constant 31 : i32
    %swap3A_1012 = arith.index_cast %swap3A_1011 : i32 to index
    %swap3A_1013 = arith.constant 48 : index
    %swap3A_1014 = tpu.vector_load %arg13[%swap3A_1012, %swap3A_1013] {strides = array<i32>} : memref<33x128xf32, #tpu.memory_space<vmem>>, vector<16xf32>,
    tpu.vector_store %arg13[%swap3A_1012, %swap3A_1013], %broadcast_in_dim3A_7 {strides = array<i32>} : memref<33x128xf32, #tpu.memory_space<vmem>>, vector<16xf32>,
    %swap3A_1015 = arith.constant 31 : i32
    %swap3A_1016 = arith.index_cast %swap3A_1015 : i32 to index
    %swap3A_1017 = arith.constant 64 : index
    %swap3A_1018 = tpu.vector_load %arg13[%swap3A_1016, %swap3A_1017] {strides = array<i32>} : memref<33x128xf32, #tpu.memory_space<vmem>>, vector<16xf32>,
    tpu.vector_store %arg13[%swap3A_1016, %swap3A_1017], %broadcast_in_dim3A_7 {strides = array<i32>} : memref<33x128xf32, #tpu.memory_space<vmem>>, vector<16xf32>,
    %swap3A_1019 = arith.constant 31 : i32
    %swap3A_1020 = arith.index_cast %swap3A_1019 : i32 to index
    %swap3A_1021 = arith.constant 80 : index
    %swap3A_1022 = tpu.vector_load %arg13[%swap3A_1020, %swap3A_1021] {strides = array<i32>} : memref<33x128xf32, #tpu.memory_space<vmem>>, vector<16xf32>,
    tpu.vector_store %arg13[%swap3A_1020, %swap3A_1021], %broadcast_in_dim3A_7 {strides = array<i32>} : memref<33x128xf32, #tpu.memory_space<vmem>>, vector<16xf32>,
    %swap3A_1023 = arith.constant 31 : i32
    %swap3A_1024 = arith.index_cast %swap3A_1023 : i32 to index
    %swap3A_1025 = arith.constant 96 : index
    %swap3A_1026 = tpu.vector_load %arg13[%swap3A_1024, %swap3A_1025] {strides = array<i32>} : memref<33x128xf32, #tpu.memory_space<vmem>>, vector<16xf32>,
    tpu.vector_store %arg13[%swap3A_1024, %swap3A_1025], %broadcast_in_dim3A_7 {strides = array<i32>} : memref<33x128xf32, #tpu.memory_space<vmem>>, vector<16xf32>,
    %swap3A_1027 = arith.constant 31 : i32
    %swap3A_1028 = arith.index_cast %swap3A_1027 : i32 to index
    %swap3A_1029 = arith.constant 112 : index
    %swap3A_1030 = tpu.vector_load %arg13[%swap3A_1028, %swap3A_1029] {strides = array<i32>} : memref<33x128xf32, #tpu.memory_space<vmem>>, vector<16xf32>,
    tpu.vector_store %arg13[%swap3A_1028, %swap3A_1029], %broadcast_in_dim3A_7 {strides = array<i32>} : memref<33x128xf32, #tpu.memory_space<vmem>>, vector<16xf32>,
    %swap3A_1031 = arith.constant 32 : i32
    %swap3A_1032 = arith.index_cast %swap3A_1031 : i32 to index
    %swap3A_1033 = arith.constant 0 : index
    %swap3A_1034 = tpu.vector_load %arg13[%swap3A_1032, %swap3A_1033] {strides = array<i32>} : memref<33x128xf32, #tpu.memory_space<vmem>>, vector<16xf32>,
    tpu.vector_store %arg13[%swap3A_1032, %swap3A_1033], %broadcast_in_dim3A_7 {strides = array<i32>} : memref<33x128xf32, #tpu.memory_space<vmem>>, vector<16xf32>,
    %swap3A_1035 = arith.constant 32 : i32
    %swap3A_1036 = arith.index_cast %swap3A_1035 : i32 to index
    %swap3A_1037 = arith.constant 16 : index
    %swap3A_1038 = tpu.vector_load %arg13[%swap3A_1036, %swap3A_1037] {strides = array<i32>} : memref<33x128xf32, #tpu.memory_space<vmem>>, vector<16xf32>,
    tpu.vector_store %arg13[%swap3A_1036, %swap3A_1037], %broadcast_in_dim3A_7 {strides = array<i32>} : memref<33x128xf32, #tpu.memory_space<vmem>>, vector<16xf32>,
    %swap3A_1039 = arith.constant 32 : i32
    %swap3A_1040 = arith.index_cast %swap3A_1039 : i32 to index
    %swap3A_1041 = arith.constant 32 : index
    %swap3A_1042 = tpu.vector_load %arg13[%swap3A_1040, %swap3A_1041] {strides = array<i32>} : memref<33x128xf32, #tpu.memory_space<vmem>>, vector<16xf32>,
    tpu.vector_store %arg13[%swap3A_1040, %swap3A_1041], %broadcast_in_dim3A_7 {strides = array<i32>} : memref<33x128xf32, #tpu.memory_space<vmem>>, vector<16xf32>,
    %swap3A_1043 = arith.constant 32 : i32
    %swap3A_1044 = arith.index_cast %swap3A_1043 : i32 to index
    %swap3A_1045 = arith.constant 48 : index
    %swap3A_1046 = tpu.vector_load %arg13[%swap3A_1044, %swap3A_1045] {strides = array<i32>} : memref<33x128xf32, #tpu.memory_space<vmem>>, vector<16xf32>,
    tpu.vector_store %arg13[%swap3A_1044, %swap3A_1045], %broadcast_in_dim3A_7 {strides = array<i32>} : memref<33x128xf32, #tpu.memory_space<vmem>>, vector<16xf32>,
    %swap3A_1047 = arith.constant 32 : i32
    %swap3A_1048 = arith.index_cast %swap3A_1047 : i32 to index
    %swap3A_1049 = arith.constant 64 : index
    %swap3A_1050 = tpu.vector_load %arg13[%swap3A_1048, %swap3A_1049] {strides = array<i32>} : memref<33x128xf32, #tpu.memory_space<vmem>>, vector<16xf32>,
    tpu.vector_store %arg13[%swap3A_1048, %swap3A_1049], %broadcast_in_dim3A_7 {strides = array<i32>} : memref<33x128xf32, #tpu.memory_space<vmem>>, vector<16xf32>,
    %swap3A_1051 = arith.constant 32 : i32
    %swap3A_1052 = arith.index_cast %swap3A_1051 : i32 to index
    %swap3A_1053 = arith.constant 80 : index
    %swap3A_1054 = tpu.vector_load %arg13[%swap3A_1052, %swap3A_1053] {strides = array<i32>} : memref<33x128xf32, #tpu.memory_space<vmem>>, vector<16xf32>,
    tpu.vector_store %arg13[%swap3A_1052, %swap3A_1053], %broadcast_in_dim3A_7 {strides = array<i32>} : memref<33x128xf32, #tpu.memory_space<vmem>>, vector<16xf32>,
    %swap3A_1055 = arith.constant 32 : i32
    %swap3A_1056 = arith.index_cast %swap3A_1055 : i32 to index
    %swap3A_1057 = arith.constant 96 : index
    %swap3A_1058 = tpu.vector_load %arg13[%swap3A_1056, %swap3A_1057] {strides = array<i32>} : memref<33x128xf32, #tpu.memory_space<vmem>>, vector<16xf32>,
    tpu.vector_store %arg13[%swap3A_1056, %swap3A_1057], %broadcast_in_dim3A_7 {strides = array<i32>} : memref<33x128xf32, #tpu.memory_space<vmem>>, vector<16xf32>,
    %swap3A_1059 = arith.constant 32 : i32
    %swap3A_1060 = arith.index_cast %swap3A_1059 : i32 to index
    %swap3A_1061 = arith.constant 112 : index
    %swap3A_1062 = tpu.vector_load %arg13[%swap3A_1060, %swap3A_1061] {strides = array<i32>} : memref<33x128xf32, #tpu.memory_space<vmem>>, vector<16xf32>,
    tpu.vector_store %arg13[%swap3A_1060, %swap3A_1061], %broadcast_in_dim3A_7 {strides = array<i32>} : memref<33x128xf32, #tpu.memory_space<vmem>>, vector<16xf32>,
    %mul3A_1063 = arith.constant 33 : i32
    %mul3A_1064 = arith.muli %arg1, %mul3A_1063 : i32
    %dma_start3A = arith.constant 0 : i32
    %dma_start3A_1065 = tpu.memref_slice %arg14[%mul3A_1064, %dma_start3A] : memref<528x128xf32, #tpu.memory_space<vmem_shared>> -> memref<33x128xf32, #tpu.memory_space<vmem_shared>>
    %dma_start3A_1066 = arith.constant 0 : i32
    %dma_start3A_1067 = tpu.memref_slice %arg14[%mul3A_1064, %dma_start3A_1066] : memref<528x128xf32, #tpu.memory_space<vmem_shared>> -> memref<33x128xf32, #tpu.memory_space<vmem_shared>>
    tpu.enqueue_dma source(%arg13 : memref<33x128xf32, #tpu.memory_space<vmem>>) target(%dma_start3A_1067 : memref<33x128xf32, #tpu.memory_space<vmem_shared>>) target_semaphore(%arg16 : memref<!tpu.dma_semaphore, #tpu.memory_space<semaphore_mem>>)
    tpu.wait_dma2 semaphore(%arg15 : memref<!tpu.dma_semaphore, #tpu.memory_space<semaphore_mem>>) src(%arg6 : memref<66x8xi32, #tpu.memory_space<hbm>>) dst(%arg11 : memref<66x8xi32, #tpu.memory_space<vmem>>)
    %get3A = arith.constant 0 : index
    %get3A_1068 = tpu.vector_load %arg9[%get3A] {strides = array<i32>} : memref<3200xi32, #tpu.memory_space<vmem>>, vector<16xi32>,
    %reduce_min3A = arith.constant true
    %reduce_min3A_1069 = vector.broadcast %reduce_min3A : i1 to vector<16xi1>
    %reduce_min3A_1070 = arith.constant -2147483648 : i32
    %reduce_min3A_1071 = vector.broadcast %reduce_min3A_1070 : i32 to vector<16xi32>
    %reduce_min3A_1072 = arith.xori %get3A_1068, %reduce_min3A_1071 : vector<16xi32>
    %reduce_min3A_1073 = tpu.scan <min>, %reduce_min3A_1072 masked %reduce_min3A_1069 : vector<16xi32>, vector<16xi1> -> vector<16xi32>
    %reduce_min3A_1074 = arith.xori %reduce_min3A_1073, %reduce_min3A_1071 : vector<16xi32>
    %reduce_min3A_1075 = vector.extract %reduce_min3A_1074[15] : i32 from vector<16xi32>
    %get3A_1076 = arith.constant 3184 : index
    %get3A_1077 = tpu.vector_load %arg9[%get3A_1076] {strides = array<i32>} : memref<3200xi32, #tpu.memory_space<vmem>>, vector<16xi32>,
    %reduce_max3A = arith.constant true
    %reduce_max3A_1078 = vector.broadcast %reduce_max3A : i1 to vector<16xi1>
    %reduce_max3A_1079 = arith.constant -2147483648 : i32
    %reduce_max3A_1080 = vector.broadcast %reduce_max3A_1079 : i32 to vector<16xi32>
    %reduce_max3A_1081 = arith.xori %get3A_1077, %reduce_max3A_1080 : vector<16xi32>
    %reduce_max3A_1082 = tpu.scan <max>, %reduce_max3A_1081 masked %reduce_max3A_1078 : vector<16xi32>, vector<16xi1> -> vector<16xi32>
    %reduce_max3A_1083 = arith.xori %reduce_max3A_1082, %reduce_max3A_1080 : vector<16xi32>
    %reduce_max3A_1084 = vector.extract %reduce_max3A_1083[15] : i32 from vector<16xi32>
    %jit3A = arith.constant 8 : i32
    %div3A = arith.divsi %reduce_min3A_1075, %jit3A : i32
    %sign3A = arith.constant 0 : i32
    %sign3A_1085 = arith.cmpi sgt, %reduce_min3A_1075, %sign3A : i32
    %sign3A_1086 = arith.extui %sign3A_1085 : i1 to i32
    %sign3A_1087 = arith.constant 0 : i32
    %sign3A_1088 = arith.cmpi slt, %reduce_min3A_1075, %sign3A_1087 : i32
    %sign3A_1089 = arith.extui %sign3A_1088 : i1 to i32
    %sign3A_1090 = arith.subi %sign3A_1086, %sign3A_1089 : i32
    %sign3A_1091 = arith.constant 0 : i32
    %sign3A_1092 = arith.cmpi sgt, %jit3A, %sign3A_1091 : i32
    %sign3A_1093 = arith.extui %sign3A_1092 : i1 to i32
    %sign3A_1094 = arith.constant 0 : i32
    %sign3A_1095 = arith.cmpi slt, %jit3A, %sign3A_1094 : i32
    %sign3A_1096 = arith.extui %sign3A_1095 : i1 to i32
    %sign3A_1097 = arith.subi %sign3A_1093, %sign3A_1096 : i32
    %ne3A = arith.cmpi ne, %sign3A_1090, %sign3A_1097 : i32
    %rem3A = arith.remsi %reduce_min3A_1075, %jit3A : i32
    %ne3A_1098 = arith.constant 0 : i32
    %ne3A_1099 = arith.cmpi ne, %rem3A, %ne3A_1098 : i32
    %and3A = arith.andi %ne3A, %ne3A_1099 : i1
    %sub3A = arith.constant 1 : i32
    %sub3A_1100 = arith.subi %div3A, %sub3A : i32
    %select_n3A = arith.select %and3A, %sub3A_1100, %div3A : i32
    %jit3A_1101 = arith.constant 8 : i32
    %div3A_1102 = arith.divsi %reduce_max3A_1084, %jit3A_1101 : i32
    %sign3A_1103 = arith.constant 0 : i32
    %sign3A_1104 = arith.cmpi sgt, %reduce_max3A_1084, %sign3A_1103 : i32
    %sign3A_1105 = arith.extui %sign3A_1104 : i1 to i32
    %sign3A_1106 = arith.constant 0 : i32
    %sign3A_1107 = arith.cmpi slt, %reduce_max3A_1084, %sign3A_1106 : i32
    %sign3A_1108 = arith.extui %sign3A_1107 : i1 to i32
    %sign3A_1109 = arith.subi %sign3A_1105, %sign3A_1108 : i32
    %sign3A_1110 = arith.constant 0 : i32
    %sign3A_1111 = arith.cmpi sgt, %jit3A_1101, %sign3A_1110 : i32
    %sign3A_1112 = arith.extui %sign3A_1111 : i1 to i32
    %sign3A_1113 = arith.constant 0 : i32
    %sign3A_1114 = arith.cmpi slt, %jit3A_1101, %sign3A_1113 : i32
    %sign3A_1115 = arith.extui %sign3A_1114 : i1 to i32
    %sign3A_1116 = arith.subi %sign3A_1112, %sign3A_1115 : i32
    %ne3A_1117 = arith.cmpi ne, %sign3A_1109, %sign3A_1116 : i32
    %rem3A_1118 = arith.remsi %reduce_max3A_1084, %jit3A_1101 : i32
    %ne3A_1119 = arith.constant 0 : i32
    %ne3A_1120 = arith.cmpi ne, %rem3A_1118, %ne3A_1119 : i32
    %and3A_1121 = arith.andi %ne3A_1117, %ne3A_1120 : i1
    %sub3A_1122 = arith.constant 1 : i32
    %sub3A_1123 = arith.subi %div3A_1102, %sub3A_1122 : i32
    %select_n3A_1124 = arith.select %and3A_1121, %sub3A_1123, %div3A_1102 : i32
    %add3A_1125 = arith.constant 1 : i32
    %add3A_1126 = arith.addi %select_n3A_1124, %add3A_1125 : i32
    %while3A = arith.constant 0 : i32
    %while3A_1127 = arith.subi %add3A_1126, %select_n3A : i32
    %while3A_1128 = arith.addi %select_n3A, %while3A_1127 : i32
    %while3A_1129 = arith.constant 1 : i32
    %while3A_1130 = arith.divsi %while3A_1127, %while3A_1129 : i32
    %while3A_1131 = arith.muli %while3A_1130, %while3A_1129 : i32
    %while3A_1132 = arith.addi %select_n3A, %while3A_1131 : i32
    %while3A_1133 = arith.constant 1 : i32
    scf.for %while3A_1177 = %select_n3A to %while3A_1132 step %while3A_1133  : i32 {
      %mul3A_1178 = arith.constant 8 : i32
      %mul3A_1179 = arith.muli %while3A_1177, %mul3A_1178 : i32
      %add3A_1180 = arith.constant 0 : i32
      %add3A_1181 = arith.addi %mul3A_1179, %add3A_1180 : i32
      %swap3A_1182 = arith.index_cast %add3A_1181 : i32 to index
      %swap3A_1183 = arith.constant 0 : index
      %swap3A_1184 = tpu.vector_load %arg12[%swap3A_1182, %swap3A_1183] {strides = array<i32>} : memref<528x128xf32, #tpu.memory_space<vmem>>, vector<16xf32>,
      tpu.vector_store %arg12[%swap3A_1182, %swap3A_1183], %broadcast_in_dim3A_7 {strides = array<i32>} : memref<528x128xf32, #tpu.memory_space<vmem>>, vector<16xf32>,
      %mul3A_1185 = arith.constant 8 : i32
      %mul3A_1186 = arith.muli %while3A_1177, %mul3A_1185 : i32
      %add3A_1187 = arith.constant 0 : i32
      %add3A_1188 = arith.addi %mul3A_1186, %add3A_1187 : i32
      %swap3A_1189 = arith.index_cast %add3A_1188 : i32 to index
      %swap3A_1190 = arith.constant 16 : index
      %swap3A_1191 = tpu.vector_load %arg12[%swap3A_1189, %swap3A_1190] {strides = array<i32>} : memref<528x128xf32, #tpu.memory_space<vmem>>, vector<16xf32>,
      tpu.vector_store %arg12[%swap3A_1189, %swap3A_1190], %broadcast_in_dim3A_7 {strides = array<i32>} : memref<528x128xf32, #tpu.memory_space<vmem>>, vector<16xf32>,
      %mul3A_1192 = arith.constant 8 : i32
      %mul3A_1193 = arith.muli %while3A_1177, %mul3A_1192 : i32
      %add3A_1194 = arith.constant 0 : i32
      %add3A_1195 = arith.addi %mul3A_1193, %add3A_1194 : i32
      %swap3A_1196 = arith.index_cast %add3A_1195 : i32 to index
      %swap3A_1197 = arith.constant 32 : index
      %swap3A_1198 = tpu.vector_load %arg12[%swap3A_1196, %swap3A_1197] {strides = array<i32>} : memref<528x128xf32, #tpu.memory_space<vmem>>, vector<16xf32>,
      tpu.vector_store %arg12[%swap3A_1196, %swap3A_1197], %broadcast_in_dim3A_7 {strides = array<i32>} : memref<528x128xf32, #tpu.memory_space<vmem>>, vector<16xf32>,
      %mul3A_1199 = arith.constant 8 : i32
      %mul3A_1200 = arith.muli %while3A_1177, %mul3A_1199 : i32
      %add3A_1201 = arith.constant 0 : i32
      %add3A_1202 = arith.addi %mul3A_1200, %add3A_1201 : i32
      %swap3A_1203 = arith.index_cast %add3A_1202 : i32 to index
      %swap3A_1204 = arith.constant 48 : index
      %swap3A_1205 = tpu.vector_load %arg12[%swap3A_1203, %swap3A_1204] {strides = array<i32>} : memref<528x128xf32, #tpu.memory_space<vmem>>, vector<16xf32>,
      tpu.vector_store %arg12[%swap3A_1203, %swap3A_1204], %broadcast_in_dim3A_7 {strides = array<i32>} : memref<528x128xf32, #tpu.memory_space<vmem>>, vector<16xf32>,
      %mul3A_1206 = arith.constant 8 : i32
      %mul3A_1207 = arith.muli %while3A_1177, %mul3A_1206 : i32
      %add3A_1208 = arith.constant 0 : i32
      %add3A_1209 = arith.addi %mul3A_1207, %add3A_1208 : i32
      %swap3A_1210 = arith.index_cast %add3A_1209 : i32 to index
      %swap3A_1211 = arith.constant 64 : index
      %swap3A_1212 = tpu.vector_load %arg12[%swap3A_1210, %swap3A_1211] {strides = array<i32>} : memref<528x128xf32, #tpu.memory_space<vmem>>, vector<16xf32>,
      tpu.vector_store %arg12[%swap3A_1210, %swap3A_1211], %broadcast_in_dim3A_7 {strides = array<i32>} : memref<528x128xf32, #tpu.memory_space<vmem>>, vector<16xf32>,
      %mul3A_1213 = arith.constant 8 : i32
      %mul3A_1214 = arith.muli %while3A_1177, %mul3A_1213 : i32
      %add3A_1215 = arith.constant 0 : i32
      %add3A_1216 = arith.addi %mul3A_1214, %add3A_1215 : i32
      %swap3A_1217 = arith.index_cast %add3A_1216 : i32 to index
      %swap3A_1218 = arith.constant 80 : index
      %swap3A_1219 = tpu.vector_load %arg12[%swap3A_1217, %swap3A_1218] {strides = array<i32>} : memref<528x128xf32, #tpu.memory_space<vmem>>, vector<16xf32>,
      tpu.vector_store %arg12[%swap3A_1217, %swap3A_1218], %broadcast_in_dim3A_7 {strides = array<i32>} : memref<528x128xf32, #tpu.memory_space<vmem>>, vector<16xf32>,
      %mul3A_1220 = arith.constant 8 : i32
      %mul3A_1221 = arith.muli %while3A_1177, %mul3A_1220 : i32
      %add3A_1222 = arith.constant 0 : i32
      %add3A_1223 = arith.addi %mul3A_1221, %add3A_1222 : i32
      %swap3A_1224 = arith.index_cast %add3A_1223 : i32 to index
      %swap3A_1225 = arith.constant 96 : index
      %swap3A_1226 = tpu.vector_load %arg12[%swap3A_1224, %swap3A_1225] {strides = array<i32>} : memref<528x128xf32, #tpu.memory_space<vmem>>, vector<16xf32>,
      tpu.vector_store %arg12[%swap3A_1224, %swap3A_1225], %broadcast_in_dim3A_7 {strides = array<i32>} : memref<528x128xf32, #tpu.memory_space<vmem>>, vector<16xf32>,
      %mul3A_1227 = arith.constant 8 : i32
      %mul3A_1228 = arith.muli %while3A_1177, %mul3A_1227 : i32
      %add3A_1229 = arith.constant 0 : i32
      %add3A_1230 = arith.addi %mul3A_1228, %add3A_1229 : i32
      %swap3A_1231 = arith.index_cast %add3A_1230 : i32 to index
      %swap3A_1232 = arith.constant 112 : index
      %swap3A_1233 = tpu.vector_load %arg12[%swap3A_1231, %swap3A_1232] {strides = array<i32>} : memref<528x128xf32, #tpu.memory_space<vmem>>, vector<16xf32>,
      tpu.vector_store %arg12[%swap3A_1231, %swap3A_1232], %broadcast_in_dim3A_7 {strides = array<i32>} : memref<528x128xf32, #tpu.memory_space<vmem>>, vector<16xf32>,
      %mul3A_1234 = arith.constant 8 : i32
      %mul3A_1235 = arith.muli %while3A_1177, %mul3A_1234 : i32
      %add3A_1236 = arith.constant 1 : i32
      %add3A_1237 = arith.addi %mul3A_1235, %add3A_1236 : i32
      %swap3A_1238 = arith.index_cast %add3A_1237 : i32 to index
      %swap3A_1239 = arith.constant 0 : index
      %swap3A_1240 = tpu.vector_load %arg12[%swap3A_1238, %swap3A_1239] {strides = array<i32>} : memref<528x128xf32, #tpu.memory_space<vmem>>, vector<16xf32>,
      tpu.vector_store %arg12[%swap3A_1238, %swap3A_1239], %broadcast_in_dim3A_7 {strides = array<i32>} : memref<528x128xf32, #tpu.memory_space<vmem>>, vector<16xf32>,
      %mul3A_1241 = arith.constant 8 : i32
      %mul3A_1242 = arith.muli %while3A_1177, %mul3A_1241 : i32
      %add3A_1243 = arith.constant 1 : i32
      %add3A_1244 = arith.addi %mul3A_1242, %add3A_1243 : i32
      %swap3A_1245 = arith.index_cast %add3A_1244 : i32 to index
      %swap3A_1246 = arith.constant 16 : index
      %swap3A_1247 = tpu.vector_load %arg12[%swap3A_1245, %swap3A_1246] {strides = array<i32>} : memref<528x128xf32, #tpu.memory_space<vmem>>, vector<16xf32>,
      tpu.vector_store %arg12[%swap3A_1245, %swap3A_1246], %broadcast_in_dim3A_7 {strides = array<i32>} : memref<528x128xf32, #tpu.memory_space<vmem>>, vector<16xf32>,
      %mul3A_1248 = arith.constant 8 : i32
      %mul3A_1249 = arith.muli %while3A_1177, %mul3A_1248 : i32
      %add3A_1250 = arith.constant 1 : i32
      %add3A_1251 = arith.addi %mul3A_1249, %add3A_1250 : i32
      %swap3A_1252 = arith.index_cast %add3A_1251 : i32 to index
      %swap3A_1253 = arith.constant 32 : index
      %swap3A_1254 = tpu.vector_load %arg12[%swap3A_1252, %swap3A_1253] {strides = array<i32>} : memref<528x128xf32, #tpu.memory_space<vmem>>, vector<16xf32>,
      tpu.vector_store %arg12[%swap3A_1252, %swap3A_1253], %broadcast_in_dim3A_7 {strides = array<i32>} : memref<528x128xf32, #tpu.memory_space<vmem>>, vector<16xf32>,
      %mul3A_1255 = arith.constant 8 : i32
      %mul3A_1256 = arith.muli %while3A_1177, %mul3A_1255 : i32
      %add3A_1257 = arith.constant 1 : i32
      %add3A_1258 = arith.addi %mul3A_1256, %add3A_1257 : i32
      %swap3A_1259 = arith.index_cast %add3A_1258 : i32 to index
      %swap3A_1260 = arith.constant 48 : index
      %swap3A_1261 = tpu.vector_load %arg12[%swap3A_1259, %swap3A_1260] {strides = array<i32>} : memref<528x128xf32, #tpu.memory_space<vmem>>, vector<16xf32>,
      tpu.vector_store %arg12[%swap3A_1259, %swap3A_1260], %broadcast_in_dim3A_7 {strides = array<i32>} : memref<528x128xf32, #tpu.memory_space<vmem>>, vector<16xf32>,
      %mul3A_1262 = arith.constant 8 : i32
      %mul3A_1263 = arith.muli %while3A_1177, %mul3A_1262 : i32
      %add3A_1264 = arith.constant 1 : i32
      %add3A_1265 = arith.addi %mul3A_1263, %add3A_1264 : i32
      %swap3A_1266 = arith.index_cast %add3A_1265 : i32 to index
      %swap3A_1267 = arith.constant 64 : index
      %swap3A_1268 = tpu.vector_load %arg12[%swap3A_1266, %swap3A_1267] {strides = array<i32>} : memref<528x128xf32, #tpu.memory_space<vmem>>, vector<16xf32>,
      tpu.vector_store %arg12[%swap3A_1266, %swap3A_1267], %broadcast_in_dim3A_7 {strides = array<i32>} : memref<528x128xf32, #tpu.memory_space<vmem>>, vector<16xf32>,
      %mul3A_1269 = arith.constant 8 : i32
      %mul3A_1270 = arith.muli %while3A_1177, %mul3A_1269 : i32
      %add3A_1271 = arith.constant 1 : i32
      %add3A_1272 = arith.addi %mul3A_1270, %add3A_1271 : i32
      %swap3A_1273 = arith.index_cast %add3A_1272 : i32 to index
      %swap3A_1274 = arith.constant 80 : index
      %swap3A_1275 = tpu.vector_load %arg12[%swap3A_1273, %swap3A_1274] {strides = array<i32>} : memref<528x128xf32, #tpu.memory_space<vmem>>, vector<16xf32>,
      tpu.vector_store %arg12[%swap3A_1273, %swap3A_1274], %broadcast_in_dim3A_7 {strides = array<i32>} : memref<528x128xf32, #tpu.memory_space<vmem>>, vector<16xf32>,
      %mul3A_1276 = arith.constant 8 : i32
      %mul3A_1277 = arith.muli %while3A_1177, %mul3A_1276 : i32
      %add3A_1278 = arith.constant 1 : i32
      %add3A_1279 = arith.addi %mul3A_1277, %add3A_1278 : i32
      %swap3A_1280 = arith.index_cast %add3A_1279 : i32 to index
      %swap3A_1281 = arith.constant 96 : index
      %swap3A_1282 = tpu.vector_load %arg12[%swap3A_1280, %swap3A_1281] {strides = array<i32>} : memref<528x128xf32, #tpu.memory_space<vmem>>, vector<16xf32>,
      tpu.vector_store %arg12[%swap3A_1280, %swap3A_1281], %broadcast_in_dim3A_7 {strides = array<i32>} : memref<528x128xf32, #tpu.memory_space<vmem>>, vector<16xf32>,
      %mul3A_1283 = arith.constant 8 : i32
      %mul3A_1284 = arith.muli %while3A_1177, %mul3A_1283 : i32
      %add3A_1285 = arith.constant 1 : i32
      %add3A_1286 = arith.addi %mul3A_1284, %add3A_1285 : i32
      %swap3A_1287 = arith.index_cast %add3A_1286 : i32 to index
      %swap3A_1288 = arith.constant 112 : index
      %swap3A_1289 = tpu.vector_load %arg12[%swap3A_1287, %swap3A_1288] {strides = array<i32>} : memref<528x128xf32, #tpu.memory_space<vmem>>, vector<16xf32>,
      tpu.vector_store %arg12[%swap3A_1287, %swap3A_1288], %broadcast_in_dim3A_7 {strides = array<i32>} : memref<528x128xf32, #tpu.memory_space<vmem>>, vector<16xf32>,
      %mul3A_1290 = arith.constant 8 : i32
      %mul3A_1291 = arith.muli %while3A_1177, %mul3A_1290 : i32
      %add3A_1292 = arith.constant 2 : i32
      %add3A_1293 = arith.addi %mul3A_1291, %add3A_1292 : i32
      %swap3A_1294 = arith.index_cast %add3A_1293 : i32 to index
      %swap3A_1295 = arith.constant 0 : index
      %swap3A_1296 = tpu.vector_load %arg12[%swap3A_1294, %swap3A_1295] {strides = array<i32>} : memref<528x128xf32, #tpu.memory_space<vmem>>, vector<16xf32>,
      tpu.vector_store %arg12[%swap3A_1294, %swap3A_1295], %broadcast_in_dim3A_7 {strides = array<i32>} : memref<528x128xf32, #tpu.memory_space<vmem>>, vector<16xf32>,
      %mul3A_1297 = arith.constant 8 : i32
      %mul3A_1298 = arith.muli %while3A_1177, %mul3A_1297 : i32
      %add3A_1299 = arith.constant 2 : i32
      %add3A_1300 = arith.addi %mul3A_1298, %add3A_1299 : i32
      %swap3A_1301 = arith.index_cast %add3A_1300 : i32 to index
      %swap3A_1302 = arith.constant 16 : index
      %swap3A_1303 = tpu.vector_load %arg12[%swap3A_1301, %swap3A_1302] {strides = array<i32>} : memref<528x128xf32, #tpu.memory_space<vmem>>, vector<16xf32>,
      tpu.vector_store %arg12[%swap3A_1301, %swap3A_1302], %broadcast_in_dim3A_7 {strides = array<i32>} : memref<528x128xf32, #tpu.memory_space<vmem>>, vector<16xf32>,
      %mul3A_1304 = arith.constant 8 : i32
      %mul3A_1305 = arith.muli %while3A_1177, %mul3A_1304 : i32
      %add3A_1306 = arith.constant 2 : i32
      %add3A_1307 = arith.addi %mul3A_1305, %add3A_1306 : i32
      %swap3A_1308 = arith.index_cast %add3A_1307 : i32 to index
      %swap3A_1309 = arith.constant 32 : index
      %swap3A_1310 = tpu.vector_load %arg12[%swap3A_1308, %swap3A_1309] {strides = array<i32>} : memref<528x128xf32, #tpu.memory_space<vmem>>, vector<16xf32>,
      tpu.vector_store %arg12[%swap3A_1308, %swap3A_1309], %broadcast_in_dim3A_7 {strides = array<i32>} : memref<528x128xf32, #tpu.memory_space<vmem>>, vector<16xf32>,
      %mul3A_1311 = arith.constant 8 : i32
      %mul3A_1312 = arith.muli %while3A_1177, %mul3A_1311 : i32
      %add3A_1313 = arith.constant 2 : i32
      %add3A_1314 = arith.addi %mul3A_1312, %add3A_1313 : i32
      %swap3A_1315 = arith.index_cast %add3A_1314 : i32 to index
      %swap3A_1316 = arith.constant 48 : index
      %swap3A_1317 = tpu.vector_load %arg12[%swap3A_1315, %swap3A_1316] {strides = array<i32>} : memref<528x128xf32, #tpu.memory_space<vmem>>, vector<16xf32>,
      tpu.vector_store %arg12[%swap3A_1315, %swap3A_1316], %broadcast_in_dim3A_7 {strides = array<i32>} : memref<528x128xf32, #tpu.memory_space<vmem>>, vector<16xf32>,
      %mul3A_1318 = arith.constant 8 : i32
      %mul3A_1319 = arith.muli %while3A_1177, %mul3A_1318 : i32
      %add3A_1320 = arith.constant 2 : i32
      %add3A_1321 = arith.addi %mul3A_1319, %add3A_1320 : i32
      %swap3A_1322 = arith.index_cast %add3A_1321 : i32 to index
      %swap3A_1323 = arith.constant 64 : index
      %swap3A_1324 = tpu.vector_load %arg12[%swap3A_1322, %swap3A_1323] {strides = array<i32>} : memref<528x128xf32, #tpu.memory_space<vmem>>, vector<16xf32>,
      tpu.vector_store %arg12[%swap3A_1322, %swap3A_1323], %broadcast_in_dim3A_7 {strides = array<i32>} : memref<528x128xf32, #tpu.memory_space<vmem>>, vector<16xf32>,
      %mul3A_1325 = arith.constant 8 : i32
      %mul3A_1326 = arith.muli %while3A_1177, %mul3A_1325 : i32
      %add3A_1327 = arith.constant 2 : i32
      %add3A_1328 = arith.addi %mul3A_1326, %add3A_1327 : i32
      %swap3A_1329 = arith.index_cast %add3A_1328 : i32 to index
      %swap3A_1330 = arith.constant 80 : index
      %swap3A_1331 = tpu.vector_load %arg12[%swap3A_1329, %swap3A_1330] {strides = array<i32>} : memref<528x128xf32, #tpu.memory_space<vmem>>, vector<16xf32>,
      tpu.vector_store %arg12[%swap3A_1329, %swap3A_1330], %broadcast_in_dim3A_7 {strides = array<i32>} : memref<528x128xf32, #tpu.memory_space<vmem>>, vector<16xf32>,
      %mul3A_1332 = arith.constant 8 : i32
      %mul3A_1333 = arith.muli %while3A_1177, %mul3A_1332 : i32
      %add3A_1334 = arith.constant 2 : i32
      %add3A_1335 = arith.addi %mul3A_1333, %add3A_1334 : i32
      %swap3A_1336 = arith.index_cast %add3A_1335 : i32 to index
      %swap3A_1337 = arith.constant 96 : index
      %swap3A_1338 = tpu.vector_load %arg12[%swap3A_1336, %swap3A_1337] {strides = array<i32>} : memref<528x128xf32, #tpu.memory_space<vmem>>, vector<16xf32>,
      tpu.vector_store %arg12[%swap3A_1336, %swap3A_1337], %broadcast_in_dim3A_7 {strides = array<i32>} : memref<528x128xf32, #tpu.memory_space<vmem>>, vector<16xf32>,
      %mul3A_1339 = arith.constant 8 : i32
      %mul3A_1340 = arith.muli %while3A_1177, %mul3A_1339 : i32
      %add3A_1341 = arith.constant 2 : i32
      %add3A_1342 = arith.addi %mul3A_1340, %add3A_1341 : i32
      %swap3A_1343 = arith.index_cast %add3A_1342 : i32 to index
      %swap3A_1344 = arith.constant 112 : index
      %swap3A_1345 = tpu.vector_load %arg12[%swap3A_1343, %swap3A_1344] {strides = array<i32>} : memref<528x128xf32, #tpu.memory_space<vmem>>, vector<16xf32>,
      tpu.vector_store %arg12[%swap3A_1343, %swap3A_1344], %broadcast_in_dim3A_7 {strides = array<i32>} : memref<528x128xf32, #tpu.memory_space<vmem>>, vector<16xf32>,
      %mul3A_1346 = arith.constant 8 : i32
      %mul3A_1347 = arith.muli %while3A_1177, %mul3A_1346 : i32
      %add3A_1348 = arith.constant 3 : i32
      %add3A_1349 = arith.addi %mul3A_1347, %add3A_1348 : i32
      %swap3A_1350 = arith.index_cast %add3A_1349 : i32 to index
      %swap3A_1351 = arith.constant 0 : index
      %swap3A_1352 = tpu.vector_load %arg12[%swap3A_1350, %swap3A_1351] {strides = array<i32>} : memref<528x128xf32, #tpu.memory_space<vmem>>, vector<16xf32>,
      tpu.vector_store %arg12[%swap3A_1350, %swap3A_1351], %broadcast_in_dim3A_7 {strides = array<i32>} : memref<528x128xf32, #tpu.memory_space<vmem>>, vector<16xf32>,
      %mul3A_1353 = arith.constant 8 : i32
      %mul3A_1354 = arith.muli %while3A_1177, %mul3A_1353 : i32
      %add3A_1355 = arith.constant 3 : i32
      %add3A_1356 = arith.addi %mul3A_1354, %add3A_1355 : i32
      %swap3A_1357 = arith.index_cast %add3A_1356 : i32 to index
      %swap3A_1358 = arith.constant 16 : index
      %swap3A_1359 = tpu.vector_load %arg12[%swap3A_1357, %swap3A_1358] {strides = array<i32>} : memref<528x128xf32, #tpu.memory_space<vmem>>, vector<16xf32>,
      tpu.vector_store %arg12[%swap3A_1357, %swap3A_1358], %broadcast_in_dim3A_7 {strides = array<i32>} : memref<528x128xf32, #tpu.memory_space<vmem>>, vector<16xf32>,
      %mul3A_1360 = arith.constant 8 : i32
      %mul3A_1361 = arith.muli %while3A_1177, %mul3A_1360 : i32
      %add3A_1362 = arith.constant 3 : i32
      %add3A_1363 = arith.addi %mul3A_1361, %add3A_1362 : i32
      %swap3A_1364 = arith.index_cast %add3A_1363 : i32 to index
      %swap3A_1365 = arith.constant 32 : index
      %swap3A_1366 = tpu.vector_load %arg12[%swap3A_1364, %swap3A_1365] {strides = array<i32>} : memref<528x128xf32, #tpu.memory_space<vmem>>, vector<16xf32>,
      tpu.vector_store %arg12[%swap3A_1364, %swap3A_1365], %broadcast_in_dim3A_7 {strides = array<i32>} : memref<528x128xf32, #tpu.memory_space<vmem>>, vector<16xf32>,
      %mul3A_1367 = arith.constant 8 : i32
      %mul3A_1368 = arith.muli %while3A_1177, %mul3A_1367 : i32
      %add3A_1369 = arith.constant 3 : i32
      %add3A_1370 = arith.addi %mul3A_1368, %add3A_1369 : i32
      %swap3A_1371 = arith.index_cast %add3A_1370 : i32 to index
      %swap3A_1372 = arith.constant 48 : index
      %swap3A_1373 = tpu.vector_load %arg12[%swap3A_1371, %swap3A_1372] {strides = array<i32>} : memref<528x128xf32, #tpu.memory_space<vmem>>, vector<16xf32>,
      tpu.vector_store %arg12[%swap3A_1371, %swap3A_1372], %broadcast_in_dim3A_7 {strides = array<i32>} : memref<528x128xf32, #tpu.memory_space<vmem>>, vector<16xf32>,
      %mul3A_1374 = arith.constant 8 : i32
      %mul3A_1375 = arith.muli %while3A_1177, %mul3A_1374 : i32
      %add3A_1376 = arith.constant 3 : i32
      %add3A_1377 = arith.addi %mul3A_1375, %add3A_1376 : i32
      %swap3A_1378 = arith.index_cast %add3A_1377 : i32 to index
      %swap3A_1379 = arith.constant 64 : index
      %swap3A_1380 = tpu.vector_load %arg12[%swap3A_1378, %swap3A_1379] {strides = array<i32>} : memref<528x128xf32, #tpu.memory_space<vmem>>, vector<16xf32>,
      tpu.vector_store %arg12[%swap3A_1378, %swap3A_1379], %broadcast_in_dim3A_7 {strides = array<i32>} : memref<528x128xf32, #tpu.memory_space<vmem>>, vector<16xf32>,
      %mul3A_1381 = arith.constant 8 : i32
      %mul3A_1382 = arith.muli %while3A_1177, %mul3A_1381 : i32
      %add3A_1383 = arith.constant 3 : i32
      %add3A_1384 = arith.addi %mul3A_1382, %add3A_1383 : i32
      %swap3A_1385 = arith.index_cast %add3A_1384 : i32 to index
      %swap3A_1386 = arith.constant 80 : index
      %swap3A_1387 = tpu.vector_load %arg12[%swap3A_1385, %swap3A_1386] {strides = array<i32>} : memref<528x128xf32, #tpu.memory_space<vmem>>, vector<16xf32>,
      tpu.vector_store %arg12[%swap3A_1385, %swap3A_1386], %broadcast_in_dim3A_7 {strides = array<i32>} : memref<528x128xf32, #tpu.memory_space<vmem>>, vector<16xf32>,
      %mul3A_1388 = arith.constant 8 : i32
      %mul3A_1389 = arith.muli %while3A_1177, %mul3A_1388 : i32
      %add3A_1390 = arith.constant 3 : i32
      %add3A_1391 = arith.addi %mul3A_1389, %add3A_1390 : i32
      %swap3A_1392 = arith.index_cast %add3A_1391 : i32 to index
      %swap3A_1393 = arith.constant 96 : index
      %swap3A_1394 = tpu.vector_load %arg12[%swap3A_1392, %swap3A_1393] {strides = array<i32>} : memref<528x128xf32, #tpu.memory_space<vmem>>, vector<16xf32>,
      tpu.vector_store %arg12[%swap3A_1392, %swap3A_1393], %broadcast_in_dim3A_7 {strides = array<i32>} : memref<528x128xf32, #tpu.memory_space<vmem>>, vector<16xf32>,
      %mul3A_1395 = arith.constant 8 : i32
      %mul3A_1396 = arith.muli %while3A_1177, %mul3A_1395 : i32
      %add3A_1397 = arith.constant 3 : i32
      %add3A_1398 = arith.addi %mul3A_1396, %add3A_1397 : i32
      %swap3A_1399 = arith.index_cast %add3A_1398 : i32 to index
      %swap3A_1400 = arith.constant 112 : index
      %swap3A_1401 = tpu.vector_load %arg12[%swap3A_1399, %swap3A_1400] {strides = array<i32>} : memref<528x128xf32, #tpu.memory_space<vmem>>, vector<16xf32>,
      tpu.vector_store %arg12[%swap3A_1399, %swap3A_1400], %broadcast_in_dim3A_7 {strides = array<i32>} : memref<528x128xf32, #tpu.memory_space<vmem>>, vector<16xf32>,
      %mul3A_1402 = arith.constant 8 : i32
      %mul3A_1403 = arith.muli %while3A_1177, %mul3A_1402 : i32
      %add3A_1404 = arith.constant 4 : i32
      %add3A_1405 = arith.addi %mul3A_1403, %add3A_1404 : i32
      %swap3A_1406 = arith.index_cast %add3A_1405 : i32 to index
      %swap3A_1407 = arith.constant 0 : index
      %swap3A_1408 = tpu.vector_load %arg12[%swap3A_1406, %swap3A_1407] {strides = array<i32>} : memref<528x128xf32, #tpu.memory_space<vmem>>, vector<16xf32>,
      tpu.vector_store %arg12[%swap3A_1406, %swap3A_1407], %broadcast_in_dim3A_7 {strides = array<i32>} : memref<528x128xf32, #tpu.memory_space<vmem>>, vector<16xf32>,
      %mul3A_1409 = arith.constant 8 : i32
      %mul3A_1410 = arith.muli %while3A_1177, %mul3A_1409 : i32
      %add3A_1411 = arith.constant 4 : i32
      %add3A_1412 = arith.addi %mul3A_1410, %add3A_1411 : i32
      %swap3A_1413 = arith.index_cast %add3A_1412 : i32 to index
      %swap3A_1414 = arith.constant 16 : index
      %swap3A_1415 = tpu.vector_load %arg12[%swap3A_1413, %swap3A_1414] {strides = array<i32>} : memref<528x128xf32, #tpu.memory_space<vmem>>, vector<16xf32>,
      tpu.vector_store %arg12[%swap3A_1413, %swap3A_1414], %broadcast_in_dim3A_7 {strides = array<i32>} : memref<528x128xf32, #tpu.memory_space<vmem>>, vector<16xf32>,
      %mul3A_1416 = arith.constant 8 : i32
      %mul3A_1417 = arith.muli %while3A_1177, %mul3A_1416 : i32
      %add3A_1418 = arith.constant 4 : i32
      %add3A_1419 = arith.addi %mul3A_1417, %add3A_1418 : i32
      %swap3A_1420 = arith.index_cast %add3A_1419 : i32 to index
      %swap3A_1421 = arith.constant 32 : index
      %swap3A_1422 = tpu.vector_load %arg12[%swap3A_1420, %swap3A_1421] {strides = array<i32>} : memref<528x128xf32, #tpu.memory_space<vmem>>, vector<16xf32>,
      tpu.vector_store %arg12[%swap3A_1420, %swap3A_1421], %broadcast_in_dim3A_7 {strides = array<i32>} : memref<528x128xf32, #tpu.memory_space<vmem>>, vector<16xf32>,
      %mul3A_1423 = arith.constant 8 : i32
      %mul3A_1424 = arith.muli %while3A_1177, %mul3A_1423 : i32
      %add3A_1425 = arith.constant 4 : i32
      %add3A_1426 = arith.addi %mul3A_1424, %add3A_1425 : i32
      %swap3A_1427 = arith.index_cast %add3A_1426 : i32 to index
      %swap3A_1428 = arith.constant 48 : index
      %swap3A_1429 = tpu.vector_load %arg12[%swap3A_1427, %swap3A_1428] {strides = array<i32>} : memref<528x128xf32, #tpu.memory_space<vmem>>, vector<16xf32>,
      tpu.vector_store %arg12[%swap3A_1427, %swap3A_1428], %broadcast_in_dim3A_7 {strides = array<i32>} : memref<528x128xf32, #tpu.memory_space<vmem>>, vector<16xf32>,
      %mul3A_1430 = arith.constant 8 : i32
      %mul3A_1431 = arith.muli %while3A_1177, %mul3A_1430 : i32
      %add3A_1432 = arith.constant 4 : i32
      %add3A_1433 = arith.addi %mul3A_1431, %add3A_1432 : i32
      %swap3A_1434 = arith.index_cast %add3A_1433 : i32 to index
      %swap3A_1435 = arith.constant 64 : index
      %swap3A_1436 = tpu.vector_load %arg12[%swap3A_1434, %swap3A_1435] {strides = array<i32>} : memref<528x128xf32, #tpu.memory_space<vmem>>, vector<16xf32>,
      tpu.vector_store %arg12[%swap3A_1434, %swap3A_1435], %broadcast_in_dim3A_7 {strides = array<i32>} : memref<528x128xf32, #tpu.memory_space<vmem>>, vector<16xf32>,
      %mul3A_1437 = arith.constant 8 : i32
      %mul3A_1438 = arith.muli %while3A_1177, %mul3A_1437 : i32
      %add3A_1439 = arith.constant 4 : i32
      %add3A_1440 = arith.addi %mul3A_1438, %add3A_1439 : i32
      %swap3A_1441 = arith.index_cast %add3A_1440 : i32 to index
      %swap3A_1442 = arith.constant 80 : index
      %swap3A_1443 = tpu.vector_load %arg12[%swap3A_1441, %swap3A_1442] {strides = array<i32>} : memref<528x128xf32, #tpu.memory_space<vmem>>, vector<16xf32>,
      tpu.vector_store %arg12[%swap3A_1441, %swap3A_1442], %broadcast_in_dim3A_7 {strides = array<i32>} : memref<528x128xf32, #tpu.memory_space<vmem>>, vector<16xf32>,
      %mul3A_1444 = arith.constant 8 : i32
      %mul3A_1445 = arith.muli %while3A_1177, %mul3A_1444 : i32
      %add3A_1446 = arith.constant 4 : i32
      %add3A_1447 = arith.addi %mul3A_1445, %add3A_1446 : i32
      %swap3A_1448 = arith.index_cast %add3A_1447 : i32 to index
      %swap3A_1449 = arith.constant 96 : index
      %swap3A_1450 = tpu.vector_load %arg12[%swap3A_1448, %swap3A_1449] {strides = array<i32>} : memref<528x128xf32, #tpu.memory_space<vmem>>, vector<16xf32>,
      tpu.vector_store %arg12[%swap3A_1448, %swap3A_1449], %broadcast_in_dim3A_7 {strides = array<i32>} : memref<528x128xf32, #tpu.memory_space<vmem>>, vector<16xf32>,
      %mul3A_1451 = arith.constant 8 : i32
      %mul3A_1452 = arith.muli %while3A_1177, %mul3A_1451 : i32
      %add3A_1453 = arith.constant 4 : i32
      %add3A_1454 = arith.addi %mul3A_1452, %add3A_1453 : i32
      %swap3A_1455 = arith.index_cast %add3A_1454 : i32 to index
      %swap3A_1456 = arith.constant 112 : index
      %swap3A_1457 = tpu.vector_load %arg12[%swap3A_1455, %swap3A_1456] {strides = array<i32>} : memref<528x128xf32, #tpu.memory_space<vmem>>, vector<16xf32>,
      tpu.vector_store %arg12[%swap3A_1455, %swap3A_1456], %broadcast_in_dim3A_7 {strides = array<i32>} : memref<528x128xf32, #tpu.memory_space<vmem>>, vector<16xf32>,
      %mul3A_1458 = arith.constant 8 : i32
      %mul3A_1459 = arith.muli %while3A_1177, %mul3A_1458 : i32
      %add3A_1460 = arith.constant 5 : i32
      %add3A_1461 = arith.addi %mul3A_1459, %add3A_1460 : i32
      %swap3A_1462 = arith.index_cast %add3A_1461 : i32 to index
      %swap3A_1463 = arith.constant 0 : index
      %swap3A_1464 = tpu.vector_load %arg12[%swap3A_1462, %swap3A_1463] {strides = array<i32>} : memref<528x128xf32, #tpu.memory_space<vmem>>, vector<16xf32>,
      tpu.vector_store %arg12[%swap3A_1462, %swap3A_1463], %broadcast_in_dim3A_7 {strides = array<i32>} : memref<528x128xf32, #tpu.memory_space<vmem>>, vector<16xf32>,
      %mul3A_1465 = arith.constant 8 : i32
      %mul3A_1466 = arith.muli %while3A_1177, %mul3A_1465 : i32
      %add3A_1467 = arith.constant 5 : i32
      %add3A_1468 = arith.addi %mul3A_1466, %add3A_1467 : i32
      %swap3A_1469 = arith.index_cast %add3A_1468 : i32 to index
      %swap3A_1470 = arith.constant 16 : index
      %swap3A_1471 = tpu.vector_load %arg12[%swap3A_1469, %swap3A_1470] {strides = array<i32>} : memref<528x128xf32, #tpu.memory_space<vmem>>, vector<16xf32>,
      tpu.vector_store %arg12[%swap3A_1469, %swap3A_1470], %broadcast_in_dim3A_7 {strides = array<i32>} : memref<528x128xf32, #tpu.memory_space<vmem>>, vector<16xf32>,
      %mul3A_1472 = arith.constant 8 : i32
      %mul3A_1473 = arith.muli %while3A_1177, %mul3A_1472 : i32
      %add3A_1474 = arith.constant 5 : i32
      %add3A_1475 = arith.addi %mul3A_1473, %add3A_1474 : i32
      %swap3A_1476 = arith.index_cast %add3A_1475 : i32 to index
      %swap3A_1477 = arith.constant 32 : index
      %swap3A_1478 = tpu.vector_load %arg12[%swap3A_1476, %swap3A_1477] {strides = array<i32>} : memref<528x128xf32, #tpu.memory_space<vmem>>, vector<16xf32>,
      tpu.vector_store %arg12[%swap3A_1476, %swap3A_1477], %broadcast_in_dim3A_7 {strides = array<i32>} : memref<528x128xf32, #tpu.memory_space<vmem>>, vector<16xf32>,
      %mul3A_1479 = arith.constant 8 : i32
      %mul3A_1480 = arith.muli %while3A_1177, %mul3A_1479 : i32
      %add3A_1481 = arith.constant 5 : i32
      %add3A_1482 = arith.addi %mul3A_1480, %add3A_1481 : i32
      %swap3A_1483 = arith.index_cast %add3A_1482 : i32 to index
      %swap3A_1484 = arith.constant 48 : index
      %swap3A_1485 = tpu.vector_load %arg12[%swap3A_1483, %swap3A_1484] {strides = array<i32>} : memref<528x128xf32, #tpu.memory_space<vmem>>, vector<16xf32>,
      tpu.vector_store %arg12[%swap3A_1483, %swap3A_1484], %broadcast_in_dim3A_7 {strides = array<i32>} : memref<528x128xf32, #tpu.memory_space<vmem>>, vector<16xf32>,
      %mul3A_1486 = arith.constant 8 : i32
      %mul3A_1487 = arith.muli %while3A_1177, %mul3A_1486 : i32
      %add3A_1488 = arith.constant 5 : i32
      %add3A_1489 = arith.addi %mul3A_1487, %add3A_1488 : i32
      %swap3A_1490 = arith.index_cast %add3A_1489 : i32 to index
      %swap3A_1491 = arith.constant 64 : index
      %swap3A_1492 = tpu.vector_load %arg12[%swap3A_1490, %swap3A_1491] {strides = array<i32>} : memref<528x128xf32, #tpu.memory_space<vmem>>, vector<16xf32>,
      tpu.vector_store %arg12[%swap3A_1490, %swap3A_1491], %broadcast_in_dim3A_7 {strides = array<i32>} : memref<528x128xf32, #tpu.memory_space<vmem>>, vector<16xf32>,
      %mul3A_1493 = arith.constant 8 : i32
      %mul3A_1494 = arith.muli %while3A_1177, %mul3A_1493 : i32
      %add3A_1495 = arith.constant 5 : i32
      %add3A_1496 = arith.addi %mul3A_1494, %add3A_1495 : i32
      %swap3A_1497 = arith.index_cast %add3A_1496 : i32 to index
      %swap3A_1498 = arith.constant 80 : index
      %swap3A_1499 = tpu.vector_load %arg12[%swap3A_1497, %swap3A_1498] {strides = array<i32>} : memref<528x128xf32, #tpu.memory_space<vmem>>, vector<16xf32>,
      tpu.vector_store %arg12[%swap3A_1497, %swap3A_1498], %broadcast_in_dim3A_7 {strides = array<i32>} : memref<528x128xf32, #tpu.memory_space<vmem>>, vector<16xf32>,
      %mul3A_1500 = arith.constant 8 : i32
      %mul3A_1501 = arith.muli %while3A_1177, %mul3A_1500 : i32
      %add3A_1502 = arith.constant 5 : i32
      %add3A_1503 = arith.addi %mul3A_1501, %add3A_1502 : i32
      %swap3A_1504 = arith.index_cast %add3A_1503 : i32 to index
      %swap3A_1505 = arith.constant 96 : index
      %swap3A_1506 = tpu.vector_load %arg12[%swap3A_1504, %swap3A_1505] {strides = array<i32>} : memref<528x128xf32, #tpu.memory_space<vmem>>, vector<16xf32>,
      tpu.vector_store %arg12[%swap3A_1504, %swap3A_1505], %broadcast_in_dim3A_7 {strides = array<i32>} : memref<528x128xf32, #tpu.memory_space<vmem>>, vector<16xf32>,
      %mul3A_1507 = arith.constant 8 : i32
      %mul3A_1508 = arith.muli %while3A_1177, %mul3A_1507 : i32
      %add3A_1509 = arith.constant 5 : i32
      %add3A_1510 = arith.addi %mul3A_1508, %add3A_1509 : i32
      %swap3A_1511 = arith.index_cast %add3A_1510 : i32 to index
      %swap3A_1512 = arith.constant 112 : index
      %swap3A_1513 = tpu.vector_load %arg12[%swap3A_1511, %swap3A_1512] {strides = array<i32>} : memref<528x128xf32, #tpu.memory_space<vmem>>, vector<16xf32>,
      tpu.vector_store %arg12[%swap3A_1511, %swap3A_1512], %broadcast_in_dim3A_7 {strides = array<i32>} : memref<528x128xf32, #tpu.memory_space<vmem>>, vector<16xf32>,
      %mul3A_1514 = arith.constant 8 : i32
      %mul3A_1515 = arith.muli %while3A_1177, %mul3A_1514 : i32
      %add3A_1516 = arith.constant 6 : i32
      %add3A_1517 = arith.addi %mul3A_1515, %add3A_1516 : i32
      %swap3A_1518 = arith.index_cast %add3A_1517 : i32 to index
      %swap3A_1519 = arith.constant 0 : index
      %swap3A_1520 = tpu.vector_load %arg12[%swap3A_1518, %swap3A_1519] {strides = array<i32>} : memref<528x128xf32, #tpu.memory_space<vmem>>, vector<16xf32>,
      tpu.vector_store %arg12[%swap3A_1518, %swap3A_1519], %broadcast_in_dim3A_7 {strides = array<i32>} : memref<528x128xf32, #tpu.memory_space<vmem>>, vector<16xf32>,
      %mul3A_1521 = arith.constant 8 : i32
      %mul3A_1522 = arith.muli %while3A_1177, %mul3A_1521 : i32
      %add3A_1523 = arith.constant 6 : i32
      %add3A_1524 = arith.addi %mul3A_1522, %add3A_1523 : i32
      %swap3A_1525 = arith.index_cast %add3A_1524 : i32 to index
      %swap3A_1526 = arith.constant 16 : index
      %swap3A_1527 = tpu.vector_load %arg12[%swap3A_1525, %swap3A_1526] {strides = array<i32>} : memref<528x128xf32, #tpu.memory_space<vmem>>, vector<16xf32>,
      tpu.vector_store %arg12[%swap3A_1525, %swap3A_1526], %broadcast_in_dim3A_7 {strides = array<i32>} : memref<528x128xf32, #tpu.memory_space<vmem>>, vector<16xf32>,
      %mul3A_1528 = arith.constant 8 : i32
      %mul3A_1529 = arith.muli %while3A_1177, %mul3A_1528 : i32
      %add3A_1530 = arith.constant 6 : i32
      %add3A_1531 = arith.addi %mul3A_1529, %add3A_1530 : i32
      %swap3A_1532 = arith.index_cast %add3A_1531 : i32 to index
      %swap3A_1533 = arith.constant 32 : index
      %swap3A_1534 = tpu.vector_load %arg12[%swap3A_1532, %swap3A_1533] {strides = array<i32>} : memref<528x128xf32, #tpu.memory_space<vmem>>, vector<16xf32>,
      tpu.vector_store %arg12[%swap3A_1532, %swap3A_1533], %broadcast_in_dim3A_7 {strides = array<i32>} : memref<528x128xf32, #tpu.memory_space<vmem>>, vector<16xf32>,
      %mul3A_1535 = arith.constant 8 : i32
      %mul3A_1536 = arith.muli %while3A_1177, %mul3A_1535 : i32
      %add3A_1537 = arith.constant 6 : i32
      %add3A_1538 = arith.addi %mul3A_1536, %add3A_1537 : i32
      %swap3A_1539 = arith.index_cast %add3A_1538 : i32 to index
      %swap3A_1540 = arith.constant 48 : index
      %swap3A_1541 = tpu.vector_load %arg12[%swap3A_1539, %swap3A_1540] {strides = array<i32>} : memref<528x128xf32, #tpu.memory_space<vmem>>, vector<16xf32>,
      tpu.vector_store %arg12[%swap3A_1539, %swap3A_1540], %broadcast_in_dim3A_7 {strides = array<i32>} : memref<528x128xf32, #tpu.memory_space<vmem>>, vector<16xf32>,
      %mul3A_1542 = arith.constant 8 : i32
      %mul3A_1543 = arith.muli %while3A_1177, %mul3A_1542 : i32
      %add3A_1544 = arith.constant 6 : i32
      %add3A_1545 = arith.addi %mul3A_1543, %add3A_1544 : i32
      %swap3A_1546 = arith.index_cast %add3A_1545 : i32 to index
      %swap3A_1547 = arith.constant 64 : index
      %swap3A_1548 = tpu.vector_load %arg12[%swap3A_1546, %swap3A_1547] {strides = array<i32>} : memref<528x128xf32, #tpu.memory_space<vmem>>, vector<16xf32>,
      tpu.vector_store %arg12[%swap3A_1546, %swap3A_1547], %broadcast_in_dim3A_7 {strides = array<i32>} : memref<528x128xf32, #tpu.memory_space<vmem>>, vector<16xf32>,
      %mul3A_1549 = arith.constant 8 : i32
      %mul3A_1550 = arith.muli %while3A_1177, %mul3A_1549 : i32
      %add3A_1551 = arith.constant 6 : i32
      %add3A_1552 = arith.addi %mul3A_1550, %add3A_1551 : i32
      %swap3A_1553 = arith.index_cast %add3A_1552 : i32 to index
      %swap3A_1554 = arith.constant 80 : index
      %swap3A_1555 = tpu.vector_load %arg12[%swap3A_1553, %swap3A_1554] {strides = array<i32>} : memref<528x128xf32, #tpu.memory_space<vmem>>, vector<16xf32>,
      tpu.vector_store %arg12[%swap3A_1553, %swap3A_1554], %broadcast_in_dim3A_7 {strides = array<i32>} : memref<528x128xf32, #tpu.memory_space<vmem>>, vector<16xf32>,
      %mul3A_1556 = arith.constant 8 : i32
      %mul3A_1557 = arith.muli %while3A_1177, %mul3A_1556 : i32
      %add3A_1558 = arith.constant 6 : i32
      %add3A_1559 = arith.addi %mul3A_1557, %add3A_1558 : i32
      %swap3A_1560 = arith.index_cast %add3A_1559 : i32 to index
      %swap3A_1561 = arith.constant 96 : index
      %swap3A_1562 = tpu.vector_load %arg12[%swap3A_1560, %swap3A_1561] {strides = array<i32>} : memref<528x128xf32, #tpu.memory_space<vmem>>, vector<16xf32>,
      tpu.vector_store %arg12[%swap3A_1560, %swap3A_1561], %broadcast_in_dim3A_7 {strides = array<i32>} : memref<528x128xf32, #tpu.memory_space<vmem>>, vector<16xf32>,
      %mul3A_1563 = arith.constant 8 : i32
      %mul3A_1564 = arith.muli %while3A_1177, %mul3A_1563 : i32
      %add3A_1565 = arith.constant 6 : i32
      %add3A_1566 = arith.addi %mul3A_1564, %add3A_1565 : i32
      %swap3A_1567 = arith.index_cast %add3A_1566 : i32 to index
      %swap3A_1568 = arith.constant 112 : index
      %swap3A_1569 = tpu.vector_load %arg12[%swap3A_1567, %swap3A_1568] {strides = array<i32>} : memref<528x128xf32, #tpu.memory_space<vmem>>, vector<16xf32>,
      tpu.vector_store %arg12[%swap3A_1567, %swap3A_1568], %broadcast_in_dim3A_7 {strides = array<i32>} : memref<528x128xf32, #tpu.memory_space<vmem>>, vector<16xf32>,
      %mul3A_1570 = arith.constant 8 : i32
      %mul3A_1571 = arith.muli %while3A_1177, %mul3A_1570 : i32
      %add3A_1572 = arith.constant 7 : i32
      %add3A_1573 = arith.addi %mul3A_1571, %add3A_1572 : i32
      %swap3A_1574 = arith.index_cast %add3A_1573 : i32 to index
      %swap3A_1575 = arith.constant 0 : index
      %swap3A_1576 = tpu.vector_load %arg12[%swap3A_1574, %swap3A_1575] {strides = array<i32>} : memref<528x128xf32, #tpu.memory_space<vmem>>, vector<16xf32>,
      tpu.vector_store %arg12[%swap3A_1574, %swap3A_1575], %broadcast_in_dim3A_7 {strides = array<i32>} : memref<528x128xf32, #tpu.memory_space<vmem>>, vector<16xf32>,
      %mul3A_1577 = arith.constant 8 : i32
      %mul3A_1578 = arith.muli %while3A_1177, %mul3A_1577 : i32
      %add3A_1579 = arith.constant 7 : i32
      %add3A_1580 = arith.addi %mul3A_1578, %add3A_1579 : i32
      %swap3A_1581 = arith.index_cast %add3A_1580 : i32 to index
      %swap3A_1582 = arith.constant 16 : index
      %swap3A_1583 = tpu.vector_load %arg12[%swap3A_1581, %swap3A_1582] {strides = array<i32>} : memref<528x128xf32, #tpu.memory_space<vmem>>, vector<16xf32>,
      tpu.vector_store %arg12[%swap3A_1581, %swap3A_1582], %broadcast_in_dim3A_7 {strides = array<i32>} : memref<528x128xf32, #tpu.memory_space<vmem>>, vector<16xf32>,
      %mul3A_1584 = arith.constant 8 : i32
      %mul3A_1585 = arith.muli %while3A_1177, %mul3A_1584 : i32
      %add3A_1586 = arith.constant 7 : i32
      %add3A_1587 = arith.addi %mul3A_1585, %add3A_1586 : i32
      %swap3A_1588 = arith.index_cast %add3A_1587 : i32 to index
      %swap3A_1589 = arith.constant 32 : index
      %swap3A_1590 = tpu.vector_load %arg12[%swap3A_1588, %swap3A_1589] {strides = array<i32>} : memref<528x128xf32, #tpu.memory_space<vmem>>, vector<16xf32>,
      tpu.vector_store %arg12[%swap3A_1588, %swap3A_1589], %broadcast_in_dim3A_7 {strides = array<i32>} : memref<528x128xf32, #tpu.memory_space<vmem>>, vector<16xf32>,
      %mul3A_1591 = arith.constant 8 : i32
      %mul3A_1592 = arith.muli %while3A_1177, %mul3A_1591 : i32
      %add3A_1593 = arith.constant 7 : i32
      %add3A_1594 = arith.addi %mul3A_1592, %add3A_1593 : i32
      %swap3A_1595 = arith.index_cast %add3A_1594 : i32 to index
      %swap3A_1596 = arith.constant 48 : index
      %swap3A_1597 = tpu.vector_load %arg12[%swap3A_1595, %swap3A_1596] {strides = array<i32>} : memref<528x128xf32, #tpu.memory_space<vmem>>, vector<16xf32>,
      tpu.vector_store %arg12[%swap3A_1595, %swap3A_1596], %broadcast_in_dim3A_7 {strides = array<i32>} : memref<528x128xf32, #tpu.memory_space<vmem>>, vector<16xf32>,
      %mul3A_1598 = arith.constant 8 : i32
      %mul3A_1599 = arith.muli %while3A_1177, %mul3A_1598 : i32
      %add3A_1600 = arith.constant 7 : i32
      %add3A_1601 = arith.addi %mul3A_1599, %add3A_1600 : i32
      %swap3A_1602 = arith.index_cast %add3A_1601 : i32 to index
      %swap3A_1603 = arith.constant 64 : index
      %swap3A_1604 = tpu.vector_load %arg12[%swap3A_1602, %swap3A_1603] {strides = array<i32>} : memref<528x128xf32, #tpu.memory_space<vmem>>, vector<16xf32>,
      tpu.vector_store %arg12[%swap3A_1602, %swap3A_1603], %broadcast_in_dim3A_7 {strides = array<i32>} : memref<528x128xf32, #tpu.memory_space<vmem>>, vector<16xf32>,
      %mul3A_1605 = arith.constant 8 : i32
      %mul3A_1606 = arith.muli %while3A_1177, %mul3A_1605 : i32
      %add3A_1607 = arith.constant 7 : i32
      %add3A_1608 = arith.addi %mul3A_1606, %add3A_1607 : i32
      %swap3A_1609 = arith.index_cast %add3A_1608 : i32 to index
      %swap3A_1610 = arith.constant 80 : index
      %swap3A_1611 = tpu.vector_load %arg12[%swap3A_1609, %swap3A_1610] {strides = array<i32>} : memref<528x128xf32, #tpu.memory_space<vmem>>, vector<16xf32>,
      tpu.vector_store %arg12[%swap3A_1609, %swap3A_1610], %broadcast_in_dim3A_7 {strides = array<i32>} : memref<528x128xf32, #tpu.memory_space<vmem>>, vector<16xf32>,
      %mul3A_1612 = arith.constant 8 : i32
      %mul3A_1613 = arith.muli %while3A_1177, %mul3A_1612 : i32
      %add3A_1614 = arith.constant 7 : i32
      %add3A_1615 = arith.addi %mul3A_1613, %add3A_1614 : i32
      %swap3A_1616 = arith.index_cast %add3A_1615 : i32 to index
      %swap3A_1617 = arith.constant 96 : index
      %swap3A_1618 = tpu.vector_load %arg12[%swap3A_1616, %swap3A_1617] {strides = array<i32>} : memref<528x128xf32, #tpu.memory_space<vmem>>, vector<16xf32>,
      tpu.vector_store %arg12[%swap3A_1616, %swap3A_1617], %broadcast_in_dim3A_7 {strides = array<i32>} : memref<528x128xf32, #tpu.memory_space<vmem>>, vector<16xf32>,
      %mul3A_1619 = arith.constant 8 : i32
      %mul3A_1620 = arith.muli %while3A_1177, %mul3A_1619 : i32
      %add3A_1621 = arith.constant 7 : i32
      %add3A_1622 = arith.addi %mul3A_1620, %add3A_1621 : i32
      %swap3A_1623 = arith.index_cast %add3A_1622 : i32 to index
      %swap3A_1624 = arith.constant 112 : index
      %swap3A_1625 = tpu.vector_load %arg12[%swap3A_1623, %swap3A_1624] {strides = array<i32>} : memref<528x128xf32, #tpu.memory_space<vmem>>, vector<16xf32>,
      tpu.vector_store %arg12[%swap3A_1623, %swap3A_1624], %broadcast_in_dim3A_7 {strides = array<i32>} : memref<528x128xf32, #tpu.memory_space<vmem>>, vector<16xf32>,
    }
    %while3A_1134 = arith.constant 1 : i32
    scf.for %while3A_1177 = %while3A_1132 to %while3A_1128 step %while3A_1134  : i32 {
      %mul3A_1178 = arith.constant 8 : i32
      %mul3A_1179 = arith.muli %while3A_1177, %mul3A_1178 : i32
      %add3A_1180 = arith.constant 0 : i32
      %add3A_1181 = arith.addi %mul3A_1179, %add3A_1180 : i32
      %swap3A_1182 = arith.index_cast %add3A_1181 : i32 to index
      %swap3A_1183 = arith.constant 0 : index
      %swap3A_1184 = tpu.vector_load %arg12[%swap3A_1182, %swap3A_1183] {strides = array<i32>} : memref<528x128xf32, #tpu.memory_space<vmem>>, vector<16xf32>,
      tpu.vector_store %arg12[%swap3A_1182, %swap3A_1183], %broadcast_in_dim3A_7 {strides = array<i32>} : memref<528x128xf32, #tpu.memory_space<vmem>>, vector<16xf32>,
      %mul3A_1185 = arith.constant 8 : i32
      %mul3A_1186 = arith.muli %while3A_1177, %mul3A_1185 : i32
      %add3A_1187 = arith.constant 0 : i32
      %add3A_1188 = arith.addi %mul3A_1186, %add3A_1187 : i32
      %swap3A_1189 = arith.index_cast %add3A_1188 : i32 to index
      %swap3A_1190 = arith.constant 16 : index
      %swap3A_1191 = tpu.vector_load %arg12[%swap3A_1189, %swap3A_1190] {strides = array<i32>} : memref<528x128xf32, #tpu.memory_space<vmem>>, vector<16xf32>,
      tpu.vector_store %arg12[%swap3A_1189, %swap3A_1190], %broadcast_in_dim3A_7 {strides = array<i32>} : memref<528x128xf32, #tpu.memory_space<vmem>>, vector<16xf32>,
      %mul3A_1192 = arith.constant 8 : i32
      %mul3A_1193 = arith.muli %while3A_1177, %mul3A_1192 : i32
      %add3A_1194 = arith.constant 0 : i32
      %add3A_1195 = arith.addi %mul3A_1193, %add3A_1194 : i32
      %swap3A_1196 = arith.index_cast %add3A_1195 : i32 to index
      %swap3A_1197 = arith.constant 32 : index
      %swap3A_1198 = tpu.vector_load %arg12[%swap3A_1196, %swap3A_1197] {strides = array<i32>} : memref<528x128xf32, #tpu.memory_space<vmem>>, vector<16xf32>,
      tpu.vector_store %arg12[%swap3A_1196, %swap3A_1197], %broadcast_in_dim3A_7 {strides = array<i32>} : memref<528x128xf32, #tpu.memory_space<vmem>>, vector<16xf32>,
      %mul3A_1199 = arith.constant 8 : i32
      %mul3A_1200 = arith.muli %while3A_1177, %mul3A_1199 : i32
      %add3A_1201 = arith.constant 0 : i32
      %add3A_1202 = arith.addi %mul3A_1200, %add3A_1201 : i32
      %swap3A_1203 = arith.index_cast %add3A_1202 : i32 to index
      %swap3A_1204 = arith.constant 48 : index
      %swap3A_1205 = tpu.vector_load %arg12[%swap3A_1203, %swap3A_1204] {strides = array<i32>} : memref<528x128xf32, #tpu.memory_space<vmem>>, vector<16xf32>,
      tpu.vector_store %arg12[%swap3A_1203, %swap3A_1204], %broadcast_in_dim3A_7 {strides = array<i32>} : memref<528x128xf32, #tpu.memory_space<vmem>>, vector<16xf32>,
      %mul3A_1206 = arith.constant 8 : i32
      %mul3A_1207 = arith.muli %while3A_1177, %mul3A_1206 : i32
      %add3A_1208 = arith.constant 0 : i32
      %add3A_1209 = arith.addi %mul3A_1207, %add3A_1208 : i32
      %swap3A_1210 = arith.index_cast %add3A_1209 : i32 to index
      %swap3A_1211 = arith.constant 64 : index
      %swap3A_1212 = tpu.vector_load %arg12[%swap3A_1210, %swap3A_1211] {strides = array<i32>} : memref<528x128xf32, #tpu.memory_space<vmem>>, vector<16xf32>,
      tpu.vector_store %arg12[%swap3A_1210, %swap3A_1211], %broadcast_in_dim3A_7 {strides = array<i32>} : memref<528x128xf32, #tpu.memory_space<vmem>>, vector<16xf32>,
      %mul3A_1213 = arith.constant 8 : i32
      %mul3A_1214 = arith.muli %while3A_1177, %mul3A_1213 : i32
      %add3A_1215 = arith.constant 0 : i32
      %add3A_1216 = arith.addi %mul3A_1214, %add3A_1215 : i32
      %swap3A_1217 = arith.index_cast %add3A_1216 : i32 to index
      %swap3A_1218 = arith.constant 80 : index
      %swap3A_1219 = tpu.vector_load %arg12[%swap3A_1217, %swap3A_1218] {strides = array<i32>} : memref<528x128xf32, #tpu.memory_space<vmem>>, vector<16xf32>,
      tpu.vector_store %arg12[%swap3A_1217, %swap3A_1218], %broadcast_in_dim3A_7 {strides = array<i32>} : memref<528x128xf32, #tpu.memory_space<vmem>>, vector<16xf32>,
      %mul3A_1220 = arith.constant 8 : i32
      %mul3A_1221 = arith.muli %while3A_1177, %mul3A_1220 : i32
      %add3A_1222 = arith.constant 0 : i32
      %add3A_1223 = arith.addi %mul3A_1221, %add3A_1222 : i32
      %swap3A_1224 = arith.index_cast %add3A_1223 : i32 to index
      %swap3A_1225 = arith.constant 96 : index
      %swap3A_1226 = tpu.vector_load %arg12[%swap3A_1224, %swap3A_1225] {strides = array<i32>} : memref<528x128xf32, #tpu.memory_space<vmem>>, vector<16xf32>,
      tpu.vector_store %arg12[%swap3A_1224, %swap3A_1225], %broadcast_in_dim3A_7 {strides = array<i32>} : memref<528x128xf32, #tpu.memory_space<vmem>>, vector<16xf32>,
      %mul3A_1227 = arith.constant 8 : i32
      %mul3A_1228 = arith.muli %while3A_1177, %mul3A_1227 : i32
      %add3A_1229 = arith.constant 0 : i32
      %add3A_1230 = arith.addi %mul3A_1228, %add3A_1229 : i32
      %swap3A_1231 = arith.index_cast %add3A_1230 : i32 to index
      %swap3A_1232 = arith.constant 112 : index
      %swap3A_1233 = tpu.vector_load %arg12[%swap3A_1231, %swap3A_1232] {strides = array<i32>} : memref<528x128xf32, #tpu.memory_space<vmem>>, vector<16xf32>,
      tpu.vector_store %arg12[%swap3A_1231, %swap3A_1232], %broadcast_in_dim3A_7 {strides = array<i32>} : memref<528x128xf32, #tpu.memory_space<vmem>>, vector<16xf32>,
      %mul3A_1234 = arith.constant 8 : i32
      %mul3A_1235 = arith.muli %while3A_1177, %mul3A_1234 : i32
      %add3A_1236 = arith.constant 1 : i32
      %add3A_1237 = arith.addi %mul3A_1235, %add3A_1236 : i32
      %swap3A_1238 = arith.index_cast %add3A_1237 : i32 to index
      %swap3A_1239 = arith.constant 0 : index
      %swap3A_1240 = tpu.vector_load %arg12[%swap3A_1238, %swap3A_1239] {strides = array<i32>} : memref<528x128xf32, #tpu.memory_space<vmem>>, vector<16xf32>,
      tpu.vector_store %arg12[%swap3A_1238, %swap3A_1239], %broadcast_in_dim3A_7 {strides = array<i32>} : memref<528x128xf32, #tpu.memory_space<vmem>>, vector<16xf32>,
      %mul3A_1241 = arith.constant 8 : i32
      %mul3A_1242 = arith.muli %while3A_1177, %mul3A_1241 : i32
      %add3A_1243 = arith.constant 1 : i32
      %add3A_1244 = arith.addi %mul3A_1242, %add3A_1243 : i32
      %swap3A_1245 = arith.index_cast %add3A_1244 : i32 to index
      %swap3A_1246 = arith.constant 16 : index
      %swap3A_1247 = tpu.vector_load %arg12[%swap3A_1245, %swap3A_1246] {strides = array<i32>} : memref<528x128xf32, #tpu.memory_space<vmem>>, vector<16xf32>,
      tpu.vector_store %arg12[%swap3A_1245, %swap3A_1246], %broadcast_in_dim3A_7 {strides = array<i32>} : memref<528x128xf32, #tpu.memory_space<vmem>>, vector<16xf32>,
      %mul3A_1248 = arith.constant 8 : i32
      %mul3A_1249 = arith.muli %while3A_1177, %mul3A_1248 : i32
      %add3A_1250 = arith.constant 1 : i32
      %add3A_1251 = arith.addi %mul3A_1249, %add3A_1250 : i32
      %swap3A_1252 = arith.index_cast %add3A_1251 : i32 to index
      %swap3A_1253 = arith.constant 32 : index
      %swap3A_1254 = tpu.vector_load %arg12[%swap3A_1252, %swap3A_1253] {strides = array<i32>} : memref<528x128xf32, #tpu.memory_space<vmem>>, vector<16xf32>,
      tpu.vector_store %arg12[%swap3A_1252, %swap3A_1253], %broadcast_in_dim3A_7 {strides = array<i32>} : memref<528x128xf32, #tpu.memory_space<vmem>>, vector<16xf32>,
      %mul3A_1255 = arith.constant 8 : i32
      %mul3A_1256 = arith.muli %while3A_1177, %mul3A_1255 : i32
      %add3A_1257 = arith.constant 1 : i32
      %add3A_1258 = arith.addi %mul3A_1256, %add3A_1257 : i32
      %swap3A_1259 = arith.index_cast %add3A_1258 : i32 to index
      %swap3A_1260 = arith.constant 48 : index
      %swap3A_1261 = tpu.vector_load %arg12[%swap3A_1259, %swap3A_1260] {strides = array<i32>} : memref<528x128xf32, #tpu.memory_space<vmem>>, vector<16xf32>,
      tpu.vector_store %arg12[%swap3A_1259, %swap3A_1260], %broadcast_in_dim3A_7 {strides = array<i32>} : memref<528x128xf32, #tpu.memory_space<vmem>>, vector<16xf32>,
      %mul3A_1262 = arith.constant 8 : i32
      %mul3A_1263 = arith.muli %while3A_1177, %mul3A_1262 : i32
      %add3A_1264 = arith.constant 1 : i32
      %add3A_1265 = arith.addi %mul3A_1263, %add3A_1264 : i32
      %swap3A_1266 = arith.index_cast %add3A_1265 : i32 to index
      %swap3A_1267 = arith.constant 64 : index
      %swap3A_1268 = tpu.vector_load %arg12[%swap3A_1266, %swap3A_1267] {strides = array<i32>} : memref<528x128xf32, #tpu.memory_space<vmem>>, vector<16xf32>,
      tpu.vector_store %arg12[%swap3A_1266, %swap3A_1267], %broadcast_in_dim3A_7 {strides = array<i32>} : memref<528x128xf32, #tpu.memory_space<vmem>>, vector<16xf32>,
      %mul3A_1269 = arith.constant 8 : i32
      %mul3A_1270 = arith.muli %while3A_1177, %mul3A_1269 : i32
      %add3A_1271 = arith.constant 1 : i32
      %add3A_1272 = arith.addi %mul3A_1270, %add3A_1271 : i32
      %swap3A_1273 = arith.index_cast %add3A_1272 : i32 to index
      %swap3A_1274 = arith.constant 80 : index
      %swap3A_1275 = tpu.vector_load %arg12[%swap3A_1273, %swap3A_1274] {strides = array<i32>} : memref<528x128xf32, #tpu.memory_space<vmem>>, vector<16xf32>,
      tpu.vector_store %arg12[%swap3A_1273, %swap3A_1274], %broadcast_in_dim3A_7 {strides = array<i32>} : memref<528x128xf32, #tpu.memory_space<vmem>>, vector<16xf32>,
      %mul3A_1276 = arith.constant 8 : i32
      %mul3A_1277 = arith.muli %while3A_1177, %mul3A_1276 : i32
      %add3A_1278 = arith.constant 1 : i32
      %add3A_1279 = arith.addi %mul3A_1277, %add3A_1278 : i32
      %swap3A_1280 = arith.index_cast %add3A_1279 : i32 to index
      %swap3A_1281 = arith.constant 96 : index
      %swap3A_1282 = tpu.vector_load %arg12[%swap3A_1280, %swap3A_1281] {strides = array<i32>} : memref<528x128xf32, #tpu.memory_space<vmem>>, vector<16xf32>,
      tpu.vector_store %arg12[%swap3A_1280, %swap3A_1281], %broadcast_in_dim3A_7 {strides = array<i32>} : memref<528x128xf32, #tpu.memory_space<vmem>>, vector<16xf32>,
      %mul3A_1283 = arith.constant 8 : i32
      %mul3A_1284 = arith.muli %while3A_1177, %mul3A_1283 : i32
      %add3A_1285 = arith.constant 1 : i32
      %add3A_1286 = arith.addi %mul3A_1284, %add3A_1285 : i32
      %swap3A_1287 = arith.index_cast %add3A_1286 : i32 to index
      %swap3A_1288 = arith.constant 112 : index
      %swap3A_1289 = tpu.vector_load %arg12[%swap3A_1287, %swap3A_1288] {strides = array<i32>} : memref<528x128xf32, #tpu.memory_space<vmem>>, vector<16xf32>,
      tpu.vector_store %arg12[%swap3A_1287, %swap3A_1288], %broadcast_in_dim3A_7 {strides = array<i32>} : memref<528x128xf32, #tpu.memory_space<vmem>>, vector<16xf32>,
      %mul3A_1290 = arith.constant 8 : i32
      %mul3A_1291 = arith.muli %while3A_1177, %mul3A_1290 : i32
      %add3A_1292 = arith.constant 2 : i32
      %add3A_1293 = arith.addi %mul3A_1291, %add3A_1292 : i32
      %swap3A_1294 = arith.index_cast %add3A_1293 : i32 to index
      %swap3A_1295 = arith.constant 0 : index
      %swap3A_1296 = tpu.vector_load %arg12[%swap3A_1294, %swap3A_1295] {strides = array<i32>} : memref<528x128xf32, #tpu.memory_space<vmem>>, vector<16xf32>,
      tpu.vector_store %arg12[%swap3A_1294, %swap3A_1295], %broadcast_in_dim3A_7 {strides = array<i32>} : memref<528x128xf32, #tpu.memory_space<vmem>>, vector<16xf32>,
      %mul3A_1297 = arith.constant 8 : i32
      %mul3A_1298 = arith.muli %while3A_1177, %mul3A_1297 : i32
      %add3A_1299 = arith.constant 2 : i32
      %add3A_1300 = arith.addi %mul3A_1298, %add3A_1299 : i32
      %swap3A_1301 = arith.index_cast %add3A_1300 : i32 to index
      %swap3A_1302 = arith.constant 16 : index
      %swap3A_1303 = tpu.vector_load %arg12[%swap3A_1301, %swap3A_1302] {strides = array<i32>} : memref<528x128xf32, #tpu.memory_space<vmem>>, vector<16xf32>,
      tpu.vector_store %arg12[%swap3A_1301, %swap3A_1302], %broadcast_in_dim3A_7 {strides = array<i32>} : memref<528x128xf32, #tpu.memory_space<vmem>>, vector<16xf32>,
      %mul3A_1304 = arith.constant 8 : i32
      %mul3A_1305 = arith.muli %while3A_1177, %mul3A_1304 : i32
      %add3A_1306 = arith.constant 2 : i32
      %add3A_1307 = arith.addi %mul3A_1305, %add3A_1306 : i32
      %swap3A_1308 = arith.index_cast %add3A_1307 : i32 to index
      %swap3A_1309 = arith.constant 32 : index
      %swap3A_1310 = tpu.vector_load %arg12[%swap3A_1308, %swap3A_1309] {strides = array<i32>} : memref<528x128xf32, #tpu.memory_space<vmem>>, vector<16xf32>,
      tpu.vector_store %arg12[%swap3A_1308, %swap3A_1309], %broadcast_in_dim3A_7 {strides = array<i32>} : memref<528x128xf32, #tpu.memory_space<vmem>>, vector<16xf32>,
      %mul3A_1311 = arith.constant 8 : i32
      %mul3A_1312 = arith.muli %while3A_1177, %mul3A_1311 : i32
      %add3A_1313 = arith.constant 2 : i32
      %add3A_1314 = arith.addi %mul3A_1312, %add3A_1313 : i32
      %swap3A_1315 = arith.index_cast %add3A_1314 : i32 to index
      %swap3A_1316 = arith.constant 48 : index
      %swap3A_1317 = tpu.vector_load %arg12[%swap3A_1315, %swap3A_1316] {strides = array<i32>} : memref<528x128xf32, #tpu.memory_space<vmem>>, vector<16xf32>,
      tpu.vector_store %arg12[%swap3A_1315, %swap3A_1316], %broadcast_in_dim3A_7 {strides = array<i32>} : memref<528x128xf32, #tpu.memory_space<vmem>>, vector<16xf32>,
      %mul3A_1318 = arith.constant 8 : i32
      %mul3A_1319 = arith.muli %while3A_1177, %mul3A_1318 : i32
      %add3A_1320 = arith.constant 2 : i32
      %add3A_1321 = arith.addi %mul3A_1319, %add3A_1320 : i32
      %swap3A_1322 = arith.index_cast %add3A_1321 : i32 to index
      %swap3A_1323 = arith.constant 64 : index
      %swap3A_1324 = tpu.vector_load %arg12[%swap3A_1322, %swap3A_1323] {strides = array<i32>} : memref<528x128xf32, #tpu.memory_space<vmem>>, vector<16xf32>,
      tpu.vector_store %arg12[%swap3A_1322, %swap3A_1323], %broadcast_in_dim3A_7 {strides = array<i32>} : memref<528x128xf32, #tpu.memory_space<vmem>>, vector<16xf32>,
      %mul3A_1325 = arith.constant 8 : i32
      %mul3A_1326 = arith.muli %while3A_1177, %mul3A_1325 : i32
      %add3A_1327 = arith.constant 2 : i32
      %add3A_1328 = arith.addi %mul3A_1326, %add3A_1327 : i32
      %swap3A_1329 = arith.index_cast %add3A_1328 : i32 to index
      %swap3A_1330 = arith.constant 80 : index
      %swap3A_1331 = tpu.vector_load %arg12[%swap3A_1329, %swap3A_1330] {strides = array<i32>} : memref<528x128xf32, #tpu.memory_space<vmem>>, vector<16xf32>,
      tpu.vector_store %arg12[%swap3A_1329, %swap3A_1330], %broadcast_in_dim3A_7 {strides = array<i32>} : memref<528x128xf32, #tpu.memory_space<vmem>>, vector<16xf32>,
      %mul3A_1332 = arith.constant 8 : i32
      %mul3A_1333 = arith.muli %while3A_1177, %mul3A_1332 : i32
      %add3A_1334 = arith.constant 2 : i32
      %add3A_1335 = arith.addi %mul3A_1333, %add3A_1334 : i32
      %swap3A_1336 = arith.index_cast %add3A_1335 : i32 to index
      %swap3A_1337 = arith.constant 96 : index
      %swap3A_1338 = tpu.vector_load %arg12[%swap3A_1336, %swap3A_1337] {strides = array<i32>} : memref<528x128xf32, #tpu.memory_space<vmem>>, vector<16xf32>,
      tpu.vector_store %arg12[%swap3A_1336, %swap3A_1337], %broadcast_in_dim3A_7 {strides = array<i32>} : memref<528x128xf32, #tpu.memory_space<vmem>>, vector<16xf32>,
      %mul3A_1339 = arith.constant 8 : i32
      %mul3A_1340 = arith.muli %while3A_1177, %mul3A_1339 : i32
      %add3A_1341 = arith.constant 2 : i32
      %add3A_1342 = arith.addi %mul3A_1340, %add3A_1341 : i32
      %swap3A_1343 = arith.index_cast %add3A_1342 : i32 to index
      %swap3A_1344 = arith.constant 112 : index
      %swap3A_1345 = tpu.vector_load %arg12[%swap3A_1343, %swap3A_1344] {strides = array<i32>} : memref<528x128xf32, #tpu.memory_space<vmem>>, vector<16xf32>,
      tpu.vector_store %arg12[%swap3A_1343, %swap3A_1344], %broadcast_in_dim3A_7 {strides = array<i32>} : memref<528x128xf32, #tpu.memory_space<vmem>>, vector<16xf32>,
      %mul3A_1346 = arith.constant 8 : i32
      %mul3A_1347 = arith.muli %while3A_1177, %mul3A_1346 : i32
      %add3A_1348 = arith.constant 3 : i32
      %add3A_1349 = arith.addi %mul3A_1347, %add3A_1348 : i32
      %swap3A_1350 = arith.index_cast %add3A_1349 : i32 to index
      %swap3A_1351 = arith.constant 0 : index
      %swap3A_1352 = tpu.vector_load %arg12[%swap3A_1350, %swap3A_1351] {strides = array<i32>} : memref<528x128xf32, #tpu.memory_space<vmem>>, vector<16xf32>,
      tpu.vector_store %arg12[%swap3A_1350, %swap3A_1351], %broadcast_in_dim3A_7 {strides = array<i32>} : memref<528x128xf32, #tpu.memory_space<vmem>>, vector<16xf32>,
      %mul3A_1353 = arith.constant 8 : i32
      %mul3A_1354 = arith.muli %while3A_1177, %mul3A_1353 : i32
      %add3A_1355 = arith.constant 3 : i32
      %add3A_1356 = arith.addi %mul3A_1354, %add3A_1355 : i32
      %swap3A_1357 = arith.index_cast %add3A_1356 : i32 to index
      %swap3A_1358 = arith.constant 16 : index
      %swap3A_1359 = tpu.vector_load %arg12[%swap3A_1357, %swap3A_1358] {strides = array<i32>} : memref<528x128xf32, #tpu.memory_space<vmem>>, vector<16xf32>,
      tpu.vector_store %arg12[%swap3A_1357, %swap3A_1358], %broadcast_in_dim3A_7 {strides = array<i32>} : memref<528x128xf32, #tpu.memory_space<vmem>>, vector<16xf32>,
      %mul3A_1360 = arith.constant 8 : i32
      %mul3A_1361 = arith.muli %while3A_1177, %mul3A_1360 : i32
      %add3A_1362 = arith.constant 3 : i32
      %add3A_1363 = arith.addi %mul3A_1361, %add3A_1362 : i32
      %swap3A_1364 = arith.index_cast %add3A_1363 : i32 to index
      %swap3A_1365 = arith.constant 32 : index
      %swap3A_1366 = tpu.vector_load %arg12[%swap3A_1364, %swap3A_1365] {strides = array<i32>} : memref<528x128xf32, #tpu.memory_space<vmem>>, vector<16xf32>,
      tpu.vector_store %arg12[%swap3A_1364, %swap3A_1365], %broadcast_in_dim3A_7 {strides = array<i32>} : memref<528x128xf32, #tpu.memory_space<vmem>>, vector<16xf32>,
      %mul3A_1367 = arith.constant 8 : i32
      %mul3A_1368 = arith.muli %while3A_1177, %mul3A_1367 : i32
      %add3A_1369 = arith.constant 3 : i32
      %add3A_1370 = arith.addi %mul3A_1368, %add3A_1369 : i32
      %swap3A_1371 = arith.index_cast %add3A_1370 : i32 to index
      %swap3A_1372 = arith.constant 48 : index
      %swap3A_1373 = tpu.vector_load %arg12[%swap3A_1371, %swap3A_1372] {strides = array<i32>} : memref<528x128xf32, #tpu.memory_space<vmem>>, vector<16xf32>,
      tpu.vector_store %arg12[%swap3A_1371, %swap3A_1372], %broadcast_in_dim3A_7 {strides = array<i32>} : memref<528x128xf32, #tpu.memory_space<vmem>>, vector<16xf32>,
      %mul3A_1374 = arith.constant 8 : i32
      %mul3A_1375 = arith.muli %while3A_1177, %mul3A_1374 : i32
      %add3A_1376 = arith.constant 3 : i32
      %add3A_1377 = arith.addi %mul3A_1375, %add3A_1376 : i32
      %swap3A_1378 = arith.index_cast %add3A_1377 : i32 to index
      %swap3A_1379 = arith.constant 64 : index
      %swap3A_1380 = tpu.vector_load %arg12[%swap3A_1378, %swap3A_1379] {strides = array<i32>} : memref<528x128xf32, #tpu.memory_space<vmem>>, vector<16xf32>,
      tpu.vector_store %arg12[%swap3A_1378, %swap3A_1379], %broadcast_in_dim3A_7 {strides = array<i32>} : memref<528x128xf32, #tpu.memory_space<vmem>>, vector<16xf32>,
      %mul3A_1381 = arith.constant 8 : i32
      %mul3A_1382 = arith.muli %while3A_1177, %mul3A_1381 : i32
      %add3A_1383 = arith.constant 3 : i32
      %add3A_1384 = arith.addi %mul3A_1382, %add3A_1383 : i32
      %swap3A_1385 = arith.index_cast %add3A_1384 : i32 to index
      %swap3A_1386 = arith.constant 80 : index
      %swap3A_1387 = tpu.vector_load %arg12[%swap3A_1385, %swap3A_1386] {strides = array<i32>} : memref<528x128xf32, #tpu.memory_space<vmem>>, vector<16xf32>,
      tpu.vector_store %arg12[%swap3A_1385, %swap3A_1386], %broadcast_in_dim3A_7 {strides = array<i32>} : memref<528x128xf32, #tpu.memory_space<vmem>>, vector<16xf32>,
      %mul3A_1388 = arith.constant 8 : i32
      %mul3A_1389 = arith.muli %while3A_1177, %mul3A_1388 : i32
      %add3A_1390 = arith.constant 3 : i32
      %add3A_1391 = arith.addi %mul3A_1389, %add3A_1390 : i32
      %swap3A_1392 = arith.index_cast %add3A_1391 : i32 to index
      %swap3A_1393 = arith.constant 96 : index
      %swap3A_1394 = tpu.vector_load %arg12[%swap3A_1392, %swap3A_1393] {strides = array<i32>} : memref<528x128xf32, #tpu.memory_space<vmem>>, vector<16xf32>,
      tpu.vector_store %arg12[%swap3A_1392, %swap3A_1393], %broadcast_in_dim3A_7 {strides = array<i32>} : memref<528x128xf32, #tpu.memory_space<vmem>>, vector<16xf32>,
      %mul3A_1395 = arith.constant 8 : i32
      %mul3A_1396 = arith.muli %while3A_1177, %mul3A_1395 : i32
      %add3A_1397 = arith.constant 3 : i32
      %add3A_1398 = arith.addi %mul3A_1396, %add3A_1397 : i32
      %swap3A_1399 = arith.index_cast %add3A_1398 : i32 to index
      %swap3A_1400 = arith.constant 112 : index
      %swap3A_1401 = tpu.vector_load %arg12[%swap3A_1399, %swap3A_1400] {strides = array<i32>} : memref<528x128xf32, #tpu.memory_space<vmem>>, vector<16xf32>,
      tpu.vector_store %arg12[%swap3A_1399, %swap3A_1400], %broadcast_in_dim3A_7 {strides = array<i32>} : memref<528x128xf32, #tpu.memory_space<vmem>>, vector<16xf32>,
      %mul3A_1402 = arith.constant 8 : i32
      %mul3A_1403 = arith.muli %while3A_1177, %mul3A_1402 : i32
      %add3A_1404 = arith.constant 4 : i32
      %add3A_1405 = arith.addi %mul3A_1403, %add3A_1404 : i32
      %swap3A_1406 = arith.index_cast %add3A_1405 : i32 to index
      %swap3A_1407 = arith.constant 0 : index
      %swap3A_1408 = tpu.vector_load %arg12[%swap3A_1406, %swap3A_1407] {strides = array<i32>} : memref<528x128xf32, #tpu.memory_space<vmem>>, vector<16xf32>,
      tpu.vector_store %arg12[%swap3A_1406, %swap3A_1407], %broadcast_in_dim3A_7 {strides = array<i32>} : memref<528x128xf32, #tpu.memory_space<vmem>>, vector<16xf32>,
      %mul3A_1409 = arith.constant 8 : i32
      %mul3A_1410 = arith.muli %while3A_1177, %mul3A_1409 : i32
      %add3A_1411 = arith.constant 4 : i32
      %add3A_1412 = arith.addi %mul3A_1410, %add3A_1411 : i32
      %swap3A_1413 = arith.index_cast %add3A_1412 : i32 to index
      %swap3A_1414 = arith.constant 16 : index
      %swap3A_1415 = tpu.vector_load %arg12[%swap3A_1413, %swap3A_1414] {strides = array<i32>} : memref<528x128xf32, #tpu.memory_space<vmem>>, vector<16xf32>,
      tpu.vector_store %arg12[%swap3A_1413, %swap3A_1414], %broadcast_in_dim3A_7 {strides = array<i32>} : memref<528x128xf32, #tpu.memory_space<vmem>>, vector<16xf32>,
      %mul3A_1416 = arith.constant 8 : i32
      %mul3A_1417 = arith.muli %while3A_1177, %mul3A_1416 : i32
      %add3A_1418 = arith.constant 4 : i32
      %add3A_1419 = arith.addi %mul3A_1417, %add3A_1418 : i32
      %swap3A_1420 = arith.index_cast %add3A_1419 : i32 to index
      %swap3A_1421 = arith.constant 32 : index
      %swap3A_1422 = tpu.vector_load %arg12[%swap3A_1420, %swap3A_1421] {strides = array<i32>} : memref<528x128xf32, #tpu.memory_space<vmem>>, vector<16xf32>,
      tpu.vector_store %arg12[%swap3A_1420, %swap3A_1421], %broadcast_in_dim3A_7 {strides = array<i32>} : memref<528x128xf32, #tpu.memory_space<vmem>>, vector<16xf32>,
      %mul3A_1423 = arith.constant 8 : i32
      %mul3A_1424 = arith.muli %while3A_1177, %mul3A_1423 : i32
      %add3A_1425 = arith.constant 4 : i32
      %add3A_1426 = arith.addi %mul3A_1424, %add3A_1425 : i32
      %swap3A_1427 = arith.index_cast %add3A_1426 : i32 to index
      %swap3A_1428 = arith.constant 48 : index
      %swap3A_1429 = tpu.vector_load %arg12[%swap3A_1427, %swap3A_1428] {strides = array<i32>} : memref<528x128xf32, #tpu.memory_space<vmem>>, vector<16xf32>,
      tpu.vector_store %arg12[%swap3A_1427, %swap3A_1428], %broadcast_in_dim3A_7 {strides = array<i32>} : memref<528x128xf32, #tpu.memory_space<vmem>>, vector<16xf32>,
      %mul3A_1430 = arith.constant 8 : i32
      %mul3A_1431 = arith.muli %while3A_1177, %mul3A_1430 : i32
      %add3A_1432 = arith.constant 4 : i32
      %add3A_1433 = arith.addi %mul3A_1431, %add3A_1432 : i32
      %swap3A_1434 = arith.index_cast %add3A_1433 : i32 to index
      %swap3A_1435 = arith.constant 64 : index
      %swap3A_1436 = tpu.vector_load %arg12[%swap3A_1434, %swap3A_1435] {strides = array<i32>} : memref<528x128xf32, #tpu.memory_space<vmem>>, vector<16xf32>,
      tpu.vector_store %arg12[%swap3A_1434, %swap3A_1435], %broadcast_in_dim3A_7 {strides = array<i32>} : memref<528x128xf32, #tpu.memory_space<vmem>>, vector<16xf32>,
      %mul3A_1437 = arith.constant 8 : i32
      %mul3A_1438 = arith.muli %while3A_1177, %mul3A_1437 : i32
      %add3A_1439 = arith.constant 4 : i32
      %add3A_1440 = arith.addi %mul3A_1438, %add3A_1439 : i32
      %swap3A_1441 = arith.index_cast %add3A_1440 : i32 to index
      %swap3A_1442 = arith.constant 80 : index
      %swap3A_1443 = tpu.vector_load %arg12[%swap3A_1441, %swap3A_1442] {strides = array<i32>} : memref<528x128xf32, #tpu.memory_space<vmem>>, vector<16xf32>,
      tpu.vector_store %arg12[%swap3A_1441, %swap3A_1442], %broadcast_in_dim3A_7 {strides = array<i32>} : memref<528x128xf32, #tpu.memory_space<vmem>>, vector<16xf32>,
      %mul3A_1444 = arith.constant 8 : i32
      %mul3A_1445 = arith.muli %while3A_1177, %mul3A_1444 : i32
      %add3A_1446 = arith.constant 4 : i32
      %add3A_1447 = arith.addi %mul3A_1445, %add3A_1446 : i32
      %swap3A_1448 = arith.index_cast %add3A_1447 : i32 to index
      %swap3A_1449 = arith.constant 96 : index
      %swap3A_1450 = tpu.vector_load %arg12[%swap3A_1448, %swap3A_1449] {strides = array<i32>} : memref<528x128xf32, #tpu.memory_space<vmem>>, vector<16xf32>,
      tpu.vector_store %arg12[%swap3A_1448, %swap3A_1449], %broadcast_in_dim3A_7 {strides = array<i32>} : memref<528x128xf32, #tpu.memory_space<vmem>>, vector<16xf32>,
      %mul3A_1451 = arith.constant 8 : i32
      %mul3A_1452 = arith.muli %while3A_1177, %mul3A_1451 : i32
      %add3A_1453 = arith.constant 4 : i32
      %add3A_1454 = arith.addi %mul3A_1452, %add3A_1453 : i32
      %swap3A_1455 = arith.index_cast %add3A_1454 : i32 to index
      %swap3A_1456 = arith.constant 112 : index
      %swap3A_1457 = tpu.vector_load %arg12[%swap3A_1455, %swap3A_1456] {strides = array<i32>} : memref<528x128xf32, #tpu.memory_space<vmem>>, vector<16xf32>,
      tpu.vector_store %arg12[%swap3A_1455, %swap3A_1456], %broadcast_in_dim3A_7 {strides = array<i32>} : memref<528x128xf32, #tpu.memory_space<vmem>>, vector<16xf32>,
      %mul3A_1458 = arith.constant 8 : i32
      %mul3A_1459 = arith.muli %while3A_1177, %mul3A_1458 : i32
      %add3A_1460 = arith.constant 5 : i32
      %add3A_1461 = arith.addi %mul3A_1459, %add3A_1460 : i32
      %swap3A_1462 = arith.index_cast %add3A_1461 : i32 to index
      %swap3A_1463 = arith.constant 0 : index
      %swap3A_1464 = tpu.vector_load %arg12[%swap3A_1462, %swap3A_1463] {strides = array<i32>} : memref<528x128xf32, #tpu.memory_space<vmem>>, vector<16xf32>,
      tpu.vector_store %arg12[%swap3A_1462, %swap3A_1463], %broadcast_in_dim3A_7 {strides = array<i32>} : memref<528x128xf32, #tpu.memory_space<vmem>>, vector<16xf32>,
      %mul3A_1465 = arith.constant 8 : i32
      %mul3A_1466 = arith.muli %while3A_1177, %mul3A_1465 : i32
      %add3A_1467 = arith.constant 5 : i32
      %add3A_1468 = arith.addi %mul3A_1466, %add3A_1467 : i32
      %swap3A_1469 = arith.index_cast %add3A_1468 : i32 to index
      %swap3A_1470 = arith.constant 16 : index
      %swap3A_1471 = tpu.vector_load %arg12[%swap3A_1469, %swap3A_1470] {strides = array<i32>} : memref<528x128xf32, #tpu.memory_space<vmem>>, vector<16xf32>,
      tpu.vector_store %arg12[%swap3A_1469, %swap3A_1470], %broadcast_in_dim3A_7 {strides = array<i32>} : memref<528x128xf32, #tpu.memory_space<vmem>>, vector<16xf32>,
      %mul3A_1472 = arith.constant 8 : i32
      %mul3A_1473 = arith.muli %while3A_1177, %mul3A_1472 : i32
      %add3A_1474 = arith.constant 5 : i32
      %add3A_1475 = arith.addi %mul3A_1473, %add3A_1474 : i32
      %swap3A_1476 = arith.index_cast %add3A_1475 : i32 to index
      %swap3A_1477 = arith.constant 32 : index
      %swap3A_1478 = tpu.vector_load %arg12[%swap3A_1476, %swap3A_1477] {strides = array<i32>} : memref<528x128xf32, #tpu.memory_space<vmem>>, vector<16xf32>,
      tpu.vector_store %arg12[%swap3A_1476, %swap3A_1477], %broadcast_in_dim3A_7 {strides = array<i32>} : memref<528x128xf32, #tpu.memory_space<vmem>>, vector<16xf32>,
      %mul3A_1479 = arith.constant 8 : i32
      %mul3A_1480 = arith.muli %while3A_1177, %mul3A_1479 : i32
      %add3A_1481 = arith.constant 5 : i32
      %add3A_1482 = arith.addi %mul3A_1480, %add3A_1481 : i32
      %swap3A_1483 = arith.index_cast %add3A_1482 : i32 to index
      %swap3A_1484 = arith.constant 48 : index
      %swap3A_1485 = tpu.vector_load %arg12[%swap3A_1483, %swap3A_1484] {strides = array<i32>} : memref<528x128xf32, #tpu.memory_space<vmem>>, vector<16xf32>,
      tpu.vector_store %arg12[%swap3A_1483, %swap3A_1484], %broadcast_in_dim3A_7 {strides = array<i32>} : memref<528x128xf32, #tpu.memory_space<vmem>>, vector<16xf32>,
      %mul3A_1486 = arith.constant 8 : i32
      %mul3A_1487 = arith.muli %while3A_1177, %mul3A_1486 : i32
      %add3A_1488 = arith.constant 5 : i32
      %add3A_1489 = arith.addi %mul3A_1487, %add3A_1488 : i32
      %swap3A_1490 = arith.index_cast %add3A_1489 : i32 to index
      %swap3A_1491 = arith.constant 64 : index
      %swap3A_1492 = tpu.vector_load %arg12[%swap3A_1490, %swap3A_1491] {strides = array<i32>} : memref<528x128xf32, #tpu.memory_space<vmem>>, vector<16xf32>,
      tpu.vector_store %arg12[%swap3A_1490, %swap3A_1491], %broadcast_in_dim3A_7 {strides = array<i32>} : memref<528x128xf32, #tpu.memory_space<vmem>>, vector<16xf32>,
      %mul3A_1493 = arith.constant 8 : i32
      %mul3A_1494 = arith.muli %while3A_1177, %mul3A_1493 : i32
      %add3A_1495 = arith.constant 5 : i32
      %add3A_1496 = arith.addi %mul3A_1494, %add3A_1495 : i32
      %swap3A_1497 = arith.index_cast %add3A_1496 : i32 to index
      %swap3A_1498 = arith.constant 80 : index
      %swap3A_1499 = tpu.vector_load %arg12[%swap3A_1497, %swap3A_1498] {strides = array<i32>} : memref<528x128xf32, #tpu.memory_space<vmem>>, vector<16xf32>,
      tpu.vector_store %arg12[%swap3A_1497, %swap3A_1498], %broadcast_in_dim3A_7 {strides = array<i32>} : memref<528x128xf32, #tpu.memory_space<vmem>>, vector<16xf32>,
      %mul3A_1500 = arith.constant 8 : i32
      %mul3A_1501 = arith.muli %while3A_1177, %mul3A_1500 : i32
      %add3A_1502 = arith.constant 5 : i32
      %add3A_1503 = arith.addi %mul3A_1501, %add3A_1502 : i32
      %swap3A_1504 = arith.index_cast %add3A_1503 : i32 to index
      %swap3A_1505 = arith.constant 96 : index
      %swap3A_1506 = tpu.vector_load %arg12[%swap3A_1504, %swap3A_1505] {strides = array<i32>} : memref<528x128xf32, #tpu.memory_space<vmem>>, vector<16xf32>,
      tpu.vector_store %arg12[%swap3A_1504, %swap3A_1505], %broadcast_in_dim3A_7 {strides = array<i32>} : memref<528x128xf32, #tpu.memory_space<vmem>>, vector<16xf32>,
      %mul3A_1507 = arith.constant 8 : i32
      %mul3A_1508 = arith.muli %while3A_1177, %mul3A_1507 : i32
      %add3A_1509 = arith.constant 5 : i32
      %add3A_1510 = arith.addi %mul3A_1508, %add3A_1509 : i32
      %swap3A_1511 = arith.index_cast %add3A_1510 : i32 to index
      %swap3A_1512 = arith.constant 112 : index
      %swap3A_1513 = tpu.vector_load %arg12[%swap3A_1511, %swap3A_1512] {strides = array<i32>} : memref<528x128xf32, #tpu.memory_space<vmem>>, vector<16xf32>,
      tpu.vector_store %arg12[%swap3A_1511, %swap3A_1512], %broadcast_in_dim3A_7 {strides = array<i32>} : memref<528x128xf32, #tpu.memory_space<vmem>>, vector<16xf32>,
      %mul3A_1514 = arith.constant 8 : i32
      %mul3A_1515 = arith.muli %while3A_1177, %mul3A_1514 : i32
      %add3A_1516 = arith.constant 6 : i32
      %add3A_1517 = arith.addi %mul3A_1515, %add3A_1516 : i32
      %swap3A_1518 = arith.index_cast %add3A_1517 : i32 to index
      %swap3A_1519 = arith.constant 0 : index
      %swap3A_1520 = tpu.vector_load %arg12[%swap3A_1518, %swap3A_1519] {strides = array<i32>} : memref<528x128xf32, #tpu.memory_space<vmem>>, vector<16xf32>,
      tpu.vector_store %arg12[%swap3A_1518, %swap3A_1519], %broadcast_in_dim3A_7 {strides = array<i32>} : memref<528x128xf32, #tpu.memory_space<vmem>>, vector<16xf32>,
      %mul3A_1521 = arith.constant 8 : i32
      %mul3A_1522 = arith.muli %while3A_1177, %mul3A_1521 : i32
      %add3A_1523 = arith.constant 6 : i32
      %add3A_1524 = arith.addi %mul3A_1522, %add3A_1523 : i32
      %swap3A_1525 = arith.index_cast %add3A_1524 : i32 to index
      %swap3A_1526 = arith.constant 16 : index
      %swap3A_1527 = tpu.vector_load %arg12[%swap3A_1525, %swap3A_1526] {strides = array<i32>} : memref<528x128xf32, #tpu.memory_space<vmem>>, vector<16xf32>,
      tpu.vector_store %arg12[%swap3A_1525, %swap3A_1526], %broadcast_in_dim3A_7 {strides = array<i32>} : memref<528x128xf32, #tpu.memory_space<vmem>>, vector<16xf32>,
      %mul3A_1528 = arith.constant 8 : i32
      %mul3A_1529 = arith.muli %while3A_1177, %mul3A_1528 : i32
      %add3A_1530 = arith.constant 6 : i32
      %add3A_1531 = arith.addi %mul3A_1529, %add3A_1530 : i32
      %swap3A_1532 = arith.index_cast %add3A_1531 : i32 to index
      %swap3A_1533 = arith.constant 32 : index
      %swap3A_1534 = tpu.vector_load %arg12[%swap3A_1532, %swap3A_1533] {strides = array<i32>} : memref<528x128xf32, #tpu.memory_space<vmem>>, vector<16xf32>,
      tpu.vector_store %arg12[%swap3A_1532, %swap3A_1533], %broadcast_in_dim3A_7 {strides = array<i32>} : memref<528x128xf32, #tpu.memory_space<vmem>>, vector<16xf32>,
      %mul3A_1535 = arith.constant 8 : i32
      %mul3A_1536 = arith.muli %while3A_1177, %mul3A_1535 : i32
      %add3A_1537 = arith.constant 6 : i32
      %add3A_1538 = arith.addi %mul3A_1536, %add3A_1537 : i32
      %swap3A_1539 = arith.index_cast %add3A_1538 : i32 to index
      %swap3A_1540 = arith.constant 48 : index
      %swap3A_1541 = tpu.vector_load %arg12[%swap3A_1539, %swap3A_1540] {strides = array<i32>} : memref<528x128xf32, #tpu.memory_space<vmem>>, vector<16xf32>,
      tpu.vector_store %arg12[%swap3A_1539, %swap3A_1540], %broadcast_in_dim3A_7 {strides = array<i32>} : memref<528x128xf32, #tpu.memory_space<vmem>>, vector<16xf32>,
      %mul3A_1542 = arith.constant 8 : i32
      %mul3A_1543 = arith.muli %while3A_1177, %mul3A_1542 : i32
      %add3A_1544 = arith.constant 6 : i32
      %add3A_1545 = arith.addi %mul3A_1543, %add3A_1544 : i32
      %swap3A_1546 = arith.index_cast %add3A_1545 : i32 to index
      %swap3A_1547 = arith.constant 64 : index
      %swap3A_1548 = tpu.vector_load %arg12[%swap3A_1546, %swap3A_1547] {strides = array<i32>} : memref<528x128xf32, #tpu.memory_space<vmem>>, vector<16xf32>,
      tpu.vector_store %arg12[%swap3A_1546, %swap3A_1547], %broadcast_in_dim3A_7 {strides = array<i32>} : memref<528x128xf32, #tpu.memory_space<vmem>>, vector<16xf32>,
      %mul3A_1549 = arith.constant 8 : i32
      %mul3A_1550 = arith.muli %while3A_1177, %mul3A_1549 : i32
      %add3A_1551 = arith.constant 6 : i32
      %add3A_1552 = arith.addi %mul3A_1550, %add3A_1551 : i32
      %swap3A_1553 = arith.index_cast %add3A_1552 : i32 to index
      %swap3A_1554 = arith.constant 80 : index
      %swap3A_1555 = tpu.vector_load %arg12[%swap3A_1553, %swap3A_1554] {strides = array<i32>} : memref<528x128xf32, #tpu.memory_space<vmem>>, vector<16xf32>,
      tpu.vector_store %arg12[%swap3A_1553, %swap3A_1554], %broadcast_in_dim3A_7 {strides = array<i32>} : memref<528x128xf32, #tpu.memory_space<vmem>>, vector<16xf32>,
      %mul3A_1556 = arith.constant 8 : i32
      %mul3A_1557 = arith.muli %while3A_1177, %mul3A_1556 : i32
      %add3A_1558 = arith.constant 6 : i32
      %add3A_1559 = arith.addi %mul3A_1557, %add3A_1558 : i32
      %swap3A_1560 = arith.index_cast %add3A_1559 : i32 to index
      %swap3A_1561 = arith.constant 96 : index
      %swap3A_1562 = tpu.vector_load %arg12[%swap3A_1560, %swap3A_1561] {strides = array<i32>} : memref<528x128xf32, #tpu.memory_space<vmem>>, vector<16xf32>,
      tpu.vector_store %arg12[%swap3A_1560, %swap3A_1561], %broadcast_in_dim3A_7 {strides = array<i32>} : memref<528x128xf32, #tpu.memory_space<vmem>>, vector<16xf32>,
      %mul3A_1563 = arith.constant 8 : i32
      %mul3A_1564 = arith.muli %while3A_1177, %mul3A_1563 : i32
      %add3A_1565 = arith.constant 6 : i32
      %add3A_1566 = arith.addi %mul3A_1564, %add3A_1565 : i32
      %swap3A_1567 = arith.index_cast %add3A_1566 : i32 to index
      %swap3A_1568 = arith.constant 112 : index
      %swap3A_1569 = tpu.vector_load %arg12[%swap3A_1567, %swap3A_1568] {strides = array<i32>} : memref<528x128xf32, #tpu.memory_space<vmem>>, vector<16xf32>,
      tpu.vector_store %arg12[%swap3A_1567, %swap3A_1568], %broadcast_in_dim3A_7 {strides = array<i32>} : memref<528x128xf32, #tpu.memory_space<vmem>>, vector<16xf32>,
      %mul3A_1570 = arith.constant 8 : i32
      %mul3A_1571 = arith.muli %while3A_1177, %mul3A_1570 : i32
      %add3A_1572 = arith.constant 7 : i32
      %add3A_1573 = arith.addi %mul3A_1571, %add3A_1572 : i32
      %swap3A_1574 = arith.index_cast %add3A_1573 : i32 to index
      %swap3A_1575 = arith.constant 0 : index
      %swap3A_1576 = tpu.vector_load %arg12[%swap3A_1574, %swap3A_1575] {strides = array<i32>} : memref<528x128xf32, #tpu.memory_space<vmem>>, vector<16xf32>,
      tpu.vector_store %arg12[%swap3A_1574, %swap3A_1575], %broadcast_in_dim3A_7 {strides = array<i32>} : memref<528x128xf32, #tpu.memory_space<vmem>>, vector<16xf32>,
      %mul3A_1577 = arith.constant 8 : i32
      %mul3A_1578 = arith.muli %while3A_1177, %mul3A_1577 : i32
      %add3A_1579 = arith.constant 7 : i32
      %add3A_1580 = arith.addi %mul3A_1578, %add3A_1579 : i32
      %swap3A_1581 = arith.index_cast %add3A_1580 : i32 to index
      %swap3A_1582 = arith.constant 16 : index
      %swap3A_1583 = tpu.vector_load %arg12[%swap3A_1581, %swap3A_1582] {strides = array<i32>} : memref<528x128xf32, #tpu.memory_space<vmem>>, vector<16xf32>,
      tpu.vector_store %arg12[%swap3A_1581, %swap3A_1582], %broadcast_in_dim3A_7 {strides = array<i32>} : memref<528x128xf32, #tpu.memory_space<vmem>>, vector<16xf32>,
      %mul3A_1584 = arith.constant 8 : i32
      %mul3A_1585 = arith.muli %while3A_1177, %mul3A_1584 : i32
      %add3A_1586 = arith.constant 7 : i32
      %add3A_1587 = arith.addi %mul3A_1585, %add3A_1586 : i32
      %swap3A_1588 = arith.index_cast %add3A_1587 : i32 to index
      %swap3A_1589 = arith.constant 32 : index
      %swap3A_1590 = tpu.vector_load %arg12[%swap3A_1588, %swap3A_1589] {strides = array<i32>} : memref<528x128xf32, #tpu.memory_space<vmem>>, vector<16xf32>,
      tpu.vector_store %arg12[%swap3A_1588, %swap3A_1589], %broadcast_in_dim3A_7 {strides = array<i32>} : memref<528x128xf32, #tpu.memory_space<vmem>>, vector<16xf32>,
      %mul3A_1591 = arith.constant 8 : i32
      %mul3A_1592 = arith.muli %while3A_1177, %mul3A_1591 : i32
      %add3A_1593 = arith.constant 7 : i32
      %add3A_1594 = arith.addi %mul3A_1592, %add3A_1593 : i32
      %swap3A_1595 = arith.index_cast %add3A_1594 : i32 to index
      %swap3A_1596 = arith.constant 48 : index
      %swap3A_1597 = tpu.vector_load %arg12[%swap3A_1595, %swap3A_1596] {strides = array<i32>} : memref<528x128xf32, #tpu.memory_space<vmem>>, vector<16xf32>,
      tpu.vector_store %arg12[%swap3A_1595, %swap3A_1596], %broadcast_in_dim3A_7 {strides = array<i32>} : memref<528x128xf32, #tpu.memory_space<vmem>>, vector<16xf32>,
      %mul3A_1598 = arith.constant 8 : i32
      %mul3A_1599 = arith.muli %while3A_1177, %mul3A_1598 : i32
      %add3A_1600 = arith.constant 7 : i32
      %add3A_1601 = arith.addi %mul3A_1599, %add3A_1600 : i32
      %swap3A_1602 = arith.index_cast %add3A_1601 : i32 to index
      %swap3A_1603 = arith.constant 64 : index
      %swap3A_1604 = tpu.vector_load %arg12[%swap3A_1602, %swap3A_1603] {strides = array<i32>} : memref<528x128xf32, #tpu.memory_space<vmem>>, vector<16xf32>,
      tpu.vector_store %arg12[%swap3A_1602, %swap3A_1603], %broadcast_in_dim3A_7 {strides = array<i32>} : memref<528x128xf32, #tpu.memory_space<vmem>>, vector<16xf32>,
      %mul3A_1605 = arith.constant 8 : i32
      %mul3A_1606 = arith.muli %while3A_1177, %mul3A_1605 : i32
      %add3A_1607 = arith.constant 7 : i32
      %add3A_1608 = arith.addi %mul3A_1606, %add3A_1607 : i32
      %swap3A_1609 = arith.index_cast %add3A_1608 : i32 to index
      %swap3A_1610 = arith.constant 80 : index
      %swap3A_1611 = tpu.vector_load %arg12[%swap3A_1609, %swap3A_1610] {strides = array<i32>} : memref<528x128xf32, #tpu.memory_space<vmem>>, vector<16xf32>,
      tpu.vector_store %arg12[%swap3A_1609, %swap3A_1610], %broadcast_in_dim3A_7 {strides = array<i32>} : memref<528x128xf32, #tpu.memory_space<vmem>>, vector<16xf32>,
      %mul3A_1612 = arith.constant 8 : i32
      %mul3A_1613 = arith.muli %while3A_1177, %mul3A_1612 : i32
      %add3A_1614 = arith.constant 7 : i32
      %add3A_1615 = arith.addi %mul3A_1613, %add3A_1614 : i32
      %swap3A_1616 = arith.index_cast %add3A_1615 : i32 to index
      %swap3A_1617 = arith.constant 96 : index
      %swap3A_1618 = tpu.vector_load %arg12[%swap3A_1616, %swap3A_1617] {strides = array<i32>} : memref<528x128xf32, #tpu.memory_space<vmem>>, vector<16xf32>,
      tpu.vector_store %arg12[%swap3A_1616, %swap3A_1617], %broadcast_in_dim3A_7 {strides = array<i32>} : memref<528x128xf32, #tpu.memory_space<vmem>>, vector<16xf32>,
      %mul3A_1619 = arith.constant 8 : i32
      %mul3A_1620 = arith.muli %while3A_1177, %mul3A_1619 : i32
      %add3A_1621 = arith.constant 7 : i32
      %add3A_1622 = arith.addi %mul3A_1620, %add3A_1621 : i32
      %swap3A_1623 = arith.index_cast %add3A_1622 : i32 to index
      %swap3A_1624 = arith.constant 112 : index
      %swap3A_1625 = tpu.vector_load %arg12[%swap3A_1623, %swap3A_1624] {strides = array<i32>} : memref<528x128xf32, #tpu.memory_space<vmem>>, vector<16xf32>,
      tpu.vector_store %arg12[%swap3A_1623, %swap3A_1624], %broadcast_in_dim3A_7 {strides = array<i32>} : memref<528x128xf32, #tpu.memory_space<vmem>>, vector<16xf32>,
    }
    %scan3A = arith.constant 0 : i32
    %scan3A_1135 = arith.constant 0 : i32
    %scan3A_1136 = arith.constant 25 : i32
    %scan3A_1137 = arith.addi %scan3A_1135, %scan3A_1136 : i32
    %scan3A_1138 = arith.constant 1 : i32
    scf.for %scan3A_1177 = %scan3A_1135 to %scan3A_1137 step %scan3A_1138  : i32 {
      %mul3A_1178 = arith.constant 128 : i32
      %mul3A_1179 = arith.muli %scan3A_1177, %mul3A_1178 : i32
      %add3A_1180 = arith.constant 0 : i32
      %add3A_1181 = arith.addi %mul3A_1179, %add3A_1180 : i32
      %get3A_1182 = arith.index_cast %add3A_1181 : i32 to index
      %get3A_1183 = tpu.vector_load %arg9[%get3A_1182] {strides = array<i32>} : memref<3200xi32, #tpu.memory_space<vmem>>, vector<16xi32>,
      %add3A_1184 = arith.constant 0 : i32
      %add3A_1185 = arith.addi %mul3A_1179, %add3A_1184 : i32
      %get3A_1186 = arith.index_cast %add3A_1185 : i32 to index
      %get3A_1187 = tpu.vector_load %arg8[%get3A_1186] {strides = array<i32>} : memref<3200xi32, #tpu.memory_space<vmem>>, vector<16xi32>,
      %mul3A_1188 = arith.constant 128 : i32
      %mul3A_1189 = vector.broadcast %mul3A_1188 : i32 to vector<16xi32>
      %mul3A_1190 = arith.muli %get3A_1183, %mul3A_1189 : vector<16xi32>
      %add3A_1191 = arith.addi %mul3A_1190, %get3A_1187 : vector<16xi32>
      %masked_sort3A = arith.constant dense<true> : vector<16xi1>
      %masked_sort3A_1192 = arith.constant -2147483648 : i32
      %masked_sort3A_1193 = vector.broadcast %masked_sort3A_1192 : i32 to vector<16xi32>
      %masked_sort3A_1194 = arith.xori %add3A_1191, %masked_sort3A_1193 : vector<16xi32>
      %masked_sort3A_1195, %masked_sort3A_1196, %masked_sort3A_1197 = tpu.sort %masked_sort3A_1194, %get3A_1187 masked %masked_sort3A : (vector<16xi32>, vector<16xi32>, vector<16xi1>) -> (vector<16xi1>, vector<16xi32>, vector<16xi32>)
      %masked_sort3A_1198 = arith.xori %masked_sort3A_1196, %masked_sort3A_1193 : vector<16xi32>
      %add3A_1199 = arith.constant 0 : i32
      %add3A_1200 = arith.addi %mul3A_1179, %add3A_1199 : i32
      %swap3A_1201 = arith.index_cast %add3A_1200 : i32 to index
      %swap3A_1202 = tpu.vector_load %arg10[%swap3A_1201] {strides = array<i32>} : memref<3200xi32, #tpu.memory_space<vmem>>, vector<16xi32>,
      tpu.vector_store %arg10[%swap3A_1201], %masked_sort3A_1198 {strides = array<i32>} : memref<3200xi32, #tpu.memory_space<vmem>>, vector<16xi32>,
      %add3A_1203 = arith.constant 16 : i32
      %add3A_1204 = arith.addi %mul3A_1179, %add3A_1203 : i32
      %get3A_1205 = arith.index_cast %add3A_1204 : i32 to index
      %get3A_1206 = tpu.vector_load %arg9[%get3A_1205] {strides = array<i32>} : memref<3200xi32, #tpu.memory_space<vmem>>, vector<16xi32>,
      %add3A_1207 = arith.constant 16 : i32
      %add3A_1208 = arith.addi %mul3A_1179, %add3A_1207 : i32
      %get3A_1209 = arith.index_cast %add3A_1208 : i32 to index
      %get3A_1210 = tpu.vector_load %arg8[%get3A_1209] {strides = array<i32>} : memref<3200xi32, #tpu.memory_space<vmem>>, vector<16xi32>,
      %mul3A_1211 = arith.constant 128 : i32
      %mul3A_1212 = vector.broadcast %mul3A_1211 : i32 to vector<16xi32>
      %mul3A_1213 = arith.muli %get3A_1206, %mul3A_1212 : vector<16xi32>
      %add3A_1214 = arith.addi %mul3A_1213, %get3A_1210 : vector<16xi32>
      %masked_sort3A_1215 = arith.constant dense<true> : vector<16xi1>
      %masked_sort3A_1216 = arith.constant -2147483648 : i32
      %masked_sort3A_1217 = vector.broadcast %masked_sort3A_1216 : i32 to vector<16xi32>
      %masked_sort3A_1218 = arith.xori %add3A_1214, %masked_sort3A_1217 : vector<16xi32>
      %masked_sort3A_1219, %masked_sort3A_1220, %masked_sort3A_1221 = tpu.sort %masked_sort3A_1218, %get3A_1210 masked %masked_sort3A_1215 : (vector<16xi32>, vector<16xi32>, vector<16xi1>) -> (vector<16xi1>, vector<16xi32>, vector<16xi32>)
      %masked_sort3A_1222 = arith.xori %masked_sort3A_1220, %masked_sort3A_1217 : vector<16xi32>
      %add3A_1223 = arith.constant 16 : i32
      %add3A_1224 = arith.addi %mul3A_1179, %add3A_1223 : i32
      %swap3A_1225 = arith.index_cast %add3A_1224 : i32 to index
      %swap3A_1226 = tpu.vector_load %arg10[%swap3A_1225] {strides = array<i32>} : memref<3200xi32, #tpu.memory_space<vmem>>, vector<16xi32>,
      tpu.vector_store %arg10[%swap3A_1225], %masked_sort3A_1222 {strides = array<i32>} : memref<3200xi32, #tpu.memory_space<vmem>>, vector<16xi32>,
      %add3A_1227 = arith.constant 32 : i32
      %add3A_1228 = arith.addi %mul3A_1179, %add3A_1227 : i32
      %get3A_1229 = arith.index_cast %add3A_1228 : i32 to index
      %get3A_1230 = tpu.vector_load %arg9[%get3A_1229] {strides = array<i32>} : memref<3200xi32, #tpu.memory_space<vmem>>, vector<16xi32>,
      %add3A_1231 = arith.constant 32 : i32
      %add3A_1232 = arith.addi %mul3A_1179, %add3A_1231 : i32
      %get3A_1233 = arith.index_cast %add3A_1232 : i32 to index
      %get3A_1234 = tpu.vector_load %arg8[%get3A_1233] {strides = array<i32>} : memref<3200xi32, #tpu.memory_space<vmem>>, vector<16xi32>,
      %mul3A_1235 = arith.constant 128 : i32
      %mul3A_1236 = vector.broadcast %mul3A_1235 : i32 to vector<16xi32>
      %mul3A_1237 = arith.muli %get3A_1230, %mul3A_1236 : vector<16xi32>
      %add3A_1238 = arith.addi %mul3A_1237, %get3A_1234 : vector<16xi32>
      %masked_sort3A_1239 = arith.constant dense<true> : vector<16xi1>
      %masked_sort3A_1240 = arith.constant -2147483648 : i32
      %masked_sort3A_1241 = vector.broadcast %masked_sort3A_1240 : i32 to vector<16xi32>
      %masked_sort3A_1242 = arith.xori %add3A_1238, %masked_sort3A_1241 : vector<16xi32>
      %masked_sort3A_1243, %masked_sort3A_1244, %masked_sort3A_1245 = tpu.sort %masked_sort3A_1242, %get3A_1234 masked %masked_sort3A_1239 : (vector<16xi32>, vector<16xi32>, vector<16xi1>) -> (vector<16xi1>, vector<16xi32>, vector<16xi32>)
      %masked_sort3A_1246 = arith.xori %masked_sort3A_1244, %masked_sort3A_1241 : vector<16xi32>
      %add3A_1247 = arith.constant 32 : i32
      %add3A_1248 = arith.addi %mul3A_1179, %add3A_1247 : i32
      %swap3A_1249 = arith.index_cast %add3A_1248 : i32 to index
      %swap3A_1250 = tpu.vector_load %arg10[%swap3A_1249] {strides = array<i32>} : memref<3200xi32, #tpu.memory_space<vmem>>, vector<16xi32>,
      tpu.vector_store %arg10[%swap3A_1249], %masked_sort3A_1246 {strides = array<i32>} : memref<3200xi32, #tpu.memory_space<vmem>>, vector<16xi32>,
      %add3A_1251 = arith.constant 48 : i32
      %add3A_1252 = arith.addi %mul3A_1179, %add3A_1251 : i32
      %get3A_1253 = arith.index_cast %add3A_1252 : i32 to index
      %get3A_1254 = tpu.vector_load %arg9[%get3A_1253] {strides = array<i32>} : memref<3200xi32, #tpu.memory_space<vmem>>, vector<16xi32>,
      %add3A_1255 = arith.constant 48 : i32
      %add3A_1256 = arith.addi %mul3A_1179, %add3A_1255 : i32
      %get3A_1257 = arith.index_cast %add3A_1256 : i32 to index
      %get3A_1258 = tpu.vector_load %arg8[%get3A_1257] {strides = array<i32>} : memref<3200xi32, #tpu.memory_space<vmem>>, vector<16xi32>,
      %mul3A_1259 = arith.constant 128 : i32
      %mul3A_1260 = vector.broadcast %mul3A_1259 : i32 to vector<16xi32>
      %mul3A_1261 = arith.muli %get3A_1254, %mul3A_1260 : vector<16xi32>
      %add3A_1262 = arith.addi %mul3A_1261, %get3A_1258 : vector<16xi32>
      %masked_sort3A_1263 = arith.constant dense<true> : vector<16xi1>
      %masked_sort3A_1264 = arith.constant -2147483648 : i32
      %masked_sort3A_1265 = vector.broadcast %masked_sort3A_1264 : i32 to vector<16xi32>
      %masked_sort3A_1266 = arith.xori %add3A_1262, %masked_sort3A_1265 : vector<16xi32>
      %masked_sort3A_1267, %masked_sort3A_1268, %masked_sort3A_1269 = tpu.sort %masked_sort3A_1266, %get3A_1258 masked %masked_sort3A_1263 : (vector<16xi32>, vector<16xi32>, vector<16xi1>) -> (vector<16xi1>, vector<16xi32>, vector<16xi32>)
      %masked_sort3A_1270 = arith.xori %masked_sort3A_1268, %masked_sort3A_1265 : vector<16xi32>
      %add3A_1271 = arith.constant 48 : i32
      %add3A_1272 = arith.addi %mul3A_1179, %add3A_1271 : i32
      %swap3A_1273 = arith.index_cast %add3A_1272 : i32 to index
      %swap3A_1274 = tpu.vector_load %arg10[%swap3A_1273] {strides = array<i32>} : memref<3200xi32, #tpu.memory_space<vmem>>, vector<16xi32>,
      tpu.vector_store %arg10[%swap3A_1273], %masked_sort3A_1270 {strides = array<i32>} : memref<3200xi32, #tpu.memory_space<vmem>>, vector<16xi32>,
      %add3A_1275 = arith.constant 64 : i32
      %add3A_1276 = arith.addi %mul3A_1179, %add3A_1275 : i32
      %get3A_1277 = arith.index_cast %add3A_1276 : i32 to index
      %get3A_1278 = tpu.vector_load %arg9[%get3A_1277] {strides = array<i32>} : memref<3200xi32, #tpu.memory_space<vmem>>, vector<16xi32>,
      %add3A_1279 = arith.constant 64 : i32
      %add3A_1280 = arith.addi %mul3A_1179, %add3A_1279 : i32
      %get3A_1281 = arith.index_cast %add3A_1280 : i32 to index
      %get3A_1282 = tpu.vector_load %arg8[%get3A_1281] {strides = array<i32>} : memref<3200xi32, #tpu.memory_space<vmem>>, vector<16xi32>,
      %mul3A_1283 = arith.constant 128 : i32
      %mul3A_1284 = vector.broadcast %mul3A_1283 : i32 to vector<16xi32>
      %mul3A_1285 = arith.muli %get3A_1278, %mul3A_1284 : vector<16xi32>
      %add3A_1286 = arith.addi %mul3A_1285, %get3A_1282 : vector<16xi32>
      %masked_sort3A_1287 = arith.constant dense<true> : vector<16xi1>
      %masked_sort3A_1288 = arith.constant -2147483648 : i32
      %masked_sort3A_1289 = vector.broadcast %masked_sort3A_1288 : i32 to vector<16xi32>
      %masked_sort3A_1290 = arith.xori %add3A_1286, %masked_sort3A_1289 : vector<16xi32>
      %masked_sort3A_1291, %masked_sort3A_1292, %masked_sort3A_1293 = tpu.sort %masked_sort3A_1290, %get3A_1282 masked %masked_sort3A_1287 : (vector<16xi32>, vector<16xi32>, vector<16xi1>) -> (vector<16xi1>, vector<16xi32>, vector<16xi32>)
      %masked_sort3A_1294 = arith.xori %masked_sort3A_1292, %masked_sort3A_1289 : vector<16xi32>
      %add3A_1295 = arith.constant 64 : i32
      %add3A_1296 = arith.addi %mul3A_1179, %add3A_1295 : i32
      %swap3A_1297 = arith.index_cast %add3A_1296 : i32 to index
      %swap3A_1298 = tpu.vector_load %arg10[%swap3A_1297] {strides = array<i32>} : memref<3200xi32, #tpu.memory_space<vmem>>, vector<16xi32>,
      tpu.vector_store %arg10[%swap3A_1297], %masked_sort3A_1294 {strides = array<i32>} : memref<3200xi32, #tpu.memory_space<vmem>>, vector<16xi32>,
      %add3A_1299 = arith.constant 80 : i32
      %add3A_1300 = arith.addi %mul3A_1179, %add3A_1299 : i32
      %get3A_1301 = arith.index_cast %add3A_1300 : i32 to index
      %get3A_1302 = tpu.vector_load %arg9[%get3A_1301] {strides = array<i32>} : memref<3200xi32, #tpu.memory_space<vmem>>, vector<16xi32>,
      %add3A_1303 = arith.constant 80 : i32
      %add3A_1304 = arith.addi %mul3A_1179, %add3A_1303 : i32
      %get3A_1305 = arith.index_cast %add3A_1304 : i32 to index
      %get3A_1306 = tpu.vector_load %arg8[%get3A_1305] {strides = array<i32>} : memref<3200xi32, #tpu.memory_space<vmem>>, vector<16xi32>,
      %mul3A_1307 = arith.constant 128 : i32
      %mul3A_1308 = vector.broadcast %mul3A_1307 : i32 to vector<16xi32>
      %mul3A_1309 = arith.muli %get3A_1302, %mul3A_1308 : vector<16xi32>
      %add3A_1310 = arith.addi %mul3A_1309, %get3A_1306 : vector<16xi32>
      %masked_sort3A_1311 = arith.constant dense<true> : vector<16xi1>
      %masked_sort3A_1312 = arith.constant -2147483648 : i32
      %masked_sort3A_1313 = vector.broadcast %masked_sort3A_1312 : i32 to vector<16xi32>
      %masked_sort3A_1314 = arith.xori %add3A_1310, %masked_sort3A_1313 : vector<16xi32>
      %masked_sort3A_1315, %masked_sort3A_1316, %masked_sort3A_1317 = tpu.sort %masked_sort3A_1314, %get3A_1306 masked %masked_sort3A_1311 : (vector<16xi32>, vector<16xi32>, vector<16xi1>) -> (vector<16xi1>, vector<16xi32>, vector<16xi32>)
      %masked_sort3A_1318 = arith.xori %masked_sort3A_1316, %masked_sort3A_1313 : vector<16xi32>
      %add3A_1319 = arith.constant 80 : i32
      %add3A_1320 = arith.addi %mul3A_1179, %add3A_1319 : i32
      %swap3A_1321 = arith.index_cast %add3A_1320 : i32 to index
      %swap3A_1322 = tpu.vector_load %arg10[%swap3A_1321] {strides = array<i32>} : memref<3200xi32, #tpu.memory_space<vmem>>, vector<16xi32>,
      tpu.vector_store %arg10[%swap3A_1321], %masked_sort3A_1318 {strides = array<i32>} : memref<3200xi32, #tpu.memory_space<vmem>>, vector<16xi32>,
      %add3A_1323 = arith.constant 96 : i32
      %add3A_1324 = arith.addi %mul3A_1179, %add3A_1323 : i32
      %get3A_1325 = arith.index_cast %add3A_1324 : i32 to index
      %get3A_1326 = tpu.vector_load %arg9[%get3A_1325] {strides = array<i32>} : memref<3200xi32, #tpu.memory_space<vmem>>, vector<16xi32>,
      %add3A_1327 = arith.constant 96 : i32
      %add3A_1328 = arith.addi %mul3A_1179, %add3A_1327 : i32
      %get3A_1329 = arith.index_cast %add3A_1328 : i32 to index
      %get3A_1330 = tpu.vector_load %arg8[%get3A_1329] {strides = array<i32>} : memref<3200xi32, #tpu.memory_space<vmem>>, vector<16xi32>,
      %mul3A_1331 = arith.constant 128 : i32
      %mul3A_1332 = vector.broadcast %mul3A_1331 : i32 to vector<16xi32>
      %mul3A_1333 = arith.muli %get3A_1326, %mul3A_1332 : vector<16xi32>
      %add3A_1334 = arith.addi %mul3A_1333, %get3A_1330 : vector<16xi32>
      %masked_sort3A_1335 = arith.constant dense<true> : vector<16xi1>
      %masked_sort3A_1336 = arith.constant -2147483648 : i32
      %masked_sort3A_1337 = vector.broadcast %masked_sort3A_1336 : i32 to vector<16xi32>
      %masked_sort3A_1338 = arith.xori %add3A_1334, %masked_sort3A_1337 : vector<16xi32>
      %masked_sort3A_1339, %masked_sort3A_1340, %masked_sort3A_1341 = tpu.sort %masked_sort3A_1338, %get3A_1330 masked %masked_sort3A_1335 : (vector<16xi32>, vector<16xi32>, vector<16xi1>) -> (vector<16xi1>, vector<16xi32>, vector<16xi32>)
      %masked_sort3A_1342 = arith.xori %masked_sort3A_1340, %masked_sort3A_1337 : vector<16xi32>
      %add3A_1343 = arith.constant 96 : i32
      %add3A_1344 = arith.addi %mul3A_1179, %add3A_1343 : i32
      %swap3A_1345 = arith.index_cast %add3A_1344 : i32 to index
      %swap3A_1346 = tpu.vector_load %arg10[%swap3A_1345] {strides = array<i32>} : memref<3200xi32, #tpu.memory_space<vmem>>, vector<16xi32>,
      tpu.vector_store %arg10[%swap3A_1345], %masked_sort3A_1342 {strides = array<i32>} : memref<3200xi32, #tpu.memory_space<vmem>>, vector<16xi32>,
      %add3A_1347 = arith.constant 112 : i32
      %add3A_1348 = arith.addi %mul3A_1179, %add3A_1347 : i32
      %get3A_1349 = arith.index_cast %add3A_1348 : i32 to index
      %get3A_1350 = tpu.vector_load %arg9[%get3A_1349] {strides = array<i32>} : memref<3200xi32, #tpu.memory_space<vmem>>, vector<16xi32>,
      %add3A_1351 = arith.constant 112 : i32
      %add3A_1352 = arith.addi %mul3A_1179, %add3A_1351 : i32
      %get3A_1353 = arith.index_cast %add3A_1352 : i32 to index
      %get3A_1354 = tpu.vector_load %arg8[%get3A_1353] {strides = array<i32>} : memref<3200xi32, #tpu.memory_space<vmem>>, vector<16xi32>,
      %mul3A_1355 = arith.constant 128 : i32
      %mul3A_1356 = vector.broadcast %mul3A_1355 : i32 to vector<16xi32>
      %mul3A_1357 = arith.muli %get3A_1350, %mul3A_1356 : vector<16xi32>
      %add3A_1358 = arith.addi %mul3A_1357, %get3A_1354 : vector<16xi32>
      %masked_sort3A_1359 = arith.constant dense<true> : vector<16xi1>
      %masked_sort3A_1360 = arith.constant -2147483648 : i32
      %masked_sort3A_1361 = vector.broadcast %masked_sort3A_1360 : i32 to vector<16xi32>
      %masked_sort3A_1362 = arith.xori %add3A_1358, %masked_sort3A_1361 : vector<16xi32>
      %masked_sort3A_1363, %masked_sort3A_1364, %masked_sort3A_1365 = tpu.sort %masked_sort3A_1362, %get3A_1354 masked %masked_sort3A_1359 : (vector<16xi32>, vector<16xi32>, vector<16xi1>) -> (vector<16xi1>, vector<16xi32>, vector<16xi32>)
      %masked_sort3A_1366 = arith.xori %masked_sort3A_1364, %masked_sort3A_1361 : vector<16xi32>
      %add3A_1367 = arith.constant 112 : i32
      %add3A_1368 = arith.addi %mul3A_1179, %add3A_1367 : i32
      %swap3A_1369 = arith.index_cast %add3A_1368 : i32 to index
      %swap3A_1370 = tpu.vector_load %arg10[%swap3A_1369] {strides = array<i32>} : memref<3200xi32, #tpu.memory_space<vmem>>, vector<16xi32>,
      tpu.vector_store %arg10[%swap3A_1369], %masked_sort3A_1366 {strides = array<i32>} : memref<3200xi32, #tpu.memory_space<vmem>>, vector<16xi32>,
    }
    %scan3A_1139 = arith.constant 25 : i32
    %scan3A_1140 = arith.constant 0 : i32
    %scan3A_1141 = arith.constant 0 : i32
    %scan3A_1142 = arith.constant 25 : i32
    %scan3A_1143 = arith.addi %scan3A_1141, %scan3A_1142 : i32
    %scan3A_1144 = arith.constant 1 : i32
    scf.for %scan3A_1177 = %scan3A_1141 to %scan3A_1143 step %scan3A_1144  : i32 {
      %mul3A_1178 = arith.constant 128 : i32
      %mul3A_1179 = arith.muli %scan3A_1177, %mul3A_1178 : i32
      %add3A_1180 = arith.constant 0 : i32
      %add3A_1181 = arith.addi %mul3A_1179, %add3A_1180 : i32
      %get3A_1182 = arith.index_cast %add3A_1181 : i32 to index
      %get3A_1183 = tpu.vector_load %arg10[%get3A_1182] {strides = array<i32>} : memref<3200xi32, #tpu.memory_space<vmem>>, vector<16xi32>,
      %broadcast_in_dim3A_1184 = arith.constant true
      %broadcast_in_dim3A_1185 = vector.broadcast %broadcast_in_dim3A_1184 : i1 to vector<16xi1>
      %unique3A, %unique3A_1186 = tpu.scan_count mask(%broadcast_in_dim3A_1185 : vector<16xi1>) value(%get3A_1183 : vector<16xi32>) : vector<16xi1>, vector<16xi32>
      %shift_right_logical3A = arith.constant 7 : i32
      %shift_right_logical3A_1187 = vector.broadcast %shift_right_logical3A : i32 to vector<16xi32>
      %shift_right_logical3A_1188 = arith.shrui %get3A_1183, %shift_right_logical3A_1187 : vector<16xi32>
      %and3A_1189 = arith.constant 127 : i32
      %and3A_1190 = vector.broadcast %and3A_1189 : i32 to vector<16xi32>
      %and3A_1191 = arith.andi %get3A_1183, %and3A_1190 : vector<16xi32>
      %convert_element_type3A_1192 = arith.sitofp %unique3A_1186 : vector<16xi32> to vector<16xf32>
      tpu.vector_store_idx %arg12[%shift_right_logical3A_1188, %and3A_1191], %convert_element_type3A_1192 masked %unique3A {add = true} : memref<528x128xf32, #tpu.memory_space<vmem>>[vector<16xi32>, vector<16xi32>], vector<16xf32>, vector<16xi1>
      %add3A_1193 = arith.constant 16 : i32
      %add3A_1194 = arith.addi %mul3A_1179, %add3A_1193 : i32
      %get3A_1195 = arith.index_cast %add3A_1194 : i32 to index
      %get3A_1196 = tpu.vector_load %arg10[%get3A_1195] {strides = array<i32>} : memref<3200xi32, #tpu.memory_space<vmem>>, vector<16xi32>,
      %broadcast_in_dim3A_1197 = arith.constant true
      %broadcast_in_dim3A_1198 = vector.broadcast %broadcast_in_dim3A_1197 : i1 to vector<16xi1>
      %unique3A_1199, %unique3A_1200 = tpu.scan_count mask(%broadcast_in_dim3A_1198 : vector<16xi1>) value(%get3A_1196 : vector<16xi32>) : vector<16xi1>, vector<16xi32>
      %shift_right_logical3A_1201 = arith.constant 7 : i32
      %shift_right_logical3A_1202 = vector.broadcast %shift_right_logical3A_1201 : i32 to vector<16xi32>
      %shift_right_logical3A_1203 = arith.shrui %get3A_1196, %shift_right_logical3A_1202 : vector<16xi32>
      %and3A_1204 = arith.constant 127 : i32
      %and3A_1205 = vector.broadcast %and3A_1204 : i32 to vector<16xi32>
      %and3A_1206 = arith.andi %get3A_1196, %and3A_1205 : vector<16xi32>
      %convert_element_type3A_1207 = arith.sitofp %unique3A_1200 : vector<16xi32> to vector<16xf32>
      tpu.vector_store_idx %arg12[%shift_right_logical3A_1203, %and3A_1206], %convert_element_type3A_1207 masked %unique3A_1199 {add = true} : memref<528x128xf32, #tpu.memory_space<vmem>>[vector<16xi32>, vector<16xi32>], vector<16xf32>, vector<16xi1>
      %add3A_1208 = arith.constant 32 : i32
      %add3A_1209 = arith.addi %mul3A_1179, %add3A_1208 : i32
      %get3A_1210 = arith.index_cast %add3A_1209 : i32 to index
      %get3A_1211 = tpu.vector_load %arg10[%get3A_1210] {strides = array<i32>} : memref<3200xi32, #tpu.memory_space<vmem>>, vector<16xi32>,
      %broadcast_in_dim3A_1212 = arith.constant true
      %broadcast_in_dim3A_1213 = vector.broadcast %broadcast_in_dim3A_1212 : i1 to vector<16xi1>
      %unique3A_1214, %unique3A_1215 = tpu.scan_count mask(%broadcast_in_dim3A_1213 : vector<16xi1>) value(%get3A_1211 : vector<16xi32>) : vector<16xi1>, vector<16xi32>
      %shift_right_logical3A_1216 = arith.constant 7 : i32
      %shift_right_logical3A_1217 = vector.broadcast %shift_right_logical3A_1216 : i32 to vector<16xi32>
      %shift_right_logical3A_1218 = arith.shrui %get3A_1211, %shift_right_logical3A_1217 : vector<16xi32>
      %and3A_1219 = arith.constant 127 : i32
      %and3A_1220 = vector.broadcast %and3A_1219 : i32 to vector<16xi32>
      %and3A_1221 = arith.andi %get3A_1211, %and3A_1220 : vector<16xi32>
      %convert_element_type3A_1222 = arith.sitofp %unique3A_1215 : vector<16xi32> to vector<16xf32>
      tpu.vector_store_idx %arg12[%shift_right_logical3A_1218, %and3A_1221], %convert_element_type3A_1222 masked %unique3A_1214 {add = true} : memref<528x128xf32, #tpu.memory_space<vmem>>[vector<16xi32>, vector<16xi32>], vector<16xf32>, vector<16xi1>
      %add3A_1223 = arith.constant 48 : i32
      %add3A_1224 = arith.addi %mul3A_1179, %add3A_1223 : i32
      %get3A_1225 = arith.index_cast %add3A_1224 : i32 to index
      %get3A_1226 = tpu.vector_load %arg10[%get3A_1225] {strides = array<i32>} : memref<3200xi32, #tpu.memory_space<vmem>>, vector<16xi32>,
      %broadcast_in_dim3A_1227 = arith.constant true
      %broadcast_in_dim3A_1228 = vector.broadcast %broadcast_in_dim3A_1227 : i1 to vector<16xi1>
      %unique3A_1229, %unique3A_1230 = tpu.scan_count mask(%broadcast_in_dim3A_1228 : vector<16xi1>) value(%get3A_1226 : vector<16xi32>) : vector<16xi1>, vector<16xi32>
      %shift_right_logical3A_1231 = arith.constant 7 : i32
      %shift_right_logical3A_1232 = vector.broadcast %shift_right_logical3A_1231 : i32 to vector<16xi32>
      %shift_right_logical3A_1233 = arith.shrui %get3A_1226, %shift_right_logical3A_1232 : vector<16xi32>
      %and3A_1234 = arith.constant 127 : i32
      %and3A_1235 = vector.broadcast %and3A_1234 : i32 to vector<16xi32>
      %and3A_1236 = arith.andi %get3A_1226, %and3A_1235 : vector<16xi32>
      %convert_element_type3A_1237 = arith.sitofp %unique3A_1230 : vector<16xi32> to vector<16xf32>
      tpu.vector_store_idx %arg12[%shift_right_logical3A_1233, %and3A_1236], %convert_element_type3A_1237 masked %unique3A_1229 {add = true} : memref<528x128xf32, #tpu.memory_space<vmem>>[vector<16xi32>, vector<16xi32>], vector<16xf32>, vector<16xi1>
      %add3A_1238 = arith.constant 64 : i32
      %add3A_1239 = arith.addi %mul3A_1179, %add3A_1238 : i32
      %get3A_1240 = arith.index_cast %add3A_1239 : i32 to index
      %get3A_1241 = tpu.vector_load %arg10[%get3A_1240] {strides = array<i32>} : memref<3200xi32, #tpu.memory_space<vmem>>, vector<16xi32>,
      %broadcast_in_dim3A_1242 = arith.constant true
      %broadcast_in_dim3A_1243 = vector.broadcast %broadcast_in_dim3A_1242 : i1 to vector<16xi1>
      %unique3A_1244, %unique3A_1245 = tpu.scan_count mask(%broadcast_in_dim3A_1243 : vector<16xi1>) value(%get3A_1241 : vector<16xi32>) : vector<16xi1>, vector<16xi32>
      %shift_right_logical3A_1246 = arith.constant 7 : i32
      %shift_right_logical3A_1247 = vector.broadcast %shift_right_logical3A_1246 : i32 to vector<16xi32>
      %shift_right_logical3A_1248 = arith.shrui %get3A_1241, %shift_right_logical3A_1247 : vector<16xi32>
      %and3A_1249 = arith.constant 127 : i32
      %and3A_1250 = vector.broadcast %and3A_1249 : i32 to vector<16xi32>
      %and3A_1251 = arith.andi %get3A_1241, %and3A_1250 : vector<16xi32>
      %convert_element_type3A_1252 = arith.sitofp %unique3A_1245 : vector<16xi32> to vector<16xf32>
      tpu.vector_store_idx %arg12[%shift_right_logical3A_1248, %and3A_1251], %convert_element_type3A_1252 masked %unique3A_1244 {add = true} : memref<528x128xf32, #tpu.memory_space<vmem>>[vector<16xi32>, vector<16xi32>], vector<16xf32>, vector<16xi1>
      %add3A_1253 = arith.constant 80 : i32
      %add3A_1254 = arith.addi %mul3A_1179, %add3A_1253 : i32
      %get3A_1255 = arith.index_cast %add3A_1254 : i32 to index
      %get3A_1256 = tpu.vector_load %arg10[%get3A_1255] {strides = array<i32>} : memref<3200xi32, #tpu.memory_space<vmem>>, vector<16xi32>,
      %broadcast_in_dim3A_1257 = arith.constant true
      %broadcast_in_dim3A_1258 = vector.broadcast %broadcast_in_dim3A_1257 : i1 to vector<16xi1>
      %unique3A_1259, %unique3A_1260 = tpu.scan_count mask(%broadcast_in_dim3A_1258 : vector<16xi1>) value(%get3A_1256 : vector<16xi32>) : vector<16xi1>, vector<16xi32>
      %shift_right_logical3A_1261 = arith.constant 7 : i32
      %shift_right_logical3A_1262 = vector.broadcast %shift_right_logical3A_1261 : i32 to vector<16xi32>
      %shift_right_logical3A_1263 = arith.shrui %get3A_1256, %shift_right_logical3A_1262 : vector<16xi32>
      %and3A_1264 = arith.constant 127 : i32
      %and3A_1265 = vector.broadcast %and3A_1264 : i32 to vector<16xi32>
      %and3A_1266 = arith.andi %get3A_1256, %and3A_1265 : vector<16xi32>
      %convert_element_type3A_1267 = arith.sitofp %unique3A_1260 : vector<16xi32> to vector<16xf32>
      tpu.vector_store_idx %arg12[%shift_right_logical3A_1263, %and3A_1266], %convert_element_type3A_1267 masked %unique3A_1259 {add = true} : memref<528x128xf32, #tpu.memory_space<vmem>>[vector<16xi32>, vector<16xi32>], vector<16xf32>, vector<16xi1>
      %add3A_1268 = arith.constant 96 : i32
      %add3A_1269 = arith.addi %mul3A_1179, %add3A_1268 : i32
      %get3A_1270 = arith.index_cast %add3A_1269 : i32 to index
      %get3A_1271 = tpu.vector_load %arg10[%get3A_1270] {strides = array<i32>} : memref<3200xi32, #tpu.memory_space<vmem>>, vector<16xi32>,
      %broadcast_in_dim3A_1272 = arith.constant true
      %broadcast_in_dim3A_1273 = vector.broadcast %broadcast_in_dim3A_1272 : i1 to vector<16xi1>
      %unique3A_1274, %unique3A_1275 = tpu.scan_count mask(%broadcast_in_dim3A_1273 : vector<16xi1>) value(%get3A_1271 : vector<16xi32>) : vector<16xi1>, vector<16xi32>
      %shift_right_logical3A_1276 = arith.constant 7 : i32
      %shift_right_logical3A_1277 = vector.broadcast %shift_right_logical3A_1276 : i32 to vector<16xi32>
      %shift_right_logical3A_1278 = arith.shrui %get3A_1271, %shift_right_logical3A_1277 : vector<16xi32>
      %and3A_1279 = arith.constant 127 : i32
      %and3A_1280 = vector.broadcast %and3A_1279 : i32 to vector<16xi32>
      %and3A_1281 = arith.andi %get3A_1271, %and3A_1280 : vector<16xi32>
      %convert_element_type3A_1282 = arith.sitofp %unique3A_1275 : vector<16xi32> to vector<16xf32>
      tpu.vector_store_idx %arg12[%shift_right_logical3A_1278, %and3A_1281], %convert_element_type3A_1282 masked %unique3A_1274 {add = true} : memref<528x128xf32, #tpu.memory_space<vmem>>[vector<16xi32>, vector<16xi32>], vector<16xf32>, vector<16xi1>
      %add3A_1283 = arith.constant 112 : i32
      %add3A_1284 = arith.addi %mul3A_1179, %add3A_1283 : i32
      %get3A_1285 = arith.index_cast %add3A_1284 : i32 to index
      %get3A_1286 = tpu.vector_load %arg10[%get3A_1285] {strides = array<i32>} : memref<3200xi32, #tpu.memory_space<vmem>>, vector<16xi32>,
      %broadcast_in_dim3A_1287 = arith.constant true
      %broadcast_in_dim3A_1288 = vector.broadcast %broadcast_in_dim3A_1287 : i1 to vector<16xi1>
      %unique3A_1289, %unique3A_1290 = tpu.scan_count mask(%broadcast_in_dim3A_1288 : vector<16xi1>) value(%get3A_1286 : vector<16xi32>) : vector<16xi1>, vector<16xi32>
      %shift_right_logical3A_1291 = arith.constant 7 : i32
      %shift_right_logical3A_1292 = vector.broadcast %shift_right_logical3A_1291 : i32 to vector<16xi32>
      %shift_right_logical3A_1293 = arith.shrui %get3A_1286, %shift_right_logical3A_1292 : vector<16xi32>
      %and3A_1294 = arith.constant 127 : i32
      %and3A_1295 = vector.broadcast %and3A_1294 : i32 to vector<16xi32>
      %and3A_1296 = arith.andi %get3A_1286, %and3A_1295 : vector<16xi32>
      %convert_element_type3A_1297 = arith.sitofp %unique3A_1290 : vector<16xi32> to vector<16xf32>
      tpu.vector_store_idx %arg12[%shift_right_logical3A_1293, %and3A_1296], %convert_element_type3A_1297 masked %unique3A_1289 {add = true} : memref<528x128xf32, #tpu.memory_space<vmem>>[vector<16xi32>, vector<16xi32>], vector<16xf32>, vector<16xi1>
    }
    %scan3A_1145 = arith.constant 25 : i32
    %dma_wait3A = arith.constant 0 : i32
    %dma_wait3A_1146 = tpu.memref_slice %arg14[%mul3A_1064, %dma_wait3A] : memref<528x128xf32, #tpu.memory_space<vmem_shared>> -> memref<33x128xf32, #tpu.memory_space<vmem_shared>>
    %dma_wait3A_1147 = arith.constant 0 : i32
    %dma_wait3A_1148 = tpu.memref_slice %arg14[%mul3A_1064, %dma_wait3A_1147] : memref<528x128xf32, #tpu.memory_space<vmem_shared>> -> memref<33x128xf32, #tpu.memory_space<vmem_shared>>
    tpu.wait_dma2 semaphore(%arg16 : memref<!tpu.dma_semaphore, #tpu.memory_space<semaphore_mem>>) src(%arg13 : memref<33x128xf32, #tpu.memory_space<vmem>>) dst(%dma_wait3A_1148 : memref<33x128xf32, #tpu.memory_space<vmem_shared>>)
    %barrier3A = arith.constant 0 : index
    tpu.barrier barrier_id(%barrier3A)
    %add3A_1149 = arith.constant 1 : i32
    %add3A_1150 = arith.addi %select_n3A_1124, %add3A_1149 : i32
    %while3A_1151 = arith.constant 0 : i32
    %while3A_1152 = arith.subi %add3A_1150, %select_n3A : i32
    %while3A_1153 = arith.addi %select_n3A, %while3A_1152 : i32
    %while3A_1154 = arith.constant 1 : i32
    %while3A_1155 = arith.divsi %while3A_1152, %while3A_1154 : i32
    %while3A_1156 = arith.muli %while3A_1155, %while3A_1154 : i32
    %while3A_1157 = arith.addi %select_n3A, %while3A_1156 : i32
    %while3A_1158 = arith.constant 1 : i32
    scf.for %while3A_1177 = %select_n3A to %while3A_1157 step %while3A_1158  : i32 {
      %mul3A_1178 = arith.constant 8 : i32
      %mul3A_1179 = arith.muli %while3A_1177, %mul3A_1178 : i32
      %dma_start3A_1180 = arith.constant 0 : i32
      %dma_start3A_1181 = tpu.memref_slice %arg12[%mul3A_1179, %dma_start3A_1180] : memref<528x128xf32, #tpu.memory_space<vmem>> -> memref<8x128xf32, #tpu.memory_space<vmem>>
      %dma_start3A_1182 = arith.constant 0 : i32
      %dma_start3A_1183 = tpu.memref_slice %arg11[%while3A_1177, %dma_start3A_1182] : memref<66x8xi32, #tpu.memory_space<vmem>> -> memref<1x8xi32, #tpu.memory_space<vmem>>
      %dma_start3A_1184 = tpu.memref_squeeze %dma_start3A_1183 : memref<1x8xi32, #tpu.memory_space<vmem>> -> memref<8xi32, #tpu.memory_space<vmem>>
      %dma_start3A_1185 = arith.constant 0 : i32
      %dma_start3A_1186 = arith.constant 0 : i32
      %dma_start3A_1187 = tpu.memref_slice %arg14[%dma_start3A_1185, %dma_start3A_1186] : memref<528x128xf32, #tpu.memory_space<vmem_shared>> -> memref<528x128xf32, #tpu.memory_space<vmem_shared>>
      tpu.enqueue_indirect_dma source(%dma_start3A_1181 : memref<8x128xf32, #tpu.memory_space<vmem>>) target(%dma_start3A_1187 : memref<528x128xf32, #tpu.memory_space<vmem_shared>>) offsets(%dma_start3A_1184 : memref<8xi32, #tpu.memory_space<vmem>>) semaphore(%arg15 : memref<!tpu.dma_semaphore, #tpu.memory_space<semaphore_mem>>) {add = true}
    }
    %while3A_1159 = arith.constant 1 : i32
    scf.for %while3A_1177 = %while3A_1157 to %while3A_1153 step %while3A_1159  : i32 {
      %mul3A_1178 = arith.constant 8 : i32
      %mul3A_1179 = arith.muli %while3A_1177, %mul3A_1178 : i32
      %dma_start3A_1180 = arith.constant 0 : i32
      %dma_start3A_1181 = tpu.memref_slice %arg12[%mul3A_1179, %dma_start3A_1180] : memref<528x128xf32, #tpu.memory_space<vmem>> -> memref<8x128xf32, #tpu.memory_space<vmem>>
      %dma_start3A_1182 = arith.constant 0 : i32
      %dma_start3A_1183 = tpu.memref_slice %arg11[%while3A_1177, %dma_start3A_1182] : memref<66x8xi32, #tpu.memory_space<vmem>> -> memref<1x8xi32, #tpu.memory_space<vmem>>
      %dma_start3A_1184 = tpu.memref_squeeze %dma_start3A_1183 : memref<1x8xi32, #tpu.memory_space<vmem>> -> memref<8xi32, #tpu.memory_space<vmem>>
      %dma_start3A_1185 = arith.constant 0 : i32
      %dma_start3A_1186 = arith.constant 0 : i32
      %dma_start3A_1187 = tpu.memref_slice %arg14[%dma_start3A_1185, %dma_start3A_1186] : memref<528x128xf32, #tpu.memory_space<vmem_shared>> -> memref<528x128xf32, #tpu.memory_space<vmem_shared>>
      tpu.enqueue_indirect_dma source(%dma_start3A_1181 : memref<8x128xf32, #tpu.memory_space<vmem>>) target(%dma_start3A_1187 : memref<528x128xf32, #tpu.memory_space<vmem_shared>>) offsets(%dma_start3A_1184 : memref<8xi32, #tpu.memory_space<vmem>>) semaphore(%arg15 : memref<!tpu.dma_semaphore, #tpu.memory_space<semaphore_mem>>) {add = true}
    }
    %add3A_1160 = arith.constant 1 : i32
    %add3A_1161 = arith.addi %select_n3A_1124, %add3A_1160 : i32
    %while3A_1162 = arith.constant 0 : i32
    %while3A_1163 = arith.subi %add3A_1161, %select_n3A : i32
    %while3A_1164 = arith.addi %select_n3A, %while3A_1163 : i32
    %while3A_1165 = arith.constant 1 : i32
    %while3A_1166 = arith.divsi %while3A_1163, %while3A_1165 : i32
    %while3A_1167 = arith.muli %while3A_1166, %while3A_1165 : i32
    %while3A_1168 = arith.addi %select_n3A, %while3A_1167 : i32
    %while3A_1169 = arith.constant 1 : i32
    scf.for %while3A_1177 = %select_n3A to %while3A_1168 step %while3A_1169  : i32 {
      %dma_wait3A_1178 = arith.constant 0 : i32
      %dma_wait3A_1179 = arith.constant 0 : i32
      %dma_wait3A_1180 = arith.constant 0 : i32
      %dma_wait3A_1181 = tpu.memref_slice %arg12[%dma_wait3A_1179, %dma_wait3A_1180] : memref<528x128xf32, #tpu.memory_space<vmem>> -> memref<8x128xf32, #tpu.memory_space<vmem>>
      %dma_wait3A_1182 = arith.constant 0 : i32
      %dma_wait3A_1183 = tpu.memref_slice %arg11[%dma_wait3A_1178, %dma_wait3A_1182] : memref<66x8xi32, #tpu.memory_space<vmem>> -> memref<1x8xi32, #tpu.memory_space<vmem>>
      %dma_wait3A_1184 = tpu.memref_squeeze %dma_wait3A_1183 : memref<1x8xi32, #tpu.memory_space<vmem>> -> memref<8xi32, #tpu.memory_space<vmem>>
      %dma_wait3A_1185 = arith.constant 0 : i32
      %dma_wait3A_1186 = arith.constant 0 : i32
      %dma_wait3A_1187 = tpu.memref_slice %arg14[%dma_wait3A_1185, %dma_wait3A_1186] : memref<528x128xf32, #tpu.memory_space<vmem_shared>> -> memref<528x128xf32, #tpu.memory_space<vmem_shared>>
      tpu.wait_indirect_dma semaphore(%arg15 : memref<!tpu.dma_semaphore, #tpu.memory_space<semaphore_mem>>) src(%dma_wait3A_1181 : memref<8x128xf32, #tpu.memory_space<vmem>>) dst(%dma_wait3A_1187 : memref<528x128xf32, #tpu.memory_space<vmem_shared>>)
    }
    %while3A_1170 = arith.constant 1 : i32
    scf.for %while3A_1177 = %while3A_1168 to %while3A_1164 step %while3A_1170  : i32 {
      %dma_wait3A_1178 = arith.constant 0 : i32
      %dma_wait3A_1179 = arith.constant 0 : i32
      %dma_wait3A_1180 = arith.constant 0 : i32
      %dma_wait3A_1181 = tpu.memref_slice %arg12[%dma_wait3A_1179, %dma_wait3A_1180] : memref<528x128xf32, #tpu.memory_space<vmem>> -> memref<8x128xf32, #tpu.memory_space<vmem>>
      %dma_wait3A_1182 = arith.constant 0 : i32
      %dma_wait3A_1183 = tpu.memref_slice %arg11[%dma_wait3A_1178, %dma_wait3A_1182] : memref<66x8xi32, #tpu.memory_space<vmem>> -> memref<1x8xi32, #tpu.memory_space<vmem>>
      %dma_wait3A_1184 = tpu.memref_squeeze %dma_wait3A_1183 : memref<1x8xi32, #tpu.memory_space<vmem>> -> memref<8xi32, #tpu.memory_space<vmem>>
      %dma_wait3A_1185 = arith.constant 0 : i32
      %dma_wait3A_1186 = arith.constant 0 : i32
      %dma_wait3A_1187 = tpu.memref_slice %arg14[%dma_wait3A_1185, %dma_wait3A_1186] : memref<528x128xf32, #tpu.memory_space<vmem_shared>> -> memref<528x128xf32, #tpu.memory_space<vmem_shared>>
      tpu.wait_indirect_dma semaphore(%arg15 : memref<!tpu.dma_semaphore, #tpu.memory_space<semaphore_mem>>) src(%dma_wait3A_1181 : memref<8x128xf32, #tpu.memory_space<vmem>>) dst(%dma_wait3A_1187 : memref<528x128xf32, #tpu.memory_space<vmem_shared>>)
    }
    %barrier3A_1171 = arith.constant 0 : index
    tpu.barrier barrier_id(%barrier3A_1171)
    %eq3A_1172 = arith.constant 0 : i32
    %eq3A_1173 = arith.cmpi eq, %arg1, %eq3A_1172 : i32
    %convert_element_type3A_1174 = arith.extui %eq3A_1173 : i1 to i32
    %cond3A_1175 = arith.constant 0 : i32
    %cond3A_1176 = arith.cmpi ne, %convert_element_type3A_1174, %cond3A_1175 : i32
    scf.if %cond3A_1176 {
      "tpu.region"() ({
        %run_scoped3A = tpu.sem_alloc : memref<!tpu.dma_semaphore, #tpu.memory_space<semaphore_mem>>
        %dma_start3A_1177 = arith.constant 0 : i32
        %dma_start3A_1178 = arith.constant 0 : i32
        %dma_start3A_1179 = tpu.memref_slice %arg7[%arg0, %dma_start3A_1177, %dma_start3A_1178] : memref<2x528x128xf32, #tpu.memory_space<hbm>> -> memref<1x528x128xf32, #tpu.memory_space<hbm>>
        %dma_start3A_1180 = tpu.memref_squeeze %dma_start3A_1179 : memref<1x528x128xf32, #tpu.memory_space<hbm>> -> memref<528x128xf32, #tpu.memory_space<hbm>>
        tpu.enqueue_dma source(%arg14 : memref<528x128xf32, #tpu.memory_space<vmem_shared>>) target(%dma_start3A_1180 : memref<528x128xf32, #tpu.memory_space<hbm>>) target_semaphore(%run_scoped3A : memref<!tpu.dma_semaphore, #tpu.memory_space<semaphore_mem>>)
        %dma_wait3A_1181 = arith.constant 0 : i32
        %dma_wait3A_1182 = arith.constant 0 : i32
        %dma_wait3A_1183 = tpu.memref_slice %arg7[%arg0, %dma_wait3A_1181, %dma_wait3A_1182] : memref<2x528x128xf32, #tpu.memory_space<hbm>> -> memref<1x528x128xf32, #tpu.memory_space<hbm>>
        %dma_wait3A_1184 = tpu.memref_squeeze %dma_wait3A_1183 : memref<1x528x128xf32, #tpu.memory_space<hbm>> -> memref<528x128xf32, #tpu.memory_space<hbm>>
        tpu.wait_dma2 semaphore(%run_scoped3A : memref<!tpu.dma_semaphore, #tpu.memory_space<semaphore_mem>>) src(%arg14 : memref<528x128xf32, #tpu.memory_space<vmem_shared>>) dst(%dma_wait3A_1184 : memref<528x128xf32, #tpu.memory_space<hbm>>)
        tpu.yield
      }) : () -> ()
    } else {
    }
    return
  }
}

module attributes {stable_mosaic.version = 14 : i64} {
  func.func @_head_body(%arg0: memref<2x528x128xf32, #tpu.memory_space<vmem>>, %arg1: memref<128x16xf32, #tpu.memory_space<vmem>>, %arg2: memref<16x120xf32, #tpu.memory_space<vmem>>, %arg3: memref<10x120xf32, #tpu.memory_space<vmem>>, %arg4: memref<1x10xf32, #tpu.memory_space<vmem>>, %arg5: memref<512x10xf32, #tpu.memory_space<vmem>>) attributes {dimension_semantics = [], scalar_prefetch = 0 : i64, scratch_operands = 0 : i64, tpu.core_type = #tpu.core_type<tc>} {
    %get3A = arith.constant 0 : index
    %get3A_0 = arith.constant 0 : index
    %get3A_1 = arith.constant 0 : index
    %get3A_2 = vector.load %arg0[%get3A, %get3A_0, %get3A_1] : memref<2x528x128xf32, #tpu.memory_space<vmem>>, vector<1x512x128xf32>
    %get3A_3 = vector.shape_cast %get3A_2 : vector<1x512x128xf32> to vector<512x128xf32>
    %get3A_4 = arith.constant 1 : index
    %get3A_5 = arith.constant 0 : index
    %get3A_6 = arith.constant 0 : index
    %get3A_7 = vector.load %arg0[%get3A_4, %get3A_5, %get3A_6] : memref<2x528x128xf32, #tpu.memory_space<vmem>>, vector<1x512x128xf32>
    %get3A_8 = vector.shape_cast %get3A_7 : vector<1x512x128xf32> to vector<512x128xf32>
    %add3A = arith.addf %get3A_3, %get3A_8 : vector<512x128xf32>
    %get3A_9 = arith.constant 0 : index
    %get3A_10 = arith.constant 0 : index
    %get3A_11 = vector.load %arg1[%get3A_9, %get3A_10] : memref<128x16xf32, #tpu.memory_space<vmem>>, vector<128x16xf32>
    %dot_general3A = arith.constant dense<0.000000e+00> : vector<512x16xf32>
    %dot_general3A_12 = tpu.matmul %add3A, %get3A_11, %dot_general3A {dimension_numbers = #tpu.dot_dimension_numbers<[1], [0], [0], [1], [0, 0, 1, 1], [], []>, precision = #tpu.contract_precision<fp32>, transpose_lhs_hint = false} : vector<512x128xf32>, vector<128x16xf32>, vector<512x16xf32> -> vector<512x16xf32>
    %reduce_sum3A = arith.constant dense<0.000000e+00> : vector<16xf32>
    %reduce_sum3A_13 = vector.multi_reduction <add>, %dot_general3A_12, %reduce_sum3A [0] : vector<512x16xf32> to vector<16xf32>
    %broadcast_in_dim3A = vector.shape_cast %reduce_sum3A_13 : vector<16xf32> to vector<1x16xf32>
    %div3A = arith.constant 5.120000e+02 : f32
    %div3A_14 = vector.broadcast %div3A : f32 to vector<1x16xf32>
    %div3A_15 = arith.divf %broadcast_in_dim3A, %div3A_14 : vector<1x16xf32>
    %sub3A = vector.broadcast %div3A_15 : vector<1x16xf32> to vector<512x16xf32>
    %sub3A_16 = arith.subf %dot_general3A_12, %sub3A : vector<512x16xf32>
    %integer_pow3A = arith.mulf %sub3A_16, %sub3A_16 : vector<512x16xf32>
    %reduce_sum3A_17 = arith.constant dense<0.000000e+00> : vector<16xf32>
    %reduce_sum3A_18 = vector.multi_reduction <add>, %integer_pow3A, %reduce_sum3A_17 [0] : vector<512x16xf32> to vector<16xf32>
    %broadcast_in_dim3A_19 = vector.shape_cast %reduce_sum3A_18 : vector<16xf32> to vector<1x16xf32>
    %div3A_20 = arith.constant 5.120000e+02 : f32
    %div3A_21 = vector.broadcast %div3A_20 : f32 to vector<1x16xf32>
    %div3A_22 = arith.divf %broadcast_in_dim3A_19, %div3A_21 : vector<1x16xf32>
    %sub3A_23 = vector.broadcast %div3A_15 : vector<1x16xf32> to vector<512x16xf32>
    %sub3A_24 = arith.subf %dot_general3A_12, %sub3A_23 : vector<512x16xf32>
    %add3A_25 = arith.constant 9.99999974E-6 : f32
    %add3A_26 = vector.broadcast %add3A_25 : f32 to vector<1x16xf32>
    %add3A_27 = arith.addf %div3A_22, %add3A_26 : vector<1x16xf32>
    %sqrt3A = math.sqrt %add3A_27 : vector<1x16xf32>
    %div3A_28 = vector.broadcast %sqrt3A : vector<1x16xf32> to vector<512x16xf32>
    %div3A_29 = arith.divf %sub3A_24, %div3A_28 : vector<512x16xf32>
    %get3A_30 = arith.constant 0 : index
    %get3A_31 = arith.constant 0 : index
    %get3A_32 = vector.load %arg2[%get3A_30, %get3A_31] : memref<16x120xf32, #tpu.memory_space<vmem>>, vector<16x120xf32>
    %dot_general3A_33 = arith.constant dense<0.000000e+00> : vector<512x120xf32>
    %dot_general3A_34 = tpu.matmul %div3A_29, %get3A_32, %dot_general3A_33 {dimension_numbers = #tpu.dot_dimension_numbers<[1], [0], [0], [1], [0, 0, 1, 1], [], []>, transpose_lhs_hint = false} : vector<512x16xf32>, vector<16x120xf32>, vector<512x120xf32> -> vector<512x120xf32>
    %tanh3A = math.tanh %dot_general3A_34 : vector<512x120xf32>
    %get3A_35 = arith.constant 0 : index
    %get3A_36 = arith.constant 0 : index
    %get3A_37 = vector.load %arg3[%get3A_35, %get3A_36] : memref<10x120xf32, #tpu.memory_space<vmem>>, vector<10x120xf32>
    %dot_general3A_38 = arith.constant dense<0.000000e+00> : vector<512x10xf32>
    %dot_general3A_39 = tpu.matmul %tanh3A, %get3A_37, %dot_general3A_38 {dimension_numbers = #tpu.dot_dimension_numbers<[1], [1], [0], [0], [0, 0, 1, 0], [], []>, transpose_lhs_hint = false} : vector<512x120xf32>, vector<10x120xf32>, vector<512x10xf32> -> vector<512x10xf32>
    %get3A_40 = arith.constant 0 : index
    %get3A_41 = arith.constant 0 : index
    %get3A_42 = vector.load %arg4[%get3A_40, %get3A_41] : memref<1x10xf32, #tpu.memory_space<vmem>>, vector<1x10xf32>
    %add3A_43 = vector.broadcast %get3A_42 : vector<1x10xf32> to vector<512x10xf32>
    %add3A_44 = arith.addf %dot_general3A_39, %add3A_43 : vector<512x10xf32>
    %swap3A = arith.constant 0 : index
    %swap3A_45 = arith.constant 0 : index
    %swap3A_46 = vector.load %arg5[%swap3A, %swap3A_45] : memref<512x10xf32, #tpu.memory_space<vmem>>, vector<512x10xf32>
    tpu.vector_store %arg5[%swap3A, %swap3A_45], %add3A_44 {strides = array<i32>} : memref<512x10xf32, #tpu.memory_space<vmem>>, vector<512x10xf32>,
    return
  }
}

module attributes {stable_mosaic.version = 14 : i64} {
  func.func @_table_body(%arg0: memref<16x20xf32, #tpu.memory_space<vmem>>, %arg1: memref<16x20x128xf32, #tpu.memory_space<vmem>>, %arg2: memref<128x16xf32, #tpu.memory_space<vmem>>) attributes {dimension_semantics = [], scalar_prefetch = 0 : i64, scratch_operands = 0 : i64, tpu.core_type = #tpu.core_type<tc>} {
    %get3A = arith.constant 0 : index
    %get3A_0 = arith.constant 0 : index
    %get3A_1 = vector.load %arg0[%get3A, %get3A_0] : memref<16x20xf32, #tpu.memory_space<vmem>>, vector<16x20xf32>
    %broadcast_in_dim3A = vector.shape_cast %get3A_1 : vector<16x20xf32> to vector<16x20x1xf32>
    %get3A_2 = arith.constant 0 : index
    %get3A_3 = arith.constant 0 : index
    %get3A_4 = arith.constant 0 : index
    %get3A_5 = vector.load %arg1[%get3A_2, %get3A_3, %get3A_4] : memref<16x20x128xf32, #tpu.memory_space<vmem>>, vector<16x20x128xf32>
    %add3A = vector.broadcast %broadcast_in_dim3A : vector<16x20x1xf32> to vector<16x20x128xf32>
    %add3A_6 = arith.addf %add3A, %get3A_5 : vector<16x20x128xf32>
    %reduce_max3A = arith.constant dense<0xFF800000> : vector<16x128xf32>
    %reduce_max3A_7 = vector.multi_reduction <maximumf>, %add3A_6, %reduce_max3A [1] : vector<16x20x128xf32> to vector<16x128xf32>
    %broadcast_in_dim3A_8 = vector.shape_cast %reduce_max3A_7 : vector<16x128xf32> to vector<16x1x128xf32>
    %sub3A = vector.broadcast %broadcast_in_dim3A_8 : vector<16x1x128xf32> to vector<16x20x128xf32>
    %sub3A_9 = arith.subf %add3A_6, %sub3A : vector<16x20x128xf32>
    %exp3A = math.exp %sub3A_9 : vector<16x20x128xf32>
    %reduce_sum3A = arith.constant dense<0.000000e+00> : vector<16x128xf32>
    %reduce_sum3A_10 = vector.multi_reduction <add>, %exp3A, %reduce_sum3A [1] : vector<16x20x128xf32> to vector<16x128xf32>
    %log3A = math.log %reduce_sum3A_10 : vector<16x128xf32>
    %add3A_11 = arith.addf %reduce_max3A_7, %log3A : vector<16x128xf32>
    %transpose3A = tpu.transpose %add3A_11, [1, 0] : vector<16x128xf32> -> vector<128x16xf32>
    %swap3A = arith.constant 0 : index
    %swap3A_12 = arith.constant 0 : index
    %swap3A_13 = vector.load %arg2[%swap3A, %swap3A_12] : memref<128x16xf32, #tpu.memory_space<vmem>>, vector<128x16xf32>
    tpu.vector_store %arg2[%swap3A, %swap3A_12], %transpose3A {strides = array<i32>} : memref<128x16xf32, #tpu.memory_space<vmem>>, vector<128x16xf32>,
    return
  }
}

</mosaic_0001>

<sc_bundles>
// kernel: kernel.5.cloned.1.call-start
scs
__scs_entry_jumppad:
0x0: {  	(pc) =	sbr.rel $0x88, $3  }
0x1: {  	(tag) =	ssettag $0x0;
	lr =	simm.s32 $0x1  }
0x2: {  	[smem:$0x3F9B] =	sst lr;
	_ =	strace $0xD0000000  }
0x3: {  	_ = 	snop  }
0x4: {  	_ = 	snop  }
0x5: {  	_ = 	snop  }
0x6: {  	_ = 	snop  }
0x7: {  	_ = 	snop  }
__scs_overlays_trampoline_lowered:
0x8: {  	[smem:$0x3FAA] =	sst s0  }
0x9: {  	[smem:$0x3FAB] =	sst s1  }
0xa: {  	[smem:$0x3FAC] =	sst s2  }
0xb: {  	[smem:$0x3FAD] =	sst s3  }
0xc: {  	[smem:$0x3FAE] =	sst s4  }
0xd: {  	[smem:$0x3FAF] =	sst s5  }
0xe: {  	[smem:$0x3FB0] =	sst s6  }
0xf: {  	[smem:$0x3FB1] =	sst s7  }
0x10: {  	[smem:$0x3FB2] =	sst s8  }
0x11: {  	[smem:$0x3FB3] =	sst s9;
	s0 =	simm.s32 @!p0 $0x0  }
0x12: {  	s1 =	sld [smem:$0x3F99];
	s0 =	simm.s32 @p0 $0x1  }
0x13: {  	[smem:$0x3FB4] =	sst s0;
	s0 =	simm.s32 @!p1 $0x0  }
0x14: {  	s2 =	sld [smem:$0x3F98];
	s0 =	simm.s32 @p1 $0x1  }
0x15: {  	[smem:$0x3FB5] =	sst s0;
	s0 =	simm.s32 @!p2 $0x0  }
0x16: {  	s3 =	sld [smem:$0x3FDB];
	s0 =	simm.s32 @p2 $0x1  }
0x17: {  	s4 =	simm.s32 $0x1BF5;
	[smem:$0x3FB7] =	sst s0  }
0x18: {  	s0 =	sld [smem:$0x3F9A];
	_ =	swait.ge [sflag:s4], $0x0  }
0x19: {  	s7 =	sld [smem:$0x3F9B]  }
0x1a: {  	s8 =	sadd.s32 $0xFFFFE003, lr  }
0x1b: {  	s9 =	sadd.s32 $0xFFFFFEF7, lr;
	s5 =	simm.s32 $0xFFFFFFFF;
	p2 =	slt.u32 s8, $0xFFFFF086  }
0x1c: {  	p1 =	slt.u32 s9, $0xF7A;
	s5 =	simm.s32 @!p2 $0x0  }
0x1d: {  	s5 =	simm.s32 @p1 $0x1;
	p0 =	seq.s32 s7, s2  }
0x1e: {  	s7 =	smul.u32 @!p0 $0xF7A, s2;
	p2 =	seq.s32 @!p0 s5, $0x0  }
0x1f: {  	s9 =	smul.u32 $0xF7A, s1;
	s8 =	simm.s32 @!p0 $0x1BF5;
	p2 =	por !p2, p0  }
0x20: {  	[sflag:s8] =	ssyncset.s32 @!p0 $0xFFFFF086;
	s6 =	sadd.s32 @!p0 s3, s7;
	s7 =	simm.s32 @!p0 $0x108  }
0x21: {  	s3 =	sadd.s32 s3, s9;
	s6 =	sadd.s32 @!p0 $0x88, s6;
	s7 =	simm.s32 @p2 $0x1082  }
0x22: {  	[simem:s7], [sflag:s8] =	dma.local @!p0 [hbm:s6], $0xF7A  }
0x23: {  	s9 =	sor.u32 $0xD0000000, s2;
	s6 =	simm.s32 $0x108;
	_ =	swait.ge @!p0 [sflag:s8], $0x0  }
0x24: {  	s3 =	sadd.s32 $0x88, s3;
	s6 =	simm.s32 @!p1 $0x1082;
	[sflag:s4] =	ssyncset.s32 $0xFFFFF086  }
0x25: {  	[simem:s6], [sflag:s4] =	dma.local [hbm:s3], $0xF7A  }
0x26: {  	[smem:$0x3F9B] =	sst s1;
	(tag) =	ssettag s2;
	_ =	strace s9  }
0x27: {  	s1 =	sld [smem:$0x3FAB]  }
0x28: {  	s2 =	sld [smem:$0x3FAC]  }
0x29: {  	s4 =	sld [smem:$0x3FAE]  }
0x2a: {  	p0 =	seq.s32 s5, $0x0;
	s5 =	sld [smem:$0x3FAF]  }
0x2b: {  	s6 =	sld [smem:$0x3FB0]  }
0x2c: {  	s7 =	sld [smem:$0x3FB1]  }
0x2d: {  	s3 =	simm.s32 $0x108;
	s8 =	sld [smem:$0x3FB2]  }
0x2e: {  	s3 =	simm.s32 @!p0 $0x1082;
	s9 =	sld [smem:$0x3FB3]  }
0x2f: {  	lr =	sadd.s32 s0, s3;
	s0 =	sld [smem:$0x3FAA]  }
0x30: {  	s3 =	sld [smem:$0x3FAD]  }
0x31: {  	[smem:$0x3FB6] =	sst s10  }
0x32: {  	s10 =	sld [smem:$0x3FB4];
	_ =	sdelay $0x3  }
0x33: {  	p0 =	seq.s32 s10, $0x1;
	s10 =	sld [smem:$0x3FB6];
	_ =	sdelay $0x3  }
0x34: {  	[smem:$0x3FB6] =	sst s10  }
0x35: {  	s10 =	sld [smem:$0x3FB5];
	_ =	sdelay $0x3  }
0x36: {  	p1 =	seq.s32 s10, $0x1;
	s10 =	sld [smem:$0x3FB6];
	_ =	sdelay $0x3  }
0x37: {  	[smem:$0x3FB6] =	sst s10  }
0x38: {  	s10 =	sld [smem:$0x3FB7]  }
0x39: {  	_ = 	snop;
	(pc) =	sbr.ind lr, $3  }
0x3a: {  	_ = 	snop  }
0x3b: {  	_ = 	snop  }
0x3c: {  	p2 =	seq.s32 s10, $0x1;
	s10 =	sld [smem:$0x3FB6]  }
0x3d: {  	_ =	shalt  }
0x3e: {  	_ =	shalt  }
0x3f: {  	_ =	shalt  }
0x40: {  	_ =	shalt  }
0x41: {  	_ =	shalt  }
0x42: {  	_ =	shalt  }
0x43: {  	_ =	shalt  }
0x44: {  	_ =	shalt  }
0x45: {  	_ =	shalt  }
0x46: {  	_ =	shalt  }
0x47: {  	_ =	shalt  }
0x48: {  	_ =	shalt  }
0x49: {  	_ =	shalt  }
0x4a: {  	_ =	shalt  }
0x4b: {  	_ =	shalt  }
0x4c: {  	_ =	shalt  }
0x4d: {  	_ =	shalt  }
0x4e: {  	_ =	shalt  }
0x4f: {  	_ =	shalt  }
0x50: {  	_ =	shalt  }
0x51: {  	_ =	shalt  }
0x52: {  	_ =	shalt  }
0x53: {  	_ =	shalt  }
0x54: {  	_ =	shalt  }
0x55: {  	_ =	shalt  }
0x56: {  	_ =	shalt  }
0x57: {  	_ =	shalt  }
0x58: {  	_ =	shalt  }
0x59: {  	_ =	shalt  }
0x5a: {  	_ =	shalt  }
0x5b: {  	_ =	shalt  }
0x5c: {  	_ =	shalt  }
0x5d: {  	_ =	shalt  }
0x5e: {  	_ =	shalt  }
0x5f: {  	_ =	shalt  }
0x60: {  	_ =	shalt  }
0x61: {  	_ =	shalt  }
0x62: {  	_ =	shalt  }
0x63: {  	_ =	shalt  }
0x64: {  	_ =	shalt  }
0x65: {  	_ =	shalt  }
0x66: {  	_ =	shalt  }
0x67: {  	_ =	shalt  }
0x68: {  	_ =	shalt  }
0x69: {  	_ =	shalt  }
0x6a: {  	_ =	shalt  }
0x6b: {  	_ =	shalt  }
0x6c: {  	_ =	shalt  }
0x6d: {  	_ =	shalt  }
0x6e: {  	_ =	shalt  }
0x6f: {  	_ =	shalt  }
0x70: {  	_ =	shalt  }
0x71: {  	_ =	shalt  }
0x72: {  	_ =	shalt  }
0x73: {  	_ =	shalt  }
0x74: {  	_ =	shalt  }
0x75: {  	_ =	shalt  }
0x76: {  	_ =	shalt  }
0x77: {  	_ =	shalt  }
0x78: {  	_ =	shalt  }
0x79: {  	_ =	shalt  }
0x7a: {  	_ =	shalt  }
0x7b: {  	_ =	shalt  }
0x7c: {  	_ =	shalt  }
0x7d: {  	_ =	shalt  }
0x7e: {  	_ =	shalt  }
0x7f: {  	_ =	shalt  }
0x80: {  	_ =	shalt  }
0x81: {  	_ =	shalt  }
0x82: {  	_ =	shalt  }
0x83: {  	_ =	shalt  }
0x84: {  	_ =	shalt  }
0x85: {  	_ =	shalt  }
0x86: {  	_ =	shalt  }
0x87: {  	_ =	shalt  }
.Lfunc_end0:
.L_simem_size_0:
called_computation_lowered:
.L_overlay_start_0:
0x88: {  	s2 =	sld [smem:$0x3FD9]  }
0x89: {  	s3 =	sld [smem:$0x3FFE];
	_ =	sdelay $0x1  }
0x8a: {  	s1 =	srdreg.scid  }
0x8b: {  	s0 =	sand.u32 $0x1, s1  }
0x8c: {  	s17 =	sshll.u32 s0, $0xA;
	s2 =	sadd.s32 s3, s2  }
0x8d: {  	s2 =	sadd.s32 s2, s17  }
0x8e: {  	[smem:$0x3FC2] =	sst s2  }
0x8f: {  	_ = 	snop  }
0x90: {  	s2 =	sld [smem:$0x3FC9]  }
0x91: {  	s18 =	sld [smem:$0x3FC8]  }
0x92: {  	s4 =	sld [smem:$0x3FD0];
	(tm) =	ssettm $0x1  }
0x93: {  	s5 =	sld [smem:$0x3FFB];
	_ =	sdelay $0x3  }
0x94: {  	_ =	strace s5  }
0x95: {  	s5 =	sld [smem:$0x3FFC];
	_ =	sdelay $0x3  }
0x96: {  	_ =	strace s5  }
0x97: {  	s5 =	sld [smem:$0x3FFD];
	_ =	sdelay $0x3  }
0x98: {  	_ =	strace s5  }
0x99: {  	_ =	strace $0x8FFFFFFF  }
0x9a: {  	s19 =	sld [smem:$0x3FDB];
	_ =	sdelay $0x1  }
0x9b: {  	s6 =	simm.s32 $_scs_section_size  }
0x9c: {  	s7 =	simm.s32 $_size__tile_overlayer_lowered;
	s8 =	simm.s32 $_tile_overlayer_lowered  }
0x9d: {  	s22 =	simm.s32 $0x1BFF;
	s21 =	sshll.u32 s8, $0x1;
	s5 =	sadd.s32 s6, s19  }
0x9e: {  	s9 =	simm.s32 $0x0;
	s20 =	sshll.u32 s7, $0x1;
	s7 =	sadd.s32 s21, s5  }
0x9f: {  	[timem:s9], [sflag:s22] =	dma.local [hbm:s7], s20  }
0xa0: {  	_ =	swait.ge [sflag:s22], s20  }
0xa1: {  	s6 =	ssub.s32 $0x0, s20;
	[sflag:s22] =	ssyncset.done $0x0  }
0xa2: {  	[sflag:s22] =	ssyncadd.s32 s6;
	_ =	sdelay $0x1  }
0xa3: {  	s23 =	simm.s32 $0x1B8B  }
0xa4: {  	_ =	swait.ge [sflag:s23], $0x1  }
0xa5: {  	[sflag:s23] =	ssyncset.done $0x0  }
0xa6: {  	s25 =	simm.s32 $0x1B8E;
	s24 =	sld [smem:$0x3FFE];
	[sflag:s23] =	ssyncadd.s32 $0xFFFFFFFF  }
0xa7: {  	s26 =	simm.s32 $execute0_lowered;
	[smem:$0x3FD2] =	sst s25  }
0xa8: {  	s7 =	sshll.u32 s26, $0x1;
	_ =	strace $0x80000046;
	[dreg:$0x1] =	wrdreg $0xFFFFFFFF  }
0xa9: {  	s28 =	simm.s32 $_size_execute0_lowered;
	s5 =	sadd.s32 s5, s7;
	[dreg:$0x0] =	wrdreg $0x0  }
0xaa: {  	s7 =	sshll.u32 s28, $0x1;
	[dreg:$0x2] =	wrdreg s5  }
0xab: {  	[dreg:$0x3] =	wrdreg s7  }
0xac: {  	[dreg:$0x4] =	wrdreg $0xC0  }
0xad: {  	_ =	task [dreg:s9], $0x5FFFF  }
0xae: {  	[dreg:$0x1] =	wrdreg $0xFFFFFFFF  }
0xaf: {  	[dreg:$0x0] =	wrdreg $0x60  }
0xb0: {  	[dreg:$0x2] =	wrdreg s2  }
0xb1: {  	[dreg:$0x3] =	wrdreg s18  }
0xb2: {  	[dreg:$0x4] =	wrdreg s4  }
0xb3: {  	[dreg:$0x5] =	wrdreg s24  }
0xb4: {  	[dreg:$0x6] =	wrdreg $0x140100  }
0xb5: {  	[dreg:$0x7] =	wrdreg $0x9  }
0xb6: {  	_ =	task.clear_ibuf [dreg:s9], $0x8FFFF;
	_ =	strace $0x90000046  }
0xb7: {  	s29 =	simm.s32 $0x9;
	_ =	strace $0x80000048  }
0xb8: {  	_ =	swait.ge [sflag:s29], $0x1  }
0xb9: {  	[sflag:s29] =	ssyncadd.s32 $0xFFFFFFFF  }
0xba: {  	_ =	strace $0x90000048  }
0xbb: {  	_ =	sfence  }
0xbc: {  	s30 =	sld [smem:$0x0];
	_ =	sdelay $0x2  }
0xbd: {  	s31 =	sshll.u32 s1, $0xD;
	s1 =	sshrl.u32 s1, $0x2  }
0xbe: {  	s3 =	sand.u32 $0x4000, s31;
	s1 =	sadd.s32 s1, s30  }
0xbf: {  	s0 =	sor.u32 s3, s0;
	s1 =	sshll.u32 s1, $0x11  }
0xc0: {  	s0 =	sor.u32 s1, s0  }
0xc1: {  	s0 =	sadd.s32 $0x8F2B, s0  }
0xc2: {  	[sflag:s0] =	ssyncadd.remote.s32 $0x1  }
0xc3: {  	_ =	sfence.sel $0xFFFF  }
0xc4: {  	[dreg:$0x0] =	wrdreg $0xFFFFFFFF;
	(pc) =	sbr.abs _section_cstart, $3  }
0xc5: {  	[dreg:$0x1] =	wrdreg $0xFFFFFFFF  }
0xc6: {  	_ =	task.clear_ibuf [dreg:s9], $0x2FFFF;
	_ =	strace $0x9FFFFFFF  }
0xc7: {  	(tm) =	ssettm $0x7FFFFFFF  }
tec
execute0_lowered:
.L_overlay_start_1:
0x0: {  	(tag) =	ssettag $0x1  }
0x1: {  	s8 =	rddreg [dreg:$0x0]  }
0x2: {  	s9 =	rddreg [dreg:$0x1]  }
0x3: {  	s1 =	rddreg [dreg:$0x2]  }
0x4: {  	s6 =	rddreg [dreg:$0x3]  }
0x5: {  	s2 =	rddreg [dreg:$0x4]  }
0x6: {  	s0 =	rddreg [dreg:$0x5];
	s3 =	simm.s32 $0x0;
	s4 =	srdreg.scid  }
0x7: {  	s18 =	stileid.u32;
	s15 =	simm.s32 $0x1;
	s16 =	simm.s32 $0x2790  }
0x8: {  	s17 =	simm.s32 $0x2;
	s19 =	simm.s32 $0x0;
	[smem:$0x7FF] =	sst s3  }
0x9: {  	s7 =	sand.u32 $0x1, s4;
	s5 =	sshll.u32 s18, $0x1;
	s4 =	sadd.s32 $0x1200, s6  }
0xa: {  	s31 =	smul.u32 $0x4200, s18;
	p1 =	sne.s32 s18, $0x0;
	s18 =	simm.s32 $0x8  }
0xb: {  	_ =	strace $0x80000047;
	s10 =	smul.u32 $0x2100, s7;
	s13 =	sor.u32 s7, s5  }
0xc: {  	s5 =	sadd.s32 $0x1000, s6;
	s7 =	ssub.s32 $0x2, s7;
	s11 =	smul.u32 $0x190, s13  }
.Ltmp0:
0xd: {  	s30 =	sshrl.u32 s7, $0x1;
	p0 =	seq.s32 s13, $0x1F;
	(pc) =	sbr.rel .LBB2_1-.Ltmp0, $4  }
0xe: {  	s13 =	simm.s32 $0x2580;
	s12 =	sadd.s32 s10, s6;
	s14 =	ssub.s32 s7, s30  }
0xf: {  	s10 =	sshrl.u32 s31, $0x2;
	s6 =	sadd.s32 s8, s11;
	s7 =	sadd.s32 s9, s11  }
0x10: {  	s8 =	sadd.s32 $0x3070, s8;
	s9 =	sadd.s32 $0x3070, s9;
	s10 =	sadd.s32 s10, s2  }
0x11: {  	v0 =	vimm.f32 $0.0e+00;
	s11 =	sadd.s32 $0x1400, s12;
	s12 =	smax.u32 s14, $0x1;
	s14 =	simm.s32 $0x12F90  }
.LBB2_14:
0x12: {  	[sflag:s15] =	ssyncadd.s32 $0xFFFFFC00  }
.LBB2_15:
0x13: {  	[bflag:$0x0] =	sbarrier.arrive $0xFFFF  }
0x14: {  	s20 =	sshrl.u32 @!p1 s2, $0x3;
	s21 =	simm.s32 @!p1 $0x1C03;
	s19 =	sadd.s32 $0x1, s19  }
0x15: {  	[hbm:s11], [sflag:s21] =	dma.local @!p1 [spmem:s20], $0x2100  }
0x16: {  	p2 =	sne.s32 s19, s12  }
.Ltmp1:
0x17: {  	_ = 	snop;
	(pc) =	sbr.rel @!p2 .LBB2_16-.Ltmp1, $4  }
0x18: {  	s20 =	simm.s32 @!p1 $0x3  }
0x19: {  	_ =	swait.ge @!p1 [sflag:s20], $0x2100  }
0x1a: {  	[sflag:s20] =	ssyncset.done @!p1 $0x0  }
0x1b: {  	[sflag:s20] =	ssyncadd.s32 @!p1 $0xFFFFDF00  }
.LBB2_1:
0x1c: {  	[tilespmem:s13], [sflag:$0x1] =	stream.linear.gather [hbm4b:s5+s3], $0x210, $0x38;
	[tilespmem:$0x15090] =	vst v63  }
0x1d: {  	s20 =	simm.s32 @p0 $0x0  }
0x1e: {  	[tilespmem:s20], [sflag:$0x1] =	stream.linear.gather @p0 [hbm4b:s8+s20], $0x320, $0x38;
	[tilespmem:$0x15090] =	vst v63  }
0x1f: {  	s21 =	simm.s32 @p0 $0xC80  }
0x20: {  	[tilespmem:s21], [sflag:$0x1] =	stream.linear.gather @p0 [hbm4b:s9+s20], $0x320, $0x38;
	[tilespmem:$0x15090] =	vst v63  }
0x21: {  	s21 =	simm.s32 @p0 $0x320  }
0x22: {  	[tilespmem:s21], [sflag:$0x1] =	stream.linear.gather @p0 [hbm4b:s1+s20], $0x960, $0x38;
	[tilespmem:$0x15090] =	vst v63  }
0x23: {  	s21 =	simm.s32 @p0 $0xFA0  }
0x24: {  	[tilespmem:s21], [sflag:$0x1] =	stream.linear.gather @p0 [hbm4b:s4+s20], $0x960, $0x38;
	[tilespmem:$0x15090] =	vst v63  }
0x25: {  	s20 =	simm.s32 @p0 $0x1  }
0x26: {  	_ =	swait.ge @p0 [sflag:s20], $0x320  }
0x27: {  	[sflag:s20] =	ssyncset.done @p0 $0x0  }
0x28: {  	[sflag:s20] =	ssyncadd.s32 @p0 $0xFFFFFCE0  }
0x29: {  	_ =	swait.ge @p0 [sflag:s20], $0x320  }
0x2a: {  	[sflag:s20] =	ssyncset.done @p0 $0x0  }
0x2b: {  	[sflag:s20] =	ssyncadd.s32 @p0 $0xFFFFFCE0  }
0x2c: {  	_ =	swait.ge @p0 [sflag:s20], $0x960  }
0x2d: {  	[sflag:s20] =	ssyncset.done @p0 $0x0  }
0x2e: {  	[sflag:s20] =	ssyncadd.s32 @p0 $0xFFFFF6A0  }
0x2f: {  	_ =	swait.ge @p0 [sflag:s20], $0x960  }
0x30: {  	[sflag:s20] =	ssyncset.done @p0 $0x0  }
0x31: {  	[sflag:s20] =	ssyncadd.s32 @p0 $0xFFFFF6A0;
	s20 =	simm.s32 @!p0 $0x0  }
0x32: {  	[tilespmem:s20], [sflag:$0x1] =	stream.linear.gather @!p0 [hbm4b:s6+s20], $0xC80, $0x38;
	[tilespmem:$0x15090] =	vst v63  }
0x33: {  	s21 =	simm.s32 @!p0 $0xC80  }
0x34: {  	[tilespmem:s21], [sflag:$0x1] =	stream.linear.gather @!p0 [hbm4b:s7+s20], $0xC80, $0x38;
	[tilespmem:$0x15090] =	vst v63  }
0x35: {  	s20 =	simm.s32 @!p0 $0x1  }
0x36: {  	_ =	swait.ge @!p0 [sflag:s20], $0xC80  }
0x37: {  	[sflag:s20] =	ssyncset.done @!p0 $0x0  }
0x38: {  	[sflag:s20] =	ssyncadd.s32 @!p0 $0xFFFFF380  }
0x39: {  	_ =	swait.ge @!p0 [sflag:s20], $0xC80  }
0x3a: {  	[sflag:s20] =	ssyncset.done @!p0 $0x0  }
0x3b: {  	[sflag:s20] =	ssyncadd.s32 @!p0 $0xFFFFF380  }
0x3c: {  	[tilespmem:$0x12F90] =	vst v0  }
0x3d: {  	[tilespmem:$0x12FA0] =	vst v0  }
0x3e: {  	[tilespmem:$0x12FB0] =	vst v0  }
0x3f: {  	[tilespmem:$0x12FC0] =	vst v0  }
0x40: {  	[tilespmem:$0x12FD0] =	vst v0  }
0x41: {  	[tilespmem:$0x12FE0] =	vst v0  }
0x42: {  	[tilespmem:$0x12FF0] =	vst v0  }
0x43: {  	[tilespmem:$0x13000] =	vst v0  }
0x44: {  	[tilespmem:$0x13010] =	vst v0  }
0x45: {  	[tilespmem:$0x13020] =	vst v0  }
0x46: {  	[tilespmem:$0x13030] =	vst v0  }
0x47: {  	[tilespmem:$0x13040] =	vst v0  }
0x48: {  	[tilespmem:$0x13050] =	vst v0  }
0x49: {  	[tilespmem:$0x13060] =	vst v0  }
0x4a: {  	[tilespmem:$0x13070] =	vst v0  }
0x4b: {  	[tilespmem:$0x13080] =	vst v0  }
0x4c: {  	[tilespmem:$0x13090] =	vst v0  }
0x4d: {  	[tilespmem:$0x130A0] =	vst v0  }
0x4e: {  	[tilespmem:$0x130B0] =	vst v0  }
0x4f: {  	[tilespmem:$0x130C0] =	vst v0  }
0x50: {  	[tilespmem:$0x130D0] =	vst v0  }
0x51: {  	[tilespmem:$0x130E0] =	vst v0  }
0x52: {  	[tilespmem:$0x130F0] =	vst v0  }
0x53: {  	[tilespmem:$0x13100] =	vst v0  }
0x54: {  	[tilespmem:$0x13110] =	vst v0  }
0x55: {  	[tilespmem:$0x13120] =	vst v0  }
0x56: {  	[tilespmem:$0x13130] =	vst v0  }
0x57: {  	[tilespmem:$0x13140] =	vst v0  }
0x58: {  	[tilespmem:$0x13150] =	vst v0  }
0x59: {  	[tilespmem:$0x13160] =	vst v0  }
0x5a: {  	[tilespmem:$0x13170] =	vst v0  }
0x5b: {  	[tilespmem:$0x13180] =	vst v0  }
0x5c: {  	[tilespmem:$0x13190] =	vst v0  }
0x5d: {  	[tilespmem:$0x131A0] =	vst v0  }
0x5e: {  	[tilespmem:$0x131B0] =	vst v0  }
0x5f: {  	[tilespmem:$0x131C0] =	vst v0  }
0x60: {  	[tilespmem:$0x131D0] =	vst v0  }
0x61: {  	[tilespmem:$0x131E0] =	vst v0  }
0x62: {  	[tilespmem:$0x131F0] =	vst v0  }
0x63: {  	[tilespmem:$0x13200] =	vst v0  }
0x64: {  	[tilespmem:$0x13210] =	vst v0  }
0x65: {  	[tilespmem:$0x13220] =	vst v0  }
0x66: {  	[tilespmem:$0x13230] =	vst v0  }
0x67: {  	[tilespmem:$0x13240] =	vst v0  }
0x68: {  	[tilespmem:$0x13250] =	vst v0  }
0x69: {  	[tilespmem:$0x13260] =	vst v0  }
0x6a: {  	[tilespmem:$0x13270] =	vst v0  }
0x6b: {  	[tilespmem:$0x13280] =	vst v0  }
0x6c: {  	[tilespmem:$0x13290] =	vst v0  }
0x6d: {  	[tilespmem:$0x132A0] =	vst v0  }
0x6e: {  	[tilespmem:$0x132B0] =	vst v0  }
0x6f: {  	[tilespmem:$0x132C0] =	vst v0  }
0x70: {  	[tilespmem:$0x132D0] =	vst v0  }
0x71: {  	[tilespmem:$0x132E0] =	vst v0  }
0x72: {  	[tilespmem:$0x132F0] =	vst v0  }
0x73: {  	[tilespmem:$0x13300] =	vst v0  }
0x74: {  	[tilespmem:$0x13310] =	vst v0  }
0x75: {  	[tilespmem:$0x13320] =	vst v0  }
0x76: {  	[tilespmem:$0x13330] =	vst v0  }
0x77: {  	[tilespmem:$0x13340] =	vst v0  }
0x78: {  	[tilespmem:$0x13350] =	vst v0  }
0x79: {  	[tilespmem:$0x13360] =	vst v0  }
0x7a: {  	[tilespmem:$0x13370] =	vst v0  }
0x7b: {  	[tilespmem:$0x13380] =	vst v0  }
0x7c: {  	[tilespmem:$0x13390] =	vst v0  }
0x7d: {  	[tilespmem:$0x133A0] =	vst v0  }
0x7e: {  	[tilespmem:$0x133B0] =	vst v0  }
0x7f: {  	[tilespmem:$0x133C0] =	vst v0  }
0x80: {  	[tilespmem:$0x133D0] =	vst v0  }
0x81: {  	[tilespmem:$0x133E0] =	vst v0  }
0x82: {  	[tilespmem:$0x133F0] =	vst v0  }
0x83: {  	[tilespmem:$0x13400] =	vst v0  }
0x84: {  	[tilespmem:$0x13410] =	vst v0  }
0x85: {  	[tilespmem:$0x13420] =	vst v0  }
0x86: {  	[tilespmem:$0x13430] =	vst v0  }
0x87: {  	[tilespmem:$0x13440] =	vst v0  }
0x88: {  	[tilespmem:$0x13450] =	vst v0  }
0x89: {  	[tilespmem:$0x13460] =	vst v0  }
0x8a: {  	[tilespmem:$0x13470] =	vst v0  }
0x8b: {  	[tilespmem:$0x13480] =	vst v0  }
0x8c: {  	[tilespmem:$0x13490] =	vst v0  }
0x8d: {  	[tilespmem:$0x134A0] =	vst v0  }
0x8e: {  	[tilespmem:$0x134B0] =	vst v0  }
0x8f: {  	[tilespmem:$0x134C0] =	vst v0  }
0x90: {  	[tilespmem:$0x134D0] =	vst v0  }
0x91: {  	[tilespmem:$0x134E0] =	vst v0  }
0x92: {  	[tilespmem:$0x134F0] =	vst v0  }
0x93: {  	[tilespmem:$0x13500] =	vst v0  }
0x94: {  	[tilespmem:$0x13510] =	vst v0  }
0x95: {  	[tilespmem:$0x13520] =	vst v0  }
0x96: {  	[tilespmem:$0x13530] =	vst v0  }
0x97: {  	[tilespmem:$0x13540] =	vst v0  }
0x98: {  	[tilespmem:$0x13550] =	vst v0  }
0x99: {  	[tilespmem:$0x13560] =	vst v0  }
0x9a: {  	[tilespmem:$0x13570] =	vst v0  }
0x9b: {  	[tilespmem:$0x13580] =	vst v0  }
0x9c: {  	[tilespmem:$0x13590] =	vst v0  }
0x9d: {  	[tilespmem:$0x135A0] =	vst v0  }
0x9e: {  	[tilespmem:$0x135B0] =	vst v0  }
0x9f: {  	[tilespmem:$0x135C0] =	vst v0  }
0xa0: {  	[tilespmem:$0x135D0] =	vst v0  }
0xa1: {  	[tilespmem:$0x135E0] =	vst v0  }
0xa2: {  	[tilespmem:$0x135F0] =	vst v0  }
0xa3: {  	[tilespmem:$0x13600] =	vst v0  }
0xa4: {  	[tilespmem:$0x13610] =	vst v0  }
0xa5: {  	[tilespmem:$0x13620] =	vst v0  }
0xa6: {  	[tilespmem:$0x13630] =	vst v0  }
0xa7: {  	[tilespmem:$0x13640] =	vst v0  }
0xa8: {  	[tilespmem:$0x13650] =	vst v0  }
0xa9: {  	[tilespmem:$0x13660] =	vst v0  }
0xaa: {  	[tilespmem:$0x13670] =	vst v0  }
0xab: {  	[tilespmem:$0x13680] =	vst v0  }
0xac: {  	[tilespmem:$0x13690] =	vst v0  }
0xad: {  	[tilespmem:$0x136A0] =	vst v0  }
0xae: {  	[tilespmem:$0x136B0] =	vst v0  }
0xaf: {  	[tilespmem:$0x136C0] =	vst v0  }
0xb0: {  	[tilespmem:$0x136D0] =	vst v0  }
0xb1: {  	[tilespmem:$0x136E0] =	vst v0  }
0xb2: {  	[tilespmem:$0x136F0] =	vst v0  }
0xb3: {  	[tilespmem:$0x13700] =	vst v0  }
0xb4: {  	[tilespmem:$0x13710] =	vst v0  }
0xb5: {  	[tilespmem:$0x13720] =	vst v0  }
0xb6: {  	[tilespmem:$0x13730] =	vst v0  }
0xb7: {  	[tilespmem:$0x13740] =	vst v0  }
0xb8: {  	[tilespmem:$0x13750] =	vst v0  }
0xb9: {  	[tilespmem:$0x13760] =	vst v0  }
0xba: {  	[tilespmem:$0x13770] =	vst v0  }
0xbb: {  	[tilespmem:$0x13780] =	vst v0  }
0xbc: {  	[tilespmem:$0x13790] =	vst v0  }
0xbd: {  	[tilespmem:$0x137A0] =	vst v0  }
0xbe: {  	[tilespmem:$0x137B0] =	vst v0  }
0xbf: {  	[tilespmem:$0x137C0] =	vst v0  }
0xc0: {  	[tilespmem:$0x137D0] =	vst v0  }
0xc1: {  	[tilespmem:$0x137E0] =	vst v0  }
0xc2: {  	[tilespmem:$0x137F0] =	vst v0  }
0xc3: {  	[tilespmem:$0x13800] =	vst v0  }
0xc4: {  	[tilespmem:$0x13810] =	vst v0  }
0xc5: {  	[tilespmem:$0x13820] =	vst v0  }
0xc6: {  	[tilespmem:$0x13830] =	vst v0  }
0xc7: {  	[tilespmem:$0x13840] =	vst v0  }
0xc8: {  	[tilespmem:$0x13850] =	vst v0  }
0xc9: {  	[tilespmem:$0x13860] =	vst v0  }
0xca: {  	[tilespmem:$0x13870] =	vst v0  }
0xcb: {  	[tilespmem:$0x13880] =	vst v0  }
0xcc: {  	[tilespmem:$0x13890] =	vst v0  }
0xcd: {  	[tilespmem:$0x138A0] =	vst v0  }
0xce: {  	[tilespmem:$0x138B0] =	vst v0  }
0xcf: {  	[tilespmem:$0x138C0] =	vst v0  }
0xd0: {  	[tilespmem:$0x138D0] =	vst v0  }
0xd1: {  	[tilespmem:$0x138E0] =	vst v0  }
0xd2: {  	[tilespmem:$0x138F0] =	vst v0  }
0xd3: {  	[tilespmem:$0x13900] =	vst v0  }
0xd4: {  	[tilespmem:$0x13910] =	vst v0  }
0xd5: {  	[tilespmem:$0x13920] =	vst v0  }
0xd6: {  	[tilespmem:$0x13930] =	vst v0  }
0xd7: {  	[tilespmem:$0x13940] =	vst v0  }
0xd8: {  	[tilespmem:$0x13950] =	vst v0  }
0xd9: {  	[tilespmem:$0x13960] =	vst v0  }
0xda: {  	[tilespmem:$0x13970] =	vst v0  }
0xdb: {  	[tilespmem:$0x13980] =	vst v0  }
0xdc: {  	[tilespmem:$0x13990] =	vst v0  }
0xdd: {  	[tilespmem:$0x139A0] =	vst v0  }
0xde: {  	[tilespmem:$0x139B0] =	vst v0  }
0xdf: {  	[tilespmem:$0x139C0] =	vst v0  }
0xe0: {  	[tilespmem:$0x139D0] =	vst v0  }
0xe1: {  	[tilespmem:$0x139E0] =	vst v0  }
0xe2: {  	[tilespmem:$0x139F0] =	vst v0  }
0xe3: {  	[tilespmem:$0x13A00] =	vst v0  }
0xe4: {  	[tilespmem:$0x13A10] =	vst v0  }
0xe5: {  	[tilespmem:$0x13A20] =	vst v0  }
0xe6: {  	[tilespmem:$0x13A30] =	vst v0  }
0xe7: {  	[tilespmem:$0x13A40] =	vst v0  }
0xe8: {  	[tilespmem:$0x13A50] =	vst v0  }
0xe9: {  	[tilespmem:$0x13A60] =	vst v0  }
0xea: {  	[tilespmem:$0x13A70] =	vst v0  }
0xeb: {  	[tilespmem:$0x13A80] =	vst v0  }
0xec: {  	[tilespmem:$0x13A90] =	vst v0  }
0xed: {  	[tilespmem:$0x13AA0] =	vst v0  }
0xee: {  	[tilespmem:$0x13AB0] =	vst v0  }
0xef: {  	[tilespmem:$0x13AC0] =	vst v0  }
0xf0: {  	[tilespmem:$0x13AD0] =	vst v0  }
0xf1: {  	[tilespmem:$0x13AE0] =	vst v0  }
0xf2: {  	[tilespmem:$0x13AF0] =	vst v0  }
0xf3: {  	[tilespmem:$0x13B00] =	vst v0  }
0xf4: {  	[tilespmem:$0x13B10] =	vst v0  }
0xf5: {  	[tilespmem:$0x13B20] =	vst v0  }
0xf6: {  	[tilespmem:$0x13B30] =	vst v0  }
0xf7: {  	[tilespmem:$0x13B40] =	vst v0  }
0xf8: {  	[tilespmem:$0x13B50] =	vst v0  }
0xf9: {  	[tilespmem:$0x13B60] =	vst v0  }
0xfa: {  	[tilespmem:$0x13B70] =	vst v0  }
0xfb: {  	[tilespmem:$0x13B80] =	vst v0  }
0xfc: {  	[tilespmem:$0x13B90] =	vst v0  }
0xfd: {  	[tilespmem:$0x13BA0] =	vst v0  }
0xfe: {  	[tilespmem:$0x13BB0] =	vst v0  }
0xff: {  	[tilespmem:$0x13BC0] =	vst v0  }
0x100: {  	[tilespmem:$0x13BD0] =	vst v0  }
0x101: {  	[tilespmem:$0x13BE0] =	vst v0  }
0x102: {  	[tilespmem:$0x13BF0] =	vst v0  }
0x103: {  	[tilespmem:$0x13C00] =	vst v0  }
0x104: {  	[tilespmem:$0x13C10] =	vst v0  }
0x105: {  	[tilespmem:$0x13C20] =	vst v0  }
0x106: {  	[tilespmem:$0x13C30] =	vst v0  }
0x107: {  	[tilespmem:$0x13C40] =	vst v0  }
0x108: {  	[tilespmem:$0x13C50] =	vst v0  }
0x109: {  	[tilespmem:$0x13C60] =	vst v0  }
0x10a: {  	[tilespmem:$0x13C70] =	vst v0  }
0x10b: {  	[tilespmem:$0x13C80] =	vst v0  }
0x10c: {  	[tilespmem:$0x13C90] =	vst v0  }
0x10d: {  	[tilespmem:$0x13CA0] =	vst v0  }
0x10e: {  	[tilespmem:$0x13CB0] =	vst v0  }
0x10f: {  	[tilespmem:$0x13CC0] =	vst v0  }
0x110: {  	[tilespmem:$0x13CD0] =	vst v0  }
0x111: {  	[tilespmem:$0x13CE0] =	vst v0  }
0x112: {  	[tilespmem:$0x13CF0] =	vst v0  }
0x113: {  	[tilespmem:$0x13D00] =	vst v0  }
0x114: {  	[tilespmem:$0x13D10] =	vst v0  }
0x115: {  	[tilespmem:$0x13D20] =	vst v0  }
0x116: {  	[tilespmem:$0x13D30] =	vst v0  }
0x117: {  	[tilespmem:$0x13D40] =	vst v0  }
0x118: {  	[tilespmem:$0x13D50] =	vst v0  }
0x119: {  	[tilespmem:$0x13D60] =	vst v0  }
0x11a: {  	[tilespmem:$0x13D70] =	vst v0  }
0x11b: {  	[tilespmem:$0x13D80] =	vst v0  }
0x11c: {  	[tilespmem:$0x13D90] =	vst v0  }
0x11d: {  	[tilespmem:$0x13DA0] =	vst v0  }
0x11e: {  	[tilespmem:$0x13DB0] =	vst v0  }
0x11f: {  	[tilespmem:$0x13DC0] =	vst v0  }
0x120: {  	[tilespmem:$0x13DD0] =	vst v0  }
0x121: {  	[tilespmem:$0x13DE0] =	vst v0  }
0x122: {  	[tilespmem:$0x13DF0] =	vst v0  }
0x123: {  	[tilespmem:$0x13E00] =	vst v0  }
0x124: {  	[tilespmem:$0x13E10] =	vst v0  }
0x125: {  	[tilespmem:$0x13E20] =	vst v0  }
0x126: {  	[tilespmem:$0x13E30] =	vst v0  }
0x127: {  	[tilespmem:$0x13E40] =	vst v0  }
0x128: {  	[tilespmem:$0x13E50] =	vst v0  }
0x129: {  	[tilespmem:$0x13E60] =	vst v0  }
0x12a: {  	[tilespmem:$0x13E70] =	vst v0  }
0x12b: {  	[tilespmem:$0x13E80] =	vst v0  }
0x12c: {  	[tilespmem:$0x13E90] =	vst v0  }
0x12d: {  	[tilespmem:$0x13EA0] =	vst v0  }
0x12e: {  	[tilespmem:$0x13EB0] =	vst v0  }
0x12f: {  	[tilespmem:$0x13EC0] =	vst v0  }
0x130: {  	[tilespmem:$0x13ED0] =	vst v0  }
0x131: {  	[tilespmem:$0x13EE0] =	vst v0  }
0x132: {  	[tilespmem:$0x13EF0] =	vst v0  }
0x133: {  	[tilespmem:$0x13F00] =	vst v0  }
0x134: {  	[tilespmem:$0x13F10] =	vst v0  }
0x135: {  	[tilespmem:$0x13F20] =	vst v0  }
0x136: {  	[tilespmem:$0x13F30] =	vst v0  }
0x137: {  	[tilespmem:$0x13F40] =	vst v0  }
0x138: {  	[tilespmem:$0x13F50] =	vst v0  }
0x139: {  	[tilespmem:$0x13F60] =	vst v0  }
0x13a: {  	[tilespmem:$0x13F70] =	vst v0  }
0x13b: {  	[tilespmem:$0x13F80] =	vst v0  }
0x13c: {  	[tilespmem:$0x13F90] =	vst v0  }
0x13d: {  	[tilespmem:$0x13FA0] =	vst v0  }
0x13e: {  	[tilespmem:$0x13FB0] =	vst v0  }
0x13f: {  	[tilespmem:$0x13FC0] =	vst v0  }
0x140: {  	[tilespmem:$0x13FD0] =	vst v0  }
0x141: {  	[tilespmem:$0x13FE0] =	vst v0  }
0x142: {  	[tilespmem:$0x13FF0] =	vst v0  }
0x143: {  	[tilespmem:$0x14000] =	vst v0  }
0x144: {  	[spmem:s10] =	stream.linear.scatter [tilespmem:s14], [sflag:$0x2], $0x1080, $0x38;
	[tilespmem:$0x15090] =	vst v63  }
0x145: {  	_ =	swait.ge [sflag:s15], $0x210  }
0x146: {  	[sflag:s15] =	ssyncset.done $0x0  }
0x147: {  	[sflag:s15] =	ssyncadd.s32 $0xFFFFFDF0  }
0x148: {  	v1 =	vld [tilespmem:$0xC80];
	_ =	sdelay $0x1  }
0x149: {  	v2 =	vld [tilespmem:$0x18F0];
	_ =	sdelay $0x2  }
0x14a: {  	v1 =	vxor.u32 $0x80000000, v1  }
0x14b: {  	(xrf0) =	vmin.scan.msk.u32 $0xffff, v1  }
0x14c: {  	v1 =	vxor.u32 $0x80000000, v2  }
0x14d: {  	(xrf0) =	vmax.scan.msk.u32 $0xffff, v1;
	_ =	sdelay $0x3  }
0x14e: {  	v1, _, _ =	vpop (xrf0)  }
0x14f: {  	(v2sf) =	vpush v1, $0xF  }
0x150: {  	v1, _, _ =	vpop (xrf0)  }
0x151: {  	(v2sf) =	vpush v1, $0xF;
	_ =	sdelay $0xc  }
0x152: {  	s25 =	spop (v2sf)  }
0x153: {  	s24 =	simm.s32 $0x1;
	s26 =	sxor.u32 $0x80000000, s25  }
0x154: {  	p3 =	sgt.s32 s25, $0xFFFFFFFF;
	s20 =	sand.u32 $0x7, s25;
	s23 =	spop (v2sf)  }
0x155: {  	s22 =	sshra.s32 s26, $0x1F;
	p2 =	slt.s32 s26, $0x1;
	p4 =	sne.s32 s20, $0x0  }
0x156: {  	s29 =	sxor.u32 $0x80000000, s23;
	s30 =	sand.u32 $0x7, s23;
	s22 =	sshrl.u32 s22, $0x1D  }
0x157: {  	p2 =	por p3, p2;
	p5 =	slt.s32 s29, $0x1;
	s31 =	sshra.s32 s29, $0x1F  }
0x158: {  	p6 =	sne.s32 s30, $0x0;
	p2 =	por !p4, !p2;
	p4 =	sgt.s32 s23, $0xFFFFFFFF  }
0x159: {  	s28 =	sadd.s32 s22, s26;
	p3 =	por !p2, !p2;
	p2 =	por p4, p5  }
0x15a: {  	s22 =	simm.s32 $0x1;
	s23 =	sshrl.u32 s31, $0x1D;
	p2 =	por !p6, !p2  }
0x15b: {  	s20 =	sshra.s32 s28, $0x3;
	s21 =	sadd.s32 s23, s29;
	p4 =	por !p2, !p2  }
0x15c: {  	s22 =	simm.s32 @!p3 $0x0;
	s23 =	sshra.s32 s21, $0x3;
	s24 =	simm.s32 @!p4 $0x0  }
0x15d: {  	s21 =	ssub.s32 s20, s22;
	s25 =	ssub.s32 s23, s24  }
0x15e: {  	p2 =	sgt.s32 s21, s25  }
.Ltmp2:
0x15f: {  	_ = 	snop;
	(pc) =	sbr.rel @p2 .LBB2_5-.Ltmp2, $3  }
0x160: {  	_ =	sdelay $0x1  }
0x161: {  	s22 =	simm.s32 $0xFFFFFFFF;
	s24 =	simm.s32 $0xFFFFFFFF  }
0x162: {  	s22 =	simm.s32 @!p3 $0x0;
	s24 =	simm.s32 @!p4 $0x0  }
0x163: {  	s25 =	sshll.u32 s21, $0xC  }
0x164: {  	s25 =	sshra.s32 s25, $0x2  }
0x165: {  	s25 =	sadd.s32 $0x2990, s25  }
0x166: {  	[tilespmem:s25+$0xFFFFFE00] =	vst v0  }
0x167: {  	[tilespmem:s25+$0x1F0] =	vst v0  }
0x168: {  	[tilespmem:s25+$0x1E0] =	vst v0  }
0x169: {  	[tilespmem:s25+$0x1D0] =	vst v0  }
0x16a: {  	[tilespmem:s25+$0x1C0] =	vst v0  }
0x16b: {  	[tilespmem:s25+$0x1B0] =	vst v0  }
0x16c: {  	[tilespmem:s25+$0x1A0] =	vst v0  }
0x16d: {  	[tilespmem:s25+$0x190] =	vst v0  }
0x16e: {  	[tilespmem:s25+$0x180] =	vst v0  }
0x16f: {  	[tilespmem:s25+$0x170] =	vst v0  }
0x170: {  	[tilespmem:s25+$0x160] =	vst v0  }
0x171: {  	[tilespmem:s25+$0x150] =	vst v0  }
0x172: {  	[tilespmem:s25+$0x140] =	vst v0  }
0x173: {  	[tilespmem:s25+$0x130] =	vst v0  }
0x174: {  	[tilespmem:s25+$0x120] =	vst v0  }
0x175: {  	[tilespmem:s25+$0x110] =	vst v0  }
0x176: {  	[tilespmem:s25+$0x100] =	vst v0  }
0x177: {  	[tilespmem:s25+$0xF0] =	vst v0  }
0x178: {  	[tilespmem:s25+$0xE0] =	vst v0  }
0x179: {  	[tilespmem:s25+$0xD0] =	vst v0  }
0x17a: {  	[tilespmem:s25+$0xC0] =	vst v0  }
0x17b: {  	[tilespmem:s25+$0xB0] =	vst v0  }
0x17c: {  	[tilespmem:s25+$0xA0] =	vst v0  }
0x17d: {  	[tilespmem:s25+$0x90] =	vst v0  }
0x17e: {  	[tilespmem:s25+$0x80] =	vst v0  }
0x17f: {  	[tilespmem:s25+$0x70] =	vst v0  }
0x180: {  	[tilespmem:s25+$0x60] =	vst v0  }
0x181: {  	[tilespmem:s25+$0x50] =	vst v0  }
0x182: {  	[tilespmem:s25+$0x40] =	vst v0  }
0x183: {  	[tilespmem:s25+$0x30] =	vst v0  }
0x184: {  	[tilespmem:s25+$0x20] =	vst v0  }
0x185: {  	[tilespmem:s25+$0x10] =	vst v0  }
0x186: {  	[tilespmem:s25+$0x0] =	vst v0  }
0x187: {  	[tilespmem:s25+$0xFFFFFFF0] =	vst v0  }
0x188: {  	[tilespmem:s25+$0xFFFFFFE0] =	vst v0  }
0x189: {  	[tilespmem:s25+$0xFFFFFFD0] =	vst v0  }
0x18a: {  	[tilespmem:s25+$0xFFFFFFC0] =	vst v0  }
0x18b: {  	[tilespmem:s25+$0xFFFFFFB0] =	vst v0  }
0x18c: {  	[tilespmem:s25+$0xFFFFFFA0] =	vst v0  }
0x18d: {  	[tilespmem:s25+$0xFFFFFF90] =	vst v0  }
0x18e: {  	[tilespmem:s25+$0xFFFFFF80] =	vst v0  }
0x18f: {  	[tilespmem:s25+$0xFFFFFF70] =	vst v0  }
0x190: {  	[tilespmem:s25+$0xFFFFFF60] =	vst v0  }
0x191: {  	[tilespmem:s25+$0xFFFFFF50] =	vst v0  }
0x192: {  	[tilespmem:s25+$0xFFFFFF40] =	vst v0  }
0x193: {  	[tilespmem:s25+$0xFFFFFF30] =	vst v0  }
0x194: {  	[tilespmem:s25+$0xFFFFFF20] =	vst v0  }
0x195: {  	[tilespmem:s25+$0xFFFFFF10] =	vst v0  }
0x196: {  	[tilespmem:s25+$0xFFFFFF00] =	vst v0  }
0x197: {  	[tilespmem:s25+$0xFFFFFEF0] =	vst v0  }
0x198: {  	[tilespmem:s25+$0xFFFFFEE0] =	vst v0  }
0x199: {  	[tilespmem:s25+$0xFFFFFED0] =	vst v0  }
0x19a: {  	[tilespmem:s25+$0xFFFFFEC0] =	vst v0  }
0x19b: {  	s26 =	sadd.s32 s24, s23;
	[tilespmem:s25+$0xFFFFFEB0] =	vst v0  }
0x19c: {  	s26 =	ssub.s32 s26, s20;
	[tilespmem:s25+$0xFFFFFEA0] =	vst v0  }
0x19d: {  	s26 =	ssub.s32 s26, s22;
	[tilespmem:s25+$0xFFFFFE90] =	vst v0  }
0x19e: {  	[tilespmem:s25+$0xFFFFFE80] =	vst v0;
	s26 =	sadd.s32 $0x1, s26  }
0x19f: {  	[tilespmem:s25+$0xFFFFFE70] =	vst v0;
	p3 =	sne.s32 s26, $0x1  }
.Ltmp3:
0x1a0: {  	[tilespmem:s25+$0xFFFFFE60] =	vst v0;
	(pc) =	sbr.rel @!p3 .LBB2_4-.Ltmp3, $4  }
0x1a1: {  	[tilespmem:s25+$0xFFFFFE50] =	vst v0  }
0x1a2: {  	[tilespmem:s25+$0xFFFFFE40] =	vst v0  }
0x1a3: {  	[tilespmem:s25+$0xFFFFFE30] =	vst v0  }
0x1a4: {  	[tilespmem:s25+$0xFFFFFE20] =	vst v0;
	s26 =	sadd.s32 $0xFFFFFFFF, s26  }
.LBB2_3:
0x1a5: {  	p3 =	sne.s32 s26, $0x1;
	s26 =	sadd.s32 $0xFFFFFFFF, s26;
	[tilespmem:s25+$0xFFFFFE10] =	vst v0;
	s25 =	sadd.s32 $0x400, s25  }
0x1a6: {  	[tilespmem:s25+$0xFFFFFE00] =	vst v0  }
0x1a7: {  	[tilespmem:s25+$0x1F0] =	vst v0  }
0x1a8: {  	[tilespmem:s25+$0x1E0] =	vst v0  }
0x1a9: {  	[tilespmem:s25+$0x1D0] =	vst v0  }
0x1aa: {  	[tilespmem:s25+$0x1C0] =	vst v0  }
0x1ab: {  	[tilespmem:s25+$0x1B0] =	vst v0  }
0x1ac: {  	[tilespmem:s25+$0x1A0] =	vst v0  }
0x1ad: {  	[tilespmem:s25+$0x190] =	vst v0  }
0x1ae: {  	[tilespmem:s25+$0x180] =	vst v0  }
0x1af: {  	[tilespmem:s25+$0x170] =	vst v0  }
0x1b0: {  	[tilespmem:s25+$0x160] =	vst v0  }
0x1b1: {  	[tilespmem:s25+$0x150] =	vst v0  }
0x1b2: {  	[tilespmem:s25+$0x140] =	vst v0  }
0x1b3: {  	[tilespmem:s25+$0x130] =	vst v0  }
0x1b4: {  	[tilespmem:s25+$0x120] =	vst v0  }
0x1b5: {  	[tilespmem:s25+$0x110] =	vst v0  }
0x1b6: {  	[tilespmem:s25+$0x100] =	vst v0  }
0x1b7: {  	[tilespmem:s25+$0xF0] =	vst v0  }
0x1b8: {  	[tilespmem:s25+$0xE0] =	vst v0  }
0x1b9: {  	[tilespmem:s25+$0xD0] =	vst v0  }
0x1ba: {  	[tilespmem:s25+$0xC0] =	vst v0  }
0x1bb: {  	[tilespmem:s25+$0xB0] =	vst v0  }
0x1bc: {  	[tilespmem:s25+$0xA0] =	vst v0  }
0x1bd: {  	[tilespmem:s25+$0x90] =	vst v0  }
0x1be: {  	[tilespmem:s25+$0x80] =	vst v0  }
0x1bf: {  	[tilespmem:s25+$0x70] =	vst v0  }
0x1c0: {  	[tilespmem:s25+$0x60] =	vst v0  }
0x1c1: {  	[tilespmem:s25+$0x50] =	vst v0  }
0x1c2: {  	[tilespmem:s25+$0x40] =	vst v0  }
0x1c3: {  	[tilespmem:s25+$0x30] =	vst v0  }
0x1c4: {  	[tilespmem:s25+$0x20] =	vst v0  }
0x1c5: {  	[tilespmem:s25+$0x10] =	vst v0  }
0x1c6: {  	[tilespmem:s25+$0x0] =	vst v0  }
0x1c7: {  	[tilespmem:s25+$0xFFFFFFF0] =	vst v0  }
0x1c8: {  	[tilespmem:s25+$0xFFFFFFE0] =	vst v0  }
0x1c9: {  	[tilespmem:s25+$0xFFFFFFD0] =	vst v0  }
0x1ca: {  	[tilespmem:s25+$0xFFFFFFC0] =	vst v0  }
0x1cb: {  	[tilespmem:s25+$0xFFFFFFB0] =	vst v0  }
0x1cc: {  	[tilespmem:s25+$0xFFFFFFA0] =	vst v0  }
0x1cd: {  	[tilespmem:s25+$0xFFFFFF90] =	vst v0  }
0x1ce: {  	[tilespmem:s25+$0xFFFFFF80] =	vst v0  }
0x1cf: {  	[tilespmem:s25+$0xFFFFFF70] =	vst v0  }
0x1d0: {  	[tilespmem:s25+$0xFFFFFF60] =	vst v0  }
0x1d1: {  	[tilespmem:s25+$0xFFFFFF50] =	vst v0  }
0x1d2: {  	[tilespmem:s25+$0xFFFFFF40] =	vst v0  }
0x1d3: {  	[tilespmem:s25+$0xFFFFFF30] =	vst v0  }
0x1d4: {  	[tilespmem:s25+$0xFFFFFF20] =	vst v0  }
0x1d5: {  	[tilespmem:s25+$0xFFFFFF10] =	vst v0  }
0x1d6: {  	[tilespmem:s25+$0xFFFFFF00] =	vst v0  }
0x1d7: {  	[tilespmem:s25+$0xFFFFFEF0] =	vst v0  }
0x1d8: {  	[tilespmem:s25+$0xFFFFFEE0] =	vst v0  }
0x1d9: {  	[tilespmem:s25+$0xFFFFFED0] =	vst v0  }
0x1da: {  	[tilespmem:s25+$0xFFFFFEC0] =	vst v0  }
0x1db: {  	[tilespmem:s25+$0xFFFFFEB0] =	vst v0  }
0x1dc: {  	[tilespmem:s25+$0xFFFFFEA0] =	vst v0  }
0x1dd: {  	[tilespmem:s25+$0xFFFFFE90] =	vst v0  }
0x1de: {  	[tilespmem:s25+$0xFFFFFE80] =	vst v0  }
0x1df: {  	[tilespmem:s25+$0xFFFFFE70] =	vst v0  }
.Ltmp4:
0x1e0: {  	[tilespmem:s25+$0xFFFFFE60] =	vst v0;
	(pc) =	sbr.rel @p3 .LBB2_3-.Ltmp4, $4  }
0x1e1: {  	[tilespmem:s25+$0xFFFFFE50] =	vst v0  }
0x1e2: {  	[tilespmem:s25+$0xFFFFFE40] =	vst v0  }
0x1e3: {  	[tilespmem:s25+$0xFFFFFE30] =	vst v0  }
0x1e4: {  	[tilespmem:s25+$0xFFFFFE20] =	vst v0  }
.LBB2_4:
0x1e5: {  	[tilespmem:s25+$0xFFFFFE10] =	vst v0  }
.LBB2_5:
0x1e6: {  	s28 =	simm.s32 $0x0  }
0x1e7: {  	v1 =	vld [tilespmem:s28+$0xCF0]  }
0x1e8: {  	v2 =	vld [tilespmem:s28+$0x70]  }
0x1e9: {  	v3 =	vld [tilespmem:s28+$0xC80]  }
0x1ea: {  	v4 =	vld [tilespmem:s28+$0xC90]  }
0x1eb: {  	v5 =	vld [tilespmem:s28+$0xCA0]  }
0x1ec: {  	v6 =	vld [tilespmem:s28+$0xCB0];
	v1 =	vshll.u32 v1, $0x7  }
0x1ed: {  	v7 =	vld [tilespmem:s28+$0xCC0];
	v1 =	vadd.s32 v2, v1  }
0x1ee: {  	v8 =	vld [tilespmem:s28+$0xCD0];
	v1 =	vxor.u32 $0x80000000, v1  }
0x1ef: {  	(xrf1) =	vsort.ascd.msk.u32 $0xffff, v1, v2;
	v1 =	vld [tilespmem:s28+$0x0]  }
0x1f0: {  	v9 =	vld [tilespmem:s28+$0xCE0]  }
0x1f1: {  	v10 =	vld [tilespmem:s28+$0x20]  }
0x1f2: {  	v11 =	vld [tilespmem:s28+$0x30]  }
0x1f3: {  	v12 =	vld [tilespmem:s28+$0x40];
	v3 =	vshll.u32 v3, $0x7  }
0x1f4: {  	v2 =	vld [tilespmem:s28+$0x10];
	v3 =	vadd.s32 v1, v3  }
0x1f5: {  	v13 =	vld [tilespmem:s28+$0x50];
	v3 =	vxor.u32 $0x80000000, v3  }
0x1f6: {  	s26 =	simm.s32 $0x80;
	v14 =	vld [tilespmem:s28+$0x60];
	(xrf1) =	vsort.ascd.msk.u32 $0xffff, v3, v1  }
0x1f7: {  	v15 =	vld [tilespmem:s26+$0xCF0]  }
0x1f8: {  	v16 =	vld [tilespmem:s26+$0x70];
	v4 =	vshll.u32 v4, $0x7  }
0x1f9: {  	v17 =	vld [tilespmem:s26+$0xCB0];
	v4 =	vadd.s32 v2, v4  }
0x1fa: {  	v18 =	vld [tilespmem:s26+$0xCC0];
	v4 =	vxor.u32 $0x80000000, v4  }
0x1fb: {  	v19 =	vld [tilespmem:s26+$0xCD0];
	v8 =	vshll.u32 v8, $0x7;
	(xrf1) =	vsort.ascd.msk.u32 $0xffff, v4, v2;
	v4 =	vshll.u32 v5, $0x7  }
0x1fc: {  	v21 =	vld [tilespmem:s26+$0xCE0];
	v20 =	vshll.u32 v9, $0x7;
	v5 =	vshll.u32 v6, $0x7;
	v4 =	vadd.s32 v10, v4  }
0x1fd: {  	v1 =	vld [tilespmem:s26+$0xC80];
	v6 =	vshll.u32 v7, $0x7;
	v5 =	vadd.s32 v11, v5;
	v4 =	vxor.u32 $0x80000000, v4;
	v7, _, _ =	vpop (xrf1)  }
0x1fe: {  	v3 =	vld [tilespmem:s26+$0xCA0];
	v6 =	vadd.s32 v12, v6;
	v5 =	vxor.u32 $0x80000000, v5;
	(xrf1) =	vsort.ascd.msk.u32 $0xffff, v4, v10;
	v7 =	vxor.u32 $0x80000000, v7  }
0x1ff: {  	v2 =	vld [tilespmem:s26+$0xC90];
	v4 =	vadd.s32 v13, v8;
	(xrf1) =	vsort.ascd.msk.u32 $0xffff, v5, v11;
	[tilespmem:s28+$0x1970] =	vst v7;
	v7 =	vxor.u32 $0x80000000, v6  }
0x200: {  	v5 =	vxor.u32 $0x80000000, v4;
	v6 =	vadd.s32 v14, v20;
	(xrf1) =	vsort.ascd.msk.u32 $0xffff, v7, v12  }
0x201: {  	v10 =	vshll.u32 v15, $0x7;
	v15 =	vxor.u32 $0x80000000, v6;
	(xrf1) =	vsort.ascd.msk.u32 $0xffff, v5, v13  }
0x202: {  	v4 =	vadd.s32 v16, v10;
	(xrf1) =	vsort.ascd.msk.u32 $0xffff, v15, v14  }
0x203: {  	v63 =	vxor.u32 $0x80000000, v4  }
0x204: {  	v13, _, _ =	vpop (xrf1);
	(xrf1) =	vsort.ascd.msk.u32 $0xffff, v63, v16  }
0x205: {  	v9 =	vld [tilespmem:s26+$0x0]  }
0x206: {  	v8 =	vld [tilespmem:s26+$0x10]  }
0x207: {  	v6 =	vld [tilespmem:s26+$0x20]  }
0x208: {  	v1 =	vshll.u32 v1, $0x7;
	v22 =	vshll.u32 v2, $0x7;
	v4 =	vld [tilespmem:s26+$0x30]  }
0x209: {  	v2 =	vshll.u32 v21, $0x7;
	v11 =	vshll.u32 v17, $0x7;
	v12 =	vshll.u32 v3, $0x7;
	v3 =	vld [tilespmem:s26+$0x40]  }
0x20a: {  	v10 =	vshll.u32 v18, $0x7;
	v7 =	vshll.u32 v19, $0x7;
	v5 =	vadd.s32 v9, v1;
	v1 =	vld [tilespmem:s26+$0x50]  }
0x20b: {  	s25 =	simm.s32 $0x0;
	s29 =	simm.s32 $0x100;
	s30 =	simm.s32 $0x600;
	v15 =	vadd.s32 v8, v22;
	v13 =	vxor.u32 $0x80000000, v13;
	v16, _, _ =	vpop (xrf1);
	v14 =	vxor.u32 $0x80000000, v5;
	v5 =	vld [tilespmem:s26+$0x60]  }
.LBB2_6:
0x20c: {  	p3 =	sne.s32 s30, $0x3000;
	v17 =	vld [tilespmem:s29+$0xCF0];
	v15 =	vxor.u32 $0x80000000, v15;
	v20 =	vadd.s32 v6, v12;
	(xrf1) =	vsort.ascd.msk.u32 $0xffff, v14, v9;
	v9 =	vxor.u32 $0x80000000, v16;
	v14, _, _ =	vpop (xrf1)  }
0x20d: {  	v16 =	vld [tilespmem:s29+$0x70];
	v18 =	vxor.u32 $0x80000000, v20;
	v20 =	vadd.s32 v4, v11;
	(xrf1) =	vsort.ascd.msk.u32 $0xffff, v15, v8;
	v8 =	vxor.u32 $0x80000000, v14;
	v14, _, _ =	vpop (xrf1)  }
0x20e: {  	v15 =	vld [tilespmem:s29+$0xC80];
	v19 =	vxor.u32 $0x80000000, v20;
	v20 =	vadd.s32 v3, v10;
	(xrf1) =	vsort.ascd.msk.u32 $0xffff, v18, v6;
	v6 =	vxor.u32 $0x80000000, v14;
	v12, _, _ =	vpop (xrf1)  }
0x20f: {  	v14 =	vld [tilespmem:s29+$0xC90];
	v18 =	vxor.u32 $0x80000000, v20;
	v7 =	vadd.s32 v1, v7;
	(xrf1) =	vsort.ascd.msk.u32 $0xffff, v19, v4;
	v4 =	vxor.u32 $0x80000000, v12;
	v11, _, _ =	vpop (xrf1)  }
0x210: {  	v12 =	vld [tilespmem:s29+$0xCA0];
	v7 =	vxor.u32 $0x80000000, v7;
	v19 =	vadd.s32 v5, v2;
	(xrf1) =	vsort.ascd.msk.u32 $0xffff, v18, v3;
	v3 =	vxor.u32 $0x80000000, v11;
	v10, _, _ =	vpop (xrf1)  }
0x211: {  	v11 =	vld [tilespmem:s29+$0xCB0];
	v17 =	vshll.u32 v17, $0x7;
	v18 =	vxor.u32 $0x80000000, v19;
	(xrf1) =	vsort.ascd.msk.u32 $0xffff, v7, v1;
	v1 =	vxor.u32 $0x80000000, v10  }
0x212: {  	v7 =	vld [tilespmem:s29+$0xCC0];
	v10 =	vadd.s32 v16, v17;
	(xrf1) =	vsort.ascd.msk.u32 $0xffff, v18, v5;
	v2, _, _ =	vpop (xrf1);
	[tilespmem:s28+$0x1900] =	vst v13  }
0x213: {  	v5 =	vshll.u32 v15, $0x7;
	v13 =	vld [tilespmem:s29+$0xCD0];
	v10 =	vxor.u32 $0x80000000, v10;
	v2 =	vxor.u32 $0x80000000, v2;
	[tilespmem:s28+$0x1910] =	vst v9  }
0x214: {  	v15 =	vshll.u32 v14, $0x7;
	v14 =	vld [tilespmem:s29+$0xCE0];
	(xrf1) =	vsort.ascd.msk.u32 $0xffff, v10, v16;
	[tilespmem:s26+$0x1970] =	vst v2  }
0x215: {  	v9 =	vld [tilespmem:s29+$0x0];
	v12 =	vshll.u32 v12, $0x7;
	[tilespmem:s28+$0x1920] =	vst v8  }
0x216: {  	v8 =	vld [tilespmem:s29+$0x10];
	v11 =	vshll.u32 v11, $0x7;
	[tilespmem:s28+$0x1930] =	vst v6  }
.Ltmp5:
0x217: {  	v6 =	vld [tilespmem:s29+$0x20];
	v10 =	vshll.u32 v7, $0x7;
	[tilespmem:s28+$0x1940] =	vst v4;
	(pc) =	sbr.rel @p3 .LBB2_6-.Ltmp5, $4  }
0x218: {  	v4 =	vld [tilespmem:s29+$0x30];
	v7 =	vshll.u32 v13, $0x7;
	[tilespmem:s28+$0x1950] =	vst v3  }
0x219: {  	v3 =	vld [tilespmem:s29+$0x40];
	v2 =	vshll.u32 v14, $0x7;
	[tilespmem:s28+$0x1960] =	vst v1;
	s28 =	smov.u32 s26;
	s26 =	smov.u32 s29  }
0x21a: {  	v5 =	vadd.s32 v9, v5;
	v1 =	vld [tilespmem:s26+$0x50];
	v13, _, _ =	vpop (xrf1)  }
0x21b: {  	s29 =	sshra.s32 s30, $0x2;
	s30 =	sadd.s32 $0x200, s30;
	v14 =	vxor.u32 $0x80000000, v5;
	v15 =	vadd.s32 v8, v15;
	v5 =	vld [tilespmem:s26+$0x60];
	v13 =	vxor.u32 $0x80000000, v13;
	v16, _, _ =	vpop (xrf1)  }
0x21c: {  	v17 =	vld [tilespmem:s29+$0xCF0]  }
0x21d: {  	v18 =	vld [tilespmem:s29+$0x70]  }
0x21e: {  	v19 =	vld [tilespmem:s29+$0xC80]  }
0x21f: {  	v20 =	vld [tilespmem:s29+$0xC90];
	v21, _, _ =	vpop (xrf1)  }
0x220: {  	v22 =	vld [tilespmem:s29+$0xCA0];
	v23, _, _ =	vpop (xrf1)  }
0x221: {  	v24 =	vld [tilespmem:s29+$0xCB0];
	v25, _, _ =	vpop (xrf1)  }
0x222: {  	v26 =	vld [tilespmem:s29+$0xCC0];
	[tilespmem:s28+$0x1900] =	vst v13;
	v27, _, _ =	vpop (xrf1)  }
0x223: {  	v34 =	vxor.u32 $0x80000000, v16;
	(xrf1) =	vsort.ascd.msk.u32 $0xffff, v14, v9;
	v37 =	vxor.u32 $0x80000000, v15;
	v12 =	vadd.s32 v6, v12;
	v35, _, _ =	vpop (xrf1)  }
0x224: {  	v28 =	vld [tilespmem:s29+$0xCD0];
	[tilespmem:s28+$0x1910] =	vst v34;
	(xrf1) =	vsort.ascd.msk.u32 $0xffff, v37, v8;
	v39 =	vxor.u32 $0x80000000, v12;
	v40 =	vadd.s32 v4, v11;
	v36, _, _ =	vpop (xrf1)  }
0x225: {  	(xrf1) =	vsort.ascd.msk.u32 $0xffff, v39, v6;
	v42 =	vxor.u32 $0x80000000, v40;
	v43 =	vadd.s32 v3, v10;
	v13 =	vxor.u32 $0x80000000, v36  }
0x226: {  	v41 =	vxor.u32 $0x80000000, v21;
	v38 =	vld [tilespmem:s29+$0xCE0];
	(xrf1) =	vsort.ascd.msk.u32 $0xffff, v42, v4;
	v45 =	vxor.u32 $0x80000000, v43;
	[tilespmem:s26+$0x1970] =	vst v13  }
0x227: {  	v46 =	vadd.s32 v1, v7;
	(xrf1) =	vsort.ascd.msk.u32 $0xffff, v45, v3;
	v3 =	vxor.u32 $0x80000000, v23;
	v44 =	vld [tilespmem:s29+$0x0];
	[tilespmem:s28+$0x1920] =	vst v41  }
0x228: {  	v2 =	vadd.s32 v5, v2;
	v47 =	vshll.u32 v17, $0x7;
	v6 =	vld [tilespmem:s29+$0x10];
	[tilespmem:s28+$0x1930] =	vst v3;
	v3 =	vxor.u32 $0x80000000, v46  }
0x229: {  	v2 =	vxor.u32 $0x80000000, v2;
	(xrf1) =	vsort.ascd.msk.u32 $0xffff, v3, v1;
	v3 =	vadd.s32 v18, v47  }
0x22a: {  	v1 =	vxor.u32 $0x80000000, v25;
	(xrf1) =	vsort.ascd.msk.u32 $0xffff, v2, v5;
	v2 =	vxor.u32 $0x80000000, v3  }
0x22b: {  	v48 =	vld [tilespmem:s29+$0x20];
	[tilespmem:s28+$0x1940] =	vst v1;
	v1 =	vxor.u32 $0x80000000, v27;
	(xrf1) =	vsort.ascd.msk.u32 $0xffff, v2, v18  }
0x22c: {  	v2 =	vld [tilespmem:s29+$0x30];
	[tilespmem:s28+$0x1950] =	vst v1;
	v1 =	vxor.u32 $0x80000000, v35  }
0x22d: {  	v3 =	vld [tilespmem:s29+$0x40];
	[tilespmem:s28+$0x1960] =	vst v1  }
0x22e: {  	v49 =	vshll.u32 v19, $0x7;
	v50 =	vld [tilespmem:s29+$0x50]  }
0x22f: {  	v51 =	vshll.u32 v22, $0x7;
	v1 =	vshll.u32 v20, $0x7;
	v5 =	vadd.s32 v44, v49  }
0x230: {  	v53 =	vshll.u32 v24, $0x7;
	v5 =	vxor.u32 $0x80000000, v5;
	v1 =	vadd.s32 v6, v1;
	v52 =	vld [tilespmem:s29+$0x60]  }
0x231: {  	v54 =	vshll.u32 v26, $0x7;
	v1 =	vxor.u32 $0x80000000, v1;
	v8 =	vadd.s32 v48, v51;
	(xrf1) =	vsort.ascd.msk.u32 $0xffff, v5, v44  }
0x232: {  	v55, _, _ =	vpop (xrf1);
	v8 =	vxor.u32 $0x80000000, v8;
	(xrf1) =	vsort.ascd.msk.u32 $0xffff, v1, v6;
	v1 =	vshll.u32 v28, $0x7;
	v11 =	vadd.s32 v2, v53  }
0x233: {  	v56, _, _ =	vpop (xrf1);
	(xrf1) =	vsort.ascd.msk.u32 $0xffff, v8, v48;
	v11 =	vxor.u32 $0x80000000, v11;
	v5 =	vadd.s32 v3, v54;
	v1 =	vadd.s32 v50, v1  }
0x234: {  	v57 =	vshll.u32 v38, $0x7;
	v58, _, _ =	vpop (xrf1);
	v5 =	vxor.u32 $0x80000000, v5;
	(xrf1) =	vsort.ascd.msk.u32 $0xffff, v11, v2;
	v1 =	vxor.u32 $0x80000000, v1  }
0x235: {  	v2, _, _ =	vpop (xrf1);
	v4 =	vadd.s32 v52, v57;
	(xrf1) =	vsort.ascd.msk.u32 $0xffff, v5, v3  }
0x236: {  	v3, _, _ =	vpop (xrf1);
	v4 =	vxor.u32 $0x80000000, v4;
	(xrf1) =	vsort.ascd.msk.u32 $0xffff, v1, v50  }
0x237: {  	v1, _, _ =	vpop (xrf1);
	(xrf1) =	vsort.ascd.msk.u32 $0xffff, v4, v52  }
0x238: {  	v60 =	vxor.u32 $0x80000000, v55;
	v59, _, _ =	vpop (xrf1)  }
0x239: {  	[tilespmem:s26+$0x1900] =	vst v60;
	v6 =	vxor.u32 $0x80000000, v56;
	v61, _, _ =	vpop (xrf1)  }
0x23a: {  	[tilespmem:s26+$0x1910] =	vst v6;
	v62 =	vxor.u32 $0x80000000, v61  }
0x23b: {  	v63 =	vxor.u32 $0x80000000, v58;
	[tilespmem:s29+$0x1970] =	vst v62  }
0x23c: {  	v2 =	vxor.u32 $0x80000000, v2;
	v1 =	vxor.u32 $0x80000000, v1;
	[tilespmem:s26+$0x1920] =	vst v63  }
0x23d: {  	v3 =	vxor.u32 $0x80000000, v3;
	[tilespmem:s26+$0x1930] =	vst v2;
	v2 =	vxor.u32 $0x80000000, v59  }
0x23e: {  	[tilespmem:s26+$0x1940] =	vst v3  }
0x23f: {  	[tilespmem:s26+$0x1950] =	vst v1;
	v1, _, _ =	vpop (xrf1)  }
0x240: {  	[tilespmem:s26+$0x1960] =	vst v2;
	v1 =	vxor.u32 $0x80000000, v1;
	v2, _, _ =	vpop (xrf1)  }
0x241: {  	[tilespmem:s29+$0x1900] =	vst v1;
	v2 =	vxor.u32 $0x80000000, v2;
	v3, _, _ =	vpop (xrf1)  }
0x242: {  	v1 =	vxor.u32 $0x80000000, v3;
	v3, _, _ =	vpop (xrf1);
	[tilespmem:s29+$0x1910] =	vst v2  }
0x243: {  	v2 =	vxor.u32 $0x80000000, v3;
	v3, _, _ =	vpop (xrf1);
	[tilespmem:s29+$0x1920] =	vst v1  }
0x244: {  	v1 =	vxor.u32 $0x80000000, v3;
	v3, _, _ =	vpop (xrf1);
	[tilespmem:s29+$0x1930] =	vst v2  }
0x245: {  	v2 =	vxor.u32 $0x80000000, v3;
	[tilespmem:s29+$0x1940] =	vst v1;
	v3, _, _ =	vpop (xrf1)  }
0x246: {  	[tilespmem:s29+$0x1950] =	vst v2;
	v1 =	vxor.u32 $0x80000000, v3  }
0x247: {  	[tilespmem:s29+$0x1960] =	vst v1  }
.LBB2_8:
0x248: {  	s26 =	sshra.s32 s25, $0x2  }
0x249: {  	v1 =	vld [tilespmem:s26+$0x1900];
	_ =	sdelay $0x4  }
0x24a: {  	(xrf1) =	vunique.msk.u32 $0xffff, v1;
	_ =	sdelay $0xd  }
0x24b: {  	_, v2, vm0 =	vpop (xrf1);
	_ =	sdelay $0x3  }
0x24c: {  	v2 =	vcvt.s32.f32 v2;
	_ =	sdelay $0x1  }
0x24d: {  	[tilespmem:v1+s16+$0x0] =	vst.idx.add.f32.msk vm0, v2  }
0x24e: {  	v1 =	vld [tilespmem:s26+$0x1910];
	_ =	sdelay $0x4  }
0x24f: {  	(xrf1) =	vunique.msk.u32 $0xffff, v1;
	_ =	sdelay $0xd  }
0x250: {  	_, v2, vm0 =	vpop (xrf1);
	_ =	sdelay $0x3  }
0x251: {  	v2 =	vcvt.s32.f32 v2;
	_ =	sdelay $0x1  }
0x252: {  	[tilespmem:v1+s16+$0x0] =	vst.idx.add.f32.msk vm0, v2  }
0x253: {  	v1 =	vld [tilespmem:s26+$0x1920];
	_ =	sdelay $0x4  }
0x254: {  	(xrf1) =	vunique.msk.u32 $0xffff, v1;
	_ =	sdelay $0xd  }
0x255: {  	_, v2, vm0 =	vpop (xrf1);
	_ =	sdelay $0x3  }
0x256: {  	v2 =	vcvt.s32.f32 v2;
	_ =	sdelay $0x1  }
0x257: {  	[tilespmem:v1+s16+$0x0] =	vst.idx.add.f32.msk vm0, v2  }
0x258: {  	v1 =	vld [tilespmem:s26+$0x1930];
	_ =	sdelay $0x4  }
0x259: {  	(xrf1) =	vunique.msk.u32 $0xffff, v1;
	_ =	sdelay $0xd  }
0x25a: {  	_, v2, vm0 =	vpop (xrf1);
	_ =	sdelay $0x3  }
0x25b: {  	v2 =	vcvt.s32.f32 v2;
	_ =	sdelay $0x1  }
0x25c: {  	[tilespmem:v1+s16+$0x0] =	vst.idx.add.f32.msk vm0, v2  }
0x25d: {  	v1 =	vld [tilespmem:s26+$0x1940];
	_ =	sdelay $0x4  }
0x25e: {  	(xrf1) =	vunique.msk.u32 $0xffff, v1;
	_ =	sdelay $0xd  }
0x25f: {  	_, v2, vm0 =	vpop (xrf1);
	_ =	sdelay $0x3  }
0x260: {  	v2 =	vcvt.s32.f32 v2;
	_ =	sdelay $0x1  }
0x261: {  	[tilespmem:v1+s16+$0x0] =	vst.idx.add.f32.msk vm0, v2  }
0x262: {  	v1 =	vld [tilespmem:s26+$0x1950];
	_ =	sdelay $0x4  }
0x263: {  	(xrf1) =	vunique.msk.u32 $0xffff, v1;
	_ =	sdelay $0xd  }
0x264: {  	_, v2, vm0 =	vpop (xrf1);
	_ =	sdelay $0x3  }
0x265: {  	v2 =	vcvt.s32.f32 v2;
	_ =	sdelay $0x1  }
0x266: {  	[tilespmem:v1+s16+$0x0] =	vst.idx.add.f32.msk vm0, v2  }
0x267: {  	v1 =	vld [tilespmem:s26+$0x1960];
	_ =	sdelay $0x4  }
0x268: {  	(xrf1) =	vunique.msk.u32 $0xffff, v1;
	_ =	sdelay $0xd  }
0x269: {  	_, v2, vm0 =	vpop (xrf1);
	_ =	sdelay $0x3  }
0x26a: {  	v2 =	vcvt.s32.f32 v2;
	_ =	sdelay $0x1  }
0x26b: {  	[tilespmem:v1+s16+$0x0] =	vst.idx.add.f32.msk vm0, v2  }
0x26c: {  	v1 =	vld [tilespmem:s26+$0x1970];
	_ =	sdelay $0x4  }
0x26d: {  	(xrf1) =	vunique.msk.u32 $0xffff, v1;
	_ =	sdelay $0xd  }
0x26e: {  	_, v2, vm0 =	vpop (xrf1)  }
0x26f: {  	p3 =	sne.s32 s25, $0x3000  }
.Ltmp6:
0x270: {  	_ = 	snop;
	(pc) =	sbr.rel @p3 .LBB2_8-.Ltmp6, $3  }
0x271: {  	_ = 	snop  }
0x272: {  	v2 =	vcvt.s32.f32 v2;
	_ =	sdelay $0x1  }
0x273: {  	s25 =	sadd.s32 $0x200, s25;
	[tilespmem:v1+s16+$0x0] =	vst.idx.add.f32.msk vm0, v2  }
.Ltmp7:
0x274: {  	_ =	swait.ge [sflag:s17], $0x1080;
	(pc) =	sbr.rel @p2 .LBB2_15-.Ltmp7, $3  }
0x275: {  	[sflag:s17] =	ssyncset.done $0x0  }
0x276: {  	[sflag:s17] =	ssyncadd.s32 $0xFFFFEF80  }
0x277: {  	[bflag:$0x0] =	sbarrier.arrive $0xFFFF;
	_ =	sdelay $0x1  }
0x278: {  	s23 =	sadd.s32 s24, s23  }
0x279: {  	s20 =	ssub.s32 s23, s20  }
0x27a: {  	s20 =	ssub.s32 s20, s22  }
0x27b: {  	s20 =	sadd.s32 $0x1, s20  }
0x27c: {  	p2 =	sne.s32 s20, $0x1  }
.Ltmp8:
0x27d: {  	s28 =	sshll.u32 s21, $0x5;
	s29 =	sshll.u32 s21, $0xC;
	(pc) =	sbr.rel @!p2 .LBB2_12-.Ltmp8, $4  }
0x27e: {  	s30 =	sshra.s32 s28, $0x2;
	s31 =	sshra.s32 s29, $0x2  }
0x27f: {  	s21 =	sadd.s32 $0x2580, s30;
	s22 =	sadd.s32 $0x2790, s31  }
0x280: {  	[spmem:s2] =	stream.indirect.scatter.add.f32 [tilespmem:s22], [sflag:$0x1], $0x80, s21, s18, $0xb8;
	[tilespmem:$0x15090] =	vst v63  }
0x281: {  	s23 =	sadd.s32 $0xFFFFFFFF, s20  }
.LBB2_11:
0x282: {  	p3 =	sne.s32 s23, $0x1  }
.Ltmp9:
0x283: {  	_ = 	snop;
	(pc) =	sbr.rel @p3 .LBB2_11-.Ltmp9, $4  }
0x284: {  	_ = 	snop  }
0x285: {  	s21 =	sadd.s32 $0x8, s21;
	s22 =	sadd.s32 $0x400, s22  }
0x286: {  	s23 =	sadd.s32 $0xFFFFFFFF, s23  }
0x287: {  	[spmem:s2] =	stream.indirect.scatter.add.f32 [tilespmem:s22], [sflag:$0x1], $0x80, s21, s18, $0xb8;
	[tilespmem:$0x15090] =	vst v63  }
.LBB2_12:
.Ltmp10:
0x288: {  	(pc) =	sbr.rel @!p2 .LBB2_14-.Ltmp10, $3  }
0x289: {  	_ =	sdelay $0x1  }
0x28a: {  	_ =	swait.ge [sflag:s15], $0x400  }
0x28b: {  	s20 =	sadd.s32 $0xFFFFFFFF, s20;
	[sflag:s15] =	ssyncset.done $0x0  }
.LBB2_13:
0x28c: {  	p2 =	sne.s32 s20, $0x1;
	s20 =	sadd.s32 $0xFFFFFFFF, s20;
	[sflag:s15] =	ssyncadd.s32 $0xFFFFFC00  }
.Ltmp11:
0x28d: {  	(pc) =	sbr.rel @p2 .LBB2_13-.Ltmp11, $3  }
0x28e: {  	_ =	sdelay $0x1  }
0x28f: {  	_ =	swait.ge [sflag:s15], $0x400  }
0x290: {  	[sflag:s15] =	ssyncset.done $0x0  }
.Ltmp12:
0x291: {  	_ = 	snop;
	(pc) =	sbr.rel .LBB2_14-.Ltmp12, $1  }
0x292: {  	_ =	sdelay $0x3  }
.LBB2_16:
0x293: {  	_ =	sfence.sel $0x180000  }
0x294: {  	[bflag:$0x0] =	sbarrier.arrive $0xFFFF  }
0x295: {  	_ =	strace $0x90000047  }
0x296: {  	s0 =	sadd.s32 @!p1 $0x100000, s0;
	[bflag:$0x2] =	sbarrier.arrive $0xFFFF  }
0x297: {  	[sflag:s0] =	ssyncadd.tile.s32 @!p1 $0x1;
	_ =	shalt  }
.Lfunc_end2:
_tile_overlayer_lowered:
.L_overlay_start_2:
0x298: {  	(tag) =	ssettag $0x2  }
0x299: {  	s0 =	rddreg [dreg:$0x0];
	s2 =	stileid.u32  }
0x29a: {  	s1 =	rddreg [dreg:$0x1];
	p0 =	sne.s32 s2, $0x0  }
0x29b: {  	s3 =	rddreg [dreg:$0x2];
	[bflag:$0x3] =	sbarrier.arrive $0xFFFF;
	s2 =	simm.s32 @!p0 $0x1C03  }
0x29c: {  	[timem:s3], [sflag:s2] =	dma.local @!p0 [hbm:s0], s1  }
0x29d: {  	s0 =	simm.s32 @!p0 $0x3  }
0x29e: {  	_ =	swait.ge @!p0 [sflag:s0], s1  }
0x29f: {  	s1 =	ssub.s32 @!p0 $0x0, s1;
	[sflag:s0] =	ssyncset.done @!p0 $0x0  }
0x2a0: {  	[sflag:s0] =	ssyncadd.s32 @!p0 s1  }
0x2a1: {  	[bflag:$0x3] =	sbarrier.arrive $0xFFFF  }
0x2a2: {  	_ =	shalt  }

</sc_bundles>
